<compile_context>
chip_gen: v7x
topology: tpu7x:2x2x1
jax: 0.10.2.dev20260603
libtpu: 0.0.44.dev20260713+nightly
codegen_flags: <defaults>
</compile_context>

<pallas_src>
import jax
import jax.numpy as jnp
from jax import lax
from jax.experimental import pallas as pl
from jax.experimental.pallas import tpu as pltpu
from jax.experimental.pallas import tpu_sc as plsc

N = 50000
E = 1600000
NW = 32
EPW = E // NW
C = 80
NCH = EPW // C
RPB = 3120
RS = 20

TWOPI = 6.283185307179586
INV2PI = 0.15915494309189535
MAGIC = 12582912.0
C3 = -1.0 / 6.0
C5 = 1.0 / 120.0
C7 = -1.0 / 5040.0
C9 = 1.0 / 362880.0
C11 = -1.0 / 39916800.0

_GDN = lax.GatherDimensionNumbers(offset_dims=(), collapsed_slice_dims=(0,),
                                  start_index_map=(0,))


def _bcast_lane(v, lane):
    return lax.gather(v, lane[:, None], dimension_numbers=_GDN,
                      slice_sizes=(1,),
                      mode=lax.GatherScatterMode.PROMISE_IN_BOUNDS)


def _fc1_body(x_ref, w_ref, b_ref, gw_ref, g3_ref, fr_ref, p_ref, q_ref, ca_ref, sa_ref, g16_ref):
    acc = lax.dot_general(x_ref[...], w_ref[...],
                          dimension_numbers=(((0,), (1,)), ((), ())),
                          precision=lax.Precision.HIGHEST,
                          preferred_element_type=jnp.float32)
    xs = (acc + b_ref[...]) * gw_ref[...]
    g3 = g3_ref[...]
    fr = fr_ref[...]
    a = (g3[:, 0:1] * fr[0:1, :] + g3[:, 1:2] * fr[1:2, :]
         + g3[:, 2:3] * fr[2:3, :])
    sa = jnp.sin(a)
    ca = jnp.cos(a)
    p_ref[...] = xs * sa
    q_ref[...] = xs * ca
    ca_ref[...] = ca
    sa_ref[...] = sa
    g16_ref[...] = jnp.concatenate(
        [g3, jnp.zeros((g3.shape[0], 13), jnp.float32)], axis=1)


def _fc2_body(op_ref, w2_ref, b2_ref, y_ref):
    s = op_ref[0] + op_ref[1]
    y_ref[...] = lax.dot_general(w2_ref[...], s,
                                 dimension_numbers=(((1,), (1,)), ((), ())),
                                 preferred_element_type=jnp.float32) + b2_ref[...]


def _sin(th):
    k = (th * INV2PI + MAGIC) - MAGIC
    r = th - k * TWOPI
    s2 = r * r
    p = C11
    p = p * s2 + C9
    p = p * s2 + C7
    p = p * s2 + C5
    p = p * s2 + C3
    p = p * s2 + 1.0
    return r * p


def _edge_body(g16_hbm, p_hbm, q_hbm, ca_hbm, sa_hbm, src_hbm, dst_hbm, cst_hbm,
               out_hbm, srcv0, srcv1, dstv0, dstv1, dstcur0, dstcur1, gsb, gdb,
               pb, qb, cab, sab, vb, stage, cstv, outsp,
               sem_i0, sem_i1, sem_g0, sem_g1):
    cid = lax.axis_index("c")
    sid = lax.axis_index("s")
    wid = sid * 2 + cid
    srcvs = (srcv0, srcv1)
    dstvs = (dstv0, dstv1)
    dstcurs = (dstcur0, dstcur1)
    sem_i = (sem_i0, sem_i1)
    sem_g = (sem_g0, sem_g1)

    pltpu.sync_copy(cst_hbm, cstv)

    @pl.loop(0, RS)
    def _zero_stage(i):
        stage[i, 0:16] = jnp.zeros((16,), jnp.float32)
        stage[i, 16:32] = jnp.zeros((16,), jnp.float32)

    @pl.loop(0, RPB // RS)
    def _zero_outsp(i):
        pltpu.sync_copy(stage, outsp.at[pl.ds(sid * RPB + i * RS, RS)])

    @pl.when(sid == 15)
    def _zero_tail():
        @pl.loop(0, (N - 16 * RPB) // RS)
        def _zt(i):
            pltpu.sync_copy(stage, outsp.at[pl.ds(16 * RPB + i * RS, RS)])

    plsc.subcore_barrier()

    w0 = cstv[0, :]
    w1 = cstv[1, :]

    def idx_copies(ci, b):
        base = wid * EPW + ci * C
        return [
            pltpu.make_async_copy(src_hbm.at[pl.ds(base, C)], srcvs[b], sem_i[b]),
            pltpu.make_async_copy(dst_hbm.at[pl.ds(base, C)], dstvs[b], sem_i[b]),
        ]

    def gat_copies(b):
        s_idx = srcvs[b]
        d_idx = dstvs[b]
        sem = sem_g[b]
        return [
            pltpu.make_async_copy(g16_hbm.at[s_idx], gsb.at[b], sem),
            pltpu.make_async_copy(g16_hbm.at[d_idx], gdb.at[b], sem),
            pltpu.make_async_copy(p_hbm.at[s_idx], pb.at[b], sem),
            pltpu.make_async_copy(q_hbm.at[s_idx], qb.at[b], sem),
            pltpu.make_async_copy(ca_hbm.at[d_idx], cab.at[b], sem),
            pltpu.make_async_copy(sa_hbm.at[d_idx], sab.at[b], sem),
        ]

    def fire_idx(ci, b):
        for cp in idx_copies(ci, b):
            cp.start()

    def wait_idx(ci, b):
        for cp in idx_copies(ci, b):
            cp.wait()

    def fire_gat(b):
        for cp in gat_copies(b):
            cp.start()

    def wait_gat(b):
        for cp in gat_copies(b):
            cp.wait()

    _L0 = jnp.zeros((16,), jnp.int32)
    _L1 = jnp.full((16,), 1, jnp.int32)
    _L2 = jnp.full((16,), 2, jnp.int32)

    def compute(b):
        dstcur = dstcurs[b]

        @pl.loop(0, C, unroll=8)
        def _edge(e):
            vd = gsb[b, e, :] - gdb[b, e, :]
            sq = vd * vd
            bd2 = (_bcast_lane(sq, _L0) + _bcast_lane(sq, _L1)
                   + _bcast_lane(sq, _L2))
            g0 = jnp.exp(-(w0 * bd2))
            g1 = jnp.exp(-(w1 * bd2))
            p0 = pb[b, e, 0:16]
            p1 = pb[b, e, 16:32]
            q0 = qb[b, e, 0:16]
            q1 = qb[b, e, 16:32]
            ca0 = cab[b, e, 0:16]
            ca1 = cab[b, e, 16:32]
            sa0 = sab[b, e, 0:16]
            sa1 = sab[b, e, 16:32]
            vb[e, 0:16] = g0 * (p0 * ca0 - q0 * sa0)
            vb[e, 16:32] = g1 * (p1 * ca1 - q1 * sa1)

        pltpu.sync_copy(vb, outsp.at[dstcur], add=True)

    def step(ci, b, nb):
        wait_idx(ci + 1, nb)
        fire_gat(nb)
        wait_gat(b)
        dstcur = dstcurs[b]
        for q in range(C // 16):
            sl = pl.ds(q * 16, 16)
            dstcur[sl] = dstvs[b][sl]
        @pl.when(ci + 2 < NCH)
        def _prefetch_idx():
            fire_idx(ci + 2, b)
        compute(b)

    fire_idx(0, 0)
    wait_idx(0, 0)
    fire_gat(0)
    fire_idx(1, 1)

    @pl.loop(0, NCH - 1, step=2)
    def _pair(i):
        step(i, 0, 1)
        step(i + 1, 1, 0)

    wait_gat(0)
    dc = dstcurs[0]
    for q in range(C // 16):
        sl = pl.ds(q * 16, 16)
        dc[sl] = dstvs[0][sl]
    compute(0)

    plsc.subcore_barrier()

    @pl.loop(0, RPB // RS)
    def _flush(i):
        pltpu.sync_copy(outsp.at[pl.ds(sid * RPB + i * RS, RS)], stage)
        pltpu.sync_copy(stage, out_hbm.at[cid, pl.ds(sid * RPB + i * RS, RS)])

    @pl.when(sid == 15)
    def _flush_tail():
        @pl.loop(0, (N - 16 * RPB) // RS)
        def _ft(i):
            pltpu.sync_copy(outsp.at[pl.ds(16 * RPB + i * RS, RS)], stage)
            pltpu.sync_copy(stage, out_hbm.at[cid, pl.ds(16 * RPB + i * RS, RS)])


_edge_call = pl.kernel(
    _edge_body,
    out_type=jax.ShapeDtypeStruct((2, N, 32), jnp.float32),
    mesh=plsc.VectorSubcoreMesh(core_axis_name="c", subcore_axis_name="s"),
    compiler_params=pltpu.CompilerParams(use_tc_tiling_on_sc=False),
    scratch_types=[
        pltpu.VMEM((C,), jnp.int32),
        pltpu.VMEM((C,), jnp.int32),
        pltpu.VMEM((C,), jnp.int32),
        pltpu.VMEM((C,), jnp.int32),
        pltpu.VMEM((C,), jnp.int32),
        pltpu.VMEM((C,), jnp.int32),
        pltpu.VMEM((2, C, 16), jnp.float32),
        pltpu.VMEM((2, C, 16), jnp.float32),
        pltpu.VMEM((2, C, 32), jnp.float32),
        pltpu.VMEM((2, C, 32), jnp.float32),
        pltpu.VMEM((2, C, 32), jnp.float32),
        pltpu.VMEM((2, C, 32), jnp.float32),
        pltpu.VMEM((C, 32), jnp.float32),
        pltpu.VMEM((RS, 32), jnp.float32),
        pltpu.VMEM((2, 16), jnp.float32),
        pltpu.VMEM_SHARED((N, 32), jnp.float32),
        pltpu.SemaphoreType.DMA,
        pltpu.SemaphoreType.DMA,
        pltpu.SemaphoreType.DMA,
        pltpu.SemaphoreType.DMA,
    ],
)

NB = 2048
_GRID = (N + NB - 1) // NB

_fc1_call = pl.pallas_call(
    _fc1_body,
    grid=(_GRID,),
    in_specs=[
        pl.BlockSpec((128, NB), lambda i: (0, i)),
        pl.BlockSpec((32, 128), lambda i: (0, 0)),
        pl.BlockSpec((1, 32), lambda i: (0, 0)),
        pl.BlockSpec((NB, 1), lambda i: (i, 0)),
        pl.BlockSpec((NB, 3), lambda i: (i, 0)),
        pl.BlockSpec((3, 32), lambda i: (0, 0)),
    ],
    out_specs=[
        pl.BlockSpec((NB, 32), lambda i: (i, 0)),
        pl.BlockSpec((NB, 32), lambda i: (i, 0)),
        pl.BlockSpec((NB, 32), lambda i: (i, 0)),
        pl.BlockSpec((NB, 32), lambda i: (i, 0)),
        pl.BlockSpec((NB, 16), lambda i: (i, 0)),
    ],
    out_shape=[
        jax.ShapeDtypeStruct((N, 32), jnp.float32),
        jax.ShapeDtypeStruct((N, 32), jnp.float32),
        jax.ShapeDtypeStruct((N, 32), jnp.float32),
        jax.ShapeDtypeStruct((N, 32), jnp.float32),
        jax.ShapeDtypeStruct((N, 16), jnp.float32),
    ],
)

_fc2_call = pl.pallas_call(
    _fc2_body,
    grid=(_GRID,),
    in_specs=[
        pl.BlockSpec((2, NB, 32), lambda i: (0, i, 0)),
        pl.BlockSpec((128, 32), lambda i: (0, 0)),
        pl.BlockSpec((128, 1), lambda i: (0, 0)),
    ],
    out_specs=pl.BlockSpec((128, NB), lambda i: (0, i)),
    out_shape=jax.ShapeDtypeStruct((128, N), jnp.float32),
)


@jax.jit
def kernel(x, grid, grid_weight, edge_index, W1, b1, W2, b2, freq, weight):
    x2d = x[0]
    gw = grid_weight.reshape(N, 1)
    Ch = (weight / jnp.pi) ** 1.5
    W1s = W1 * Ch[:, None]
    b1s = (b1 * Ch).reshape(1, 32)
    p_t, q_t, ca_t, sa_t, g16 = _fc1_call(x2d, W1s, b1s, gw, grid[0], freq)

    src2 = edge_index[0].astype(jnp.int32)
    dst2 = edge_index[1].astype(jnp.int32)
    cst = jnp.stack([weight[:16], weight[16:]]).astype(jnp.float32)

    outp = _edge_call(g16, p_t, q_t, ca_t, sa_t, src2, dst2, cst)

    y = _fc2_call(outp, W2, b2.reshape(128, 1))
    return y[None]

# --- scband reference (transcript-rebuilt; emitter-appended) ---
"""Pipeline reference for scband-graph-gaussconv-41188736368642 (READ-ONLY COPY).

The authoritative reference and input builder live on the scoring server;
editing this copy changes nothing except your own understanding.
"""

import jax, jax.numpy as jnp
import numpy as np

BSZ = 1
N = 50000
E = 1600000
IN_C = 128
HID = 32
OUT_C = 128
PHY = 3


def setup_inputs(seed: int = 0):
    key = jax.random.key(seed)
    ks = jax.random.split(key, 12)
    x = jax.random.normal(ks[0], (BSZ, IN_C, N), dtype=jnp.float32)
    grid = jax.random.uniform(ks[1], (BSZ, N, PHY), dtype=jnp.float32)
    grid_weight = jax.random.uniform(ks[2], (BSZ, N), dtype=jnp.float32, minval=0.1, maxval=1.0)
    src = jax.random.randint(ks[3], (E,), 0, BSZ * N)
    off = jax.random.randint(ks[4], (E,), 1, BSZ * N)
    dst = (src + off) % (BSZ * N)  # guarantees no self-loops (dist > 0, safe sqrt)
    edge_index = jnp.stack([src, dst])
    W1 = jax.random.normal(ks[5], (HID, IN_C), dtype=jnp.float32) / np.sqrt(IN_C)
    b1 = jnp.zeros((HID,), dtype=jnp.float32)
    W2 = jax.random.normal(ks[6], (OUT_C, HID), dtype=jnp.float32) / np.sqrt(HID)
    b2 = jnp.zeros((OUT_C,), dtype=jnp.float32)
    freq = jax.random.normal(ks[7], (PHY, HID), dtype=jnp.float32)
    weight = jax.random.uniform(ks[8], (HID,), dtype=jnp.float32, minval=0.5, maxval=1.5)
    return {"x": x, "grid": grid, "grid_weight": grid_weight, "edge_index": edge_index,
            "W1": W1, "b1": b1, "W2": W2, "b2": b2, "freq": freq, "weight": weight}


def reference(x, grid, grid_weight, edge_index, W1, b1, W2, b2, freq, weight):
    # x: (bsz, in_c, N) -> (bsz, N, in_c)
    x = jnp.transpose(x, (0, 2, 1))
    x = x @ W1.T + b1  # fc1 -> (bsz, N, HID)
    bsz, n, phy = grid.shape
    g = grid.reshape(-1, phy)
    gw = grid_weight.reshape(-1)
    src = edge_index[0]
    dst = edge_index[1]
    vec = g[src] - g[dst]  # (E, phy)
    dist = jnp.sqrt(jnp.sum(vec ** 2, axis=1, keepdims=True))  # (E, 1), broadcasts like repeat
    gauss = jnp.sqrt((weight / jnp.pi) ** phy) * jnp.exp(-weight * dist ** 2)  # (E, HID)
    theta = jnp.sum(freq[None, :, :] * vec[:, :, None], axis=1)  # (E, HID)
    fourier = jnp.sin(theta)  # imag(exp(1j*theta)) == sin(theta), identical math
    morlet = gauss * fourier
    xe = x.reshape(-1, HID)[src]
    val = morlet * xe * gw[src][:, None]
    out = jnp.zeros((bsz * n, HID), dtype=val.dtype).at[dst].add(val)  # scatter_add over dst
    out = out.reshape(bsz, n, HID)
    out = out @ W2.T + b2  # fc2 -> (bsz, N, OUT_C)
    return jnp.transpose(out, (0, 2, 1))

if __name__ == "__main__":
    import jax
    _d = setup_inputs()
    print(jax.jit(kernel)(*tuple(_d.values())))

</pallas_src>

<mosaic_0001>
#map = affine_map<(d0, d1) -> (0, 0)>
#map1 = affine_map<(d0, d1) -> (0)>
#map2 = affine_map<(d0, d1) -> (0, 0, 0)>
module attributes {stable_mosaic.version = 14 : i64} {
  func.func @_edge_body(%arg0: i32, %arg1: i32, %arg2: memref<50000x16xf32, #tpu.memory_space<hbm>>, %arg3: memref<50000x32xf32, #tpu.memory_space<hbm>>, %arg4: memref<50000x32xf32, #tpu.memory_space<hbm>>, %arg5: memref<50000x32xf32, #tpu.memory_space<hbm>>, %arg6: memref<50000x32xf32, #tpu.memory_space<hbm>>, %arg7: memref<1600000xi32, #tpu.memory_space<hbm>>, %arg8: memref<1600000xi32, #tpu.memory_space<hbm>>, %arg9: memref<2x16xf32, #tpu.memory_space<hbm>>, %arg10: memref<2x50000x32xf32, #tpu.memory_space<hbm>>, %arg11: memref<80xi32, #tpu.memory_space<vmem>>, %arg12: memref<80xi32, #tpu.memory_space<vmem>>, %arg13: memref<80xi32, #tpu.memory_space<vmem>>, %arg14: memref<80xi32, #tpu.memory_space<vmem>>, %arg15: memref<80xi32, #tpu.memory_space<vmem>>, %arg16: memref<80xi32, #tpu.memory_space<vmem>>, %arg17: memref<2x80x16xf32, #tpu.memory_space<vmem>>, %arg18: memref<2x80x16xf32, #tpu.memory_space<vmem>>, %arg19: memref<2x80x32xf32, #tpu.memory_space<vmem>>, %arg20: memref<2x80x32xf32, #tpu.memory_space<vmem>>, %arg21: memref<2x80x32xf32, #tpu.memory_space<vmem>>, %arg22: memref<2x80x32xf32, #tpu.memory_space<vmem>>, %arg23: memref<80x32xf32, #tpu.memory_space<vmem>>, %arg24: memref<20x32xf32, #tpu.memory_space<vmem>>, %arg25: memref<2x16xf32, #tpu.memory_space<vmem>>, %arg26: memref<50000x32xf32, #tpu.memory_space<vmem_shared>>, %arg27: memref<!tpu.dma_semaphore, #tpu.memory_space<semaphore_mem>>, %arg28: memref<!tpu.dma_semaphore, #tpu.memory_space<semaphore_mem>>, %arg29: memref<!tpu.dma_semaphore, #tpu.memory_space<semaphore_mem>>, %arg30: memref<!tpu.dma_semaphore, #tpu.memory_space<semaphore_mem>>) attributes {dimension_semantics = [#tpu.dimension_semantics<core_parallel>, #tpu.dimension_semantics<subcore_parallel>], iteration_bounds = array<i64: 2, 16>, scalar_prefetch = 0 : i64, scratch_operands = 20 : i64, tpu.core_type = #tpu.core_type<sc_vector_subcore>, window_params = [{transform_indices = #map}, {transform_indices = #map}, {transform_indices = #map}, {transform_indices = #map}, {transform_indices = #map}, {transform_indices = #map1}, {transform_indices = #map1}, {transform_indices = #map}, {transform_indices = #map2}]} {
    %mul3A = arith.constant 2 : i32
    %mul3A_0 = arith.muli %arg1, %mul3A : i32
    %add3A = arith.addi %mul3A_0, %arg0 : i32
    "tpu.region"() ({
      %run_scoped3A = tpu.sem_alloc : memref<!tpu.dma_semaphore, #tpu.memory_space<semaphore_mem>>
      tpu.enqueue_dma source(%arg9 : memref<2x16xf32, #tpu.memory_space<hbm>>) target(%arg25 : memref<2x16xf32, #tpu.memory_space<vmem>>) target_semaphore(%run_scoped3A : memref<!tpu.dma_semaphore, #tpu.memory_space<semaphore_mem>>)
      tpu.wait_dma2 semaphore(%run_scoped3A : memref<!tpu.dma_semaphore, #tpu.memory_space<semaphore_mem>>) src(%arg9 : memref<2x16xf32, #tpu.memory_space<hbm>>) dst(%arg25 : memref<2x16xf32, #tpu.memory_space<vmem>>)
      tpu.yield
    }) : () -> ()
    %scan3A = arith.constant 0 : i32
    %scan3A_1 = arith.constant 20 : i32
    %scan3A_2 = arith.addi %scan3A, %scan3A_1 : i32
    %scan3A_3 = arith.constant 1 : i32
    scf.for %scan3A_199 = %scan3A to %scan3A_2 step %scan3A_3  : i32 {
      %mul3A_200 = arith.constant 1 : i32
      %mul3A_201 = arith.muli %scan3A_199, %mul3A_200 : i32
      %add3A_202 = arith.constant 0 : i32
      %add3A_203 = arith.addi %add3A_202, %mul3A_201 : i32
      %broadcast_in_dim3A_204 = arith.constant 0.000000e+00 : f32
      %broadcast_in_dim3A_205 = vector.broadcast %broadcast_in_dim3A_204 : f32 to vector<16xf32>
      %swap3A_206 = arith.index_cast %add3A_203 : i32 to index
      %swap3A_207 = arith.constant 0 : index
      %swap3A_208 = tpu.vector_load %arg24[%swap3A_206, %swap3A_207] {strides = array<i32>} : memref<20x32xf32, #tpu.memory_space<vmem>>, vector<1x16xf32>,
      %swap3A_209 = vector.shape_cast %swap3A_208 : vector<1x16xf32> to vector<16xf32>
      %swap3A_210 = vector.shape_cast %broadcast_in_dim3A_205 : vector<16xf32> to vector<1x16xf32>
      tpu.vector_store %arg24[%swap3A_206, %swap3A_207], %swap3A_210 {strides = array<i32>} : memref<20x32xf32, #tpu.memory_space<vmem>>, vector<1x16xf32>,
      %broadcast_in_dim3A_211 = arith.constant 0.000000e+00 : f32
      %broadcast_in_dim3A_212 = vector.broadcast %broadcast_in_dim3A_211 : f32 to vector<16xf32>
      %swap3A_213 = arith.index_cast %add3A_203 : i32 to index
      %swap3A_214 = arith.constant 16 : index
      %swap3A_215 = tpu.vector_load %arg24[%swap3A_213, %swap3A_214] {strides = array<i32>} : memref<20x32xf32, #tpu.memory_space<vmem>>, vector<1x16xf32>,
      %swap3A_216 = vector.shape_cast %swap3A_215 : vector<1x16xf32> to vector<16xf32>
      %swap3A_217 = vector.shape_cast %broadcast_in_dim3A_212 : vector<16xf32> to vector<1x16xf32>
      tpu.vector_store %arg24[%swap3A_213, %swap3A_214], %swap3A_217 {strides = array<i32>} : memref<20x32xf32, #tpu.memory_space<vmem>>, vector<1x16xf32>,
    }
    %scan3A_4 = arith.constant 20 : i32
    %scan3A_5 = arith.constant 0 : i32
    %scan3A_6 = arith.constant 156 : i32
    %scan3A_7 = arith.addi %scan3A_5, %scan3A_6 : i32
    %scan3A_8 = arith.constant 1 : i32
    scf.for %scan3A_199 = %scan3A_5 to %scan3A_7 step %scan3A_8  : i32 {
      %mul3A_200 = arith.constant 1 : i32
      %mul3A_201 = arith.muli %scan3A_199, %mul3A_200 : i32
      %add3A_202 = arith.constant 0 : i32
      %add3A_203 = arith.addi %add3A_202, %mul3A_201 : i32
      %mul3A_204 = arith.constant 3120 : i32
      %mul3A_205 = arith.muli %arg1, %mul3A_204 : i32
      %mul3A_206 = arith.constant 20 : i32
      %mul3A_207 = arith.muli %add3A_203, %mul3A_206 : i32
      %add3A_208 = arith.addi %mul3A_205, %mul3A_207 : i32
      "tpu.region"() ({
        %run_scoped3A = tpu.sem_alloc : memref<!tpu.dma_semaphore, #tpu.memory_space<semaphore_mem>>
        %dma_start3A_209 = arith.constant 0 : i32
        %dma_start3A_210 = tpu.memref_slice %arg26[%add3A_208, %dma_start3A_209] : memref<50000x32xf32, #tpu.memory_space<vmem_shared>> -> memref<20x32xf32, #tpu.memory_space<vmem_shared>>
        %dma_start3A_211 = arith.constant 0 : i32
        %dma_start3A_212 = tpu.memref_slice %arg26[%add3A_208, %dma_start3A_211] : memref<50000x32xf32, #tpu.memory_space<vmem_shared>> -> memref<20x32xf32, #tpu.memory_space<vmem_shared>>
        tpu.enqueue_dma source(%arg24 : memref<20x32xf32, #tpu.memory_space<vmem>>) target(%dma_start3A_212 : memref<20x32xf32, #tpu.memory_space<vmem_shared>>) target_semaphore(%run_scoped3A : memref<!tpu.dma_semaphore, #tpu.memory_space<semaphore_mem>>)
        %dma_wait3A_213 = arith.constant 0 : i32
        %dma_wait3A_214 = tpu.memref_slice %arg26[%add3A_208, %dma_wait3A_213] : memref<50000x32xf32, #tpu.memory_space<vmem_shared>> -> memref<20x32xf32, #tpu.memory_space<vmem_shared>>
        %dma_wait3A_215 = arith.constant 0 : i32
        %dma_wait3A_216 = tpu.memref_slice %arg26[%add3A_208, %dma_wait3A_215] : memref<50000x32xf32, #tpu.memory_space<vmem_shared>> -> memref<20x32xf32, #tpu.memory_space<vmem_shared>>
        tpu.wait_dma2 semaphore(%run_scoped3A : memref<!tpu.dma_semaphore, #tpu.memory_space<semaphore_mem>>) src(%arg24 : memref<20x32xf32, #tpu.memory_space<vmem>>) dst(%dma_wait3A_216 : memref<20x32xf32, #tpu.memory_space<vmem_shared>>)
        tpu.yield
      }) : () -> ()
    }
    %scan3A_9 = arith.constant 156 : i32
    %eq3A = arith.constant 15 : i32
    %eq3A_10 = arith.cmpi eq, %arg1, %eq3A : i32
    %convert_element_type3A = arith.extui %eq3A_10 : i1 to i32
    %cond3A = arith.constant 0 : i32
    %cond3A_11 = arith.cmpi ne, %convert_element_type3A, %cond3A : i32
    scf.if %cond3A_11 {
      %scan3A_199 = arith.constant 0 : i32
      %scan3A_200 = arith.constant 4 : i32
      %scan3A_201 = arith.addi %scan3A_199, %scan3A_200 : i32
      %scan3A_202 = arith.constant 1 : i32
      scf.for %scan3A_204 = %scan3A_199 to %scan3A_201 step %scan3A_202  : i32 {
        %mul3A_205 = arith.constant 1 : i32
        %mul3A_206 = arith.muli %scan3A_204, %mul3A_205 : i32
        %add3A_207 = arith.constant 0 : i32
        %add3A_208 = arith.addi %add3A_207, %mul3A_206 : i32
        %mul3A_209 = arith.constant 20 : i32
        %mul3A_210 = arith.muli %add3A_208, %mul3A_209 : i32
        %add3A_211 = arith.constant 49920 : i32
        %add3A_212 = arith.addi %add3A_211, %mul3A_210 : i32
        "tpu.region"() ({
          %run_scoped3A = tpu.sem_alloc : memref<!tpu.dma_semaphore, #tpu.memory_space<semaphore_mem>>
          %dma_start3A_213 = arith.constant 0 : i32
          %dma_start3A_214 = tpu.memref_slice %arg26[%add3A_212, %dma_start3A_213] : memref<50000x32xf32, #tpu.memory_space<vmem_shared>> -> memref<20x32xf32, #tpu.memory_space<vmem_shared>>
          %dma_start3A_215 = arith.constant 0 : i32
          %dma_start3A_216 = tpu.memref_slice %arg26[%add3A_212, %dma_start3A_215] : memref<50000x32xf32, #tpu.memory_space<vmem_shared>> -> memref<20x32xf32, #tpu.memory_space<vmem_shared>>
          tpu.enqueue_dma source(%arg24 : memref<20x32xf32, #tpu.memory_space<vmem>>) target(%dma_start3A_216 : memref<20x32xf32, #tpu.memory_space<vmem_shared>>) target_semaphore(%run_scoped3A : memref<!tpu.dma_semaphore, #tpu.memory_space<semaphore_mem>>)
          %dma_wait3A_217 = arith.constant 0 : i32
          %dma_wait3A_218 = tpu.memref_slice %arg26[%add3A_212, %dma_wait3A_217] : memref<50000x32xf32, #tpu.memory_space<vmem_shared>> -> memref<20x32xf32, #tpu.memory_space<vmem_shared>>
          %dma_wait3A_219 = arith.constant 0 : i32
          %dma_wait3A_220 = tpu.memref_slice %arg26[%add3A_212, %dma_wait3A_219] : memref<50000x32xf32, #tpu.memory_space<vmem_shared>> -> memref<20x32xf32, #tpu.memory_space<vmem_shared>>
          tpu.wait_dma2 semaphore(%run_scoped3A : memref<!tpu.dma_semaphore, #tpu.memory_space<semaphore_mem>>) src(%arg24 : memref<20x32xf32, #tpu.memory_space<vmem>>) dst(%dma_wait3A_220 : memref<20x32xf32, #tpu.memory_space<vmem_shared>>)
          tpu.yield
        }) : () -> ()
      }
      %scan3A_203 = arith.constant 4 : i32
    } else {
    }
    %barrier3A = arith.constant 0 : index
    tpu.barrier barrier_id(%barrier3A)
    %get3A = arith.constant 0 : i32
    %get3A_12 = arith.index_cast %get3A : i32 to index
    %get3A_13 = arith.constant 0 : index
    %get3A_14 = tpu.vector_load %arg25[%get3A_12, %get3A_13] {strides = array<i32>} : memref<2x16xf32, #tpu.memory_space<vmem>>, vector<1x16xf32>,
    %get3A_15 = vector.shape_cast %get3A_14 : vector<1x16xf32> to vector<16xf32>
    %get3A_16 = arith.constant 1 : i32
    %get3A_17 = arith.index_cast %get3A_16 : i32 to index
    %get3A_18 = arith.constant 0 : index
    %get3A_19 = tpu.vector_load %arg25[%get3A_17, %get3A_18] {strides = array<i32>} : memref<2x16xf32, #tpu.memory_space<vmem>>, vector<1x16xf32>,
    %get3A_20 = vector.shape_cast %get3A_19 : vector<1x16xf32> to vector<16xf32>
    %broadcast_in_dim3A = arith.constant 0 : i32
    %broadcast_in_dim3A_21 = vector.broadcast %broadcast_in_dim3A : i32 to vector<16xi32>
    %broadcast_in_dim3A_22 = arith.constant 1 : i32
    %broadcast_in_dim3A_23 = vector.broadcast %broadcast_in_dim3A_22 : i32 to vector<16xi32>
    %broadcast_in_dim3A_24 = arith.constant 2 : i32
    %broadcast_in_dim3A_25 = vector.broadcast %broadcast_in_dim3A_24 : i32 to vector<16xi32>
    %mul3A_26 = arith.constant 50000 : i32
    %mul3A_27 = arith.muli %add3A, %mul3A_26 : i32
    %add3A_28 = arith.constant 0 : i32
    %add3A_29 = arith.addi %mul3A_27, %add3A_28 : i32
    %dma_start3A = tpu.memref_slice %arg7[%add3A_29] : memref<1600000xi32, #tpu.memory_space<hbm>> -> memref<80xi32, #tpu.memory_space<hbm>>
    %dma_start3A_30 = tpu.memref_slice %arg7[%add3A_29] : memref<1600000xi32, #tpu.memory_space<hbm>> -> memref<80xi32, #tpu.memory_space<hbm>>
    tpu.enqueue_dma source(%dma_start3A_30 : memref<80xi32, #tpu.memory_space<hbm>>) target(%arg11 : memref<80xi32, #tpu.memory_space<vmem>>) target_semaphore(%arg27 : memref<!tpu.dma_semaphore, #tpu.memory_space<semaphore_mem>>)
    %dma_start3A_31 = tpu.memref_slice %arg8[%add3A_29] : memref<1600000xi32, #tpu.memory_space<hbm>> -> memref<80xi32, #tpu.memory_space<hbm>>
    %dma_start3A_32 = tpu.memref_slice %arg8[%add3A_29] : memref<1600000xi32, #tpu.memory_space<hbm>> -> memref<80xi32, #tpu.memory_space<hbm>>
    tpu.enqueue_dma source(%dma_start3A_32 : memref<80xi32, #tpu.memory_space<hbm>>) target(%arg13 : memref<80xi32, #tpu.memory_space<vmem>>) target_semaphore(%arg27 : memref<!tpu.dma_semaphore, #tpu.memory_space<semaphore_mem>>)
    %mul3A_33 = arith.constant 50000 : i32
    %mul3A_34 = arith.muli %add3A, %mul3A_33 : i32
    %add3A_35 = arith.constant 0 : i32
    %add3A_36 = arith.addi %mul3A_34, %add3A_35 : i32
    %dma_wait3A = tpu.memref_slice %arg7[%add3A_36] : memref<1600000xi32, #tpu.memory_space<hbm>> -> memref<80xi32, #tpu.memory_space<hbm>>
    %dma_wait3A_37 = tpu.memref_slice %arg7[%add3A_36] : memref<1600000xi32, #tpu.memory_space<hbm>> -> memref<80xi32, #tpu.memory_space<hbm>>
    tpu.wait_dma2 semaphore(%arg27 : memref<!tpu.dma_semaphore, #tpu.memory_space<semaphore_mem>>) src(%dma_wait3A_37 : memref<80xi32, #tpu.memory_space<hbm>>) dst(%arg11 : memref<80xi32, #tpu.memory_space<vmem>>)
    %dma_wait3A_38 = tpu.memref_slice %arg8[%add3A_36] : memref<1600000xi32, #tpu.memory_space<hbm>> -> memref<80xi32, #tpu.memory_space<hbm>>
    %dma_wait3A_39 = tpu.memref_slice %arg8[%add3A_36] : memref<1600000xi32, #tpu.memory_space<hbm>> -> memref<80xi32, #tpu.memory_space<hbm>>
    tpu.wait_dma2 semaphore(%arg27 : memref<!tpu.dma_semaphore, #tpu.memory_space<semaphore_mem>>) src(%dma_wait3A_39 : memref<80xi32, #tpu.memory_space<hbm>>) dst(%arg13 : memref<80xi32, #tpu.memory_space<vmem>>)
    %dma_start3A_40 = arith.constant 0 : i32
    %dma_start3A_41 = arith.constant 0 : i32
    %dma_start3A_42 = arith.constant 0 : i32
    %dma_start3A_43 = tpu.memref_slice %arg17[%dma_start3A_40, %dma_start3A_41, %dma_start3A_42] : memref<2x80x16xf32, #tpu.memory_space<vmem>> -> memref<1x80x16xf32, #tpu.memory_space<vmem>>
    %dma_start3A_44 = tpu.memref_squeeze %dma_start3A_43 : memref<1x80x16xf32, #tpu.memory_space<vmem>> -> memref<80x16xf32, #tpu.memory_space<vmem>>
    %dma_start3A_45 = arith.constant 0 : i32
    %dma_start3A_46 = arith.constant 0 : i32
    %dma_start3A_47 = tpu.memref_slice %arg2[%dma_start3A_45, %dma_start3A_46] : memref<50000x16xf32, #tpu.memory_space<hbm>> -> memref<50000x16xf32, #tpu.memory_space<hbm>>
    tpu.enqueue_indirect_dma source(%dma_start3A_47 : memref<50000x16xf32, #tpu.memory_space<hbm>>) target(%dma_start3A_44 : memref<80x16xf32, #tpu.memory_space<vmem>>) offsets(%arg11 : memref<80xi32, #tpu.memory_space<vmem>>) semaphore(%arg29 : memref<!tpu.dma_semaphore, #tpu.memory_space<semaphore_mem>>)
    %dma_start3A_48 = arith.constant 0 : i32
    %dma_start3A_49 = arith.constant 0 : i32
    %dma_start3A_50 = arith.constant 0 : i32
    %dma_start3A_51 = tpu.memref_slice %arg18[%dma_start3A_48, %dma_start3A_49, %dma_start3A_50] : memref<2x80x16xf32, #tpu.memory_space<vmem>> -> memref<1x80x16xf32, #tpu.memory_space<vmem>>
    %dma_start3A_52 = tpu.memref_squeeze %dma_start3A_51 : memref<1x80x16xf32, #tpu.memory_space<vmem>> -> memref<80x16xf32, #tpu.memory_space<vmem>>
    %dma_start3A_53 = arith.constant 0 : i32
    %dma_start3A_54 = arith.constant 0 : i32
    %dma_start3A_55 = tpu.memref_slice %arg2[%dma_start3A_53, %dma_start3A_54] : memref<50000x16xf32, #tpu.memory_space<hbm>> -> memref<50000x16xf32, #tpu.memory_space<hbm>>
    tpu.enqueue_indirect_dma source(%dma_start3A_55 : memref<50000x16xf32, #tpu.memory_space<hbm>>) target(%dma_start3A_52 : memref<80x16xf32, #tpu.memory_space<vmem>>) offsets(%arg13 : memref<80xi32, #tpu.memory_space<vmem>>) semaphore(%arg29 : memref<!tpu.dma_semaphore, #tpu.memory_space<semaphore_mem>>)
    %dma_start3A_56 = arith.constant 0 : i32
    %dma_start3A_57 = arith.constant 0 : i32
    %dma_start3A_58 = arith.constant 0 : i32
    %dma_start3A_59 = tpu.memref_slice %arg19[%dma_start3A_56, %dma_start3A_57, %dma_start3A_58] : memref<2x80x32xf32, #tpu.memory_space<vmem>> -> memref<1x80x32xf32, #tpu.memory_space<vmem>>
    %dma_start3A_60 = tpu.memref_squeeze %dma_start3A_59 : memref<1x80x32xf32, #tpu.memory_space<vmem>> -> memref<80x32xf32, #tpu.memory_space<vmem>>
    %dma_start3A_61 = arith.constant 0 : i32
    %dma_start3A_62 = arith.constant 0 : i32
    %dma_start3A_63 = tpu.memref_slice %arg3[%dma_start3A_61, %dma_start3A_62] : memref<50000x32xf32, #tpu.memory_space<hbm>> -> memref<50000x32xf32, #tpu.memory_space<hbm>>
    tpu.enqueue_indirect_dma source(%dma_start3A_63 : memref<50000x32xf32, #tpu.memory_space<hbm>>) target(%dma_start3A_60 : memref<80x32xf32, #tpu.memory_space<vmem>>) offsets(%arg11 : memref<80xi32, #tpu.memory_space<vmem>>) semaphore(%arg29 : memref<!tpu.dma_semaphore, #tpu.memory_space<semaphore_mem>>)
    %dma_start3A_64 = arith.constant 0 : i32
    %dma_start3A_65 = arith.constant 0 : i32
    %dma_start3A_66 = arith.constant 0 : i32
    %dma_start3A_67 = tpu.memref_slice %arg20[%dma_start3A_64, %dma_start3A_65, %dma_start3A_66] : memref<2x80x32xf32, #tpu.memory_space<vmem>> -> memref<1x80x32xf32, #tpu.memory_space<vmem>>
    %dma_start3A_68 = tpu.memref_squeeze %dma_start3A_67 : memref<1x80x32xf32, #tpu.memory_space<vmem>> -> memref<80x32xf32, #tpu.memory_space<vmem>>
    %dma_start3A_69 = arith.constant 0 : i32
    %dma_start3A_70 = arith.constant 0 : i32
    %dma_start3A_71 = tpu.memref_slice %arg4[%dma_start3A_69, %dma_start3A_70] : memref<50000x32xf32, #tpu.memory_space<hbm>> -> memref<50000x32xf32, #tpu.memory_space<hbm>>
    tpu.enqueue_indirect_dma source(%dma_start3A_71 : memref<50000x32xf32, #tpu.memory_space<hbm>>) target(%dma_start3A_68 : memref<80x32xf32, #tpu.memory_space<vmem>>) offsets(%arg11 : memref<80xi32, #tpu.memory_space<vmem>>) semaphore(%arg29 : memref<!tpu.dma_semaphore, #tpu.memory_space<semaphore_mem>>)
    %dma_start3A_72 = arith.constant 0 : i32
    %dma_start3A_73 = arith.constant 0 : i32
    %dma_start3A_74 = arith.constant 0 : i32
    %dma_start3A_75 = tpu.memref_slice %arg21[%dma_start3A_72, %dma_start3A_73, %dma_start3A_74] : memref<2x80x32xf32, #tpu.memory_space<vmem>> -> memref<1x80x32xf32, #tpu.memory_space<vmem>>
    %dma_start3A_76 = tpu.memref_squeeze %dma_start3A_75 : memref<1x80x32xf32, #tpu.memory_space<vmem>> -> memref<80x32xf32, #tpu.memory_space<vmem>>
    %dma_start3A_77 = arith.constant 0 : i32
    %dma_start3A_78 = arith.constant 0 : i32
    %dma_start3A_79 = tpu.memref_slice %arg5[%dma_start3A_77, %dma_start3A_78] : memref<50000x32xf32, #tpu.memory_space<hbm>> -> memref<50000x32xf32, #tpu.memory_space<hbm>>
    tpu.enqueue_indirect_dma source(%dma_start3A_79 : memref<50000x32xf32, #tpu.memory_space<hbm>>) target(%dma_start3A_76 : memref<80x32xf32, #tpu.memory_space<vmem>>) offsets(%arg13 : memref<80xi32, #tpu.memory_space<vmem>>) semaphore(%arg29 : memref<!tpu.dma_semaphore, #tpu.memory_space<semaphore_mem>>)
    %dma_start3A_80 = arith.constant 0 : i32
    %dma_start3A_81 = arith.constant 0 : i32
    %dma_start3A_82 = arith.constant 0 : i32
    %dma_start3A_83 = tpu.memref_slice %arg22[%dma_start3A_80, %dma_start3A_81, %dma_start3A_82] : memref<2x80x32xf32, #tpu.memory_space<vmem>> -> memref<1x80x32xf32, #tpu.memory_space<vmem>>
    %dma_start3A_84 = tpu.memref_squeeze %dma_start3A_83 : memref<1x80x32xf32, #tpu.memory_space<vmem>> -> memref<80x32xf32, #tpu.memory_space<vmem>>
    %dma_start3A_85 = arith.constant 0 : i32
    %dma_start3A_86 = arith.constant 0 : i32
    %dma_start3A_87 = tpu.memref_slice %arg6[%dma_start3A_85, %dma_start3A_86] : memref<50000x32xf32, #tpu.memory_space<hbm>> -> memref<50000x32xf32, #tpu.memory_space<hbm>>
    tpu.enqueue_indirect_dma source(%dma_start3A_87 : memref<50000x32xf32, #tpu.memory_space<hbm>>) target(%dma_start3A_84 : memref<80x32xf32, #tpu.memory_space<vmem>>) offsets(%arg13 : memref<80xi32, #tpu.memory_space<vmem>>) semaphore(%arg29 : memref<!tpu.dma_semaphore, #tpu.memory_space<semaphore_mem>>)
    %mul3A_88 = arith.constant 50000 : i32
    %mul3A_89 = arith.muli %add3A, %mul3A_88 : i32
    %add3A_90 = arith.constant 80 : i32
    %add3A_91 = arith.addi %mul3A_89, %add3A_90 : i32
    %dma_start3A_92 = tpu.memref_slice %arg7[%add3A_91] : memref<1600000xi32, #tpu.memory_space<hbm>> -> memref<80xi32, #tpu.memory_space<hbm>>
    %dma_start3A_93 = tpu.memref_slice %arg7[%add3A_91] : memref<1600000xi32, #tpu.memory_space<hbm>> -> memref<80xi32, #tpu.memory_space<hbm>>
    tpu.enqueue_dma source(%dma_start3A_93 : memref<80xi32, #tpu.memory_space<hbm>>) target(%arg12 : memref<80xi32, #tpu.memory_space<vmem>>) target_semaphore(%arg28 : memref<!tpu.dma_semaphore, #tpu.memory_space<semaphore_mem>>)
    %dma_start3A_94 = tpu.memref_slice %arg8[%add3A_91] : memref<1600000xi32, #tpu.memory_space<hbm>> -> memref<80xi32, #tpu.memory_space<hbm>>
    %dma_start3A_95 = tpu.memref_slice %arg8[%add3A_91] : memref<1600000xi32, #tpu.memory_space<hbm>> -> memref<80xi32, #tpu.memory_space<hbm>>
    tpu.enqueue_dma source(%dma_start3A_95 : memref<80xi32, #tpu.memory_space<hbm>>) target(%arg14 : memref<80xi32, #tpu.memory_space<vmem>>) target_semaphore(%arg28 : memref<!tpu.dma_semaphore, #tpu.memory_space<semaphore_mem>>)
    %scan3A_96 = arith.constant 0 : i32
    %scan3A_97 = arith.constant 312 : i32
    %scan3A_98 = arith.addi %scan3A_96, %scan3A_97 : i32
    %scan3A_99 = arith.constant 1 : i32
    scf.for %scan3A_199 = %scan3A_96 to %scan3A_98 step %scan3A_99  : i32 {
      %mul3A_200 = arith.constant 2 : i32
      %mul3A_201 = arith.muli %scan3A_199, %mul3A_200 : i32
      %add3A_202 = arith.constant 0 : i32
      %add3A_203 = arith.addi %add3A_202, %mul3A_201 : i32
      %add3A_204 = arith.constant 1 : i32
      %add3A_205 = arith.addi %add3A_203, %add3A_204 : i32
      %mul3A_206 = arith.constant 50000 : i32
      %mul3A_207 = arith.muli %add3A, %mul3A_206 : i32
      %mul3A_208 = arith.constant 80 : i32
      %mul3A_209 = arith.muli %add3A_205, %mul3A_208 : i32
      %add3A_210 = arith.addi %mul3A_207, %mul3A_209 : i32
      %dma_wait3A_211 = tpu.memref_slice %arg7[%add3A_210] : memref<1600000xi32, #tpu.memory_space<hbm>> -> memref<80xi32, #tpu.memory_space<hbm>>
      %dma_wait3A_212 = tpu.memref_slice %arg7[%add3A_210] : memref<1600000xi32, #tpu.memory_space<hbm>> -> memref<80xi32, #tpu.memory_space<hbm>>
      tpu.wait_dma2 semaphore(%arg28 : memref<!tpu.dma_semaphore, #tpu.memory_space<semaphore_mem>>) src(%dma_wait3A_212 : memref<80xi32, #tpu.memory_space<hbm>>) dst(%arg12 : memref<80xi32, #tpu.memory_space<vmem>>)
      %dma_wait3A_213 = tpu.memref_slice %arg8[%add3A_210] : memref<1600000xi32, #tpu.memory_space<hbm>> -> memref<80xi32, #tpu.memory_space<hbm>>
      %dma_wait3A_214 = tpu.memref_slice %arg8[%add3A_210] : memref<1600000xi32, #tpu.memory_space<hbm>> -> memref<80xi32, #tpu.memory_space<hbm>>
      tpu.wait_dma2 semaphore(%arg28 : memref<!tpu.dma_semaphore, #tpu.memory_space<semaphore_mem>>) src(%dma_wait3A_214 : memref<80xi32, #tpu.memory_space<hbm>>) dst(%arg14 : memref<80xi32, #tpu.memory_space<vmem>>)
      %dma_start3A_215 = arith.constant 1 : i32
      %dma_start3A_216 = arith.constant 0 : i32
      %dma_start3A_217 = arith.constant 0 : i32
      %dma_start3A_218 = tpu.memref_slice %arg17[%dma_start3A_215, %dma_start3A_216, %dma_start3A_217] : memref<2x80x16xf32, #tpu.memory_space<vmem>> -> memref<1x80x16xf32, #tpu.memory_space<vmem>>
      %dma_start3A_219 = tpu.memref_squeeze %dma_start3A_218 : memref<1x80x16xf32, #tpu.memory_space<vmem>> -> memref<80x16xf32, #tpu.memory_space<vmem>>
      %dma_start3A_220 = arith.constant 0 : i32
      %dma_start3A_221 = arith.constant 0 : i32
      %dma_start3A_222 = tpu.memref_slice %arg2[%dma_start3A_220, %dma_start3A_221] : memref<50000x16xf32, #tpu.memory_space<hbm>> -> memref<50000x16xf32, #tpu.memory_space<hbm>>
      tpu.enqueue_indirect_dma source(%dma_start3A_222 : memref<50000x16xf32, #tpu.memory_space<hbm>>) target(%dma_start3A_219 : memref<80x16xf32, #tpu.memory_space<vmem>>) offsets(%arg12 : memref<80xi32, #tpu.memory_space<vmem>>) semaphore(%arg30 : memref<!tpu.dma_semaphore, #tpu.memory_space<semaphore_mem>>)
      %dma_start3A_223 = arith.constant 1 : i32
      %dma_start3A_224 = arith.constant 0 : i32
      %dma_start3A_225 = arith.constant 0 : i32
      %dma_start3A_226 = tpu.memref_slice %arg18[%dma_start3A_223, %dma_start3A_224, %dma_start3A_225] : memref<2x80x16xf32, #tpu.memory_space<vmem>> -> memref<1x80x16xf32, #tpu.memory_space<vmem>>
      %dma_start3A_227 = tpu.memref_squeeze %dma_start3A_226 : memref<1x80x16xf32, #tpu.memory_space<vmem>> -> memref<80x16xf32, #tpu.memory_space<vmem>>
      %dma_start3A_228 = arith.constant 0 : i32
      %dma_start3A_229 = arith.constant 0 : i32
      %dma_start3A_230 = tpu.memref_slice %arg2[%dma_start3A_228, %dma_start3A_229] : memref<50000x16xf32, #tpu.memory_space<hbm>> -> memref<50000x16xf32, #tpu.memory_space<hbm>>
      tpu.enqueue_indirect_dma source(%dma_start3A_230 : memref<50000x16xf32, #tpu.memory_space<hbm>>) target(%dma_start3A_227 : memref<80x16xf32, #tpu.memory_space<vmem>>) offsets(%arg14 : memref<80xi32, #tpu.memory_space<vmem>>) semaphore(%arg30 : memref<!tpu.dma_semaphore, #tpu.memory_space<semaphore_mem>>)
      %dma_start3A_231 = arith.constant 1 : i32
      %dma_start3A_232 = arith.constant 0 : i32
      %dma_start3A_233 = arith.constant 0 : i32
      %dma_start3A_234 = tpu.memref_slice %arg19[%dma_start3A_231, %dma_start3A_232, %dma_start3A_233] : memref<2x80x32xf32, #tpu.memory_space<vmem>> -> memref<1x80x32xf32, #tpu.memory_space<vmem>>
      %dma_start3A_235 = tpu.memref_squeeze %dma_start3A_234 : memref<1x80x32xf32, #tpu.memory_space<vmem>> -> memref<80x32xf32, #tpu.memory_space<vmem>>
      %dma_start3A_236 = arith.constant 0 : i32
      %dma_start3A_237 = arith.constant 0 : i32
      %dma_start3A_238 = tpu.memref_slice %arg3[%dma_start3A_236, %dma_start3A_237] : memref<50000x32xf32, #tpu.memory_space<hbm>> -> memref<50000x32xf32, #tpu.memory_space<hbm>>
      tpu.enqueue_indirect_dma source(%dma_start3A_238 : memref<50000x32xf32, #tpu.memory_space<hbm>>) target(%dma_start3A_235 : memref<80x32xf32, #tpu.memory_space<vmem>>) offsets(%arg12 : memref<80xi32, #tpu.memory_space<vmem>>) semaphore(%arg30 : memref<!tpu.dma_semaphore, #tpu.memory_space<semaphore_mem>>)
      %dma_start3A_239 = arith.constant 1 : i32
      %dma_start3A_240 = arith.constant 0 : i32
      %dma_start3A_241 = arith.constant 0 : i32
      %dma_start3A_242 = tpu.memref_slice %arg20[%dma_start3A_239, %dma_start3A_240, %dma_start3A_241] : memref<2x80x32xf32, #tpu.memory_space<vmem>> -> memref<1x80x32xf32, #tpu.memory_space<vmem>>
      %dma_start3A_243 = tpu.memref_squeeze %dma_start3A_242 : memref<1x80x32xf32, #tpu.memory_space<vmem>> -> memref<80x32xf32, #tpu.memory_space<vmem>>
      %dma_start3A_244 = arith.constant 0 : i32
      %dma_start3A_245 = arith.constant 0 : i32
      %dma_start3A_246 = tpu.memref_slice %arg4[%dma_start3A_244, %dma_start3A_245] : memref<50000x32xf32, #tpu.memory_space<hbm>> -> memref<50000x32xf32, #tpu.memory_space<hbm>>
      tpu.enqueue_indirect_dma source(%dma_start3A_246 : memref<50000x32xf32, #tpu.memory_space<hbm>>) target(%dma_start3A_243 : memref<80x32xf32, #tpu.memory_space<vmem>>) offsets(%arg12 : memref<80xi32, #tpu.memory_space<vmem>>) semaphore(%arg30 : memref<!tpu.dma_semaphore, #tpu.memory_space<semaphore_mem>>)
      %dma_start3A_247 = arith.constant 1 : i32
      %dma_start3A_248 = arith.constant 0 : i32
      %dma_start3A_249 = arith.constant 0 : i32
      %dma_start3A_250 = tpu.memref_slice %arg21[%dma_start3A_247, %dma_start3A_248, %dma_start3A_249] : memref<2x80x32xf32, #tpu.memory_space<vmem>> -> memref<1x80x32xf32, #tpu.memory_space<vmem>>
      %dma_start3A_251 = tpu.memref_squeeze %dma_start3A_250 : memref<1x80x32xf32, #tpu.memory_space<vmem>> -> memref<80x32xf32, #tpu.memory_space<vmem>>
      %dma_start3A_252 = arith.constant 0 : i32
      %dma_start3A_253 = arith.constant 0 : i32
      %dma_start3A_254 = tpu.memref_slice %arg5[%dma_start3A_252, %dma_start3A_253] : memref<50000x32xf32, #tpu.memory_space<hbm>> -> memref<50000x32xf32, #tpu.memory_space<hbm>>
      tpu.enqueue_indirect_dma source(%dma_start3A_254 : memref<50000x32xf32, #tpu.memory_space<hbm>>) target(%dma_start3A_251 : memref<80x32xf32, #tpu.memory_space<vmem>>) offsets(%arg14 : memref<80xi32, #tpu.memory_space<vmem>>) semaphore(%arg30 : memref<!tpu.dma_semaphore, #tpu.memory_space<semaphore_mem>>)
      %dma_start3A_255 = arith.constant 1 : i32
      %dma_start3A_256 = arith.constant 0 : i32
      %dma_start3A_257 = arith.constant 0 : i32
      %dma_start3A_258 = tpu.memref_slice %arg22[%dma_start3A_255, %dma_start3A_256, %dma_start3A_257] : memref<2x80x32xf32, #tpu.memory_space<vmem>> -> memref<1x80x32xf32, #tpu.memory_space<vmem>>
      %dma_start3A_259 = tpu.memref_squeeze %dma_start3A_258 : memref<1x80x32xf32, #tpu.memory_space<vmem>> -> memref<80x32xf32, #tpu.memory_space<vmem>>
      %dma_start3A_260 = arith.constant 0 : i32
      %dma_start3A_261 = arith.constant 0 : i32
      %dma_start3A_262 = tpu.memref_slice %arg6[%dma_start3A_260, %dma_start3A_261] : memref<50000x32xf32, #tpu.memory_space<hbm>> -> memref<50000x32xf32, #tpu.memory_space<hbm>>
      tpu.enqueue_indirect_dma source(%dma_start3A_262 : memref<50000x32xf32, #tpu.memory_space<hbm>>) target(%dma_start3A_259 : memref<80x32xf32, #tpu.memory_space<vmem>>) offsets(%arg14 : memref<80xi32, #tpu.memory_space<vmem>>) semaphore(%arg30 : memref<!tpu.dma_semaphore, #tpu.memory_space<semaphore_mem>>)
      %dma_wait3A_263 = arith.constant 0 : i32
      %dma_wait3A_264 = arith.constant 0 : i32
      %dma_wait3A_265 = arith.constant 0 : i32
      %dma_wait3A_266 = tpu.memref_slice %arg17[%dma_wait3A_263, %dma_wait3A_264, %dma_wait3A_265] : memref<2x80x16xf32, #tpu.memory_space<vmem>> -> memref<1x80x16xf32, #tpu.memory_space<vmem>>
      %dma_wait3A_267 = tpu.memref_squeeze %dma_wait3A_266 : memref<1x80x16xf32, #tpu.memory_space<vmem>> -> memref<80x16xf32, #tpu.memory_space<vmem>>
      %dma_wait3A_268 = arith.constant 0 : i32
      %dma_wait3A_269 = arith.constant 0 : i32
      %dma_wait3A_270 = tpu.memref_slice %arg2[%dma_wait3A_268, %dma_wait3A_269] : memref<50000x16xf32, #tpu.memory_space<hbm>> -> memref<50000x16xf32, #tpu.memory_space<hbm>>
      tpu.wait_indirect_dma semaphore(%arg29 : memref<!tpu.dma_semaphore, #tpu.memory_space<semaphore_mem>>) src(%dma_wait3A_270 : memref<50000x16xf32, #tpu.memory_space<hbm>>) dst(%dma_wait3A_267 : memref<80x16xf32, #tpu.memory_space<vmem>>)
      %dma_wait3A_271 = arith.constant 0 : i32
      %dma_wait3A_272 = arith.constant 0 : i32
      %dma_wait3A_273 = arith.constant 0 : i32
      %dma_wait3A_274 = tpu.memref_slice %arg18[%dma_wait3A_271, %dma_wait3A_272, %dma_wait3A_273] : memref<2x80x16xf32, #tpu.memory_space<vmem>> -> memref<1x80x16xf32, #tpu.memory_space<vmem>>
      %dma_wait3A_275 = tpu.memref_squeeze %dma_wait3A_274 : memref<1x80x16xf32, #tpu.memory_space<vmem>> -> memref<80x16xf32, #tpu.memory_space<vmem>>
      %dma_wait3A_276 = arith.constant 0 : i32
      %dma_wait3A_277 = arith.constant 0 : i32
      %dma_wait3A_278 = tpu.memref_slice %arg2[%dma_wait3A_276, %dma_wait3A_277] : memref<50000x16xf32, #tpu.memory_space<hbm>> -> memref<50000x16xf32, #tpu.memory_space<hbm>>
      tpu.wait_indirect_dma semaphore(%arg29 : memref<!tpu.dma_semaphore, #tpu.memory_space<semaphore_mem>>) src(%dma_wait3A_278 : memref<50000x16xf32, #tpu.memory_space<hbm>>) dst(%dma_wait3A_275 : memref<80x16xf32, #tpu.memory_space<vmem>>)
      %dma_wait3A_279 = arith.constant 0 : i32
      %dma_wait3A_280 = arith.constant 0 : i32
      %dma_wait3A_281 = arith.constant 0 : i32
      %dma_wait3A_282 = tpu.memref_slice %arg19[%dma_wait3A_279, %dma_wait3A_280, %dma_wait3A_281] : memref<2x80x32xf32, #tpu.memory_space<vmem>> -> memref<1x80x32xf32, #tpu.memory_space<vmem>>
      %dma_wait3A_283 = tpu.memref_squeeze %dma_wait3A_282 : memref<1x80x32xf32, #tpu.memory_space<vmem>> -> memref<80x32xf32, #tpu.memory_space<vmem>>
      %dma_wait3A_284 = arith.constant 0 : i32
      %dma_wait3A_285 = arith.constant 0 : i32
      %dma_wait3A_286 = tpu.memref_slice %arg3[%dma_wait3A_284, %dma_wait3A_285] : memref<50000x32xf32, #tpu.memory_space<hbm>> -> memref<50000x32xf32, #tpu.memory_space<hbm>>
      tpu.wait_indirect_dma semaphore(%arg29 : memref<!tpu.dma_semaphore, #tpu.memory_space<semaphore_mem>>) src(%dma_wait3A_286 : memref<50000x32xf32, #tpu.memory_space<hbm>>) dst(%dma_wait3A_283 : memref<80x32xf32, #tpu.memory_space<vmem>>)
      %dma_wait3A_287 = arith.constant 0 : i32
      %dma_wait3A_288 = arith.constant 0 : i32
      %dma_wait3A_289 = arith.constant 0 : i32
      %dma_wait3A_290 = tpu.memref_slice %arg20[%dma_wait3A_287, %dma_wait3A_288, %dma_wait3A_289] : memref<2x80x32xf32, #tpu.memory_space<vmem>> -> memref<1x80x32xf32, #tpu.memory_space<vmem>>
      %dma_wait3A_291 = tpu.memref_squeeze %dma_wait3A_290 : memref<1x80x32xf32, #tpu.memory_space<vmem>> -> memref<80x32xf32, #tpu.memory_space<vmem>>
      %dma_wait3A_292 = arith.constant 0 : i32
      %dma_wait3A_293 = arith.constant 0 : i32
      %dma_wait3A_294 = tpu.memref_slice %arg4[%dma_wait3A_292, %dma_wait3A_293] : memref<50000x32xf32, #tpu.memory_space<hbm>> -> memref<50000x32xf32, #tpu.memory_space<hbm>>
      tpu.wait_indirect_dma semaphore(%arg29 : memref<!tpu.dma_semaphore, #tpu.memory_space<semaphore_mem>>) src(%dma_wait3A_294 : memref<50000x32xf32, #tpu.memory_space<hbm>>) dst(%dma_wait3A_291 : memref<80x32xf32, #tpu.memory_space<vmem>>)
      %dma_wait3A_295 = arith.constant 0 : i32
      %dma_wait3A_296 = arith.constant 0 : i32
      %dma_wait3A_297 = arith.constant 0 : i32
      %dma_wait3A_298 = tpu.memref_slice %arg21[%dma_wait3A_295, %dma_wait3A_296, %dma_wait3A_297] : memref<2x80x32xf32, #tpu.memory_space<vmem>> -> memref<1x80x32xf32, #tpu.memory_space<vmem>>
      %dma_wait3A_299 = tpu.memref_squeeze %dma_wait3A_298 : memref<1x80x32xf32, #tpu.memory_space<vmem>> -> memref<80x32xf32, #tpu.memory_space<vmem>>
      %dma_wait3A_300 = arith.constant 0 : i32
      %dma_wait3A_301 = arith.constant 0 : i32
      %dma_wait3A_302 = tpu.memref_slice %arg5[%dma_wait3A_300, %dma_wait3A_301] : memref<50000x32xf32, #tpu.memory_space<hbm>> -> memref<50000x32xf32, #tpu.memory_space<hbm>>
      tpu.wait_indirect_dma semaphore(%arg29 : memref<!tpu.dma_semaphore, #tpu.memory_space<semaphore_mem>>) src(%dma_wait3A_302 : memref<50000x32xf32, #tpu.memory_space<hbm>>) dst(%dma_wait3A_299 : memref<80x32xf32, #tpu.memory_space<vmem>>)
      %dma_wait3A_303 = arith.constant 0 : i32
      %dma_wait3A_304 = arith.constant 0 : i32
      %dma_wait3A_305 = arith.constant 0 : i32
      %dma_wait3A_306 = tpu.memref_slice %arg22[%dma_wait3A_303, %dma_wait3A_304, %dma_wait3A_305] : memref<2x80x32xf32, #tpu.memory_space<vmem>> -> memref<1x80x32xf32, #tpu.memory_space<vmem>>
      %dma_wait3A_307 = tpu.memref_squeeze %dma_wait3A_306 : memref<1x80x32xf32, #tpu.memory_space<vmem>> -> memref<80x32xf32, #tpu.memory_space<vmem>>
      %dma_wait3A_308 = arith.constant 0 : i32
      %dma_wait3A_309 = arith.constant 0 : i32
      %dma_wait3A_310 = tpu.memref_slice %arg6[%dma_wait3A_308, %dma_wait3A_309] : memref<50000x32xf32, #tpu.memory_space<hbm>> -> memref<50000x32xf32, #tpu.memory_space<hbm>>
      tpu.wait_indirect_dma semaphore(%arg29 : memref<!tpu.dma_semaphore, #tpu.memory_space<semaphore_mem>>) src(%dma_wait3A_310 : memref<50000x32xf32, #tpu.memory_space<hbm>>) dst(%dma_wait3A_307 : memref<80x32xf32, #tpu.memory_space<vmem>>)
      %get3A_311 = arith.constant 0 : index
      %get3A_312 = tpu.vector_load %arg13[%get3A_311] {strides = array<i32>} : memref<80xi32, #tpu.memory_space<vmem>>, vector<16xi32>,
      %get3A_313 = vector.shape_cast %get3A_312 : vector<16xi32> to vector<16xi32>
      %swap3A_314 = arith.constant 0 : index
      %swap3A_315 = tpu.vector_load %arg15[%swap3A_314] {strides = array<i32>} : memref<80xi32, #tpu.memory_space<vmem>>, vector<16xi32>,
      %swap3A_316 = vector.shape_cast %swap3A_315 : vector<16xi32> to vector<16xi32>
      %swap3A_317 = vector.shape_cast %get3A_313 : vector<16xi32> to vector<16xi32>
      tpu.vector_store %arg15[%swap3A_314], %swap3A_317 {strides = array<i32>} : memref<80xi32, #tpu.memory_space<vmem>>, vector<16xi32>,
      %get3A_318 = arith.constant 16 : index
      %get3A_319 = tpu.vector_load %arg13[%get3A_318] {strides = array<i32>} : memref<80xi32, #tpu.memory_space<vmem>>, vector<16xi32>,
      %get3A_320 = vector.shape_cast %get3A_319 : vector<16xi32> to vector<16xi32>
      %swap3A_321 = arith.constant 16 : index
      %swap3A_322 = tpu.vector_load %arg15[%swap3A_321] {strides = array<i32>} : memref<80xi32, #tpu.memory_space<vmem>>, vector<16xi32>,
      %swap3A_323 = vector.shape_cast %swap3A_322 : vector<16xi32> to vector<16xi32>
      %swap3A_324 = vector.shape_cast %get3A_320 : vector<16xi32> to vector<16xi32>
      tpu.vector_store %arg15[%swap3A_321], %swap3A_324 {strides = array<i32>} : memref<80xi32, #tpu.memory_space<vmem>>, vector<16xi32>,
      %get3A_325 = arith.constant 32 : index
      %get3A_326 = tpu.vector_load %arg13[%get3A_325] {strides = array<i32>} : memref<80xi32, #tpu.memory_space<vmem>>, vector<16xi32>,
      %get3A_327 = vector.shape_cast %get3A_326 : vector<16xi32> to vector<16xi32>
      %swap3A_328 = arith.constant 32 : index
      %swap3A_329 = tpu.vector_load %arg15[%swap3A_328] {strides = array<i32>} : memref<80xi32, #tpu.memory_space<vmem>>, vector<16xi32>,
      %swap3A_330 = vector.shape_cast %swap3A_329 : vector<16xi32> to vector<16xi32>
      %swap3A_331 = vector.shape_cast %get3A_327 : vector<16xi32> to vector<16xi32>
      tpu.vector_store %arg15[%swap3A_328], %swap3A_331 {strides = array<i32>} : memref<80xi32, #tpu.memory_space<vmem>>, vector<16xi32>,
      %get3A_332 = arith.constant 48 : index
      %get3A_333 = tpu.vector_load %arg13[%get3A_332] {strides = array<i32>} : memref<80xi32, #tpu.memory_space<vmem>>, vector<16xi32>,
      %get3A_334 = vector.shape_cast %get3A_333 : vector<16xi32> to vector<16xi32>
      %swap3A_335 = arith.constant 48 : index
      %swap3A_336 = tpu.vector_load %arg15[%swap3A_335] {strides = array<i32>} : memref<80xi32, #tpu.memory_space<vmem>>, vector<16xi32>,
      %swap3A_337 = vector.shape_cast %swap3A_336 : vector<16xi32> to vector<16xi32>
      %swap3A_338 = vector.shape_cast %get3A_334 : vector<16xi32> to vector<16xi32>
      tpu.vector_store %arg15[%swap3A_335], %swap3A_338 {strides = array<i32>} : memref<80xi32, #tpu.memory_space<vmem>>, vector<16xi32>,
      %get3A_339 = arith.constant 64 : index
      %get3A_340 = tpu.vector_load %arg13[%get3A_339] {strides = array<i32>} : memref<80xi32, #tpu.memory_space<vmem>>, vector<16xi32>,
      %get3A_341 = vector.shape_cast %get3A_340 : vector<16xi32> to vector<16xi32>
      %swap3A_342 = arith.constant 64 : index
      %swap3A_343 = tpu.vector_load %arg15[%swap3A_342] {strides = array<i32>} : memref<80xi32, #tpu.memory_space<vmem>>, vector<16xi32>,
      %swap3A_344 = vector.shape_cast %swap3A_343 : vector<16xi32> to vector<16xi32>
      %swap3A_345 = vector.shape_cast %get3A_341 : vector<16xi32> to vector<16xi32>
      tpu.vector_store %arg15[%swap3A_342], %swap3A_345 {strides = array<i32>} : memref<80xi32, #tpu.memory_space<vmem>>, vector<16xi32>,
      %add3A_346 = arith.constant 2 : i32
      %add3A_347 = arith.addi %add3A_203, %add3A_346 : i32
      %lt3A = arith.constant 625 : i32
      %lt3A_348 = arith.cmpi slt, %add3A_347, %lt3A : i32
      %convert_element_type3A_349 = arith.extui %lt3A_348 : i1 to i32
      %cond3A_350 = arith.constant 0 : i32
      %cond3A_351 = arith.cmpi ne, %convert_element_type3A_349, %cond3A_350 : i32
      scf.if %cond3A_351 {
        %add3A_513 = arith.constant 2 : i32
        %add3A_514 = arith.addi %add3A_203, %add3A_513 : i32
        %mul3A_515 = arith.constant 50000 : i32
        %mul3A_516 = arith.muli %add3A, %mul3A_515 : i32
        %mul3A_517 = arith.constant 80 : i32
        %mul3A_518 = arith.muli %add3A_514, %mul3A_517 : i32
        %add3A_519 = arith.addi %mul3A_516, %mul3A_518 : i32
        %dma_start3A_520 = tpu.memref_slice %arg7[%add3A_519] : memref<1600000xi32, #tpu.memory_space<hbm>> -> memref<80xi32, #tpu.memory_space<hbm>>
        %dma_start3A_521 = tpu.memref_slice %arg7[%add3A_519] : memref<1600000xi32, #tpu.memory_space<hbm>> -> memref<80xi32, #tpu.memory_space<hbm>>
        tpu.enqueue_dma source(%dma_start3A_521 : memref<80xi32, #tpu.memory_space<hbm>>) target(%arg11 : memref<80xi32, #tpu.memory_space<vmem>>) target_semaphore(%arg27 : memref<!tpu.dma_semaphore, #tpu.memory_space<semaphore_mem>>)
        %dma_start3A_522 = tpu.memref_slice %arg8[%add3A_519] : memref<1600000xi32, #tpu.memory_space<hbm>> -> memref<80xi32, #tpu.memory_space<hbm>>
        %dma_start3A_523 = tpu.memref_slice %arg8[%add3A_519] : memref<1600000xi32, #tpu.memory_space<hbm>> -> memref<80xi32, #tpu.memory_space<hbm>>
        tpu.enqueue_dma source(%dma_start3A_523 : memref<80xi32, #tpu.memory_space<hbm>>) target(%arg13 : memref<80xi32, #tpu.memory_space<vmem>>) target_semaphore(%arg27 : memref<!tpu.dma_semaphore, #tpu.memory_space<semaphore_mem>>)
      } else {
      }
      %scan3A_352 = arith.constant 0 : i32
      %scan3A_353 = arith.constant 80 : i32
      %scan3A_354 = arith.addi %scan3A_352, %scan3A_353 : i32
      %scan3A_355 = arith.constant 8 : i32
      scf.for %scan3A_513 = %scan3A_352 to %scan3A_354 step %scan3A_355  : i32 {
        %mul3A_514 = arith.constant 1 : i32
        %mul3A_515 = arith.muli %scan3A_513, %mul3A_514 : i32
        %add3A_516 = arith.constant 0 : i32
        %add3A_517 = arith.addi %add3A_516, %mul3A_515 : i32
        %get3A_518 = arith.constant 0 : i32
        %get3A_519 = arith.index_cast %get3A_518 : i32 to index
        %get3A_520 = arith.index_cast %add3A_517 : i32 to index
        %get3A_521 = arith.constant 0 : index
        %get3A_522 = tpu.vector_load %arg17[%get3A_519, %get3A_520, %get3A_521] {strides = array<i32>} : memref<2x80x16xf32, #tpu.memory_space<vmem>>, vector<1x1x16xf32>,
        %get3A_523 = vector.shape_cast %get3A_522 : vector<1x1x16xf32> to vector<16xf32>
        %get3A_524 = arith.constant 0 : i32
        %get3A_525 = arith.index_cast %get3A_524 : i32 to index
        %get3A_526 = arith.index_cast %add3A_517 : i32 to index
        %get3A_527 = arith.constant 0 : index
        %get3A_528 = tpu.vector_load %arg18[%get3A_525, %get3A_526, %get3A_527] {strides = array<i32>} : memref<2x80x16xf32, #tpu.memory_space<vmem>>, vector<1x1x16xf32>,
        %get3A_529 = vector.shape_cast %get3A_528 : vector<1x1x16xf32> to vector<16xf32>
        %sub3A = arith.subf %get3A_523, %get3A_529 : vector<16xf32>
        %mul3A_530 = arith.mulf %sub3A, %sub3A : vector<16xf32>
        %broadcast_in_dim3A_531 = vector.shape_cast %broadcast_in_dim3A_21 : vector<16xi32> to vector<16x1xi32>
        %gather3A = vector.shape_cast %broadcast_in_dim3A_531 : vector<16x1xi32> to vector<16xi32>
        %gather3A_532 = tpu.dynamic_gather %mul3A_530[%gather3A] in [0] : vector<16xf32>, vector<16xi32> -> vector<16xf32>
        %broadcast_in_dim3A_533 = vector.shape_cast %broadcast_in_dim3A_23 : vector<16xi32> to vector<16x1xi32>
        %gather3A_534 = vector.shape_cast %broadcast_in_dim3A_533 : vector<16x1xi32> to vector<16xi32>
        %gather3A_535 = tpu.dynamic_gather %mul3A_530[%gather3A_534] in [0] : vector<16xf32>, vector<16xi32> -> vector<16xf32>
        %add3A_536 = arith.addf %gather3A_532, %gather3A_535 : vector<16xf32>
        %broadcast_in_dim3A_537 = vector.shape_cast %broadcast_in_dim3A_25 : vector<16xi32> to vector<16x1xi32>
        %gather3A_538 = vector.shape_cast %broadcast_in_dim3A_537 : vector<16x1xi32> to vector<16xi32>
        %gather3A_539 = tpu.dynamic_gather %mul3A_530[%gather3A_538] in [0] : vector<16xf32>, vector<16xi32> -> vector<16xf32>
        %add3A_540 = arith.addf %add3A_536, %gather3A_539 : vector<16xf32>
        %mul3A_541 = arith.mulf %get3A_15, %add3A_540 : vector<16xf32>
        %neg3A = arith.constant 0.000000e+00 : f32
        %neg3A_542 = vector.broadcast %neg3A : f32 to vector<16xf32>
        %neg3A_543 = arith.subf %neg3A_542, %mul3A_541 : vector<16xf32>
        %exp3A = math.exp %neg3A_543 : vector<16xf32>
        %mul3A_544 = arith.mulf %get3A_20, %add3A_540 : vector<16xf32>
        %neg3A_545 = arith.constant 0.000000e+00 : f32
        %neg3A_546 = vector.broadcast %neg3A_545 : f32 to vector<16xf32>
        %neg3A_547 = arith.subf %neg3A_546, %mul3A_544 : vector<16xf32>
        %exp3A_548 = math.exp %neg3A_547 : vector<16xf32>
        %get3A_549 = arith.constant 0 : i32
        %get3A_550 = arith.index_cast %get3A_549 : i32 to index
        %get3A_551 = arith.index_cast %add3A_517 : i32 to index
        %get3A_552 = arith.constant 0 : index
        %get3A_553 = tpu.vector_load %arg19[%get3A_550, %get3A_551, %get3A_552] {strides = array<i32>} : memref<2x80x32xf32, #tpu.memory_space<vmem>>, vector<1x1x16xf32>,
        %get3A_554 = vector.shape_cast %get3A_553 : vector<1x1x16xf32> to vector<16xf32>
        %get3A_555 = arith.constant 0 : i32
        %get3A_556 = arith.index_cast %get3A_555 : i32 to index
        %get3A_557 = arith.index_cast %add3A_517 : i32 to index
        %get3A_558 = arith.constant 16 : index
        %get3A_559 = tpu.vector_load %arg19[%get3A_556, %get3A_557, %get3A_558] {strides = array<i32>} : memref<2x80x32xf32, #tpu.memory_space<vmem>>, vector<1x1x16xf32>,
        %get3A_560 = vector.shape_cast %get3A_559 : vector<1x1x16xf32> to vector<16xf32>
        %get3A_561 = arith.constant 0 : i32
        %get3A_562 = arith.index_cast %get3A_561 : i32 to index
        %get3A_563 = arith.index_cast %add3A_517 : i32 to index
        %get3A_564 = arith.constant 0 : index
        %get3A_565 = tpu.vector_load %arg20[%get3A_562, %get3A_563, %get3A_564] {strides = array<i32>} : memref<2x80x32xf32, #tpu.memory_space<vmem>>, vector<1x1x16xf32>,
        %get3A_566 = vector.shape_cast %get3A_565 : vector<1x1x16xf32> to vector<16xf32>
        %get3A_567 = arith.constant 0 : i32
        %get3A_568 = arith.index_cast %get3A_567 : i32 to index
        %get3A_569 = arith.index_cast %add3A_517 : i32 to index
        %get3A_570 = arith.constant 16 : index
        %get3A_571 = tpu.vector_load %arg20[%get3A_568, %get3A_569, %get3A_570] {strides = array<i32>} : memref<2x80x32xf32, #tpu.memory_space<vmem>>, vector<1x1x16xf32>,
        %get3A_572 = vector.shape_cast %get3A_571 : vector<1x1x16xf32> to vector<16xf32>
        %get3A_573 = arith.constant 0 : i32
        %get3A_574 = arith.index_cast %get3A_573 : i32 to index
        %get3A_575 = arith.index_cast %add3A_517 : i32 to index
        %get3A_576 = arith.constant 0 : index
        %get3A_577 = tpu.vector_load %arg21[%get3A_574, %get3A_575, %get3A_576] {strides = array<i32>} : memref<2x80x32xf32, #tpu.memory_space<vmem>>, vector<1x1x16xf32>,
        %get3A_578 = vector.shape_cast %get3A_577 : vector<1x1x16xf32> to vector<16xf32>
        %get3A_579 = arith.constant 0 : i32
        %get3A_580 = arith.index_cast %get3A_579 : i32 to index
        %get3A_581 = arith.index_cast %add3A_517 : i32 to index
        %get3A_582 = arith.constant 16 : index
        %get3A_583 = tpu.vector_load %arg21[%get3A_580, %get3A_581, %get3A_582] {strides = array<i32>} : memref<2x80x32xf32, #tpu.memory_space<vmem>>, vector<1x1x16xf32>,
        %get3A_584 = vector.shape_cast %get3A_583 : vector<1x1x16xf32> to vector<16xf32>
        %get3A_585 = arith.constant 0 : i32
        %get3A_586 = arith.index_cast %get3A_585 : i32 to index
        %get3A_587 = arith.index_cast %add3A_517 : i32 to index
        %get3A_588 = arith.constant 0 : index
        %get3A_589 = tpu.vector_load %arg22[%get3A_586, %get3A_587, %get3A_588] {strides = array<i32>} : memref<2x80x32xf32, #tpu.memory_space<vmem>>, vector<1x1x16xf32>,
        %get3A_590 = vector.shape_cast %get3A_589 : vector<1x1x16xf32> to vector<16xf32>
        %get3A_591 = arith.constant 0 : i32
        %get3A_592 = arith.index_cast %get3A_591 : i32 to index
        %get3A_593 = arith.index_cast %add3A_517 : i32 to index
        %get3A_594 = arith.constant 16 : index
        %get3A_595 = tpu.vector_load %arg22[%get3A_592, %get3A_593, %get3A_594] {strides = array<i32>} : memref<2x80x32xf32, #tpu.memory_space<vmem>>, vector<1x1x16xf32>,
        %get3A_596 = vector.shape_cast %get3A_595 : vector<1x1x16xf32> to vector<16xf32>
        %mul3A_597 = arith.mulf %get3A_554, %get3A_578 : vector<16xf32>
        %mul3A_598 = arith.mulf %get3A_566, %get3A_590 : vector<16xf32>
        %sub3A_599 = arith.subf %mul3A_597, %mul3A_598 : vector<16xf32>
        %mul3A_600 = arith.mulf %exp3A, %sub3A_599 : vector<16xf32>
        %swap3A_601 = arith.index_cast %add3A_517 : i32 to index
        %swap3A_602 = arith.constant 0 : index
        %swap3A_603 = tpu.vector_load %arg23[%swap3A_601, %swap3A_602] {strides = array<i32>} : memref<80x32xf32, #tpu.memory_space<vmem>>, vector<1x16xf32>,
        %swap3A_604 = vector.shape_cast %swap3A_603 : vector<1x16xf32> to vector<16xf32>
        %swap3A_605 = vector.shape_cast %mul3A_600 : vector<16xf32> to vector<1x16xf32>
        tpu.vector_store %arg23[%swap3A_601, %swap3A_602], %swap3A_605 {strides = array<i32>} : memref<80x32xf32, #tpu.memory_space<vmem>>, vector<1x16xf32>,
        %mul3A_606 = arith.mulf %get3A_560, %get3A_584 : vector<16xf32>
        %mul3A_607 = arith.mulf %get3A_572, %get3A_596 : vector<16xf32>
        %sub3A_608 = arith.subf %mul3A_606, %mul3A_607 : vector<16xf32>
        %mul3A_609 = arith.mulf %exp3A_548, %sub3A_608 : vector<16xf32>
        %swap3A_610 = arith.index_cast %add3A_517 : i32 to index
        %swap3A_611 = arith.constant 16 : index
        %swap3A_612 = tpu.vector_load %arg23[%swap3A_610, %swap3A_611] {strides = array<i32>} : memref<80x32xf32, #tpu.memory_space<vmem>>, vector<1x16xf32>,
        %swap3A_613 = vector.shape_cast %swap3A_612 : vector<1x16xf32> to vector<16xf32>
        %swap3A_614 = vector.shape_cast %mul3A_609 : vector<16xf32> to vector<1x16xf32>
        tpu.vector_store %arg23[%swap3A_610, %swap3A_611], %swap3A_614 {strides = array<i32>} : memref<80x32xf32, #tpu.memory_space<vmem>>, vector<1x16xf32>,
        %scan3A_615 = arith.constant 1 : i32
        %scan3A_616 = arith.addi %scan3A_513, %scan3A_615 : i32
        %mul3A_617 = arith.constant 1 : i32
        %mul3A_618 = arith.muli %scan3A_616, %mul3A_617 : i32
        %add3A_619 = arith.constant 0 : i32
        %add3A_620 = arith.addi %add3A_619, %mul3A_618 : i32
        %get3A_621 = arith.constant 0 : i32
        %get3A_622 = arith.index_cast %get3A_621 : i32 to index
        %get3A_623 = arith.index_cast %add3A_620 : i32 to index
        %get3A_624 = arith.constant 0 : index
        %get3A_625 = tpu.vector_load %arg17[%get3A_622, %get3A_623, %get3A_624] {strides = array<i32>} : memref<2x80x16xf32, #tpu.memory_space<vmem>>, vector<1x1x16xf32>,
        %get3A_626 = vector.shape_cast %get3A_625 : vector<1x1x16xf32> to vector<16xf32>
        %get3A_627 = arith.constant 0 : i32
        %get3A_628 = arith.index_cast %get3A_627 : i32 to index
        %get3A_629 = arith.index_cast %add3A_620 : i32 to index
        %get3A_630 = arith.constant 0 : index
        %get3A_631 = tpu.vector_load %arg18[%get3A_628, %get3A_629, %get3A_630] {strides = array<i32>} : memref<2x80x16xf32, #tpu.memory_space<vmem>>, vector<1x1x16xf32>,
        %get3A_632 = vector.shape_cast %get3A_631 : vector<1x1x16xf32> to vector<16xf32>
        %sub3A_633 = arith.subf %get3A_626, %get3A_632 : vector<16xf32>
        %mul3A_634 = arith.mulf %sub3A_633, %sub3A_633 : vector<16xf32>
        %broadcast_in_dim3A_635 = vector.shape_cast %broadcast_in_dim3A_21 : vector<16xi32> to vector<16x1xi32>
        %gather3A_636 = vector.shape_cast %broadcast_in_dim3A_635 : vector<16x1xi32> to vector<16xi32>
        %gather3A_637 = tpu.dynamic_gather %mul3A_634[%gather3A_636] in [0] : vector<16xf32>, vector<16xi32> -> vector<16xf32>
        %broadcast_in_dim3A_638 = vector.shape_cast %broadcast_in_dim3A_23 : vector<16xi32> to vector<16x1xi32>
        %gather3A_639 = vector.shape_cast %broadcast_in_dim3A_638 : vector<16x1xi32> to vector<16xi32>
        %gather3A_640 = tpu.dynamic_gather %mul3A_634[%gather3A_639] in [0] : vector<16xf32>, vector<16xi32> -> vector<16xf32>
        %add3A_641 = arith.addf %gather3A_637, %gather3A_640 : vector<16xf32>
        %broadcast_in_dim3A_642 = vector.shape_cast %broadcast_in_dim3A_25 : vector<16xi32> to vector<16x1xi32>
        %gather3A_643 = vector.shape_cast %broadcast_in_dim3A_642 : vector<16x1xi32> to vector<16xi32>
        %gather3A_644 = tpu.dynamic_gather %mul3A_634[%gather3A_643] in [0] : vector<16xf32>, vector<16xi32> -> vector<16xf32>
        %add3A_645 = arith.addf %add3A_641, %gather3A_644 : vector<16xf32>
        %mul3A_646 = arith.mulf %get3A_15, %add3A_645 : vector<16xf32>
        %neg3A_647 = arith.constant 0.000000e+00 : f32
        %neg3A_648 = vector.broadcast %neg3A_647 : f32 to vector<16xf32>
        %neg3A_649 = arith.subf %neg3A_648, %mul3A_646 : vector<16xf32>
        %exp3A_650 = math.exp %neg3A_649 : vector<16xf32>
        %mul3A_651 = arith.mulf %get3A_20, %add3A_645 : vector<16xf32>
        %neg3A_652 = arith.constant 0.000000e+00 : f32
        %neg3A_653 = vector.broadcast %neg3A_652 : f32 to vector<16xf32>
        %neg3A_654 = arith.subf %neg3A_653, %mul3A_651 : vector<16xf32>
        %exp3A_655 = math.exp %neg3A_654 : vector<16xf32>
        %get3A_656 = arith.constant 0 : i32
        %get3A_657 = arith.index_cast %get3A_656 : i32 to index
        %get3A_658 = arith.index_cast %add3A_620 : i32 to index
        %get3A_659 = arith.constant 0 : index
        %get3A_660 = tpu.vector_load %arg19[%get3A_657, %get3A_658, %get3A_659] {strides = array<i32>} : memref<2x80x32xf32, #tpu.memory_space<vmem>>, vector<1x1x16xf32>,
        %get3A_661 = vector.shape_cast %get3A_660 : vector<1x1x16xf32> to vector<16xf32>
        %get3A_662 = arith.constant 0 : i32
        %get3A_663 = arith.index_cast %get3A_662 : i32 to index
        %get3A_664 = arith.index_cast %add3A_620 : i32 to index
        %get3A_665 = arith.constant 16 : index
        %get3A_666 = tpu.vector_load %arg19[%get3A_663, %get3A_664, %get3A_665] {strides = array<i32>} : memref<2x80x32xf32, #tpu.memory_space<vmem>>, vector<1x1x16xf32>,
        %get3A_667 = vector.shape_cast %get3A_666 : vector<1x1x16xf32> to vector<16xf32>
        %get3A_668 = arith.constant 0 : i32
        %get3A_669 = arith.index_cast %get3A_668 : i32 to index
        %get3A_670 = arith.index_cast %add3A_620 : i32 to index
        %get3A_671 = arith.constant 0 : index
        %get3A_672 = tpu.vector_load %arg20[%get3A_669, %get3A_670, %get3A_671] {strides = array<i32>} : memref<2x80x32xf32, #tpu.memory_space<vmem>>, vector<1x1x16xf32>,
        %get3A_673 = vector.shape_cast %get3A_672 : vector<1x1x16xf32> to vector<16xf32>
        %get3A_674 = arith.constant 0 : i32
        %get3A_675 = arith.index_cast %get3A_674 : i32 to index
        %get3A_676 = arith.index_cast %add3A_620 : i32 to index
        %get3A_677 = arith.constant 16 : index
        %get3A_678 = tpu.vector_load %arg20[%get3A_675, %get3A_676, %get3A_677] {strides = array<i32>} : memref<2x80x32xf32, #tpu.memory_space<vmem>>, vector<1x1x16xf32>,
        %get3A_679 = vector.shape_cast %get3A_678 : vector<1x1x16xf32> to vector<16xf32>
        %get3A_680 = arith.constant 0 : i32
        %get3A_681 = arith.index_cast %get3A_680 : i32 to index
        %get3A_682 = arith.index_cast %add3A_620 : i32 to index
        %get3A_683 = arith.constant 0 : index
        %get3A_684 = tpu.vector_load %arg21[%get3A_681, %get3A_682, %get3A_683] {strides = array<i32>} : memref<2x80x32xf32, #tpu.memory_space<vmem>>, vector<1x1x16xf32>,
        %get3A_685 = vector.shape_cast %get3A_684 : vector<1x1x16xf32> to vector<16xf32>
        %get3A_686 = arith.constant 0 : i32
        %get3A_687 = arith.index_cast %get3A_686 : i32 to index
        %get3A_688 = arith.index_cast %add3A_620 : i32 to index
        %get3A_689 = arith.constant 16 : index
        %get3A_690 = tpu.vector_load %arg21[%get3A_687, %get3A_688, %get3A_689] {strides = array<i32>} : memref<2x80x32xf32, #tpu.memory_space<vmem>>, vector<1x1x16xf32>,
        %get3A_691 = vector.shape_cast %get3A_690 : vector<1x1x16xf32> to vector<16xf32>
        %get3A_692 = arith.constant 0 : i32
        %get3A_693 = arith.index_cast %get3A_692 : i32 to index
        %get3A_694 = arith.index_cast %add3A_620 : i32 to index
        %get3A_695 = arith.constant 0 : index
        %get3A_696 = tpu.vector_load %arg22[%get3A_693, %get3A_694, %get3A_695] {strides = array<i32>} : memref<2x80x32xf32, #tpu.memory_space<vmem>>, vector<1x1x16xf32>,
        %get3A_697 = vector.shape_cast %get3A_696 : vector<1x1x16xf32> to vector<16xf32>
        %get3A_698 = arith.constant 0 : i32
        %get3A_699 = arith.index_cast %get3A_698 : i32 to index
        %get3A_700 = arith.index_cast %add3A_620 : i32 to index
        %get3A_701 = arith.constant 16 : index
        %get3A_702 = tpu.vector_load %arg22[%get3A_699, %get3A_700, %get3A_701] {strides = array<i32>} : memref<2x80x32xf32, #tpu.memory_space<vmem>>, vector<1x1x16xf32>,
        %get3A_703 = vector.shape_cast %get3A_702 : vector<1x1x16xf32> to vector<16xf32>
        %mul3A_704 = arith.mulf %get3A_661, %get3A_685 : vector<16xf32>
        %mul3A_705 = arith.mulf %get3A_673, %get3A_697 : vector<16xf32>
        %sub3A_706 = arith.subf %mul3A_704, %mul3A_705 : vector<16xf32>
        %mul3A_707 = arith.mulf %exp3A_650, %sub3A_706 : vector<16xf32>
        %swap3A_708 = arith.index_cast %add3A_620 : i32 to index
        %swap3A_709 = arith.constant 0 : index
        %swap3A_710 = tpu.vector_load %arg23[%swap3A_708, %swap3A_709] {strides = array<i32>} : memref<80x32xf32, #tpu.memory_space<vmem>>, vector<1x16xf32>,
        %swap3A_711 = vector.shape_cast %swap3A_710 : vector<1x16xf32> to vector<16xf32>
        %swap3A_712 = vector.shape_cast %mul3A_707 : vector<16xf32> to vector<1x16xf32>
        tpu.vector_store %arg23[%swap3A_708, %swap3A_709], %swap3A_712 {strides = array<i32>} : memref<80x32xf32, #tpu.memory_space<vmem>>, vector<1x16xf32>,
        %mul3A_713 = arith.mulf %get3A_667, %get3A_691 : vector<16xf32>
        %mul3A_714 = arith.mulf %get3A_679, %get3A_703 : vector<16xf32>
        %sub3A_715 = arith.subf %mul3A_713, %mul3A_714 : vector<16xf32>
        %mul3A_716 = arith.mulf %exp3A_655, %sub3A_715 : vector<16xf32>
        %swap3A_717 = arith.index_cast %add3A_620 : i32 to index
        %swap3A_718 = arith.constant 16 : index
        %swap3A_719 = tpu.vector_load %arg23[%swap3A_717, %swap3A_718] {strides = array<i32>} : memref<80x32xf32, #tpu.memory_space<vmem>>, vector<1x16xf32>,
        %swap3A_720 = vector.shape_cast %swap3A_719 : vector<1x16xf32> to vector<16xf32>
        %swap3A_721 = vector.shape_cast %mul3A_716 : vector<16xf32> to vector<1x16xf32>
        tpu.vector_store %arg23[%swap3A_717, %swap3A_718], %swap3A_721 {strides = array<i32>} : memref<80x32xf32, #tpu.memory_space<vmem>>, vector<1x16xf32>,
        %scan3A_722 = arith.constant 2 : i32
        %scan3A_723 = arith.addi %scan3A_513, %scan3A_722 : i32
        %mul3A_724 = arith.constant 1 : i32
        %mul3A_725 = arith.muli %scan3A_723, %mul3A_724 : i32
        %add3A_726 = arith.constant 0 : i32
        %add3A_727 = arith.addi %add3A_726, %mul3A_725 : i32
        %get3A_728 = arith.constant 0 : i32
        %get3A_729 = arith.index_cast %get3A_728 : i32 to index
        %get3A_730 = arith.index_cast %add3A_727 : i32 to index
        %get3A_731 = arith.constant 0 : index
        %get3A_732 = tpu.vector_load %arg17[%get3A_729, %get3A_730, %get3A_731] {strides = array<i32>} : memref<2x80x16xf32, #tpu.memory_space<vmem>>, vector<1x1x16xf32>,
        %get3A_733 = vector.shape_cast %get3A_732 : vector<1x1x16xf32> to vector<16xf32>
        %get3A_734 = arith.constant 0 : i32
        %get3A_735 = arith.index_cast %get3A_734 : i32 to index
        %get3A_736 = arith.index_cast %add3A_727 : i32 to index
        %get3A_737 = arith.constant 0 : index
        %get3A_738 = tpu.vector_load %arg18[%get3A_735, %get3A_736, %get3A_737] {strides = array<i32>} : memref<2x80x16xf32, #tpu.memory_space<vmem>>, vector<1x1x16xf32>,
        %get3A_739 = vector.shape_cast %get3A_738 : vector<1x1x16xf32> to vector<16xf32>
        %sub3A_740 = arith.subf %get3A_733, %get3A_739 : vector<16xf32>
        %mul3A_741 = arith.mulf %sub3A_740, %sub3A_740 : vector<16xf32>
        %broadcast_in_dim3A_742 = vector.shape_cast %broadcast_in_dim3A_21 : vector<16xi32> to vector<16x1xi32>
        %gather3A_743 = vector.shape_cast %broadcast_in_dim3A_742 : vector<16x1xi32> to vector<16xi32>
        %gather3A_744 = tpu.dynamic_gather %mul3A_741[%gather3A_743] in [0] : vector<16xf32>, vector<16xi32> -> vector<16xf32>
        %broadcast_in_dim3A_745 = vector.shape_cast %broadcast_in_dim3A_23 : vector<16xi32> to vector<16x1xi32>
        %gather3A_746 = vector.shape_cast %broadcast_in_dim3A_745 : vector<16x1xi32> to vector<16xi32>
        %gather3A_747 = tpu.dynamic_gather %mul3A_741[%gather3A_746] in [0] : vector<16xf32>, vector<16xi32> -> vector<16xf32>
        %add3A_748 = arith.addf %gather3A_744, %gather3A_747 : vector<16xf32>
        %broadcast_in_dim3A_749 = vector.shape_cast %broadcast_in_dim3A_25 : vector<16xi32> to vector<16x1xi32>
        %gather3A_750 = vector.shape_cast %broadcast_in_dim3A_749 : vector<16x1xi32> to vector<16xi32>
        %gather3A_751 = tpu.dynamic_gather %mul3A_741[%gather3A_750] in [0] : vector<16xf32>, vector<16xi32> -> vector<16xf32>
        %add3A_752 = arith.addf %add3A_748, %gather3A_751 : vector<16xf32>
        %mul3A_753 = arith.mulf %get3A_15, %add3A_752 : vector<16xf32>
        %neg3A_754 = arith.constant 0.000000e+00 : f32
        %neg3A_755 = vector.broadcast %neg3A_754 : f32 to vector<16xf32>
        %neg3A_756 = arith.subf %neg3A_755, %mul3A_753 : vector<16xf32>
        %exp3A_757 = math.exp %neg3A_756 : vector<16xf32>
        %mul3A_758 = arith.mulf %get3A_20, %add3A_752 : vector<16xf32>
        %neg3A_759 = arith.constant 0.000000e+00 : f32
        %neg3A_760 = vector.broadcast %neg3A_759 : f32 to vector<16xf32>
        %neg3A_761 = arith.subf %neg3A_760, %mul3A_758 : vector<16xf32>
        %exp3A_762 = math.exp %neg3A_761 : vector<16xf32>
        %get3A_763 = arith.constant 0 : i32
        %get3A_764 = arith.index_cast %get3A_763 : i32 to index
        %get3A_765 = arith.index_cast %add3A_727 : i32 to index
        %get3A_766 = arith.constant 0 : index
        %get3A_767 = tpu.vector_load %arg19[%get3A_764, %get3A_765, %get3A_766] {strides = array<i32>} : memref<2x80x32xf32, #tpu.memory_space<vmem>>, vector<1x1x16xf32>,
        %get3A_768 = vector.shape_cast %get3A_767 : vector<1x1x16xf32> to vector<16xf32>
        %get3A_769 = arith.constant 0 : i32
        %get3A_770 = arith.index_cast %get3A_769 : i32 to index
        %get3A_771 = arith.index_cast %add3A_727 : i32 to index
        %get3A_772 = arith.constant 16 : index
        %get3A_773 = tpu.vector_load %arg19[%get3A_770, %get3A_771, %get3A_772] {strides = array<i32>} : memref<2x80x32xf32, #tpu.memory_space<vmem>>, vector<1x1x16xf32>,
        %get3A_774 = vector.shape_cast %get3A_773 : vector<1x1x16xf32> to vector<16xf32>
        %get3A_775 = arith.constant 0 : i32
        %get3A_776 = arith.index_cast %get3A_775 : i32 to index
        %get3A_777 = arith.index_cast %add3A_727 : i32 to index
        %get3A_778 = arith.constant 0 : index
        %get3A_779 = tpu.vector_load %arg20[%get3A_776, %get3A_777, %get3A_778] {strides = array<i32>} : memref<2x80x32xf32, #tpu.memory_space<vmem>>, vector<1x1x16xf32>,
        %get3A_780 = vector.shape_cast %get3A_779 : vector<1x1x16xf32> to vector<16xf32>
        %get3A_781 = arith.constant 0 : i32
        %get3A_782 = arith.index_cast %get3A_781 : i32 to index
        %get3A_783 = arith.index_cast %add3A_727 : i32 to index
        %get3A_784 = arith.constant 16 : index
        %get3A_785 = tpu.vector_load %arg20[%get3A_782, %get3A_783, %get3A_784] {strides = array<i32>} : memref<2x80x32xf32, #tpu.memory_space<vmem>>, vector<1x1x16xf32>,
        %get3A_786 = vector.shape_cast %get3A_785 : vector<1x1x16xf32> to vector<16xf32>
        %get3A_787 = arith.constant 0 : i32
        %get3A_788 = arith.index_cast %get3A_787 : i32 to index
        %get3A_789 = arith.index_cast %add3A_727 : i32 to index
        %get3A_790 = arith.constant 0 : index
        %get3A_791 = tpu.vector_load %arg21[%get3A_788, %get3A_789, %get3A_790] {strides = array<i32>} : memref<2x80x32xf32, #tpu.memory_space<vmem>>, vector<1x1x16xf32>,
        %get3A_792 = vector.shape_cast %get3A_791 : vector<1x1x16xf32> to vector<16xf32>
        %get3A_793 = arith.constant 0 : i32
        %get3A_794 = arith.index_cast %get3A_793 : i32 to index
        %get3A_795 = arith.index_cast %add3A_727 : i32 to index
        %get3A_796 = arith.constant 16 : index
        %get3A_797 = tpu.vector_load %arg21[%get3A_794, %get3A_795, %get3A_796] {strides = array<i32>} : memref<2x80x32xf32, #tpu.memory_space<vmem>>, vector<1x1x16xf32>,
        %get3A_798 = vector.shape_cast %get3A_797 : vector<1x1x16xf32> to vector<16xf32>
        %get3A_799 = arith.constant 0 : i32
        %get3A_800 = arith.index_cast %get3A_799 : i32 to index
        %get3A_801 = arith.index_cast %add3A_727 : i32 to index
        %get3A_802 = arith.constant 0 : index
        %get3A_803 = tpu.vector_load %arg22[%get3A_800, %get3A_801, %get3A_802] {strides = array<i32>} : memref<2x80x32xf32, #tpu.memory_space<vmem>>, vector<1x1x16xf32>,
        %get3A_804 = vector.shape_cast %get3A_803 : vector<1x1x16xf32> to vector<16xf32>
        %get3A_805 = arith.constant 0 : i32
        %get3A_806 = arith.index_cast %get3A_805 : i32 to index
        %get3A_807 = arith.index_cast %add3A_727 : i32 to index
        %get3A_808 = arith.constant 16 : index
        %get3A_809 = tpu.vector_load %arg22[%get3A_806, %get3A_807, %get3A_808] {strides = array<i32>} : memref<2x80x32xf32, #tpu.memory_space<vmem>>, vector<1x1x16xf32>,
        %get3A_810 = vector.shape_cast %get3A_809 : vector<1x1x16xf32> to vector<16xf32>
        %mul3A_811 = arith.mulf %get3A_768, %get3A_792 : vector<16xf32>
        %mul3A_812 = arith.mulf %get3A_780, %get3A_804 : vector<16xf32>
        %sub3A_813 = arith.subf %mul3A_811, %mul3A_812 : vector<16xf32>
        %mul3A_814 = arith.mulf %exp3A_757, %sub3A_813 : vector<16xf32>
        %swap3A_815 = arith.index_cast %add3A_727 : i32 to index
        %swap3A_816 = arith.constant 0 : index
        %swap3A_817 = tpu.vector_load %arg23[%swap3A_815, %swap3A_816] {strides = array<i32>} : memref<80x32xf32, #tpu.memory_space<vmem>>, vector<1x16xf32>,
        %swap3A_818 = vector.shape_cast %swap3A_817 : vector<1x16xf32> to vector<16xf32>
        %swap3A_819 = vector.shape_cast %mul3A_814 : vector<16xf32> to vector<1x16xf32>
        tpu.vector_store %arg23[%swap3A_815, %swap3A_816], %swap3A_819 {strides = array<i32>} : memref<80x32xf32, #tpu.memory_space<vmem>>, vector<1x16xf32>,
        %mul3A_820 = arith.mulf %get3A_774, %get3A_798 : vector<16xf32>
        %mul3A_821 = arith.mulf %get3A_786, %get3A_810 : vector<16xf32>
        %sub3A_822 = arith.subf %mul3A_820, %mul3A_821 : vector<16xf32>
        %mul3A_823 = arith.mulf %exp3A_762, %sub3A_822 : vector<16xf32>
        %swap3A_824 = arith.index_cast %add3A_727 : i32 to index
        %swap3A_825 = arith.constant 16 : index
        %swap3A_826 = tpu.vector_load %arg23[%swap3A_824, %swap3A_825] {strides = array<i32>} : memref<80x32xf32, #tpu.memory_space<vmem>>, vector<1x16xf32>,
        %swap3A_827 = vector.shape_cast %swap3A_826 : vector<1x16xf32> to vector<16xf32>
        %swap3A_828 = vector.shape_cast %mul3A_823 : vector<16xf32> to vector<1x16xf32>
        tpu.vector_store %arg23[%swap3A_824, %swap3A_825], %swap3A_828 {strides = array<i32>} : memref<80x32xf32, #tpu.memory_space<vmem>>, vector<1x16xf32>,
        %scan3A_829 = arith.constant 3 : i32
        %scan3A_830 = arith.addi %scan3A_513, %scan3A_829 : i32
        %mul3A_831 = arith.constant 1 : i32
        %mul3A_832 = arith.muli %scan3A_830, %mul3A_831 : i32
        %add3A_833 = arith.constant 0 : i32
        %add3A_834 = arith.addi %add3A_833, %mul3A_832 : i32
        %get3A_835 = arith.constant 0 : i32
        %get3A_836 = arith.index_cast %get3A_835 : i32 to index
        %get3A_837 = arith.index_cast %add3A_834 : i32 to index
        %get3A_838 = arith.constant 0 : index
        %get3A_839 = tpu.vector_load %arg17[%get3A_836, %get3A_837, %get3A_838] {strides = array<i32>} : memref<2x80x16xf32, #tpu.memory_space<vmem>>, vector<1x1x16xf32>,
        %get3A_840 = vector.shape_cast %get3A_839 : vector<1x1x16xf32> to vector<16xf32>
        %get3A_841 = arith.constant 0 : i32
        %get3A_842 = arith.index_cast %get3A_841 : i32 to index
        %get3A_843 = arith.index_cast %add3A_834 : i32 to index
        %get3A_844 = arith.constant 0 : index
        %get3A_845 = tpu.vector_load %arg18[%get3A_842, %get3A_843, %get3A_844] {strides = array<i32>} : memref<2x80x16xf32, #tpu.memory_space<vmem>>, vector<1x1x16xf32>,
        %get3A_846 = vector.shape_cast %get3A_845 : vector<1x1x16xf32> to vector<16xf32>
        %sub3A_847 = arith.subf %get3A_840, %get3A_846 : vector<16xf32>
        %mul3A_848 = arith.mulf %sub3A_847, %sub3A_847 : vector<16xf32>
        %broadcast_in_dim3A_849 = vector.shape_cast %broadcast_in_dim3A_21 : vector<16xi32> to vector<16x1xi32>
        %gather3A_850 = vector.shape_cast %broadcast_in_dim3A_849 : vector<16x1xi32> to vector<16xi32>
        %gather3A_851 = tpu.dynamic_gather %mul3A_848[%gather3A_850] in [0] : vector<16xf32>, vector<16xi32> -> vector<16xf32>
        %broadcast_in_dim3A_852 = vector.shape_cast %broadcast_in_dim3A_23 : vector<16xi32> to vector<16x1xi32>
        %gather3A_853 = vector.shape_cast %broadcast_in_dim3A_852 : vector<16x1xi32> to vector<16xi32>
        %gather3A_854 = tpu.dynamic_gather %mul3A_848[%gather3A_853] in [0] : vector<16xf32>, vector<16xi32> -> vector<16xf32>
        %add3A_855 = arith.addf %gather3A_851, %gather3A_854 : vector<16xf32>
        %broadcast_in_dim3A_856 = vector.shape_cast %broadcast_in_dim3A_25 : vector<16xi32> to vector<16x1xi32>
        %gather3A_857 = vector.shape_cast %broadcast_in_dim3A_856 : vector<16x1xi32> to vector<16xi32>
        %gather3A_858 = tpu.dynamic_gather %mul3A_848[%gather3A_857] in [0] : vector<16xf32>, vector<16xi32> -> vector<16xf32>
        %add3A_859 = arith.addf %add3A_855, %gather3A_858 : vector<16xf32>
        %mul3A_860 = arith.mulf %get3A_15, %add3A_859 : vector<16xf32>
        %neg3A_861 = arith.constant 0.000000e+00 : f32
        %neg3A_862 = vector.broadcast %neg3A_861 : f32 to vector<16xf32>
        %neg3A_863 = arith.subf %neg3A_862, %mul3A_860 : vector<16xf32>
        %exp3A_864 = math.exp %neg3A_863 : vector<16xf32>
        %mul3A_865 = arith.mulf %get3A_20, %add3A_859 : vector<16xf32>
        %neg3A_866 = arith.constant 0.000000e+00 : f32
        %neg3A_867 = vector.broadcast %neg3A_866 : f32 to vector<16xf32>
        %neg3A_868 = arith.subf %neg3A_867, %mul3A_865 : vector<16xf32>
        %exp3A_869 = math.exp %neg3A_868 : vector<16xf32>
        %get3A_870 = arith.constant 0 : i32
        %get3A_871 = arith.index_cast %get3A_870 : i32 to index
        %get3A_872 = arith.index_cast %add3A_834 : i32 to index
        %get3A_873 = arith.constant 0 : index
        %get3A_874 = tpu.vector_load %arg19[%get3A_871, %get3A_872, %get3A_873] {strides = array<i32>} : memref<2x80x32xf32, #tpu.memory_space<vmem>>, vector<1x1x16xf32>,
        %get3A_875 = vector.shape_cast %get3A_874 : vector<1x1x16xf32> to vector<16xf32>
        %get3A_876 = arith.constant 0 : i32
        %get3A_877 = arith.index_cast %get3A_876 : i32 to index
        %get3A_878 = arith.index_cast %add3A_834 : i32 to index
        %get3A_879 = arith.constant 16 : index
        %get3A_880 = tpu.vector_load %arg19[%get3A_877, %get3A_878, %get3A_879] {strides = array<i32>} : memref<2x80x32xf32, #tpu.memory_space<vmem>>, vector<1x1x16xf32>,
        %get3A_881 = vector.shape_cast %get3A_880 : vector<1x1x16xf32> to vector<16xf32>
        %get3A_882 = arith.constant 0 : i32
        %get3A_883 = arith.index_cast %get3A_882 : i32 to index
        %get3A_884 = arith.index_cast %add3A_834 : i32 to index
        %get3A_885 = arith.constant 0 : index
        %get3A_886 = tpu.vector_load %arg20[%get3A_883, %get3A_884, %get3A_885] {strides = array<i32>} : memref<2x80x32xf32, #tpu.memory_space<vmem>>, vector<1x1x16xf32>,
        %get3A_887 = vector.shape_cast %get3A_886 : vector<1x1x16xf32> to vector<16xf32>
        %get3A_888 = arith.constant 0 : i32
        %get3A_889 = arith.index_cast %get3A_888 : i32 to index
        %get3A_890 = arith.index_cast %add3A_834 : i32 to index
        %get3A_891 = arith.constant 16 : index
        %get3A_892 = tpu.vector_load %arg20[%get3A_889, %get3A_890, %get3A_891] {strides = array<i32>} : memref<2x80x32xf32, #tpu.memory_space<vmem>>, vector<1x1x16xf32>,
        %get3A_893 = vector.shape_cast %get3A_892 : vector<1x1x16xf32> to vector<16xf32>
        %get3A_894 = arith.constant 0 : i32
        %get3A_895 = arith.index_cast %get3A_894 : i32 to index
        %get3A_896 = arith.index_cast %add3A_834 : i32 to index
        %get3A_897 = arith.constant 0 : index
        %get3A_898 = tpu.vector_load %arg21[%get3A_895, %get3A_896, %get3A_897] {strides = array<i32>} : memref<2x80x32xf32, #tpu.memory_space<vmem>>, vector<1x1x16xf32>,
        %get3A_899 = vector.shape_cast %get3A_898 : vector<1x1x16xf32> to vector<16xf32>
        %get3A_900 = arith.constant 0 : i32
        %get3A_901 = arith.index_cast %get3A_900 : i32 to index
        %get3A_902 = arith.index_cast %add3A_834 : i32 to index
        %get3A_903 = arith.constant 16 : index
        %get3A_904 = tpu.vector_load %arg21[%get3A_901, %get3A_902, %get3A_903] {strides = array<i32>} : memref<2x80x32xf32, #tpu.memory_space<vmem>>, vector<1x1x16xf32>,
        %get3A_905 = vector.shape_cast %get3A_904 : vector<1x1x16xf32> to vector<16xf32>
        %get3A_906 = arith.constant 0 : i32
        %get3A_907 = arith.index_cast %get3A_906 : i32 to index
        %get3A_908 = arith.index_cast %add3A_834 : i32 to index
        %get3A_909 = arith.constant 0 : index
        %get3A_910 = tpu.vector_load %arg22[%get3A_907, %get3A_908, %get3A_909] {strides = array<i32>} : memref<2x80x32xf32, #tpu.memory_space<vmem>>, vector<1x1x16xf32>,
        %get3A_911 = vector.shape_cast %get3A_910 : vector<1x1x16xf32> to vector<16xf32>
        %get3A_912 = arith.constant 0 : i32
        %get3A_913 = arith.index_cast %get3A_912 : i32 to index
        %get3A_914 = arith.index_cast %add3A_834 : i32 to index
        %get3A_915 = arith.constant 16 : index
        %get3A_916 = tpu.vector_load %arg22[%get3A_913, %get3A_914, %get3A_915] {strides = array<i32>} : memref<2x80x32xf32, #tpu.memory_space<vmem>>, vector<1x1x16xf32>,
        %get3A_917 = vector.shape_cast %get3A_916 : vector<1x1x16xf32> to vector<16xf32>
        %mul3A_918 = arith.mulf %get3A_875, %get3A_899 : vector<16xf32>
        %mul3A_919 = arith.mulf %get3A_887, %get3A_911 : vector<16xf32>
        %sub3A_920 = arith.subf %mul3A_918, %mul3A_919 : vector<16xf32>
        %mul3A_921 = arith.mulf %exp3A_864, %sub3A_920 : vector<16xf32>
        %swap3A_922 = arith.index_cast %add3A_834 : i32 to index
        %swap3A_923 = arith.constant 0 : index
        %swap3A_924 = tpu.vector_load %arg23[%swap3A_922, %swap3A_923] {strides = array<i32>} : memref<80x32xf32, #tpu.memory_space<vmem>>, vector<1x16xf32>,
        %swap3A_925 = vector.shape_cast %swap3A_924 : vector<1x16xf32> to vector<16xf32>
        %swap3A_926 = vector.shape_cast %mul3A_921 : vector<16xf32> to vector<1x16xf32>
        tpu.vector_store %arg23[%swap3A_922, %swap3A_923], %swap3A_926 {strides = array<i32>} : memref<80x32xf32, #tpu.memory_space<vmem>>, vector<1x16xf32>,
        %mul3A_927 = arith.mulf %get3A_881, %get3A_905 : vector<16xf32>
        %mul3A_928 = arith.mulf %get3A_893, %get3A_917 : vector<16xf32>
        %sub3A_929 = arith.subf %mul3A_927, %mul3A_928 : vector<16xf32>
        %mul3A_930 = arith.mulf %exp3A_869, %sub3A_929 : vector<16xf32>
        %swap3A_931 = arith.index_cast %add3A_834 : i32 to index
        %swap3A_932 = arith.constant 16 : index
        %swap3A_933 = tpu.vector_load %arg23[%swap3A_931, %swap3A_932] {strides = array<i32>} : memref<80x32xf32, #tpu.memory_space<vmem>>, vector<1x16xf32>,
        %swap3A_934 = vector.shape_cast %swap3A_933 : vector<1x16xf32> to vector<16xf32>
        %swap3A_935 = vector.shape_cast %mul3A_930 : vector<16xf32> to vector<1x16xf32>
        tpu.vector_store %arg23[%swap3A_931, %swap3A_932], %swap3A_935 {strides = array<i32>} : memref<80x32xf32, #tpu.memory_space<vmem>>, vector<1x16xf32>,
        %scan3A_936 = arith.constant 4 : i32
        %scan3A_937 = arith.addi %scan3A_513, %scan3A_936 : i32
        %mul3A_938 = arith.constant 1 : i32
        %mul3A_939 = arith.muli %scan3A_937, %mul3A_938 : i32
        %add3A_940 = arith.constant 0 : i32
        %add3A_941 = arith.addi %add3A_940, %mul3A_939 : i32
        %get3A_942 = arith.constant 0 : i32
        %get3A_943 = arith.index_cast %get3A_942 : i32 to index
        %get3A_944 = arith.index_cast %add3A_941 : i32 to index
        %get3A_945 = arith.constant 0 : index
        %get3A_946 = tpu.vector_load %arg17[%get3A_943, %get3A_944, %get3A_945] {strides = array<i32>} : memref<2x80x16xf32, #tpu.memory_space<vmem>>, vector<1x1x16xf32>,
        %get3A_947 = vector.shape_cast %get3A_946 : vector<1x1x16xf32> to vector<16xf32>
        %get3A_948 = arith.constant 0 : i32
        %get3A_949 = arith.index_cast %get3A_948 : i32 to index
        %get3A_950 = arith.index_cast %add3A_941 : i32 to index
        %get3A_951 = arith.constant 0 : index
        %get3A_952 = tpu.vector_load %arg18[%get3A_949, %get3A_950, %get3A_951] {strides = array<i32>} : memref<2x80x16xf32, #tpu.memory_space<vmem>>, vector<1x1x16xf32>,
        %get3A_953 = vector.shape_cast %get3A_952 : vector<1x1x16xf32> to vector<16xf32>
        %sub3A_954 = arith.subf %get3A_947, %get3A_953 : vector<16xf32>
        %mul3A_955 = arith.mulf %sub3A_954, %sub3A_954 : vector<16xf32>
        %broadcast_in_dim3A_956 = vector.shape_cast %broadcast_in_dim3A_21 : vector<16xi32> to vector<16x1xi32>
        %gather3A_957 = vector.shape_cast %broadcast_in_dim3A_956 : vector<16x1xi32> to vector<16xi32>
        %gather3A_958 = tpu.dynamic_gather %mul3A_955[%gather3A_957] in [0] : vector<16xf32>, vector<16xi32> -> vector<16xf32>
        %broadcast_in_dim3A_959 = vector.shape_cast %broadcast_in_dim3A_23 : vector<16xi32> to vector<16x1xi32>
        %gather3A_960 = vector.shape_cast %broadcast_in_dim3A_959 : vector<16x1xi32> to vector<16xi32>
        %gather3A_961 = tpu.dynamic_gather %mul3A_955[%gather3A_960] in [0] : vector<16xf32>, vector<16xi32> -> vector<16xf32>
        %add3A_962 = arith.addf %gather3A_958, %gather3A_961 : vector<16xf32>
        %broadcast_in_dim3A_963 = vector.shape_cast %broadcast_in_dim3A_25 : vector<16xi32> to vector<16x1xi32>
        %gather3A_964 = vector.shape_cast %broadcast_in_dim3A_963 : vector<16x1xi32> to vector<16xi32>
        %gather3A_965 = tpu.dynamic_gather %mul3A_955[%gather3A_964] in [0] : vector<16xf32>, vector<16xi32> -> vector<16xf32>
        %add3A_966 = arith.addf %add3A_962, %gather3A_965 : vector<16xf32>
        %mul3A_967 = arith.mulf %get3A_15, %add3A_966 : vector<16xf32>
        %neg3A_968 = arith.constant 0.000000e+00 : f32
        %neg3A_969 = vector.broadcast %neg3A_968 : f32 to vector<16xf32>
        %neg3A_970 = arith.subf %neg3A_969, %mul3A_967 : vector<16xf32>
        %exp3A_971 = math.exp %neg3A_970 : vector<16xf32>
        %mul3A_972 = arith.mulf %get3A_20, %add3A_966 : vector<16xf32>
        %neg3A_973 = arith.constant 0.000000e+00 : f32
        %neg3A_974 = vector.broadcast %neg3A_973 : f32 to vector<16xf32>
        %neg3A_975 = arith.subf %neg3A_974, %mul3A_972 : vector<16xf32>
        %exp3A_976 = math.exp %neg3A_975 : vector<16xf32>
        %get3A_977 = arith.constant 0 : i32
        %get3A_978 = arith.index_cast %get3A_977 : i32 to index
        %get3A_979 = arith.index_cast %add3A_941 : i32 to index
        %get3A_980 = arith.constant 0 : index
        %get3A_981 = tpu.vector_load %arg19[%get3A_978, %get3A_979, %get3A_980] {strides = array<i32>} : memref<2x80x32xf32, #tpu.memory_space<vmem>>, vector<1x1x16xf32>,
        %get3A_982 = vector.shape_cast %get3A_981 : vector<1x1x16xf32> to vector<16xf32>
        %get3A_983 = arith.constant 0 : i32
        %get3A_984 = arith.index_cast %get3A_983 : i32 to index
        %get3A_985 = arith.index_cast %add3A_941 : i32 to index
        %get3A_986 = arith.constant 16 : index
        %get3A_987 = tpu.vector_load %arg19[%get3A_984, %get3A_985, %get3A_986] {strides = array<i32>} : memref<2x80x32xf32, #tpu.memory_space<vmem>>, vector<1x1x16xf32>,
        %get3A_988 = vector.shape_cast %get3A_987 : vector<1x1x16xf32> to vector<16xf32>
        %get3A_989 = arith.constant 0 : i32
        %get3A_990 = arith.index_cast %get3A_989 : i32 to index
        %get3A_991 = arith.index_cast %add3A_941 : i32 to index
        %get3A_992 = arith.constant 0 : index
        %get3A_993 = tpu.vector_load %arg20[%get3A_990, %get3A_991, %get3A_992] {strides = array<i32>} : memref<2x80x32xf32, #tpu.memory_space<vmem>>, vector<1x1x16xf32>,
        %get3A_994 = vector.shape_cast %get3A_993 : vector<1x1x16xf32> to vector<16xf32>
        %get3A_995 = arith.constant 0 : i32
        %get3A_996 = arith.index_cast %get3A_995 : i32 to index
        %get3A_997 = arith.index_cast %add3A_941 : i32 to index
        %get3A_998 = arith.constant 16 : index
        %get3A_999 = tpu.vector_load %arg20[%get3A_996, %get3A_997, %get3A_998] {strides = array<i32>} : memref<2x80x32xf32, #tpu.memory_space<vmem>>, vector<1x1x16xf32>,
        %get3A_1000 = vector.shape_cast %get3A_999 : vector<1x1x16xf32> to vector<16xf32>
        %get3A_1001 = arith.constant 0 : i32
        %get3A_1002 = arith.index_cast %get3A_1001 : i32 to index
        %get3A_1003 = arith.index_cast %add3A_941 : i32 to index
        %get3A_1004 = arith.constant 0 : index
        %get3A_1005 = tpu.vector_load %arg21[%get3A_1002, %get3A_1003, %get3A_1004] {strides = array<i32>} : memref<2x80x32xf32, #tpu.memory_space<vmem>>, vector<1x1x16xf32>,
        %get3A_1006 = vector.shape_cast %get3A_1005 : vector<1x1x16xf32> to vector<16xf32>
        %get3A_1007 = arith.constant 0 : i32
        %get3A_1008 = arith.index_cast %get3A_1007 : i32 to index
        %get3A_1009 = arith.index_cast %add3A_941 : i32 to index
        %get3A_1010 = arith.constant 16 : index
        %get3A_1011 = tpu.vector_load %arg21[%get3A_1008, %get3A_1009, %get3A_1010] {strides = array<i32>} : memref<2x80x32xf32, #tpu.memory_space<vmem>>, vector<1x1x16xf32>,
        %get3A_1012 = vector.shape_cast %get3A_1011 : vector<1x1x16xf32> to vector<16xf32>
        %get3A_1013 = arith.constant 0 : i32
        %get3A_1014 = arith.index_cast %get3A_1013 : i32 to index
        %get3A_1015 = arith.index_cast %add3A_941 : i32 to index
        %get3A_1016 = arith.constant 0 : index
        %get3A_1017 = tpu.vector_load %arg22[%get3A_1014, %get3A_1015, %get3A_1016] {strides = array<i32>} : memref<2x80x32xf32, #tpu.memory_space<vmem>>, vector<1x1x16xf32>,
        %get3A_1018 = vector.shape_cast %get3A_1017 : vector<1x1x16xf32> to vector<16xf32>
        %get3A_1019 = arith.constant 0 : i32
        %get3A_1020 = arith.index_cast %get3A_1019 : i32 to index
        %get3A_1021 = arith.index_cast %add3A_941 : i32 to index
        %get3A_1022 = arith.constant 16 : index
        %get3A_1023 = tpu.vector_load %arg22[%get3A_1020, %get3A_1021, %get3A_1022] {strides = array<i32>} : memref<2x80x32xf32, #tpu.memory_space<vmem>>, vector<1x1x16xf32>,
        %get3A_1024 = vector.shape_cast %get3A_1023 : vector<1x1x16xf32> to vector<16xf32>
        %mul3A_1025 = arith.mulf %get3A_982, %get3A_1006 : vector<16xf32>
        %mul3A_1026 = arith.mulf %get3A_994, %get3A_1018 : vector<16xf32>
        %sub3A_1027 = arith.subf %mul3A_1025, %mul3A_1026 : vector<16xf32>
        %mul3A_1028 = arith.mulf %exp3A_971, %sub3A_1027 : vector<16xf32>
        %swap3A_1029 = arith.index_cast %add3A_941 : i32 to index
        %swap3A_1030 = arith.constant 0 : index
        %swap3A_1031 = tpu.vector_load %arg23[%swap3A_1029, %swap3A_1030] {strides = array<i32>} : memref<80x32xf32, #tpu.memory_space<vmem>>, vector<1x16xf32>,
        %swap3A_1032 = vector.shape_cast %swap3A_1031 : vector<1x16xf32> to vector<16xf32>
        %swap3A_1033 = vector.shape_cast %mul3A_1028 : vector<16xf32> to vector<1x16xf32>
        tpu.vector_store %arg23[%swap3A_1029, %swap3A_1030], %swap3A_1033 {strides = array<i32>} : memref<80x32xf32, #tpu.memory_space<vmem>>, vector<1x16xf32>,
        %mul3A_1034 = arith.mulf %get3A_988, %get3A_1012 : vector<16xf32>
        %mul3A_1035 = arith.mulf %get3A_1000, %get3A_1024 : vector<16xf32>
        %sub3A_1036 = arith.subf %mul3A_1034, %mul3A_1035 : vector<16xf32>
        %mul3A_1037 = arith.mulf %exp3A_976, %sub3A_1036 : vector<16xf32>
        %swap3A_1038 = arith.index_cast %add3A_941 : i32 to index
        %swap3A_1039 = arith.constant 16 : index
        %swap3A_1040 = tpu.vector_load %arg23[%swap3A_1038, %swap3A_1039] {strides = array<i32>} : memref<80x32xf32, #tpu.memory_space<vmem>>, vector<1x16xf32>,
        %swap3A_1041 = vector.shape_cast %swap3A_1040 : vector<1x16xf32> to vector<16xf32>
        %swap3A_1042 = vector.shape_cast %mul3A_1037 : vector<16xf32> to vector<1x16xf32>
        tpu.vector_store %arg23[%swap3A_1038, %swap3A_1039], %swap3A_1042 {strides = array<i32>} : memref<80x32xf32, #tpu.memory_space<vmem>>, vector<1x16xf32>,
        %scan3A_1043 = arith.constant 5 : i32
        %scan3A_1044 = arith.addi %scan3A_513, %scan3A_1043 : i32
        %mul3A_1045 = arith.constant 1 : i32
        %mul3A_1046 = arith.muli %scan3A_1044, %mul3A_1045 : i32
        %add3A_1047 = arith.constant 0 : i32
        %add3A_1048 = arith.addi %add3A_1047, %mul3A_1046 : i32
        %get3A_1049 = arith.constant 0 : i32
        %get3A_1050 = arith.index_cast %get3A_1049 : i32 to index
        %get3A_1051 = arith.index_cast %add3A_1048 : i32 to index
        %get3A_1052 = arith.constant 0 : index
        %get3A_1053 = tpu.vector_load %arg17[%get3A_1050, %get3A_1051, %get3A_1052] {strides = array<i32>} : memref<2x80x16xf32, #tpu.memory_space<vmem>>, vector<1x1x16xf32>,
        %get3A_1054 = vector.shape_cast %get3A_1053 : vector<1x1x16xf32> to vector<16xf32>
        %get3A_1055 = arith.constant 0 : i32
        %get3A_1056 = arith.index_cast %get3A_1055 : i32 to index
        %get3A_1057 = arith.index_cast %add3A_1048 : i32 to index
        %get3A_1058 = arith.constant 0 : index
        %get3A_1059 = tpu.vector_load %arg18[%get3A_1056, %get3A_1057, %get3A_1058] {strides = array<i32>} : memref<2x80x16xf32, #tpu.memory_space<vmem>>, vector<1x1x16xf32>,
        %get3A_1060 = vector.shape_cast %get3A_1059 : vector<1x1x16xf32> to vector<16xf32>
        %sub3A_1061 = arith.subf %get3A_1054, %get3A_1060 : vector<16xf32>
        %mul3A_1062 = arith.mulf %sub3A_1061, %sub3A_1061 : vector<16xf32>
        %broadcast_in_dim3A_1063 = vector.shape_cast %broadcast_in_dim3A_21 : vector<16xi32> to vector<16x1xi32>
        %gather3A_1064 = vector.shape_cast %broadcast_in_dim3A_1063 : vector<16x1xi32> to vector<16xi32>
        %gather3A_1065 = tpu.dynamic_gather %mul3A_1062[%gather3A_1064] in [0] : vector<16xf32>, vector<16xi32> -> vector<16xf32>
        %broadcast_in_dim3A_1066 = vector.shape_cast %broadcast_in_dim3A_23 : vector<16xi32> to vector<16x1xi32>
        %gather3A_1067 = vector.shape_cast %broadcast_in_dim3A_1066 : vector<16x1xi32> to vector<16xi32>
        %gather3A_1068 = tpu.dynamic_gather %mul3A_1062[%gather3A_1067] in [0] : vector<16xf32>, vector<16xi32> -> vector<16xf32>
        %add3A_1069 = arith.addf %gather3A_1065, %gather3A_1068 : vector<16xf32>
        %broadcast_in_dim3A_1070 = vector.shape_cast %broadcast_in_dim3A_25 : vector<16xi32> to vector<16x1xi32>
        %gather3A_1071 = vector.shape_cast %broadcast_in_dim3A_1070 : vector<16x1xi32> to vector<16xi32>
        %gather3A_1072 = tpu.dynamic_gather %mul3A_1062[%gather3A_1071] in [0] : vector<16xf32>, vector<16xi32> -> vector<16xf32>
        %add3A_1073 = arith.addf %add3A_1069, %gather3A_1072 : vector<16xf32>
        %mul3A_1074 = arith.mulf %get3A_15, %add3A_1073 : vector<16xf32>
        %neg3A_1075 = arith.constant 0.000000e+00 : f32
        %neg3A_1076 = vector.broadcast %neg3A_1075 : f32 to vector<16xf32>
        %neg3A_1077 = arith.subf %neg3A_1076, %mul3A_1074 : vector<16xf32>
        %exp3A_1078 = math.exp %neg3A_1077 : vector<16xf32>
        %mul3A_1079 = arith.mulf %get3A_20, %add3A_1073 : vector<16xf32>
        %neg3A_1080 = arith.constant 0.000000e+00 : f32
        %neg3A_1081 = vector.broadcast %neg3A_1080 : f32 to vector<16xf32>
        %neg3A_1082 = arith.subf %neg3A_1081, %mul3A_1079 : vector<16xf32>
        %exp3A_1083 = math.exp %neg3A_1082 : vector<16xf32>
        %get3A_1084 = arith.constant 0 : i32
        %get3A_1085 = arith.index_cast %get3A_1084 : i32 to index
        %get3A_1086 = arith.index_cast %add3A_1048 : i32 to index
        %get3A_1087 = arith.constant 0 : index
        %get3A_1088 = tpu.vector_load %arg19[%get3A_1085, %get3A_1086, %get3A_1087] {strides = array<i32>} : memref<2x80x32xf32, #tpu.memory_space<vmem>>, vector<1x1x16xf32>,
        %get3A_1089 = vector.shape_cast %get3A_1088 : vector<1x1x16xf32> to vector<16xf32>
        %get3A_1090 = arith.constant 0 : i32
        %get3A_1091 = arith.index_cast %get3A_1090 : i32 to index
        %get3A_1092 = arith.index_cast %add3A_1048 : i32 to index
        %get3A_1093 = arith.constant 16 : index
        %get3A_1094 = tpu.vector_load %arg19[%get3A_1091, %get3A_1092, %get3A_1093] {strides = array<i32>} : memref<2x80x32xf32, #tpu.memory_space<vmem>>, vector<1x1x16xf32>,
        %get3A_1095 = vector.shape_cast %get3A_1094 : vector<1x1x16xf32> to vector<16xf32>
        %get3A_1096 = arith.constant 0 : i32
        %get3A_1097 = arith.index_cast %get3A_1096 : i32 to index
        %get3A_1098 = arith.index_cast %add3A_1048 : i32 to index
        %get3A_1099 = arith.constant 0 : index
        %get3A_1100 = tpu.vector_load %arg20[%get3A_1097, %get3A_1098, %get3A_1099] {strides = array<i32>} : memref<2x80x32xf32, #tpu.memory_space<vmem>>, vector<1x1x16xf32>,
        %get3A_1101 = vector.shape_cast %get3A_1100 : vector<1x1x16xf32> to vector<16xf32>
        %get3A_1102 = arith.constant 0 : i32
        %get3A_1103 = arith.index_cast %get3A_1102 : i32 to index
        %get3A_1104 = arith.index_cast %add3A_1048 : i32 to index
        %get3A_1105 = arith.constant 16 : index
        %get3A_1106 = tpu.vector_load %arg20[%get3A_1103, %get3A_1104, %get3A_1105] {strides = array<i32>} : memref<2x80x32xf32, #tpu.memory_space<vmem>>, vector<1x1x16xf32>,
        %get3A_1107 = vector.shape_cast %get3A_1106 : vector<1x1x16xf32> to vector<16xf32>
        %get3A_1108 = arith.constant 0 : i32
        %get3A_1109 = arith.index_cast %get3A_1108 : i32 to index
        %get3A_1110 = arith.index_cast %add3A_1048 : i32 to index
        %get3A_1111 = arith.constant 0 : index
        %get3A_1112 = tpu.vector_load %arg21[%get3A_1109, %get3A_1110, %get3A_1111] {strides = array<i32>} : memref<2x80x32xf32, #tpu.memory_space<vmem>>, vector<1x1x16xf32>,
        %get3A_1113 = vector.shape_cast %get3A_1112 : vector<1x1x16xf32> to vector<16xf32>
        %get3A_1114 = arith.constant 0 : i32
        %get3A_1115 = arith.index_cast %get3A_1114 : i32 to index
        %get3A_1116 = arith.index_cast %add3A_1048 : i32 to index
        %get3A_1117 = arith.constant 16 : index
        %get3A_1118 = tpu.vector_load %arg21[%get3A_1115, %get3A_1116, %get3A_1117] {strides = array<i32>} : memref<2x80x32xf32, #tpu.memory_space<vmem>>, vector<1x1x16xf32>,
        %get3A_1119 = vector.shape_cast %get3A_1118 : vector<1x1x16xf32> to vector<16xf32>
        %get3A_1120 = arith.constant 0 : i32
        %get3A_1121 = arith.index_cast %get3A_1120 : i32 to index
        %get3A_1122 = arith.index_cast %add3A_1048 : i32 to index
        %get3A_1123 = arith.constant 0 : index
        %get3A_1124 = tpu.vector_load %arg22[%get3A_1121, %get3A_1122, %get3A_1123] {strides = array<i32>} : memref<2x80x32xf32, #tpu.memory_space<vmem>>, vector<1x1x16xf32>,
        %get3A_1125 = vector.shape_cast %get3A_1124 : vector<1x1x16xf32> to vector<16xf32>
        %get3A_1126 = arith.constant 0 : i32
        %get3A_1127 = arith.index_cast %get3A_1126 : i32 to index
        %get3A_1128 = arith.index_cast %add3A_1048 : i32 to index
        %get3A_1129 = arith.constant 16 : index
        %get3A_1130 = tpu.vector_load %arg22[%get3A_1127, %get3A_1128, %get3A_1129] {strides = array<i32>} : memref<2x80x32xf32, #tpu.memory_space<vmem>>, vector<1x1x16xf32>,
        %get3A_1131 = vector.shape_cast %get3A_1130 : vector<1x1x16xf32> to vector<16xf32>
        %mul3A_1132 = arith.mulf %get3A_1089, %get3A_1113 : vector<16xf32>
        %mul3A_1133 = arith.mulf %get3A_1101, %get3A_1125 : vector<16xf32>
        %sub3A_1134 = arith.subf %mul3A_1132, %mul3A_1133 : vector<16xf32>
        %mul3A_1135 = arith.mulf %exp3A_1078, %sub3A_1134 : vector<16xf32>
        %swap3A_1136 = arith.index_cast %add3A_1048 : i32 to index
        %swap3A_1137 = arith.constant 0 : index
        %swap3A_1138 = tpu.vector_load %arg23[%swap3A_1136, %swap3A_1137] {strides = array<i32>} : memref<80x32xf32, #tpu.memory_space<vmem>>, vector<1x16xf32>,
        %swap3A_1139 = vector.shape_cast %swap3A_1138 : vector<1x16xf32> to vector<16xf32>
        %swap3A_1140 = vector.shape_cast %mul3A_1135 : vector<16xf32> to vector<1x16xf32>
        tpu.vector_store %arg23[%swap3A_1136, %swap3A_1137], %swap3A_1140 {strides = array<i32>} : memref<80x32xf32, #tpu.memory_space<vmem>>, vector<1x16xf32>,
        %mul3A_1141 = arith.mulf %get3A_1095, %get3A_1119 : vector<16xf32>
        %mul3A_1142 = arith.mulf %get3A_1107, %get3A_1131 : vector<16xf32>
        %sub3A_1143 = arith.subf %mul3A_1141, %mul3A_1142 : vector<16xf32>
        %mul3A_1144 = arith.mulf %exp3A_1083, %sub3A_1143 : vector<16xf32>
        %swap3A_1145 = arith.index_cast %add3A_1048 : i32 to index
        %swap3A_1146 = arith.constant 16 : index
        %swap3A_1147 = tpu.vector_load %arg23[%swap3A_1145, %swap3A_1146] {strides = array<i32>} : memref<80x32xf32, #tpu.memory_space<vmem>>, vector<1x16xf32>,
        %swap3A_1148 = vector.shape_cast %swap3A_1147 : vector<1x16xf32> to vector<16xf32>
        %swap3A_1149 = vector.shape_cast %mul3A_1144 : vector<16xf32> to vector<1x16xf32>
        tpu.vector_store %arg23[%swap3A_1145, %swap3A_1146], %swap3A_1149 {strides = array<i32>} : memref<80x32xf32, #tpu.memory_space<vmem>>, vector<1x16xf32>,
        %scan3A_1150 = arith.constant 6 : i32
        %scan3A_1151 = arith.addi %scan3A_513, %scan3A_1150 : i32
        %mul3A_1152 = arith.constant 1 : i32
        %mul3A_1153 = arith.muli %scan3A_1151, %mul3A_1152 : i32
        %add3A_1154 = arith.constant 0 : i32
        %add3A_1155 = arith.addi %add3A_1154, %mul3A_1153 : i32
        %get3A_1156 = arith.constant 0 : i32
        %get3A_1157 = arith.index_cast %get3A_1156 : i32 to index
        %get3A_1158 = arith.index_cast %add3A_1155 : i32 to index
        %get3A_1159 = arith.constant 0 : index
        %get3A_1160 = tpu.vector_load %arg17[%get3A_1157, %get3A_1158, %get3A_1159] {strides = array<i32>} : memref<2x80x16xf32, #tpu.memory_space<vmem>>, vector<1x1x16xf32>,
        %get3A_1161 = vector.shape_cast %get3A_1160 : vector<1x1x16xf32> to vector<16xf32>
        %get3A_1162 = arith.constant 0 : i32
        %get3A_1163 = arith.index_cast %get3A_1162 : i32 to index
        %get3A_1164 = arith.index_cast %add3A_1155 : i32 to index
        %get3A_1165 = arith.constant 0 : index
        %get3A_1166 = tpu.vector_load %arg18[%get3A_1163, %get3A_1164, %get3A_1165] {strides = array<i32>} : memref<2x80x16xf32, #tpu.memory_space<vmem>>, vector<1x1x16xf32>,
        %get3A_1167 = vector.shape_cast %get3A_1166 : vector<1x1x16xf32> to vector<16xf32>
        %sub3A_1168 = arith.subf %get3A_1161, %get3A_1167 : vector<16xf32>
        %mul3A_1169 = arith.mulf %sub3A_1168, %sub3A_1168 : vector<16xf32>
        %broadcast_in_dim3A_1170 = vector.shape_cast %broadcast_in_dim3A_21 : vector<16xi32> to vector<16x1xi32>
        %gather3A_1171 = vector.shape_cast %broadcast_in_dim3A_1170 : vector<16x1xi32> to vector<16xi32>
        %gather3A_1172 = tpu.dynamic_gather %mul3A_1169[%gather3A_1171] in [0] : vector<16xf32>, vector<16xi32> -> vector<16xf32>
        %broadcast_in_dim3A_1173 = vector.shape_cast %broadcast_in_dim3A_23 : vector<16xi32> to vector<16x1xi32>
        %gather3A_1174 = vector.shape_cast %broadcast_in_dim3A_1173 : vector<16x1xi32> to vector<16xi32>
        %gather3A_1175 = tpu.dynamic_gather %mul3A_1169[%gather3A_1174] in [0] : vector<16xf32>, vector<16xi32> -> vector<16xf32>
        %add3A_1176 = arith.addf %gather3A_1172, %gather3A_1175 : vector<16xf32>
        %broadcast_in_dim3A_1177 = vector.shape_cast %broadcast_in_dim3A_25 : vector<16xi32> to vector<16x1xi32>
        %gather3A_1178 = vector.shape_cast %broadcast_in_dim3A_1177 : vector<16x1xi32> to vector<16xi32>
        %gather3A_1179 = tpu.dynamic_gather %mul3A_1169[%gather3A_1178] in [0] : vector<16xf32>, vector<16xi32> -> vector<16xf32>
        %add3A_1180 = arith.addf %add3A_1176, %gather3A_1179 : vector<16xf32>
        %mul3A_1181 = arith.mulf %get3A_15, %add3A_1180 : vector<16xf32>
        %neg3A_1182 = arith.constant 0.000000e+00 : f32
        %neg3A_1183 = vector.broadcast %neg3A_1182 : f32 to vector<16xf32>
        %neg3A_1184 = arith.subf %neg3A_1183, %mul3A_1181 : vector<16xf32>
        %exp3A_1185 = math.exp %neg3A_1184 : vector<16xf32>
        %mul3A_1186 = arith.mulf %get3A_20, %add3A_1180 : vector<16xf32>
        %neg3A_1187 = arith.constant 0.000000e+00 : f32
        %neg3A_1188 = vector.broadcast %neg3A_1187 : f32 to vector<16xf32>
        %neg3A_1189 = arith.subf %neg3A_1188, %mul3A_1186 : vector<16xf32>
        %exp3A_1190 = math.exp %neg3A_1189 : vector<16xf32>
        %get3A_1191 = arith.constant 0 : i32
        %get3A_1192 = arith.index_cast %get3A_1191 : i32 to index
        %get3A_1193 = arith.index_cast %add3A_1155 : i32 to index
        %get3A_1194 = arith.constant 0 : index
        %get3A_1195 = tpu.vector_load %arg19[%get3A_1192, %get3A_1193, %get3A_1194] {strides = array<i32>} : memref<2x80x32xf32, #tpu.memory_space<vmem>>, vector<1x1x16xf32>,
        %get3A_1196 = vector.shape_cast %get3A_1195 : vector<1x1x16xf32> to vector<16xf32>
        %get3A_1197 = arith.constant 0 : i32
        %get3A_1198 = arith.index_cast %get3A_1197 : i32 to index
        %get3A_1199 = arith.index_cast %add3A_1155 : i32 to index
        %get3A_1200 = arith.constant 16 : index
        %get3A_1201 = tpu.vector_load %arg19[%get3A_1198, %get3A_1199, %get3A_1200] {strides = array<i32>} : memref<2x80x32xf32, #tpu.memory_space<vmem>>, vector<1x1x16xf32>,
        %get3A_1202 = vector.shape_cast %get3A_1201 : vector<1x1x16xf32> to vector<16xf32>
        %get3A_1203 = arith.constant 0 : i32
        %get3A_1204 = arith.index_cast %get3A_1203 : i32 to index
        %get3A_1205 = arith.index_cast %add3A_1155 : i32 to index
        %get3A_1206 = arith.constant 0 : index
        %get3A_1207 = tpu.vector_load %arg20[%get3A_1204, %get3A_1205, %get3A_1206] {strides = array<i32>} : memref<2x80x32xf32, #tpu.memory_space<vmem>>, vector<1x1x16xf32>,
        %get3A_1208 = vector.shape_cast %get3A_1207 : vector<1x1x16xf32> to vector<16xf32>
        %get3A_1209 = arith.constant 0 : i32
        %get3A_1210 = arith.index_cast %get3A_1209 : i32 to index
        %get3A_1211 = arith.index_cast %add3A_1155 : i32 to index
        %get3A_1212 = arith.constant 16 : index
        %get3A_1213 = tpu.vector_load %arg20[%get3A_1210, %get3A_1211, %get3A_1212] {strides = array<i32>} : memref<2x80x32xf32, #tpu.memory_space<vmem>>, vector<1x1x16xf32>,
        %get3A_1214 = vector.shape_cast %get3A_1213 : vector<1x1x16xf32> to vector<16xf32>
        %get3A_1215 = arith.constant 0 : i32
        %get3A_1216 = arith.index_cast %get3A_1215 : i32 to index
        %get3A_1217 = arith.index_cast %add3A_1155 : i32 to index
        %get3A_1218 = arith.constant 0 : index
        %get3A_1219 = tpu.vector_load %arg21[%get3A_1216, %get3A_1217, %get3A_1218] {strides = array<i32>} : memref<2x80x32xf32, #tpu.memory_space<vmem>>, vector<1x1x16xf32>,
        %get3A_1220 = vector.shape_cast %get3A_1219 : vector<1x1x16xf32> to vector<16xf32>
        %get3A_1221 = arith.constant 0 : i32
        %get3A_1222 = arith.index_cast %get3A_1221 : i32 to index
        %get3A_1223 = arith.index_cast %add3A_1155 : i32 to index
        %get3A_1224 = arith.constant 16 : index
        %get3A_1225 = tpu.vector_load %arg21[%get3A_1222, %get3A_1223, %get3A_1224] {strides = array<i32>} : memref<2x80x32xf32, #tpu.memory_space<vmem>>, vector<1x1x16xf32>,
        %get3A_1226 = vector.shape_cast %get3A_1225 : vector<1x1x16xf32> to vector<16xf32>
        %get3A_1227 = arith.constant 0 : i32
        %get3A_1228 = arith.index_cast %get3A_1227 : i32 to index
        %get3A_1229 = arith.index_cast %add3A_1155 : i32 to index
        %get3A_1230 = arith.constant 0 : index
        %get3A_1231 = tpu.vector_load %arg22[%get3A_1228, %get3A_1229, %get3A_1230] {strides = array<i32>} : memref<2x80x32xf32, #tpu.memory_space<vmem>>, vector<1x1x16xf32>,
        %get3A_1232 = vector.shape_cast %get3A_1231 : vector<1x1x16xf32> to vector<16xf32>
        %get3A_1233 = arith.constant 0 : i32
        %get3A_1234 = arith.index_cast %get3A_1233 : i32 to index
        %get3A_1235 = arith.index_cast %add3A_1155 : i32 to index
        %get3A_1236 = arith.constant 16 : index
        %get3A_1237 = tpu.vector_load %arg22[%get3A_1234, %get3A_1235, %get3A_1236] {strides = array<i32>} : memref<2x80x32xf32, #tpu.memory_space<vmem>>, vector<1x1x16xf32>,
        %get3A_1238 = vector.shape_cast %get3A_1237 : vector<1x1x16xf32> to vector<16xf32>
        %mul3A_1239 = arith.mulf %get3A_1196, %get3A_1220 : vector<16xf32>
        %mul3A_1240 = arith.mulf %get3A_1208, %get3A_1232 : vector<16xf32>
        %sub3A_1241 = arith.subf %mul3A_1239, %mul3A_1240 : vector<16xf32>
        %mul3A_1242 = arith.mulf %exp3A_1185, %sub3A_1241 : vector<16xf32>
        %swap3A_1243 = arith.index_cast %add3A_1155 : i32 to index
        %swap3A_1244 = arith.constant 0 : index
        %swap3A_1245 = tpu.vector_load %arg23[%swap3A_1243, %swap3A_1244] {strides = array<i32>} : memref<80x32xf32, #tpu.memory_space<vmem>>, vector<1x16xf32>,
        %swap3A_1246 = vector.shape_cast %swap3A_1245 : vector<1x16xf32> to vector<16xf32>
        %swap3A_1247 = vector.shape_cast %mul3A_1242 : vector<16xf32> to vector<1x16xf32>
        tpu.vector_store %arg23[%swap3A_1243, %swap3A_1244], %swap3A_1247 {strides = array<i32>} : memref<80x32xf32, #tpu.memory_space<vmem>>, vector<1x16xf32>,
        %mul3A_1248 = arith.mulf %get3A_1202, %get3A_1226 : vector<16xf32>
        %mul3A_1249 = arith.mulf %get3A_1214, %get3A_1238 : vector<16xf32>
        %sub3A_1250 = arith.subf %mul3A_1248, %mul3A_1249 : vector<16xf32>
        %mul3A_1251 = arith.mulf %exp3A_1190, %sub3A_1250 : vector<16xf32>
        %swap3A_1252 = arith.index_cast %add3A_1155 : i32 to index
        %swap3A_1253 = arith.constant 16 : index
        %swap3A_1254 = tpu.vector_load %arg23[%swap3A_1252, %swap3A_1253] {strides = array<i32>} : memref<80x32xf32, #tpu.memory_space<vmem>>, vector<1x16xf32>,
        %swap3A_1255 = vector.shape_cast %swap3A_1254 : vector<1x16xf32> to vector<16xf32>
        %swap3A_1256 = vector.shape_cast %mul3A_1251 : vector<16xf32> to vector<1x16xf32>
        tpu.vector_store %arg23[%swap3A_1252, %swap3A_1253], %swap3A_1256 {strides = array<i32>} : memref<80x32xf32, #tpu.memory_space<vmem>>, vector<1x16xf32>,
        %scan3A_1257 = arith.constant 7 : i32
        %scan3A_1258 = arith.addi %scan3A_513, %scan3A_1257 : i32
        %mul3A_1259 = arith.constant 1 : i32
        %mul3A_1260 = arith.muli %scan3A_1258, %mul3A_1259 : i32
        %add3A_1261 = arith.constant 0 : i32
        %add3A_1262 = arith.addi %add3A_1261, %mul3A_1260 : i32
        %get3A_1263 = arith.constant 0 : i32
        %get3A_1264 = arith.index_cast %get3A_1263 : i32 to index
        %get3A_1265 = arith.index_cast %add3A_1262 : i32 to index
        %get3A_1266 = arith.constant 0 : index
        %get3A_1267 = tpu.vector_load %arg17[%get3A_1264, %get3A_1265, %get3A_1266] {strides = array<i32>} : memref<2x80x16xf32, #tpu.memory_space<vmem>>, vector<1x1x16xf32>,
        %get3A_1268 = vector.shape_cast %get3A_1267 : vector<1x1x16xf32> to vector<16xf32>
        %get3A_1269 = arith.constant 0 : i32
        %get3A_1270 = arith.index_cast %get3A_1269 : i32 to index
        %get3A_1271 = arith.index_cast %add3A_1262 : i32 to index
        %get3A_1272 = arith.constant 0 : index
        %get3A_1273 = tpu.vector_load %arg18[%get3A_1270, %get3A_1271, %get3A_1272] {strides = array<i32>} : memref<2x80x16xf32, #tpu.memory_space<vmem>>, vector<1x1x16xf32>,
        %get3A_1274 = vector.shape_cast %get3A_1273 : vector<1x1x16xf32> to vector<16xf32>
        %sub3A_1275 = arith.subf %get3A_1268, %get3A_1274 : vector<16xf32>
        %mul3A_1276 = arith.mulf %sub3A_1275, %sub3A_1275 : vector<16xf32>
        %broadcast_in_dim3A_1277 = vector.shape_cast %broadcast_in_dim3A_21 : vector<16xi32> to vector<16x1xi32>
        %gather3A_1278 = vector.shape_cast %broadcast_in_dim3A_1277 : vector<16x1xi32> to vector<16xi32>
        %gather3A_1279 = tpu.dynamic_gather %mul3A_1276[%gather3A_1278] in [0] : vector<16xf32>, vector<16xi32> -> vector<16xf32>
        %broadcast_in_dim3A_1280 = vector.shape_cast %broadcast_in_dim3A_23 : vector<16xi32> to vector<16x1xi32>
        %gather3A_1281 = vector.shape_cast %broadcast_in_dim3A_1280 : vector<16x1xi32> to vector<16xi32>
        %gather3A_1282 = tpu.dynamic_gather %mul3A_1276[%gather3A_1281] in [0] : vector<16xf32>, vector<16xi32> -> vector<16xf32>
        %add3A_1283 = arith.addf %gather3A_1279, %gather3A_1282 : vector<16xf32>
        %broadcast_in_dim3A_1284 = vector.shape_cast %broadcast_in_dim3A_25 : vector<16xi32> to vector<16x1xi32>
        %gather3A_1285 = vector.shape_cast %broadcast_in_dim3A_1284 : vector<16x1xi32> to vector<16xi32>
        %gather3A_1286 = tpu.dynamic_gather %mul3A_1276[%gather3A_1285] in [0] : vector<16xf32>, vector<16xi32> -> vector<16xf32>
        %add3A_1287 = arith.addf %add3A_1283, %gather3A_1286 : vector<16xf32>
        %mul3A_1288 = arith.mulf %get3A_15, %add3A_1287 : vector<16xf32>
        %neg3A_1289 = arith.constant 0.000000e+00 : f32
        %neg3A_1290 = vector.broadcast %neg3A_1289 : f32 to vector<16xf32>
        %neg3A_1291 = arith.subf %neg3A_1290, %mul3A_1288 : vector<16xf32>
        %exp3A_1292 = math.exp %neg3A_1291 : vector<16xf32>
        %mul3A_1293 = arith.mulf %get3A_20, %add3A_1287 : vector<16xf32>
        %neg3A_1294 = arith.constant 0.000000e+00 : f32
        %neg3A_1295 = vector.broadcast %neg3A_1294 : f32 to vector<16xf32>
        %neg3A_1296 = arith.subf %neg3A_1295, %mul3A_1293 : vector<16xf32>
        %exp3A_1297 = math.exp %neg3A_1296 : vector<16xf32>
        %get3A_1298 = arith.constant 0 : i32
        %get3A_1299 = arith.index_cast %get3A_1298 : i32 to index
        %get3A_1300 = arith.index_cast %add3A_1262 : i32 to index
        %get3A_1301 = arith.constant 0 : index
        %get3A_1302 = tpu.vector_load %arg19[%get3A_1299, %get3A_1300, %get3A_1301] {strides = array<i32>} : memref<2x80x32xf32, #tpu.memory_space<vmem>>, vector<1x1x16xf32>,
        %get3A_1303 = vector.shape_cast %get3A_1302 : vector<1x1x16xf32> to vector<16xf32>
        %get3A_1304 = arith.constant 0 : i32
        %get3A_1305 = arith.index_cast %get3A_1304 : i32 to index
        %get3A_1306 = arith.index_cast %add3A_1262 : i32 to index
        %get3A_1307 = arith.constant 16 : index
        %get3A_1308 = tpu.vector_load %arg19[%get3A_1305, %get3A_1306, %get3A_1307] {strides = array<i32>} : memref<2x80x32xf32, #tpu.memory_space<vmem>>, vector<1x1x16xf32>,
        %get3A_1309 = vector.shape_cast %get3A_1308 : vector<1x1x16xf32> to vector<16xf32>
        %get3A_1310 = arith.constant 0 : i32
        %get3A_1311 = arith.index_cast %get3A_1310 : i32 to index
        %get3A_1312 = arith.index_cast %add3A_1262 : i32 to index
        %get3A_1313 = arith.constant 0 : index
        %get3A_1314 = tpu.vector_load %arg20[%get3A_1311, %get3A_1312, %get3A_1313] {strides = array<i32>} : memref<2x80x32xf32, #tpu.memory_space<vmem>>, vector<1x1x16xf32>,
        %get3A_1315 = vector.shape_cast %get3A_1314 : vector<1x1x16xf32> to vector<16xf32>
        %get3A_1316 = arith.constant 0 : i32
        %get3A_1317 = arith.index_cast %get3A_1316 : i32 to index
        %get3A_1318 = arith.index_cast %add3A_1262 : i32 to index
        %get3A_1319 = arith.constant 16 : index
        %get3A_1320 = tpu.vector_load %arg20[%get3A_1317, %get3A_1318, %get3A_1319] {strides = array<i32>} : memref<2x80x32xf32, #tpu.memory_space<vmem>>, vector<1x1x16xf32>,
        %get3A_1321 = vector.shape_cast %get3A_1320 : vector<1x1x16xf32> to vector<16xf32>
        %get3A_1322 = arith.constant 0 : i32
        %get3A_1323 = arith.index_cast %get3A_1322 : i32 to index
        %get3A_1324 = arith.index_cast %add3A_1262 : i32 to index
        %get3A_1325 = arith.constant 0 : index
        %get3A_1326 = tpu.vector_load %arg21[%get3A_1323, %get3A_1324, %get3A_1325] {strides = array<i32>} : memref<2x80x32xf32, #tpu.memory_space<vmem>>, vector<1x1x16xf32>,
        %get3A_1327 = vector.shape_cast %get3A_1326 : vector<1x1x16xf32> to vector<16xf32>
        %get3A_1328 = arith.constant 0 : i32
        %get3A_1329 = arith.index_cast %get3A_1328 : i32 to index
        %get3A_1330 = arith.index_cast %add3A_1262 : i32 to index
        %get3A_1331 = arith.constant 16 : index
        %get3A_1332 = tpu.vector_load %arg21[%get3A_1329, %get3A_1330, %get3A_1331] {strides = array<i32>} : memref<2x80x32xf32, #tpu.memory_space<vmem>>, vector<1x1x16xf32>,
        %get3A_1333 = vector.shape_cast %get3A_1332 : vector<1x1x16xf32> to vector<16xf32>
        %get3A_1334 = arith.constant 0 : i32
        %get3A_1335 = arith.index_cast %get3A_1334 : i32 to index
        %get3A_1336 = arith.index_cast %add3A_1262 : i32 to index
        %get3A_1337 = arith.constant 0 : index
        %get3A_1338 = tpu.vector_load %arg22[%get3A_1335, %get3A_1336, %get3A_1337] {strides = array<i32>} : memref<2x80x32xf32, #tpu.memory_space<vmem>>, vector<1x1x16xf32>,
        %get3A_1339 = vector.shape_cast %get3A_1338 : vector<1x1x16xf32> to vector<16xf32>
        %get3A_1340 = arith.constant 0 : i32
        %get3A_1341 = arith.index_cast %get3A_1340 : i32 to index
        %get3A_1342 = arith.index_cast %add3A_1262 : i32 to index
        %get3A_1343 = arith.constant 16 : index
        %get3A_1344 = tpu.vector_load %arg22[%get3A_1341, %get3A_1342, %get3A_1343] {strides = array<i32>} : memref<2x80x32xf32, #tpu.memory_space<vmem>>, vector<1x1x16xf32>,
        %get3A_1345 = vector.shape_cast %get3A_1344 : vector<1x1x16xf32> to vector<16xf32>
        %mul3A_1346 = arith.mulf %get3A_1303, %get3A_1327 : vector<16xf32>
        %mul3A_1347 = arith.mulf %get3A_1315, %get3A_1339 : vector<16xf32>
        %sub3A_1348 = arith.subf %mul3A_1346, %mul3A_1347 : vector<16xf32>
        %mul3A_1349 = arith.mulf %exp3A_1292, %sub3A_1348 : vector<16xf32>
        %swap3A_1350 = arith.index_cast %add3A_1262 : i32 to index
        %swap3A_1351 = arith.constant 0 : index
        %swap3A_1352 = tpu.vector_load %arg23[%swap3A_1350, %swap3A_1351] {strides = array<i32>} : memref<80x32xf32, #tpu.memory_space<vmem>>, vector<1x16xf32>,
        %swap3A_1353 = vector.shape_cast %swap3A_1352 : vector<1x16xf32> to vector<16xf32>
        %swap3A_1354 = vector.shape_cast %mul3A_1349 : vector<16xf32> to vector<1x16xf32>
        tpu.vector_store %arg23[%swap3A_1350, %swap3A_1351], %swap3A_1354 {strides = array<i32>} : memref<80x32xf32, #tpu.memory_space<vmem>>, vector<1x16xf32>,
        %mul3A_1355 = arith.mulf %get3A_1309, %get3A_1333 : vector<16xf32>
        %mul3A_1356 = arith.mulf %get3A_1321, %get3A_1345 : vector<16xf32>
        %sub3A_1357 = arith.subf %mul3A_1355, %mul3A_1356 : vector<16xf32>
        %mul3A_1358 = arith.mulf %exp3A_1297, %sub3A_1357 : vector<16xf32>
        %swap3A_1359 = arith.index_cast %add3A_1262 : i32 to index
        %swap3A_1360 = arith.constant 16 : index
        %swap3A_1361 = tpu.vector_load %arg23[%swap3A_1359, %swap3A_1360] {strides = array<i32>} : memref<80x32xf32, #tpu.memory_space<vmem>>, vector<1x16xf32>,
        %swap3A_1362 = vector.shape_cast %swap3A_1361 : vector<1x16xf32> to vector<16xf32>
        %swap3A_1363 = vector.shape_cast %mul3A_1358 : vector<16xf32> to vector<1x16xf32>
        tpu.vector_store %arg23[%swap3A_1359, %swap3A_1360], %swap3A_1363 {strides = array<i32>} : memref<80x32xf32, #tpu.memory_space<vmem>>, vector<1x16xf32>,
      }
      %scan3A_356 = arith.constant 80 : i32
      "tpu.region"() ({
        %run_scoped3A = tpu.sem_alloc : memref<!tpu.dma_semaphore, #tpu.memory_space<semaphore_mem>>
        %dma_start3A_513 = arith.constant 0 : i32
        %dma_start3A_514 = arith.constant 0 : i32
        %dma_start3A_515 = tpu.memref_slice %arg26[%dma_start3A_513, %dma_start3A_514] : memref<50000x32xf32, #tpu.memory_space<vmem_shared>> -> memref<50000x32xf32, #tpu.memory_space<vmem_shared>>
        tpu.enqueue_indirect_dma source(%arg23 : memref<80x32xf32, #tpu.memory_space<vmem>>) target(%dma_start3A_515 : memref<50000x32xf32, #tpu.memory_space<vmem_shared>>) offsets(%arg15 : memref<80xi32, #tpu.memory_space<vmem>>) semaphore(%run_scoped3A : memref<!tpu.dma_semaphore, #tpu.memory_space<semaphore_mem>>) {add = true}
        %dma_wait3A_516 = arith.constant 0 : i32
        %dma_wait3A_517 = arith.constant 0 : i32
        %dma_wait3A_518 = tpu.memref_slice %arg26[%dma_wait3A_516, %dma_wait3A_517] : memref<50000x32xf32, #tpu.memory_space<vmem_shared>> -> memref<50000x32xf32, #tpu.memory_space<vmem_shared>>
        tpu.wait_indirect_dma semaphore(%run_scoped3A : memref<!tpu.dma_semaphore, #tpu.memory_space<semaphore_mem>>) src(%arg23 : memref<80x32xf32, #tpu.memory_space<vmem>>) dst(%dma_wait3A_518 : memref<50000x32xf32, #tpu.memory_space<vmem_shared>>)
        tpu.yield
      }) : () -> ()
      %add3A_357 = arith.constant 1 : i32
      %add3A_358 = arith.addi %add3A_203, %add3A_357 : i32
      %add3A_359 = arith.constant 1 : i32
      %add3A_360 = arith.addi %add3A_358, %add3A_359 : i32
      %mul3A_361 = arith.constant 50000 : i32
      %mul3A_362 = arith.muli %add3A, %mul3A_361 : i32
      %mul3A_363 = arith.constant 80 : i32
      %mul3A_364 = arith.muli %add3A_360, %mul3A_363 : i32
      %add3A_365 = arith.addi %mul3A_362, %mul3A_364 : i32
      %dma_wait3A_366 = tpu.memref_slice %arg7[%add3A_365] : memref<1600000xi32, #tpu.memory_space<hbm>> -> memref<80xi32, #tpu.memory_space<hbm>>
      %dma_wait3A_367 = tpu.memref_slice %arg7[%add3A_365] : memref<1600000xi32, #tpu.memory_space<hbm>> -> memref<80xi32, #tpu.memory_space<hbm>>
      tpu.wait_dma2 semaphore(%arg27 : memref<!tpu.dma_semaphore, #tpu.memory_space<semaphore_mem>>) src(%dma_wait3A_367 : memref<80xi32, #tpu.memory_space<hbm>>) dst(%arg11 : memref<80xi32, #tpu.memory_space<vmem>>)
      %dma_wait3A_368 = tpu.memref_slice %arg8[%add3A_365] : memref<1600000xi32, #tpu.memory_space<hbm>> -> memref<80xi32, #tpu.memory_space<hbm>>
      %dma_wait3A_369 = tpu.memref_slice %arg8[%add3A_365] : memref<1600000xi32, #tpu.memory_space<hbm>> -> memref<80xi32, #tpu.memory_space<hbm>>
      tpu.wait_dma2 semaphore(%arg27 : memref<!tpu.dma_semaphore, #tpu.memory_space<semaphore_mem>>) src(%dma_wait3A_369 : memref<80xi32, #tpu.memory_space<hbm>>) dst(%arg13 : memref<80xi32, #tpu.memory_space<vmem>>)
      %dma_start3A_370 = arith.constant 0 : i32
      %dma_start3A_371 = arith.constant 0 : i32
      %dma_start3A_372 = arith.constant 0 : i32
      %dma_start3A_373 = tpu.memref_slice %arg17[%dma_start3A_370, %dma_start3A_371, %dma_start3A_372] : memref<2x80x16xf32, #tpu.memory_space<vmem>> -> memref<1x80x16xf32, #tpu.memory_space<vmem>>
      %dma_start3A_374 = tpu.memref_squeeze %dma_start3A_373 : memref<1x80x16xf32, #tpu.memory_space<vmem>> -> memref<80x16xf32, #tpu.memory_space<vmem>>
      %dma_start3A_375 = arith.constant 0 : i32
      %dma_start3A_376 = arith.constant 0 : i32
      %dma_start3A_377 = tpu.memref_slice %arg2[%dma_start3A_375, %dma_start3A_376] : memref<50000x16xf32, #tpu.memory_space<hbm>> -> memref<50000x16xf32, #tpu.memory_space<hbm>>
      tpu.enqueue_indirect_dma source(%dma_start3A_377 : memref<50000x16xf32, #tpu.memory_space<hbm>>) target(%dma_start3A_374 : memref<80x16xf32, #tpu.memory_space<vmem>>) offsets(%arg11 : memref<80xi32, #tpu.memory_space<vmem>>) semaphore(%arg29 : memref<!tpu.dma_semaphore, #tpu.memory_space<semaphore_mem>>)
      %dma_start3A_378 = arith.constant 0 : i32
      %dma_start3A_379 = arith.constant 0 : i32
      %dma_start3A_380 = arith.constant 0 : i32
      %dma_start3A_381 = tpu.memref_slice %arg18[%dma_start3A_378, %dma_start3A_379, %dma_start3A_380] : memref<2x80x16xf32, #tpu.memory_space<vmem>> -> memref<1x80x16xf32, #tpu.memory_space<vmem>>
      %dma_start3A_382 = tpu.memref_squeeze %dma_start3A_381 : memref<1x80x16xf32, #tpu.memory_space<vmem>> -> memref<80x16xf32, #tpu.memory_space<vmem>>
      %dma_start3A_383 = arith.constant 0 : i32
      %dma_start3A_384 = arith.constant 0 : i32
      %dma_start3A_385 = tpu.memref_slice %arg2[%dma_start3A_383, %dma_start3A_384] : memref<50000x16xf32, #tpu.memory_space<hbm>> -> memref<50000x16xf32, #tpu.memory_space<hbm>>
      tpu.enqueue_indirect_dma source(%dma_start3A_385 : memref<50000x16xf32, #tpu.memory_space<hbm>>) target(%dma_start3A_382 : memref<80x16xf32, #tpu.memory_space<vmem>>) offsets(%arg13 : memref<80xi32, #tpu.memory_space<vmem>>) semaphore(%arg29 : memref<!tpu.dma_semaphore, #tpu.memory_space<semaphore_mem>>)
      %dma_start3A_386 = arith.constant 0 : i32
      %dma_start3A_387 = arith.constant 0 : i32
      %dma_start3A_388 = arith.constant 0 : i32
      %dma_start3A_389 = tpu.memref_slice %arg19[%dma_start3A_386, %dma_start3A_387, %dma_start3A_388] : memref<2x80x32xf32, #tpu.memory_space<vmem>> -> memref<1x80x32xf32, #tpu.memory_space<vmem>>
      %dma_start3A_390 = tpu.memref_squeeze %dma_start3A_389 : memref<1x80x32xf32, #tpu.memory_space<vmem>> -> memref<80x32xf32, #tpu.memory_space<vmem>>
      %dma_start3A_391 = arith.constant 0 : i32
      %dma_start3A_392 = arith.constant 0 : i32
      %dma_start3A_393 = tpu.memref_slice %arg3[%dma_start3A_391, %dma_start3A_392] : memref<50000x32xf32, #tpu.memory_space<hbm>> -> memref<50000x32xf32, #tpu.memory_space<hbm>>
      tpu.enqueue_indirect_dma source(%dma_start3A_393 : memref<50000x32xf32, #tpu.memory_space<hbm>>) target(%dma_start3A_390 : memref<80x32xf32, #tpu.memory_space<vmem>>) offsets(%arg11 : memref<80xi32, #tpu.memory_space<vmem>>) semaphore(%arg29 : memref<!tpu.dma_semaphore, #tpu.memory_space<semaphore_mem>>)
      %dma_start3A_394 = arith.constant 0 : i32
      %dma_start3A_395 = arith.constant 0 : i32
      %dma_start3A_396 = arith.constant 0 : i32
      %dma_start3A_397 = tpu.memref_slice %arg20[%dma_start3A_394, %dma_start3A_395, %dma_start3A_396] : memref<2x80x32xf32, #tpu.memory_space<vmem>> -> memref<1x80x32xf32, #tpu.memory_space<vmem>>
      %dma_start3A_398 = tpu.memref_squeeze %dma_start3A_397 : memref<1x80x32xf32, #tpu.memory_space<vmem>> -> memref<80x32xf32, #tpu.memory_space<vmem>>
      %dma_start3A_399 = arith.constant 0 : i32
      %dma_start3A_400 = arith.constant 0 : i32
      %dma_start3A_401 = tpu.memref_slice %arg4[%dma_start3A_399, %dma_start3A_400] : memref<50000x32xf32, #tpu.memory_space<hbm>> -> memref<50000x32xf32, #tpu.memory_space<hbm>>
      tpu.enqueue_indirect_dma source(%dma_start3A_401 : memref<50000x32xf32, #tpu.memory_space<hbm>>) target(%dma_start3A_398 : memref<80x32xf32, #tpu.memory_space<vmem>>) offsets(%arg11 : memref<80xi32, #tpu.memory_space<vmem>>) semaphore(%arg29 : memref<!tpu.dma_semaphore, #tpu.memory_space<semaphore_mem>>)
      %dma_start3A_402 = arith.constant 0 : i32
      %dma_start3A_403 = arith.constant 0 : i32
      %dma_start3A_404 = arith.constant 0 : i32
      %dma_start3A_405 = tpu.memref_slice %arg21[%dma_start3A_402, %dma_start3A_403, %dma_start3A_404] : memref<2x80x32xf32, #tpu.memory_space<vmem>> -> memref<1x80x32xf32, #tpu.memory_space<vmem>>
      %dma_start3A_406 = tpu.memref_squeeze %dma_start3A_405 : memref<1x80x32xf32, #tpu.memory_space<vmem>> -> memref<80x32xf32, #tpu.memory_space<vmem>>
      %dma_start3A_407 = arith.constant 0 : i32
      %dma_start3A_408 = arith.constant 0 : i32
      %dma_start3A_409 = tpu.memref_slice %arg5[%dma_start3A_407, %dma_start3A_408] : memref<50000x32xf32, #tpu.memory_space<hbm>> -> memref<50000x32xf32, #tpu.memory_space<hbm>>
      tpu.enqueue_indirect_dma source(%dma_start3A_409 : memref<50000x32xf32, #tpu.memory_space<hbm>>) target(%dma_start3A_406 : memref<80x32xf32, #tpu.memory_space<vmem>>) offsets(%arg13 : memref<80xi32, #tpu.memory_space<vmem>>) semaphore(%arg29 : memref<!tpu.dma_semaphore, #tpu.memory_space<semaphore_mem>>)
      %dma_start3A_410 = arith.constant 0 : i32
      %dma_start3A_411 = arith.constant 0 : i32
      %dma_start3A_412 = arith.constant 0 : i32
      %dma_start3A_413 = tpu.memref_slice %arg22[%dma_start3A_410, %dma_start3A_411, %dma_start3A_412] : memref<2x80x32xf32, #tpu.memory_space<vmem>> -> memref<1x80x32xf32, #tpu.memory_space<vmem>>
      %dma_start3A_414 = tpu.memref_squeeze %dma_start3A_413 : memref<1x80x32xf32, #tpu.memory_space<vmem>> -> memref<80x32xf32, #tpu.memory_space<vmem>>
      %dma_start3A_415 = arith.constant 0 : i32
      %dma_start3A_416 = arith.constant 0 : i32
      %dma_start3A_417 = tpu.memref_slice %arg6[%dma_start3A_415, %dma_start3A_416] : memref<50000x32xf32, #tpu.memory_space<hbm>> -> memref<50000x32xf32, #tpu.memory_space<hbm>>
      tpu.enqueue_indirect_dma source(%dma_start3A_417 : memref<50000x32xf32, #tpu.memory_space<hbm>>) target(%dma_start3A_414 : memref<80x32xf32, #tpu.memory_space<vmem>>) offsets(%arg13 : memref<80xi32, #tpu.memory_space<vmem>>) semaphore(%arg29 : memref<!tpu.dma_semaphore, #tpu.memory_space<semaphore_mem>>)
      %dma_wait3A_418 = arith.constant 1 : i32
      %dma_wait3A_419 = arith.constant 0 : i32
      %dma_wait3A_420 = arith.constant 0 : i32
      %dma_wait3A_421 = tpu.memref_slice %arg17[%dma_wait3A_418, %dma_wait3A_419, %dma_wait3A_420] : memref<2x80x16xf32, #tpu.memory_space<vmem>> -> memref<1x80x16xf32, #tpu.memory_space<vmem>>
      %dma_wait3A_422 = tpu.memref_squeeze %dma_wait3A_421 : memref<1x80x16xf32, #tpu.memory_space<vmem>> -> memref<80x16xf32, #tpu.memory_space<vmem>>
      %dma_wait3A_423 = arith.constant 0 : i32
      %dma_wait3A_424 = arith.constant 0 : i32
      %dma_wait3A_425 = tpu.memref_slice %arg2[%dma_wait3A_423, %dma_wait3A_424] : memref<50000x16xf32, #tpu.memory_space<hbm>> -> memref<50000x16xf32, #tpu.memory_space<hbm>>
      tpu.wait_indirect_dma semaphore(%arg30 : memref<!tpu.dma_semaphore, #tpu.memory_space<semaphore_mem>>) src(%dma_wait3A_425 : memref<50000x16xf32, #tpu.memory_space<hbm>>) dst(%dma_wait3A_422 : memref<80x16xf32, #tpu.memory_space<vmem>>)
      %dma_wait3A_426 = arith.constant 1 : i32
      %dma_wait3A_427 = arith.constant 0 : i32
      %dma_wait3A_428 = arith.constant 0 : i32
      %dma_wait3A_429 = tpu.memref_slice %arg18[%dma_wait3A_426, %dma_wait3A_427, %dma_wait3A_428] : memref<2x80x16xf32, #tpu.memory_space<vmem>> -> memref<1x80x16xf32, #tpu.memory_space<vmem>>
      %dma_wait3A_430 = tpu.memref_squeeze %dma_wait3A_429 : memref<1x80x16xf32, #tpu.memory_space<vmem>> -> memref<80x16xf32, #tpu.memory_space<vmem>>
      %dma_wait3A_431 = arith.constant 0 : i32
      %dma_wait3A_432 = arith.constant 0 : i32
      %dma_wait3A_433 = tpu.memref_slice %arg2[%dma_wait3A_431, %dma_wait3A_432] : memref<50000x16xf32, #tpu.memory_space<hbm>> -> memref<50000x16xf32, #tpu.memory_space<hbm>>
      tpu.wait_indirect_dma semaphore(%arg30 : memref<!tpu.dma_semaphore, #tpu.memory_space<semaphore_mem>>) src(%dma_wait3A_433 : memref<50000x16xf32, #tpu.memory_space<hbm>>) dst(%dma_wait3A_430 : memref<80x16xf32, #tpu.memory_space<vmem>>)
      %dma_wait3A_434 = arith.constant 1 : i32
      %dma_wait3A_435 = arith.constant 0 : i32
      %dma_wait3A_436 = arith.constant 0 : i32
      %dma_wait3A_437 = tpu.memref_slice %arg19[%dma_wait3A_434, %dma_wait3A_435, %dma_wait3A_436] : memref<2x80x32xf32, #tpu.memory_space<vmem>> -> memref<1x80x32xf32, #tpu.memory_space<vmem>>
      %dma_wait3A_438 = tpu.memref_squeeze %dma_wait3A_437 : memref<1x80x32xf32, #tpu.memory_space<vmem>> -> memref<80x32xf32, #tpu.memory_space<vmem>>
      %dma_wait3A_439 = arith.constant 0 : i32
      %dma_wait3A_440 = arith.constant 0 : i32
      %dma_wait3A_441 = tpu.memref_slice %arg3[%dma_wait3A_439, %dma_wait3A_440] : memref<50000x32xf32, #tpu.memory_space<hbm>> -> memref<50000x32xf32, #tpu.memory_space<hbm>>
      tpu.wait_indirect_dma semaphore(%arg30 : memref<!tpu.dma_semaphore, #tpu.memory_space<semaphore_mem>>) src(%dma_wait3A_441 : memref<50000x32xf32, #tpu.memory_space<hbm>>) dst(%dma_wait3A_438 : memref<80x32xf32, #tpu.memory_space<vmem>>)
      %dma_wait3A_442 = arith.constant 1 : i32
      %dma_wait3A_443 = arith.constant 0 : i32
      %dma_wait3A_444 = arith.constant 0 : i32
      %dma_wait3A_445 = tpu.memref_slice %arg20[%dma_wait3A_442, %dma_wait3A_443, %dma_wait3A_444] : memref<2x80x32xf32, #tpu.memory_space<vmem>> -> memref<1x80x32xf32, #tpu.memory_space<vmem>>
      %dma_wait3A_446 = tpu.memref_squeeze %dma_wait3A_445 : memref<1x80x32xf32, #tpu.memory_space<vmem>> -> memref<80x32xf32, #tpu.memory_space<vmem>>
      %dma_wait3A_447 = arith.constant 0 : i32
      %dma_wait3A_448 = arith.constant 0 : i32
      %dma_wait3A_449 = tpu.memref_slice %arg4[%dma_wait3A_447, %dma_wait3A_448] : memref<50000x32xf32, #tpu.memory_space<hbm>> -> memref<50000x32xf32, #tpu.memory_space<hbm>>
      tpu.wait_indirect_dma semaphore(%arg30 : memref<!tpu.dma_semaphore, #tpu.memory_space<semaphore_mem>>) src(%dma_wait3A_449 : memref<50000x32xf32, #tpu.memory_space<hbm>>) dst(%dma_wait3A_446 : memref<80x32xf32, #tpu.memory_space<vmem>>)
      %dma_wait3A_450 = arith.constant 1 : i32
      %dma_wait3A_451 = arith.constant 0 : i32
      %dma_wait3A_452 = arith.constant 0 : i32
      %dma_wait3A_453 = tpu.memref_slice %arg21[%dma_wait3A_450, %dma_wait3A_451, %dma_wait3A_452] : memref<2x80x32xf32, #tpu.memory_space<vmem>> -> memref<1x80x32xf32, #tpu.memory_space<vmem>>
      %dma_wait3A_454 = tpu.memref_squeeze %dma_wait3A_453 : memref<1x80x32xf32, #tpu.memory_space<vmem>> -> memref<80x32xf32, #tpu.memory_space<vmem>>
      %dma_wait3A_455 = arith.constant 0 : i32
      %dma_wait3A_456 = arith.constant 0 : i32
      %dma_wait3A_457 = tpu.memref_slice %arg5[%dma_wait3A_455, %dma_wait3A_456] : memref<50000x32xf32, #tpu.memory_space<hbm>> -> memref<50000x32xf32, #tpu.memory_space<hbm>>
      tpu.wait_indirect_dma semaphore(%arg30 : memref<!tpu.dma_semaphore, #tpu.memory_space<semaphore_mem>>) src(%dma_wait3A_457 : memref<50000x32xf32, #tpu.memory_space<hbm>>) dst(%dma_wait3A_454 : memref<80x32xf32, #tpu.memory_space<vmem>>)
      %dma_wait3A_458 = arith.constant 1 : i32
      %dma_wait3A_459 = arith.constant 0 : i32
      %dma_wait3A_460 = arith.constant 0 : i32
      %dma_wait3A_461 = tpu.memref_slice %arg22[%dma_wait3A_458, %dma_wait3A_459, %dma_wait3A_460] : memref<2x80x32xf32, #tpu.memory_space<vmem>> -> memref<1x80x32xf32, #tpu.memory_space<vmem>>
      %dma_wait3A_462 = tpu.memref_squeeze %dma_wait3A_461 : memref<1x80x32xf32, #tpu.memory_space<vmem>> -> memref<80x32xf32, #tpu.memory_space<vmem>>
      %dma_wait3A_463 = arith.constant 0 : i32
      %dma_wait3A_464 = arith.constant 0 : i32
      %dma_wait3A_465 = tpu.memref_slice %arg6[%dma_wait3A_463, %dma_wait3A_464] : memref<50000x32xf32, #tpu.memory_space<hbm>> -> memref<50000x32xf32, #tpu.memory_space<hbm>>
      tpu.wait_indirect_dma semaphore(%arg30 : memref<!tpu.dma_semaphore, #tpu.memory_space<semaphore_mem>>) src(%dma_wait3A_465 : memref<50000x32xf32, #tpu.memory_space<hbm>>) dst(%dma_wait3A_462 : memref<80x32xf32, #tpu.memory_space<vmem>>)
      %get3A_466 = arith.constant 0 : index
      %get3A_467 = tpu.vector_load %arg14[%get3A_466] {strides = array<i32>} : memref<80xi32, #tpu.memory_space<vmem>>, vector<16xi32>,
      %get3A_468 = vector.shape_cast %get3A_467 : vector<16xi32> to vector<16xi32>
      %swap3A_469 = arith.constant 0 : index
      %swap3A_470 = tpu.vector_load %arg16[%swap3A_469] {strides = array<i32>} : memref<80xi32, #tpu.memory_space<vmem>>, vector<16xi32>,
      %swap3A_471 = vector.shape_cast %swap3A_470 : vector<16xi32> to vector<16xi32>
      %swap3A_472 = vector.shape_cast %get3A_468 : vector<16xi32> to vector<16xi32>
      tpu.vector_store %arg16[%swap3A_469], %swap3A_472 {strides = array<i32>} : memref<80xi32, #tpu.memory_space<vmem>>, vector<16xi32>,
      %get3A_473 = arith.constant 16 : index
      %get3A_474 = tpu.vector_load %arg14[%get3A_473] {strides = array<i32>} : memref<80xi32, #tpu.memory_space<vmem>>, vector<16xi32>,
      %get3A_475 = vector.shape_cast %get3A_474 : vector<16xi32> to vector<16xi32>
      %swap3A_476 = arith.constant 16 : index
      %swap3A_477 = tpu.vector_load %arg16[%swap3A_476] {strides = array<i32>} : memref<80xi32, #tpu.memory_space<vmem>>, vector<16xi32>,
      %swap3A_478 = vector.shape_cast %swap3A_477 : vector<16xi32> to vector<16xi32>
      %swap3A_479 = vector.shape_cast %get3A_475 : vector<16xi32> to vector<16xi32>
      tpu.vector_store %arg16[%swap3A_476], %swap3A_479 {strides = array<i32>} : memref<80xi32, #tpu.memory_space<vmem>>, vector<16xi32>,
      %get3A_480 = arith.constant 32 : index
      %get3A_481 = tpu.vector_load %arg14[%get3A_480] {strides = array<i32>} : memref<80xi32, #tpu.memory_space<vmem>>, vector<16xi32>,
      %get3A_482 = vector.shape_cast %get3A_481 : vector<16xi32> to vector<16xi32>
      %swap3A_483 = arith.constant 32 : index
      %swap3A_484 = tpu.vector_load %arg16[%swap3A_483] {strides = array<i32>} : memref<80xi32, #tpu.memory_space<vmem>>, vector<16xi32>,
      %swap3A_485 = vector.shape_cast %swap3A_484 : vector<16xi32> to vector<16xi32>
      %swap3A_486 = vector.shape_cast %get3A_482 : vector<16xi32> to vector<16xi32>
      tpu.vector_store %arg16[%swap3A_483], %swap3A_486 {strides = array<i32>} : memref<80xi32, #tpu.memory_space<vmem>>, vector<16xi32>,
      %get3A_487 = arith.constant 48 : index
      %get3A_488 = tpu.vector_load %arg14[%get3A_487] {strides = array<i32>} : memref<80xi32, #tpu.memory_space<vmem>>, vector<16xi32>,
      %get3A_489 = vector.shape_cast %get3A_488 : vector<16xi32> to vector<16xi32>
      %swap3A_490 = arith.constant 48 : index
      %swap3A_491 = tpu.vector_load %arg16[%swap3A_490] {strides = array<i32>} : memref<80xi32, #tpu.memory_space<vmem>>, vector<16xi32>,
      %swap3A_492 = vector.shape_cast %swap3A_491 : vector<16xi32> to vector<16xi32>
      %swap3A_493 = vector.shape_cast %get3A_489 : vector<16xi32> to vector<16xi32>
      tpu.vector_store %arg16[%swap3A_490], %swap3A_493 {strides = array<i32>} : memref<80xi32, #tpu.memory_space<vmem>>, vector<16xi32>,
      %get3A_494 = arith.constant 64 : index
      %get3A_495 = tpu.vector_load %arg14[%get3A_494] {strides = array<i32>} : memref<80xi32, #tpu.memory_space<vmem>>, vector<16xi32>,
      %get3A_496 = vector.shape_cast %get3A_495 : vector<16xi32> to vector<16xi32>
      %swap3A_497 = arith.constant 64 : index
      %swap3A_498 = tpu.vector_load %arg16[%swap3A_497] {strides = array<i32>} : memref<80xi32, #tpu.memory_space<vmem>>, vector<16xi32>,
      %swap3A_499 = vector.shape_cast %swap3A_498 : vector<16xi32> to vector<16xi32>
      %swap3A_500 = vector.shape_cast %get3A_496 : vector<16xi32> to vector<16xi32>
      tpu.vector_store %arg16[%swap3A_497], %swap3A_500 {strides = array<i32>} : memref<80xi32, #tpu.memory_space<vmem>>, vector<16xi32>,
      %add3A_501 = arith.constant 2 : i32
      %add3A_502 = arith.addi %add3A_358, %add3A_501 : i32
      %lt3A_503 = arith.constant 625 : i32
      %lt3A_504 = arith.cmpi slt, %add3A_502, %lt3A_503 : i32
      %convert_element_type3A_505 = arith.extui %lt3A_504 : i1 to i32
      %cond3A_506 = arith.constant 0 : i32
      %cond3A_507 = arith.cmpi ne, %convert_element_type3A_505, %cond3A_506 : i32
      scf.if %cond3A_507 {
        %add3A_513 = arith.constant 2 : i32
        %add3A_514 = arith.addi %add3A_358, %add3A_513 : i32
        %mul3A_515 = arith.constant 50000 : i32
        %mul3A_516 = arith.muli %add3A, %mul3A_515 : i32
        %mul3A_517 = arith.constant 80 : i32
        %mul3A_518 = arith.muli %add3A_514, %mul3A_517 : i32
        %add3A_519 = arith.addi %mul3A_516, %mul3A_518 : i32
        %dma_start3A_520 = tpu.memref_slice %arg7[%add3A_519] : memref<1600000xi32, #tpu.memory_space<hbm>> -> memref<80xi32, #tpu.memory_space<hbm>>
        %dma_start3A_521 = tpu.memref_slice %arg7[%add3A_519] : memref<1600000xi32, #tpu.memory_space<hbm>> -> memref<80xi32, #tpu.memory_space<hbm>>
        tpu.enqueue_dma source(%dma_start3A_521 : memref<80xi32, #tpu.memory_space<hbm>>) target(%arg12 : memref<80xi32, #tpu.memory_space<vmem>>) target_semaphore(%arg28 : memref<!tpu.dma_semaphore, #tpu.memory_space<semaphore_mem>>)
        %dma_start3A_522 = tpu.memref_slice %arg8[%add3A_519] : memref<1600000xi32, #tpu.memory_space<hbm>> -> memref<80xi32, #tpu.memory_space<hbm>>
        %dma_start3A_523 = tpu.memref_slice %arg8[%add3A_519] : memref<1600000xi32, #tpu.memory_space<hbm>> -> memref<80xi32, #tpu.memory_space<hbm>>
        tpu.enqueue_dma source(%dma_start3A_523 : memref<80xi32, #tpu.memory_space<hbm>>) target(%arg14 : memref<80xi32, #tpu.memory_space<vmem>>) target_semaphore(%arg28 : memref<!tpu.dma_semaphore, #tpu.memory_space<semaphore_mem>>)
      } else {
      }
      %scan3A_508 = arith.constant 0 : i32
      %scan3A_509 = arith.constant 80 : i32
      %scan3A_510 = arith.addi %scan3A_508, %scan3A_509 : i32
      %scan3A_511 = arith.constant 8 : i32
      scf.for %scan3A_513 = %scan3A_508 to %scan3A_510 step %scan3A_511  : i32 {
        %mul3A_514 = arith.constant 1 : i32
        %mul3A_515 = arith.muli %scan3A_513, %mul3A_514 : i32
        %add3A_516 = arith.constant 0 : i32
        %add3A_517 = arith.addi %add3A_516, %mul3A_515 : i32
        %get3A_518 = arith.constant 1 : i32
        %get3A_519 = arith.index_cast %get3A_518 : i32 to index
        %get3A_520 = arith.index_cast %add3A_517 : i32 to index
        %get3A_521 = arith.constant 0 : index
        %get3A_522 = tpu.vector_load %arg17[%get3A_519, %get3A_520, %get3A_521] {strides = array<i32>} : memref<2x80x16xf32, #tpu.memory_space<vmem>>, vector<1x1x16xf32>,
        %get3A_523 = vector.shape_cast %get3A_522 : vector<1x1x16xf32> to vector<16xf32>
        %get3A_524 = arith.constant 1 : i32
        %get3A_525 = arith.index_cast %get3A_524 : i32 to index
        %get3A_526 = arith.index_cast %add3A_517 : i32 to index
        %get3A_527 = arith.constant 0 : index
        %get3A_528 = tpu.vector_load %arg18[%get3A_525, %get3A_526, %get3A_527] {strides = array<i32>} : memref<2x80x16xf32, #tpu.memory_space<vmem>>, vector<1x1x16xf32>,
        %get3A_529 = vector.shape_cast %get3A_528 : vector<1x1x16xf32> to vector<16xf32>
        %sub3A = arith.subf %get3A_523, %get3A_529 : vector<16xf32>
        %mul3A_530 = arith.mulf %sub3A, %sub3A : vector<16xf32>
        %broadcast_in_dim3A_531 = vector.shape_cast %broadcast_in_dim3A_21 : vector<16xi32> to vector<16x1xi32>
        %gather3A = vector.shape_cast %broadcast_in_dim3A_531 : vector<16x1xi32> to vector<16xi32>
        %gather3A_532 = tpu.dynamic_gather %mul3A_530[%gather3A] in [0] : vector<16xf32>, vector<16xi32> -> vector<16xf32>
        %broadcast_in_dim3A_533 = vector.shape_cast %broadcast_in_dim3A_23 : vector<16xi32> to vector<16x1xi32>
        %gather3A_534 = vector.shape_cast %broadcast_in_dim3A_533 : vector<16x1xi32> to vector<16xi32>
        %gather3A_535 = tpu.dynamic_gather %mul3A_530[%gather3A_534] in [0] : vector<16xf32>, vector<16xi32> -> vector<16xf32>
        %add3A_536 = arith.addf %gather3A_532, %gather3A_535 : vector<16xf32>
        %broadcast_in_dim3A_537 = vector.shape_cast %broadcast_in_dim3A_25 : vector<16xi32> to vector<16x1xi32>
        %gather3A_538 = vector.shape_cast %broadcast_in_dim3A_537 : vector<16x1xi32> to vector<16xi32>
        %gather3A_539 = tpu.dynamic_gather %mul3A_530[%gather3A_538] in [0] : vector<16xf32>, vector<16xi32> -> vector<16xf32>
        %add3A_540 = arith.addf %add3A_536, %gather3A_539 : vector<16xf32>
        %mul3A_541 = arith.mulf %get3A_15, %add3A_540 : vector<16xf32>
        %neg3A = arith.constant 0.000000e+00 : f32
        %neg3A_542 = vector.broadcast %neg3A : f32 to vector<16xf32>
        %neg3A_543 = arith.subf %neg3A_542, %mul3A_541 : vector<16xf32>
        %exp3A = math.exp %neg3A_543 : vector<16xf32>
        %mul3A_544 = arith.mulf %get3A_20, %add3A_540 : vector<16xf32>
        %neg3A_545 = arith.constant 0.000000e+00 : f32
        %neg3A_546 = vector.broadcast %neg3A_545 : f32 to vector<16xf32>
        %neg3A_547 = arith.subf %neg3A_546, %mul3A_544 : vector<16xf32>
        %exp3A_548 = math.exp %neg3A_547 : vector<16xf32>
        %get3A_549 = arith.constant 1 : i32
        %get3A_550 = arith.index_cast %get3A_549 : i32 to index
        %get3A_551 = arith.index_cast %add3A_517 : i32 to index
        %get3A_552 = arith.constant 0 : index
        %get3A_553 = tpu.vector_load %arg19[%get3A_550, %get3A_551, %get3A_552] {strides = array<i32>} : memref<2x80x32xf32, #tpu.memory_space<vmem>>, vector<1x1x16xf32>,
        %get3A_554 = vector.shape_cast %get3A_553 : vector<1x1x16xf32> to vector<16xf32>
        %get3A_555 = arith.constant 1 : i32
        %get3A_556 = arith.index_cast %get3A_555 : i32 to index
        %get3A_557 = arith.index_cast %add3A_517 : i32 to index
        %get3A_558 = arith.constant 16 : index
        %get3A_559 = tpu.vector_load %arg19[%get3A_556, %get3A_557, %get3A_558] {strides = array<i32>} : memref<2x80x32xf32, #tpu.memory_space<vmem>>, vector<1x1x16xf32>,
        %get3A_560 = vector.shape_cast %get3A_559 : vector<1x1x16xf32> to vector<16xf32>
        %get3A_561 = arith.constant 1 : i32
        %get3A_562 = arith.index_cast %get3A_561 : i32 to index
        %get3A_563 = arith.index_cast %add3A_517 : i32 to index
        %get3A_564 = arith.constant 0 : index
        %get3A_565 = tpu.vector_load %arg20[%get3A_562, %get3A_563, %get3A_564] {strides = array<i32>} : memref<2x80x32xf32, #tpu.memory_space<vmem>>, vector<1x1x16xf32>,
        %get3A_566 = vector.shape_cast %get3A_565 : vector<1x1x16xf32> to vector<16xf32>
        %get3A_567 = arith.constant 1 : i32
        %get3A_568 = arith.index_cast %get3A_567 : i32 to index
        %get3A_569 = arith.index_cast %add3A_517 : i32 to index
        %get3A_570 = arith.constant 16 : index
        %get3A_571 = tpu.vector_load %arg20[%get3A_568, %get3A_569, %get3A_570] {strides = array<i32>} : memref<2x80x32xf32, #tpu.memory_space<vmem>>, vector<1x1x16xf32>,
        %get3A_572 = vector.shape_cast %get3A_571 : vector<1x1x16xf32> to vector<16xf32>
        %get3A_573 = arith.constant 1 : i32
        %get3A_574 = arith.index_cast %get3A_573 : i32 to index
        %get3A_575 = arith.index_cast %add3A_517 : i32 to index
        %get3A_576 = arith.constant 0 : index
        %get3A_577 = tpu.vector_load %arg21[%get3A_574, %get3A_575, %get3A_576] {strides = array<i32>} : memref<2x80x32xf32, #tpu.memory_space<vmem>>, vector<1x1x16xf32>,
        %get3A_578 = vector.shape_cast %get3A_577 : vector<1x1x16xf32> to vector<16xf32>
        %get3A_579 = arith.constant 1 : i32
        %get3A_580 = arith.index_cast %get3A_579 : i32 to index
        %get3A_581 = arith.index_cast %add3A_517 : i32 to index
        %get3A_582 = arith.constant 16 : index
        %get3A_583 = tpu.vector_load %arg21[%get3A_580, %get3A_581, %get3A_582] {strides = array<i32>} : memref<2x80x32xf32, #tpu.memory_space<vmem>>, vector<1x1x16xf32>,
        %get3A_584 = vector.shape_cast %get3A_583 : vector<1x1x16xf32> to vector<16xf32>
        %get3A_585 = arith.constant 1 : i32
        %get3A_586 = arith.index_cast %get3A_585 : i32 to index
        %get3A_587 = arith.index_cast %add3A_517 : i32 to index
        %get3A_588 = arith.constant 0 : index
        %get3A_589 = tpu.vector_load %arg22[%get3A_586, %get3A_587, %get3A_588] {strides = array<i32>} : memref<2x80x32xf32, #tpu.memory_space<vmem>>, vector<1x1x16xf32>,
        %get3A_590 = vector.shape_cast %get3A_589 : vector<1x1x16xf32> to vector<16xf32>
        %get3A_591 = arith.constant 1 : i32
        %get3A_592 = arith.index_cast %get3A_591 : i32 to index
        %get3A_593 = arith.index_cast %add3A_517 : i32 to index
        %get3A_594 = arith.constant 16 : index
        %get3A_595 = tpu.vector_load %arg22[%get3A_592, %get3A_593, %get3A_594] {strides = array<i32>} : memref<2x80x32xf32, #tpu.memory_space<vmem>>, vector<1x1x16xf32>,
        %get3A_596 = vector.shape_cast %get3A_595 : vector<1x1x16xf32> to vector<16xf32>
        %mul3A_597 = arith.mulf %get3A_554, %get3A_578 : vector<16xf32>
        %mul3A_598 = arith.mulf %get3A_566, %get3A_590 : vector<16xf32>
        %sub3A_599 = arith.subf %mul3A_597, %mul3A_598 : vector<16xf32>
        %mul3A_600 = arith.mulf %exp3A, %sub3A_599 : vector<16xf32>
        %swap3A_601 = arith.index_cast %add3A_517 : i32 to index
        %swap3A_602 = arith.constant 0 : index
        %swap3A_603 = tpu.vector_load %arg23[%swap3A_601, %swap3A_602] {strides = array<i32>} : memref<80x32xf32, #tpu.memory_space<vmem>>, vector<1x16xf32>,
        %swap3A_604 = vector.shape_cast %swap3A_603 : vector<1x16xf32> to vector<16xf32>
        %swap3A_605 = vector.shape_cast %mul3A_600 : vector<16xf32> to vector<1x16xf32>
        tpu.vector_store %arg23[%swap3A_601, %swap3A_602], %swap3A_605 {strides = array<i32>} : memref<80x32xf32, #tpu.memory_space<vmem>>, vector<1x16xf32>,
        %mul3A_606 = arith.mulf %get3A_560, %get3A_584 : vector<16xf32>
        %mul3A_607 = arith.mulf %get3A_572, %get3A_596 : vector<16xf32>
        %sub3A_608 = arith.subf %mul3A_606, %mul3A_607 : vector<16xf32>
        %mul3A_609 = arith.mulf %exp3A_548, %sub3A_608 : vector<16xf32>
        %swap3A_610 = arith.index_cast %add3A_517 : i32 to index
        %swap3A_611 = arith.constant 16 : index
        %swap3A_612 = tpu.vector_load %arg23[%swap3A_610, %swap3A_611] {strides = array<i32>} : memref<80x32xf32, #tpu.memory_space<vmem>>, vector<1x16xf32>,
        %swap3A_613 = vector.shape_cast %swap3A_612 : vector<1x16xf32> to vector<16xf32>
        %swap3A_614 = vector.shape_cast %mul3A_609 : vector<16xf32> to vector<1x16xf32>
        tpu.vector_store %arg23[%swap3A_610, %swap3A_611], %swap3A_614 {strides = array<i32>} : memref<80x32xf32, #tpu.memory_space<vmem>>, vector<1x16xf32>,
        %scan3A_615 = arith.constant 1 : i32
        %scan3A_616 = arith.addi %scan3A_513, %scan3A_615 : i32
        %mul3A_617 = arith.constant 1 : i32
        %mul3A_618 = arith.muli %scan3A_616, %mul3A_617 : i32
        %add3A_619 = arith.constant 0 : i32
        %add3A_620 = arith.addi %add3A_619, %mul3A_618 : i32
        %get3A_621 = arith.constant 1 : i32
        %get3A_622 = arith.index_cast %get3A_621 : i32 to index
        %get3A_623 = arith.index_cast %add3A_620 : i32 to index
        %get3A_624 = arith.constant 0 : index
        %get3A_625 = tpu.vector_load %arg17[%get3A_622, %get3A_623, %get3A_624] {strides = array<i32>} : memref<2x80x16xf32, #tpu.memory_space<vmem>>, vector<1x1x16xf32>,
        %get3A_626 = vector.shape_cast %get3A_625 : vector<1x1x16xf32> to vector<16xf32>
        %get3A_627 = arith.constant 1 : i32
        %get3A_628 = arith.index_cast %get3A_627 : i32 to index
        %get3A_629 = arith.index_cast %add3A_620 : i32 to index
        %get3A_630 = arith.constant 0 : index
        %get3A_631 = tpu.vector_load %arg18[%get3A_628, %get3A_629, %get3A_630] {strides = array<i32>} : memref<2x80x16xf32, #tpu.memory_space<vmem>>, vector<1x1x16xf32>,
        %get3A_632 = vector.shape_cast %get3A_631 : vector<1x1x16xf32> to vector<16xf32>
        %sub3A_633 = arith.subf %get3A_626, %get3A_632 : vector<16xf32>
        %mul3A_634 = arith.mulf %sub3A_633, %sub3A_633 : vector<16xf32>
        %broadcast_in_dim3A_635 = vector.shape_cast %broadcast_in_dim3A_21 : vector<16xi32> to vector<16x1xi32>
        %gather3A_636 = vector.shape_cast %broadcast_in_dim3A_635 : vector<16x1xi32> to vector<16xi32>
        %gather3A_637 = tpu.dynamic_gather %mul3A_634[%gather3A_636] in [0] : vector<16xf32>, vector<16xi32> -> vector<16xf32>
        %broadcast_in_dim3A_638 = vector.shape_cast %broadcast_in_dim3A_23 : vector<16xi32> to vector<16x1xi32>
        %gather3A_639 = vector.shape_cast %broadcast_in_dim3A_638 : vector<16x1xi32> to vector<16xi32>
        %gather3A_640 = tpu.dynamic_gather %mul3A_634[%gather3A_639] in [0] : vector<16xf32>, vector<16xi32> -> vector<16xf32>
        %add3A_641 = arith.addf %gather3A_637, %gather3A_640 : vector<16xf32>
        %broadcast_in_dim3A_642 = vector.shape_cast %broadcast_in_dim3A_25 : vector<16xi32> to vector<16x1xi32>
        %gather3A_643 = vector.shape_cast %broadcast_in_dim3A_642 : vector<16x1xi32> to vector<16xi32>
        %gather3A_644 = tpu.dynamic_gather %mul3A_634[%gather3A_643] in [0] : vector<16xf32>, vector<16xi32> -> vector<16xf32>
        %add3A_645 = arith.addf %add3A_641, %gather3A_644 : vector<16xf32>
        %mul3A_646 = arith.mulf %get3A_15, %add3A_645 : vector<16xf32>
        %neg3A_647 = arith.constant 0.000000e+00 : f32
        %neg3A_648 = vector.broadcast %neg3A_647 : f32 to vector<16xf32>
        %neg3A_649 = arith.subf %neg3A_648, %mul3A_646 : vector<16xf32>
        %exp3A_650 = math.exp %neg3A_649 : vector<16xf32>
        %mul3A_651 = arith.mulf %get3A_20, %add3A_645 : vector<16xf32>
        %neg3A_652 = arith.constant 0.000000e+00 : f32
        %neg3A_653 = vector.broadcast %neg3A_652 : f32 to vector<16xf32>
        %neg3A_654 = arith.subf %neg3A_653, %mul3A_651 : vector<16xf32>
        %exp3A_655 = math.exp %neg3A_654 : vector<16xf32>
        %get3A_656 = arith.constant 1 : i32
        %get3A_657 = arith.index_cast %get3A_656 : i32 to index
        %get3A_658 = arith.index_cast %add3A_620 : i32 to index
        %get3A_659 = arith.constant 0 : index
        %get3A_660 = tpu.vector_load %arg19[%get3A_657, %get3A_658, %get3A_659] {strides = array<i32>} : memref<2x80x32xf32, #tpu.memory_space<vmem>>, vector<1x1x16xf32>,
        %get3A_661 = vector.shape_cast %get3A_660 : vector<1x1x16xf32> to vector<16xf32>
        %get3A_662 = arith.constant 1 : i32
        %get3A_663 = arith.index_cast %get3A_662 : i32 to index
        %get3A_664 = arith.index_cast %add3A_620 : i32 to index
        %get3A_665 = arith.constant 16 : index
        %get3A_666 = tpu.vector_load %arg19[%get3A_663, %get3A_664, %get3A_665] {strides = array<i32>} : memref<2x80x32xf32, #tpu.memory_space<vmem>>, vector<1x1x16xf32>,
        %get3A_667 = vector.shape_cast %get3A_666 : vector<1x1x16xf32> to vector<16xf32>
        %get3A_668 = arith.constant 1 : i32
        %get3A_669 = arith.index_cast %get3A_668 : i32 to index
        %get3A_670 = arith.index_cast %add3A_620 : i32 to index
        %get3A_671 = arith.constant 0 : index
        %get3A_672 = tpu.vector_load %arg20[%get3A_669, %get3A_670, %get3A_671] {strides = array<i32>} : memref<2x80x32xf32, #tpu.memory_space<vmem>>, vector<1x1x16xf32>,
        %get3A_673 = vector.shape_cast %get3A_672 : vector<1x1x16xf32> to vector<16xf32>
        %get3A_674 = arith.constant 1 : i32
        %get3A_675 = arith.index_cast %get3A_674 : i32 to index
        %get3A_676 = arith.index_cast %add3A_620 : i32 to index
        %get3A_677 = arith.constant 16 : index
        %get3A_678 = tpu.vector_load %arg20[%get3A_675, %get3A_676, %get3A_677] {strides = array<i32>} : memref<2x80x32xf32, #tpu.memory_space<vmem>>, vector<1x1x16xf32>,
        %get3A_679 = vector.shape_cast %get3A_678 : vector<1x1x16xf32> to vector<16xf32>
        %get3A_680 = arith.constant 1 : i32
        %get3A_681 = arith.index_cast %get3A_680 : i32 to index
        %get3A_682 = arith.index_cast %add3A_620 : i32 to index
        %get3A_683 = arith.constant 0 : index
        %get3A_684 = tpu.vector_load %arg21[%get3A_681, %get3A_682, %get3A_683] {strides = array<i32>} : memref<2x80x32xf32, #tpu.memory_space<vmem>>, vector<1x1x16xf32>,
        %get3A_685 = vector.shape_cast %get3A_684 : vector<1x1x16xf32> to vector<16xf32>
        %get3A_686 = arith.constant 1 : i32
        %get3A_687 = arith.index_cast %get3A_686 : i32 to index
        %get3A_688 = arith.index_cast %add3A_620 : i32 to index
        %get3A_689 = arith.constant 16 : index
        %get3A_690 = tpu.vector_load %arg21[%get3A_687, %get3A_688, %get3A_689] {strides = array<i32>} : memref<2x80x32xf32, #tpu.memory_space<vmem>>, vector<1x1x16xf32>,
        %get3A_691 = vector.shape_cast %get3A_690 : vector<1x1x16xf32> to vector<16xf32>
        %get3A_692 = arith.constant 1 : i32
        %get3A_693 = arith.index_cast %get3A_692 : i32 to index
        %get3A_694 = arith.index_cast %add3A_620 : i32 to index
        %get3A_695 = arith.constant 0 : index
        %get3A_696 = tpu.vector_load %arg22[%get3A_693, %get3A_694, %get3A_695] {strides = array<i32>} : memref<2x80x32xf32, #tpu.memory_space<vmem>>, vector<1x1x16xf32>,
        %get3A_697 = vector.shape_cast %get3A_696 : vector<1x1x16xf32> to vector<16xf32>
        %get3A_698 = arith.constant 1 : i32
        %get3A_699 = arith.index_cast %get3A_698 : i32 to index
        %get3A_700 = arith.index_cast %add3A_620 : i32 to index
        %get3A_701 = arith.constant 16 : index
        %get3A_702 = tpu.vector_load %arg22[%get3A_699, %get3A_700, %get3A_701] {strides = array<i32>} : memref<2x80x32xf32, #tpu.memory_space<vmem>>, vector<1x1x16xf32>,
        %get3A_703 = vector.shape_cast %get3A_702 : vector<1x1x16xf32> to vector<16xf32>
        %mul3A_704 = arith.mulf %get3A_661, %get3A_685 : vector<16xf32>
        %mul3A_705 = arith.mulf %get3A_673, %get3A_697 : vector<16xf32>
        %sub3A_706 = arith.subf %mul3A_704, %mul3A_705 : vector<16xf32>
        %mul3A_707 = arith.mulf %exp3A_650, %sub3A_706 : vector<16xf32>
        %swap3A_708 = arith.index_cast %add3A_620 : i32 to index
        %swap3A_709 = arith.constant 0 : index
        %swap3A_710 = tpu.vector_load %arg23[%swap3A_708, %swap3A_709] {strides = array<i32>} : memref<80x32xf32, #tpu.memory_space<vmem>>, vector<1x16xf32>,
        %swap3A_711 = vector.shape_cast %swap3A_710 : vector<1x16xf32> to vector<16xf32>
        %swap3A_712 = vector.shape_cast %mul3A_707 : vector<16xf32> to vector<1x16xf32>
        tpu.vector_store %arg23[%swap3A_708, %swap3A_709], %swap3A_712 {strides = array<i32>} : memref<80x32xf32, #tpu.memory_space<vmem>>, vector<1x16xf32>,
        %mul3A_713 = arith.mulf %get3A_667, %get3A_691 : vector<16xf32>
        %mul3A_714 = arith.mulf %get3A_679, %get3A_703 : vector<16xf32>
        %sub3A_715 = arith.subf %mul3A_713, %mul3A_714 : vector<16xf32>
        %mul3A_716 = arith.mulf %exp3A_655, %sub3A_715 : vector<16xf32>
        %swap3A_717 = arith.index_cast %add3A_620 : i32 to index
        %swap3A_718 = arith.constant 16 : index
        %swap3A_719 = tpu.vector_load %arg23[%swap3A_717, %swap3A_718] {strides = array<i32>} : memref<80x32xf32, #tpu.memory_space<vmem>>, vector<1x16xf32>,
        %swap3A_720 = vector.shape_cast %swap3A_719 : vector<1x16xf32> to vector<16xf32>
        %swap3A_721 = vector.shape_cast %mul3A_716 : vector<16xf32> to vector<1x16xf32>
        tpu.vector_store %arg23[%swap3A_717, %swap3A_718], %swap3A_721 {strides = array<i32>} : memref<80x32xf32, #tpu.memory_space<vmem>>, vector<1x16xf32>,
        %scan3A_722 = arith.constant 2 : i32
        %scan3A_723 = arith.addi %scan3A_513, %scan3A_722 : i32
        %mul3A_724 = arith.constant 1 : i32
        %mul3A_725 = arith.muli %scan3A_723, %mul3A_724 : i32
        %add3A_726 = arith.constant 0 : i32
        %add3A_727 = arith.addi %add3A_726, %mul3A_725 : i32
        %get3A_728 = arith.constant 1 : i32
        %get3A_729 = arith.index_cast %get3A_728 : i32 to index
        %get3A_730 = arith.index_cast %add3A_727 : i32 to index
        %get3A_731 = arith.constant 0 : index
        %get3A_732 = tpu.vector_load %arg17[%get3A_729, %get3A_730, %get3A_731] {strides = array<i32>} : memref<2x80x16xf32, #tpu.memory_space<vmem>>, vector<1x1x16xf32>,
        %get3A_733 = vector.shape_cast %get3A_732 : vector<1x1x16xf32> to vector<16xf32>
        %get3A_734 = arith.constant 1 : i32
        %get3A_735 = arith.index_cast %get3A_734 : i32 to index
        %get3A_736 = arith.index_cast %add3A_727 : i32 to index
        %get3A_737 = arith.constant 0 : index
        %get3A_738 = tpu.vector_load %arg18[%get3A_735, %get3A_736, %get3A_737] {strides = array<i32>} : memref<2x80x16xf32, #tpu.memory_space<vmem>>, vector<1x1x16xf32>,
        %get3A_739 = vector.shape_cast %get3A_738 : vector<1x1x16xf32> to vector<16xf32>
        %sub3A_740 = arith.subf %get3A_733, %get3A_739 : vector<16xf32>
        %mul3A_741 = arith.mulf %sub3A_740, %sub3A_740 : vector<16xf32>
        %broadcast_in_dim3A_742 = vector.shape_cast %broadcast_in_dim3A_21 : vector<16xi32> to vector<16x1xi32>
        %gather3A_743 = vector.shape_cast %broadcast_in_dim3A_742 : vector<16x1xi32> to vector<16xi32>
        %gather3A_744 = tpu.dynamic_gather %mul3A_741[%gather3A_743] in [0] : vector<16xf32>, vector<16xi32> -> vector<16xf32>
        %broadcast_in_dim3A_745 = vector.shape_cast %broadcast_in_dim3A_23 : vector<16xi32> to vector<16x1xi32>
        %gather3A_746 = vector.shape_cast %broadcast_in_dim3A_745 : vector<16x1xi32> to vector<16xi32>
        %gather3A_747 = tpu.dynamic_gather %mul3A_741[%gather3A_746] in [0] : vector<16xf32>, vector<16xi32> -> vector<16xf32>
        %add3A_748 = arith.addf %gather3A_744, %gather3A_747 : vector<16xf32>
        %broadcast_in_dim3A_749 = vector.shape_cast %broadcast_in_dim3A_25 : vector<16xi32> to vector<16x1xi32>
        %gather3A_750 = vector.shape_cast %broadcast_in_dim3A_749 : vector<16x1xi32> to vector<16xi32>
        %gather3A_751 = tpu.dynamic_gather %mul3A_741[%gather3A_750] in [0] : vector<16xf32>, vector<16xi32> -> vector<16xf32>
        %add3A_752 = arith.addf %add3A_748, %gather3A_751 : vector<16xf32>
        %mul3A_753 = arith.mulf %get3A_15, %add3A_752 : vector<16xf32>
        %neg3A_754 = arith.constant 0.000000e+00 : f32
        %neg3A_755 = vector.broadcast %neg3A_754 : f32 to vector<16xf32>
        %neg3A_756 = arith.subf %neg3A_755, %mul3A_753 : vector<16xf32>
        %exp3A_757 = math.exp %neg3A_756 : vector<16xf32>
        %mul3A_758 = arith.mulf %get3A_20, %add3A_752 : vector<16xf32>
        %neg3A_759 = arith.constant 0.000000e+00 : f32
        %neg3A_760 = vector.broadcast %neg3A_759 : f32 to vector<16xf32>
        %neg3A_761 = arith.subf %neg3A_760, %mul3A_758 : vector<16xf32>
        %exp3A_762 = math.exp %neg3A_761 : vector<16xf32>
        %get3A_763 = arith.constant 1 : i32
        %get3A_764 = arith.index_cast %get3A_763 : i32 to index
        %get3A_765 = arith.index_cast %add3A_727 : i32 to index
        %get3A_766 = arith.constant 0 : index
        %get3A_767 = tpu.vector_load %arg19[%get3A_764, %get3A_765, %get3A_766] {strides = array<i32>} : memref<2x80x32xf32, #tpu.memory_space<vmem>>, vector<1x1x16xf32>,
        %get3A_768 = vector.shape_cast %get3A_767 : vector<1x1x16xf32> to vector<16xf32>
        %get3A_769 = arith.constant 1 : i32
        %get3A_770 = arith.index_cast %get3A_769 : i32 to index
        %get3A_771 = arith.index_cast %add3A_727 : i32 to index
        %get3A_772 = arith.constant 16 : index
        %get3A_773 = tpu.vector_load %arg19[%get3A_770, %get3A_771, %get3A_772] {strides = array<i32>} : memref<2x80x32xf32, #tpu.memory_space<vmem>>, vector<1x1x16xf32>,
        %get3A_774 = vector.shape_cast %get3A_773 : vector<1x1x16xf32> to vector<16xf32>
        %get3A_775 = arith.constant 1 : i32
        %get3A_776 = arith.index_cast %get3A_775 : i32 to index
        %get3A_777 = arith.index_cast %add3A_727 : i32 to index
        %get3A_778 = arith.constant 0 : index
        %get3A_779 = tpu.vector_load %arg20[%get3A_776, %get3A_777, %get3A_778] {strides = array<i32>} : memref<2x80x32xf32, #tpu.memory_space<vmem>>, vector<1x1x16xf32>,
        %get3A_780 = vector.shape_cast %get3A_779 : vector<1x1x16xf32> to vector<16xf32>
        %get3A_781 = arith.constant 1 : i32
        %get3A_782 = arith.index_cast %get3A_781 : i32 to index
        %get3A_783 = arith.index_cast %add3A_727 : i32 to index
        %get3A_784 = arith.constant 16 : index
        %get3A_785 = tpu.vector_load %arg20[%get3A_782, %get3A_783, %get3A_784] {strides = array<i32>} : memref<2x80x32xf32, #tpu.memory_space<vmem>>, vector<1x1x16xf32>,
        %get3A_786 = vector.shape_cast %get3A_785 : vector<1x1x16xf32> to vector<16xf32>
        %get3A_787 = arith.constant 1 : i32
        %get3A_788 = arith.index_cast %get3A_787 : i32 to index
        %get3A_789 = arith.index_cast %add3A_727 : i32 to index
        %get3A_790 = arith.constant 0 : index
        %get3A_791 = tpu.vector_load %arg21[%get3A_788, %get3A_789, %get3A_790] {strides = array<i32>} : memref<2x80x32xf32, #tpu.memory_space<vmem>>, vector<1x1x16xf32>,
        %get3A_792 = vector.shape_cast %get3A_791 : vector<1x1x16xf32> to vector<16xf32>
        %get3A_793 = arith.constant 1 : i32
        %get3A_794 = arith.index_cast %get3A_793 : i32 to index
        %get3A_795 = arith.index_cast %add3A_727 : i32 to index
        %get3A_796 = arith.constant 16 : index
        %get3A_797 = tpu.vector_load %arg21[%get3A_794, %get3A_795, %get3A_796] {strides = array<i32>} : memref<2x80x32xf32, #tpu.memory_space<vmem>>, vector<1x1x16xf32>,
        %get3A_798 = vector.shape_cast %get3A_797 : vector<1x1x16xf32> to vector<16xf32>
        %get3A_799 = arith.constant 1 : i32
        %get3A_800 = arith.index_cast %get3A_799 : i32 to index
        %get3A_801 = arith.index_cast %add3A_727 : i32 to index
        %get3A_802 = arith.constant 0 : index
        %get3A_803 = tpu.vector_load %arg22[%get3A_800, %get3A_801, %get3A_802] {strides = array<i32>} : memref<2x80x32xf32, #tpu.memory_space<vmem>>, vector<1x1x16xf32>,
        %get3A_804 = vector.shape_cast %get3A_803 : vector<1x1x16xf32> to vector<16xf32>
        %get3A_805 = arith.constant 1 : i32
        %get3A_806 = arith.index_cast %get3A_805 : i32 to index
        %get3A_807 = arith.index_cast %add3A_727 : i32 to index
        %get3A_808 = arith.constant 16 : index
        %get3A_809 = tpu.vector_load %arg22[%get3A_806, %get3A_807, %get3A_808] {strides = array<i32>} : memref<2x80x32xf32, #tpu.memory_space<vmem>>, vector<1x1x16xf32>,
        %get3A_810 = vector.shape_cast %get3A_809 : vector<1x1x16xf32> to vector<16xf32>
        %mul3A_811 = arith.mulf %get3A_768, %get3A_792 : vector<16xf32>
        %mul3A_812 = arith.mulf %get3A_780, %get3A_804 : vector<16xf32>
        %sub3A_813 = arith.subf %mul3A_811, %mul3A_812 : vector<16xf32>
        %mul3A_814 = arith.mulf %exp3A_757, %sub3A_813 : vector<16xf32>
        %swap3A_815 = arith.index_cast %add3A_727 : i32 to index
        %swap3A_816 = arith.constant 0 : index
        %swap3A_817 = tpu.vector_load %arg23[%swap3A_815, %swap3A_816] {strides = array<i32>} : memref<80x32xf32, #tpu.memory_space<vmem>>, vector<1x16xf32>,
        %swap3A_818 = vector.shape_cast %swap3A_817 : vector<1x16xf32> to vector<16xf32>
        %swap3A_819 = vector.shape_cast %mul3A_814 : vector<16xf32> to vector<1x16xf32>
        tpu.vector_store %arg23[%swap3A_815, %swap3A_816], %swap3A_819 {strides = array<i32>} : memref<80x32xf32, #tpu.memory_space<vmem>>, vector<1x16xf32>,
        %mul3A_820 = arith.mulf %get3A_774, %get3A_798 : vector<16xf32>
        %mul3A_821 = arith.mulf %get3A_786, %get3A_810 : vector<16xf32>
        %sub3A_822 = arith.subf %mul3A_820, %mul3A_821 : vector<16xf32>
        %mul3A_823 = arith.mulf %exp3A_762, %sub3A_822 : vector<16xf32>
        %swap3A_824 = arith.index_cast %add3A_727 : i32 to index
        %swap3A_825 = arith.constant 16 : index
        %swap3A_826 = tpu.vector_load %arg23[%swap3A_824, %swap3A_825] {strides = array<i32>} : memref<80x32xf32, #tpu.memory_space<vmem>>, vector<1x16xf32>,
        %swap3A_827 = vector.shape_cast %swap3A_826 : vector<1x16xf32> to vector<16xf32>
        %swap3A_828 = vector.shape_cast %mul3A_823 : vector<16xf32> to vector<1x16xf32>
        tpu.vector_store %arg23[%swap3A_824, %swap3A_825], %swap3A_828 {strides = array<i32>} : memref<80x32xf32, #tpu.memory_space<vmem>>, vector<1x16xf32>,
        %scan3A_829 = arith.constant 3 : i32
        %scan3A_830 = arith.addi %scan3A_513, %scan3A_829 : i32
        %mul3A_831 = arith.constant 1 : i32
        %mul3A_832 = arith.muli %scan3A_830, %mul3A_831 : i32
        %add3A_833 = arith.constant 0 : i32
        %add3A_834 = arith.addi %add3A_833, %mul3A_832 : i32
        %get3A_835 = arith.constant 1 : i32
        %get3A_836 = arith.index_cast %get3A_835 : i32 to index
        %get3A_837 = arith.index_cast %add3A_834 : i32 to index
        %get3A_838 = arith.constant 0 : index
        %get3A_839 = tpu.vector_load %arg17[%get3A_836, %get3A_837, %get3A_838] {strides = array<i32>} : memref<2x80x16xf32, #tpu.memory_space<vmem>>, vector<1x1x16xf32>,
        %get3A_840 = vector.shape_cast %get3A_839 : vector<1x1x16xf32> to vector<16xf32>
        %get3A_841 = arith.constant 1 : i32
        %get3A_842 = arith.index_cast %get3A_841 : i32 to index
        %get3A_843 = arith.index_cast %add3A_834 : i32 to index
        %get3A_844 = arith.constant 0 : index
        %get3A_845 = tpu.vector_load %arg18[%get3A_842, %get3A_843, %get3A_844] {strides = array<i32>} : memref<2x80x16xf32, #tpu.memory_space<vmem>>, vector<1x1x16xf32>,
        %get3A_846 = vector.shape_cast %get3A_845 : vector<1x1x16xf32> to vector<16xf32>
        %sub3A_847 = arith.subf %get3A_840, %get3A_846 : vector<16xf32>
        %mul3A_848 = arith.mulf %sub3A_847, %sub3A_847 : vector<16xf32>
        %broadcast_in_dim3A_849 = vector.shape_cast %broadcast_in_dim3A_21 : vector<16xi32> to vector<16x1xi32>
        %gather3A_850 = vector.shape_cast %broadcast_in_dim3A_849 : vector<16x1xi32> to vector<16xi32>
        %gather3A_851 = tpu.dynamic_gather %mul3A_848[%gather3A_850] in [0] : vector<16xf32>, vector<16xi32> -> vector<16xf32>
        %broadcast_in_dim3A_852 = vector.shape_cast %broadcast_in_dim3A_23 : vector<16xi32> to vector<16x1xi32>
        %gather3A_853 = vector.shape_cast %broadcast_in_dim3A_852 : vector<16x1xi32> to vector<16xi32>
        %gather3A_854 = tpu.dynamic_gather %mul3A_848[%gather3A_853] in [0] : vector<16xf32>, vector<16xi32> -> vector<16xf32>
        %add3A_855 = arith.addf %gather3A_851, %gather3A_854 : vector<16xf32>
        %broadcast_in_dim3A_856 = vector.shape_cast %broadcast_in_dim3A_25 : vector<16xi32> to vector<16x1xi32>
        %gather3A_857 = vector.shape_cast %broadcast_in_dim3A_856 : vector<16x1xi32> to vector<16xi32>
        %gather3A_858 = tpu.dynamic_gather %mul3A_848[%gather3A_857] in [0] : vector<16xf32>, vector<16xi32> -> vector<16xf32>
        %add3A_859 = arith.addf %add3A_855, %gather3A_858 : vector<16xf32>
        %mul3A_860 = arith.mulf %get3A_15, %add3A_859 : vector<16xf32>
        %neg3A_861 = arith.constant 0.000000e+00 : f32
        %neg3A_862 = vector.broadcast %neg3A_861 : f32 to vector<16xf32>
        %neg3A_863 = arith.subf %neg3A_862, %mul3A_860 : vector<16xf32>
        %exp3A_864 = math.exp %neg3A_863 : vector<16xf32>
        %mul3A_865 = arith.mulf %get3A_20, %add3A_859 : vector<16xf32>
        %neg3A_866 = arith.constant 0.000000e+00 : f32
        %neg3A_867 = vector.broadcast %neg3A_866 : f32 to vector<16xf32>
        %neg3A_868 = arith.subf %neg3A_867, %mul3A_865 : vector<16xf32>
        %exp3A_869 = math.exp %neg3A_868 : vector<16xf32>
        %get3A_870 = arith.constant 1 : i32
        %get3A_871 = arith.index_cast %get3A_870 : i32 to index
        %get3A_872 = arith.index_cast %add3A_834 : i32 to index
        %get3A_873 = arith.constant 0 : index
        %get3A_874 = tpu.vector_load %arg19[%get3A_871, %get3A_872, %get3A_873] {strides = array<i32>} : memref<2x80x32xf32, #tpu.memory_space<vmem>>, vector<1x1x16xf32>,
        %get3A_875 = vector.shape_cast %get3A_874 : vector<1x1x16xf32> to vector<16xf32>
        %get3A_876 = arith.constant 1 : i32
        %get3A_877 = arith.index_cast %get3A_876 : i32 to index
        %get3A_878 = arith.index_cast %add3A_834 : i32 to index
        %get3A_879 = arith.constant 16 : index
        %get3A_880 = tpu.vector_load %arg19[%get3A_877, %get3A_878, %get3A_879] {strides = array<i32>} : memref<2x80x32xf32, #tpu.memory_space<vmem>>, vector<1x1x16xf32>,
        %get3A_881 = vector.shape_cast %get3A_880 : vector<1x1x16xf32> to vector<16xf32>
        %get3A_882 = arith.constant 1 : i32
        %get3A_883 = arith.index_cast %get3A_882 : i32 to index
        %get3A_884 = arith.index_cast %add3A_834 : i32 to index
        %get3A_885 = arith.constant 0 : index
        %get3A_886 = tpu.vector_load %arg20[%get3A_883, %get3A_884, %get3A_885] {strides = array<i32>} : memref<2x80x32xf32, #tpu.memory_space<vmem>>, vector<1x1x16xf32>,
        %get3A_887 = vector.shape_cast %get3A_886 : vector<1x1x16xf32> to vector<16xf32>
        %get3A_888 = arith.constant 1 : i32
        %get3A_889 = arith.index_cast %get3A_888 : i32 to index
        %get3A_890 = arith.index_cast %add3A_834 : i32 to index
        %get3A_891 = arith.constant 16 : index
        %get3A_892 = tpu.vector_load %arg20[%get3A_889, %get3A_890, %get3A_891] {strides = array<i32>} : memref<2x80x32xf32, #tpu.memory_space<vmem>>, vector<1x1x16xf32>,
        %get3A_893 = vector.shape_cast %get3A_892 : vector<1x1x16xf32> to vector<16xf32>
        %get3A_894 = arith.constant 1 : i32
        %get3A_895 = arith.index_cast %get3A_894 : i32 to index
        %get3A_896 = arith.index_cast %add3A_834 : i32 to index
        %get3A_897 = arith.constant 0 : index
        %get3A_898 = tpu.vector_load %arg21[%get3A_895, %get3A_896, %get3A_897] {strides = array<i32>} : memref<2x80x32xf32, #tpu.memory_space<vmem>>, vector<1x1x16xf32>,
        %get3A_899 = vector.shape_cast %get3A_898 : vector<1x1x16xf32> to vector<16xf32>
        %get3A_900 = arith.constant 1 : i32
        %get3A_901 = arith.index_cast %get3A_900 : i32 to index
        %get3A_902 = arith.index_cast %add3A_834 : i32 to index
        %get3A_903 = arith.constant 16 : index
        %get3A_904 = tpu.vector_load %arg21[%get3A_901, %get3A_902, %get3A_903] {strides = array<i32>} : memref<2x80x32xf32, #tpu.memory_space<vmem>>, vector<1x1x16xf32>,
        %get3A_905 = vector.shape_cast %get3A_904 : vector<1x1x16xf32> to vector<16xf32>
        %get3A_906 = arith.constant 1 : i32
        %get3A_907 = arith.index_cast %get3A_906 : i32 to index
        %get3A_908 = arith.index_cast %add3A_834 : i32 to index
        %get3A_909 = arith.constant 0 : index
        %get3A_910 = tpu.vector_load %arg22[%get3A_907, %get3A_908, %get3A_909] {strides = array<i32>} : memref<2x80x32xf32, #tpu.memory_space<vmem>>, vector<1x1x16xf32>,
        %get3A_911 = vector.shape_cast %get3A_910 : vector<1x1x16xf32> to vector<16xf32>
        %get3A_912 = arith.constant 1 : i32
        %get3A_913 = arith.index_cast %get3A_912 : i32 to index
        %get3A_914 = arith.index_cast %add3A_834 : i32 to index
        %get3A_915 = arith.constant 16 : index
        %get3A_916 = tpu.vector_load %arg22[%get3A_913, %get3A_914, %get3A_915] {strides = array<i32>} : memref<2x80x32xf32, #tpu.memory_space<vmem>>, vector<1x1x16xf32>,
        %get3A_917 = vector.shape_cast %get3A_916 : vector<1x1x16xf32> to vector<16xf32>
        %mul3A_918 = arith.mulf %get3A_875, %get3A_899 : vector<16xf32>
        %mul3A_919 = arith.mulf %get3A_887, %get3A_911 : vector<16xf32>
        %sub3A_920 = arith.subf %mul3A_918, %mul3A_919 : vector<16xf32>
        %mul3A_921 = arith.mulf %exp3A_864, %sub3A_920 : vector<16xf32>
        %swap3A_922 = arith.index_cast %add3A_834 : i32 to index
        %swap3A_923 = arith.constant 0 : index
        %swap3A_924 = tpu.vector_load %arg23[%swap3A_922, %swap3A_923] {strides = array<i32>} : memref<80x32xf32, #tpu.memory_space<vmem>>, vector<1x16xf32>,
        %swap3A_925 = vector.shape_cast %swap3A_924 : vector<1x16xf32> to vector<16xf32>
        %swap3A_926 = vector.shape_cast %mul3A_921 : vector<16xf32> to vector<1x16xf32>
        tpu.vector_store %arg23[%swap3A_922, %swap3A_923], %swap3A_926 {strides = array<i32>} : memref<80x32xf32, #tpu.memory_space<vmem>>, vector<1x16xf32>,
        %mul3A_927 = arith.mulf %get3A_881, %get3A_905 : vector<16xf32>
        %mul3A_928 = arith.mulf %get3A_893, %get3A_917 : vector<16xf32>
        %sub3A_929 = arith.subf %mul3A_927, %mul3A_928 : vector<16xf32>
        %mul3A_930 = arith.mulf %exp3A_869, %sub3A_929 : vector<16xf32>
        %swap3A_931 = arith.index_cast %add3A_834 : i32 to index
        %swap3A_932 = arith.constant 16 : index
        %swap3A_933 = tpu.vector_load %arg23[%swap3A_931, %swap3A_932] {strides = array<i32>} : memref<80x32xf32, #tpu.memory_space<vmem>>, vector<1x16xf32>,
        %swap3A_934 = vector.shape_cast %swap3A_933 : vector<1x16xf32> to vector<16xf32>
        %swap3A_935 = vector.shape_cast %mul3A_930 : vector<16xf32> to vector<1x16xf32>
        tpu.vector_store %arg23[%swap3A_931, %swap3A_932], %swap3A_935 {strides = array<i32>} : memref<80x32xf32, #tpu.memory_space<vmem>>, vector<1x16xf32>,
        %scan3A_936 = arith.constant 4 : i32
        %scan3A_937 = arith.addi %scan3A_513, %scan3A_936 : i32
        %mul3A_938 = arith.constant 1 : i32
        %mul3A_939 = arith.muli %scan3A_937, %mul3A_938 : i32
        %add3A_940 = arith.constant 0 : i32
        %add3A_941 = arith.addi %add3A_940, %mul3A_939 : i32
        %get3A_942 = arith.constant 1 : i32
        %get3A_943 = arith.index_cast %get3A_942 : i32 to index
        %get3A_944 = arith.index_cast %add3A_941 : i32 to index
        %get3A_945 = arith.constant 0 : index
        %get3A_946 = tpu.vector_load %arg17[%get3A_943, %get3A_944, %get3A_945] {strides = array<i32>} : memref<2x80x16xf32, #tpu.memory_space<vmem>>, vector<1x1x16xf32>,
        %get3A_947 = vector.shape_cast %get3A_946 : vector<1x1x16xf32> to vector<16xf32>
        %get3A_948 = arith.constant 1 : i32
        %get3A_949 = arith.index_cast %get3A_948 : i32 to index
        %get3A_950 = arith.index_cast %add3A_941 : i32 to index
        %get3A_951 = arith.constant 0 : index
        %get3A_952 = tpu.vector_load %arg18[%get3A_949, %get3A_950, %get3A_951] {strides = array<i32>} : memref<2x80x16xf32, #tpu.memory_space<vmem>>, vector<1x1x16xf32>,
        %get3A_953 = vector.shape_cast %get3A_952 : vector<1x1x16xf32> to vector<16xf32>
        %sub3A_954 = arith.subf %get3A_947, %get3A_953 : vector<16xf32>
        %mul3A_955 = arith.mulf %sub3A_954, %sub3A_954 : vector<16xf32>
        %broadcast_in_dim3A_956 = vector.shape_cast %broadcast_in_dim3A_21 : vector<16xi32> to vector<16x1xi32>
        %gather3A_957 = vector.shape_cast %broadcast_in_dim3A_956 : vector<16x1xi32> to vector<16xi32>
        %gather3A_958 = tpu.dynamic_gather %mul3A_955[%gather3A_957] in [0] : vector<16xf32>, vector<16xi32> -> vector<16xf32>
        %broadcast_in_dim3A_959 = vector.shape_cast %broadcast_in_dim3A_23 : vector<16xi32> to vector<16x1xi32>
        %gather3A_960 = vector.shape_cast %broadcast_in_dim3A_959 : vector<16x1xi32> to vector<16xi32>
        %gather3A_961 = tpu.dynamic_gather %mul3A_955[%gather3A_960] in [0] : vector<16xf32>, vector<16xi32> -> vector<16xf32>
        %add3A_962 = arith.addf %gather3A_958, %gather3A_961 : vector<16xf32>
        %broadcast_in_dim3A_963 = vector.shape_cast %broadcast_in_dim3A_25 : vector<16xi32> to vector<16x1xi32>
        %gather3A_964 = vector.shape_cast %broadcast_in_dim3A_963 : vector<16x1xi32> to vector<16xi32>
        %gather3A_965 = tpu.dynamic_gather %mul3A_955[%gather3A_964] in [0] : vector<16xf32>, vector<16xi32> -> vector<16xf32>
        %add3A_966 = arith.addf %add3A_962, %gather3A_965 : vector<16xf32>
        %mul3A_967 = arith.mulf %get3A_15, %add3A_966 : vector<16xf32>
        %neg3A_968 = arith.constant 0.000000e+00 : f32
        %neg3A_969 = vector.broadcast %neg3A_968 : f32 to vector<16xf32>
        %neg3A_970 = arith.subf %neg3A_969, %mul3A_967 : vector<16xf32>
        %exp3A_971 = math.exp %neg3A_970 : vector<16xf32>
        %mul3A_972 = arith.mulf %get3A_20, %add3A_966 : vector<16xf32>
        %neg3A_973 = arith.constant 0.000000e+00 : f32
        %neg3A_974 = vector.broadcast %neg3A_973 : f32 to vector<16xf32>
        %neg3A_975 = arith.subf %neg3A_974, %mul3A_972 : vector<16xf32>
        %exp3A_976 = math.exp %neg3A_975 : vector<16xf32>
        %get3A_977 = arith.constant 1 : i32
        %get3A_978 = arith.index_cast %get3A_977 : i32 to index
        %get3A_979 = arith.index_cast %add3A_941 : i32 to index
        %get3A_980 = arith.constant 0 : index
        %get3A_981 = tpu.vector_load %arg19[%get3A_978, %get3A_979, %get3A_980] {strides = array<i32>} : memref<2x80x32xf32, #tpu.memory_space<vmem>>, vector<1x1x16xf32>,
        %get3A_982 = vector.shape_cast %get3A_981 : vector<1x1x16xf32> to vector<16xf32>
        %get3A_983 = arith.constant 1 : i32
        %get3A_984 = arith.index_cast %get3A_983 : i32 to index
        %get3A_985 = arith.index_cast %add3A_941 : i32 to index
        %get3A_986 = arith.constant 16 : index
        %get3A_987 = tpu.vector_load %arg19[%get3A_984, %get3A_985, %get3A_986] {strides = array<i32>} : memref<2x80x32xf32, #tpu.memory_space<vmem>>, vector<1x1x16xf32>,
        %get3A_988 = vector.shape_cast %get3A_987 : vector<1x1x16xf32> to vector<16xf32>
        %get3A_989 = arith.constant 1 : i32
        %get3A_990 = arith.index_cast %get3A_989 : i32 to index
        %get3A_991 = arith.index_cast %add3A_941 : i32 to index
        %get3A_992 = arith.constant 0 : index
        %get3A_993 = tpu.vector_load %arg20[%get3A_990, %get3A_991, %get3A_992] {strides = array<i32>} : memref<2x80x32xf32, #tpu.memory_space<vmem>>, vector<1x1x16xf32>,
        %get3A_994 = vector.shape_cast %get3A_993 : vector<1x1x16xf32> to vector<16xf32>
        %get3A_995 = arith.constant 1 : i32
        %get3A_996 = arith.index_cast %get3A_995 : i32 to index
        %get3A_997 = arith.index_cast %add3A_941 : i32 to index
        %get3A_998 = arith.constant 16 : index
        %get3A_999 = tpu.vector_load %arg20[%get3A_996, %get3A_997, %get3A_998] {strides = array<i32>} : memref<2x80x32xf32, #tpu.memory_space<vmem>>, vector<1x1x16xf32>,
        %get3A_1000 = vector.shape_cast %get3A_999 : vector<1x1x16xf32> to vector<16xf32>
        %get3A_1001 = arith.constant 1 : i32
        %get3A_1002 = arith.index_cast %get3A_1001 : i32 to index
        %get3A_1003 = arith.index_cast %add3A_941 : i32 to index
        %get3A_1004 = arith.constant 0 : index
        %get3A_1005 = tpu.vector_load %arg21[%get3A_1002, %get3A_1003, %get3A_1004] {strides = array<i32>} : memref<2x80x32xf32, #tpu.memory_space<vmem>>, vector<1x1x16xf32>,
        %get3A_1006 = vector.shape_cast %get3A_1005 : vector<1x1x16xf32> to vector<16xf32>
        %get3A_1007 = arith.constant 1 : i32
        %get3A_1008 = arith.index_cast %get3A_1007 : i32 to index
        %get3A_1009 = arith.index_cast %add3A_941 : i32 to index
        %get3A_1010 = arith.constant 16 : index
        %get3A_1011 = tpu.vector_load %arg21[%get3A_1008, %get3A_1009, %get3A_1010] {strides = array<i32>} : memref<2x80x32xf32, #tpu.memory_space<vmem>>, vector<1x1x16xf32>,
        %get3A_1012 = vector.shape_cast %get3A_1011 : vector<1x1x16xf32> to vector<16xf32>
        %get3A_1013 = arith.constant 1 : i32
        %get3A_1014 = arith.index_cast %get3A_1013 : i32 to index
        %get3A_1015 = arith.index_cast %add3A_941 : i32 to index
        %get3A_1016 = arith.constant 0 : index
        %get3A_1017 = tpu.vector_load %arg22[%get3A_1014, %get3A_1015, %get3A_1016] {strides = array<i32>} : memref<2x80x32xf32, #tpu.memory_space<vmem>>, vector<1x1x16xf32>,
        %get3A_1018 = vector.shape_cast %get3A_1017 : vector<1x1x16xf32> to vector<16xf32>
        %get3A_1019 = arith.constant 1 : i32
        %get3A_1020 = arith.index_cast %get3A_1019 : i32 to index
        %get3A_1021 = arith.index_cast %add3A_941 : i32 to index
        %get3A_1022 = arith.constant 16 : index
        %get3A_1023 = tpu.vector_load %arg22[%get3A_1020, %get3A_1021, %get3A_1022] {strides = array<i32>} : memref<2x80x32xf32, #tpu.memory_space<vmem>>, vector<1x1x16xf32>,
        %get3A_1024 = vector.shape_cast %get3A_1023 : vector<1x1x16xf32> to vector<16xf32>
        %mul3A_1025 = arith.mulf %get3A_982, %get3A_1006 : vector<16xf32>
        %mul3A_1026 = arith.mulf %get3A_994, %get3A_1018 : vector<16xf32>
        %sub3A_1027 = arith.subf %mul3A_1025, %mul3A_1026 : vector<16xf32>
        %mul3A_1028 = arith.mulf %exp3A_971, %sub3A_1027 : vector<16xf32>
        %swap3A_1029 = arith.index_cast %add3A_941 : i32 to index
        %swap3A_1030 = arith.constant 0 : index
        %swap3A_1031 = tpu.vector_load %arg23[%swap3A_1029, %swap3A_1030] {strides = array<i32>} : memref<80x32xf32, #tpu.memory_space<vmem>>, vector<1x16xf32>,
        %swap3A_1032 = vector.shape_cast %swap3A_1031 : vector<1x16xf32> to vector<16xf32>
        %swap3A_1033 = vector.shape_cast %mul3A_1028 : vector<16xf32> to vector<1x16xf32>
        tpu.vector_store %arg23[%swap3A_1029, %swap3A_1030], %swap3A_1033 {strides = array<i32>} : memref<80x32xf32, #tpu.memory_space<vmem>>, vector<1x16xf32>,
        %mul3A_1034 = arith.mulf %get3A_988, %get3A_1012 : vector<16xf32>
        %mul3A_1035 = arith.mulf %get3A_1000, %get3A_1024 : vector<16xf32>
        %sub3A_1036 = arith.subf %mul3A_1034, %mul3A_1035 : vector<16xf32>
        %mul3A_1037 = arith.mulf %exp3A_976, %sub3A_1036 : vector<16xf32>
        %swap3A_1038 = arith.index_cast %add3A_941 : i32 to index
        %swap3A_1039 = arith.constant 16 : index
        %swap3A_1040 = tpu.vector_load %arg23[%swap3A_1038, %swap3A_1039] {strides = array<i32>} : memref<80x32xf32, #tpu.memory_space<vmem>>, vector<1x16xf32>,
        %swap3A_1041 = vector.shape_cast %swap3A_1040 : vector<1x16xf32> to vector<16xf32>
        %swap3A_1042 = vector.shape_cast %mul3A_1037 : vector<16xf32> to vector<1x16xf32>
        tpu.vector_store %arg23[%swap3A_1038, %swap3A_1039], %swap3A_1042 {strides = array<i32>} : memref<80x32xf32, #tpu.memory_space<vmem>>, vector<1x16xf32>,
        %scan3A_1043 = arith.constant 5 : i32
        %scan3A_1044 = arith.addi %scan3A_513, %scan3A_1043 : i32
        %mul3A_1045 = arith.constant 1 : i32
        %mul3A_1046 = arith.muli %scan3A_1044, %mul3A_1045 : i32
        %add3A_1047 = arith.constant 0 : i32
        %add3A_1048 = arith.addi %add3A_1047, %mul3A_1046 : i32
        %get3A_1049 = arith.constant 1 : i32
        %get3A_1050 = arith.index_cast %get3A_1049 : i32 to index
        %get3A_1051 = arith.index_cast %add3A_1048 : i32 to index
        %get3A_1052 = arith.constant 0 : index
        %get3A_1053 = tpu.vector_load %arg17[%get3A_1050, %get3A_1051, %get3A_1052] {strides = array<i32>} : memref<2x80x16xf32, #tpu.memory_space<vmem>>, vector<1x1x16xf32>,
        %get3A_1054 = vector.shape_cast %get3A_1053 : vector<1x1x16xf32> to vector<16xf32>
        %get3A_1055 = arith.constant 1 : i32
        %get3A_1056 = arith.index_cast %get3A_1055 : i32 to index
        %get3A_1057 = arith.index_cast %add3A_1048 : i32 to index
        %get3A_1058 = arith.constant 0 : index
        %get3A_1059 = tpu.vector_load %arg18[%get3A_1056, %get3A_1057, %get3A_1058] {strides = array<i32>} : memref<2x80x16xf32, #tpu.memory_space<vmem>>, vector<1x1x16xf32>,
        %get3A_1060 = vector.shape_cast %get3A_1059 : vector<1x1x16xf32> to vector<16xf32>
        %sub3A_1061 = arith.subf %get3A_1054, %get3A_1060 : vector<16xf32>
        %mul3A_1062 = arith.mulf %sub3A_1061, %sub3A_1061 : vector<16xf32>
        %broadcast_in_dim3A_1063 = vector.shape_cast %broadcast_in_dim3A_21 : vector<16xi32> to vector<16x1xi32>
        %gather3A_1064 = vector.shape_cast %broadcast_in_dim3A_1063 : vector<16x1xi32> to vector<16xi32>
        %gather3A_1065 = tpu.dynamic_gather %mul3A_1062[%gather3A_1064] in [0] : vector<16xf32>, vector<16xi32> -> vector<16xf32>
        %broadcast_in_dim3A_1066 = vector.shape_cast %broadcast_in_dim3A_23 : vector<16xi32> to vector<16x1xi32>
        %gather3A_1067 = vector.shape_cast %broadcast_in_dim3A_1066 : vector<16x1xi32> to vector<16xi32>
        %gather3A_1068 = tpu.dynamic_gather %mul3A_1062[%gather3A_1067] in [0] : vector<16xf32>, vector<16xi32> -> vector<16xf32>
        %add3A_1069 = arith.addf %gather3A_1065, %gather3A_1068 : vector<16xf32>
        %broadcast_in_dim3A_1070 = vector.shape_cast %broadcast_in_dim3A_25 : vector<16xi32> to vector<16x1xi32>
        %gather3A_1071 = vector.shape_cast %broadcast_in_dim3A_1070 : vector<16x1xi32> to vector<16xi32>
        %gather3A_1072 = tpu.dynamic_gather %mul3A_1062[%gather3A_1071] in [0] : vector<16xf32>, vector<16xi32> -> vector<16xf32>
        %add3A_1073 = arith.addf %add3A_1069, %gather3A_1072 : vector<16xf32>
        %mul3A_1074 = arith.mulf %get3A_15, %add3A_1073 : vector<16xf32>
        %neg3A_1075 = arith.constant 0.000000e+00 : f32
        %neg3A_1076 = vector.broadcast %neg3A_1075 : f32 to vector<16xf32>
        %neg3A_1077 = arith.subf %neg3A_1076, %mul3A_1074 : vector<16xf32>
        %exp3A_1078 = math.exp %neg3A_1077 : vector<16xf32>
        %mul3A_1079 = arith.mulf %get3A_20, %add3A_1073 : vector<16xf32>
        %neg3A_1080 = arith.constant 0.000000e+00 : f32
        %neg3A_1081 = vector.broadcast %neg3A_1080 : f32 to vector<16xf32>
        %neg3A_1082 = arith.subf %neg3A_1081, %mul3A_1079 : vector<16xf32>
        %exp3A_1083 = math.exp %neg3A_1082 : vector<16xf32>
        %get3A_1084 = arith.constant 1 : i32
        %get3A_1085 = arith.index_cast %get3A_1084 : i32 to index
        %get3A_1086 = arith.index_cast %add3A_1048 : i32 to index
        %get3A_1087 = arith.constant 0 : index
        %get3A_1088 = tpu.vector_load %arg19[%get3A_1085, %get3A_1086, %get3A_1087] {strides = array<i32>} : memref<2x80x32xf32, #tpu.memory_space<vmem>>, vector<1x1x16xf32>,
        %get3A_1089 = vector.shape_cast %get3A_1088 : vector<1x1x16xf32> to vector<16xf32>
        %get3A_1090 = arith.constant 1 : i32
        %get3A_1091 = arith.index_cast %get3A_1090 : i32 to index
        %get3A_1092 = arith.index_cast %add3A_1048 : i32 to index
        %get3A_1093 = arith.constant 16 : index
        %get3A_1094 = tpu.vector_load %arg19[%get3A_1091, %get3A_1092, %get3A_1093] {strides = array<i32>} : memref<2x80x32xf32, #tpu.memory_space<vmem>>, vector<1x1x16xf32>,
        %get3A_1095 = vector.shape_cast %get3A_1094 : vector<1x1x16xf32> to vector<16xf32>
        %get3A_1096 = arith.constant 1 : i32
        %get3A_1097 = arith.index_cast %get3A_1096 : i32 to index
        %get3A_1098 = arith.index_cast %add3A_1048 : i32 to index
        %get3A_1099 = arith.constant 0 : index
        %get3A_1100 = tpu.vector_load %arg20[%get3A_1097, %get3A_1098, %get3A_1099] {strides = array<i32>} : memref<2x80x32xf32, #tpu.memory_space<vmem>>, vector<1x1x16xf32>,
        %get3A_1101 = vector.shape_cast %get3A_1100 : vector<1x1x16xf32> to vector<16xf32>
        %get3A_1102 = arith.constant 1 : i32
        %get3A_1103 = arith.index_cast %get3A_1102 : i32 to index
        %get3A_1104 = arith.index_cast %add3A_1048 : i32 to index
        %get3A_1105 = arith.constant 16 : index
        %get3A_1106 = tpu.vector_load %arg20[%get3A_1103, %get3A_1104, %get3A_1105] {strides = array<i32>} : memref<2x80x32xf32, #tpu.memory_space<vmem>>, vector<1x1x16xf32>,
        %get3A_1107 = vector.shape_cast %get3A_1106 : vector<1x1x16xf32> to vector<16xf32>
        %get3A_1108 = arith.constant 1 : i32
        %get3A_1109 = arith.index_cast %get3A_1108 : i32 to index
        %get3A_1110 = arith.index_cast %add3A_1048 : i32 to index
        %get3A_1111 = arith.constant 0 : index
        %get3A_1112 = tpu.vector_load %arg21[%get3A_1109, %get3A_1110, %get3A_1111] {strides = array<i32>} : memref<2x80x32xf32, #tpu.memory_space<vmem>>, vector<1x1x16xf32>,
        %get3A_1113 = vector.shape_cast %get3A_1112 : vector<1x1x16xf32> to vector<16xf32>
        %get3A_1114 = arith.constant 1 : i32
        %get3A_1115 = arith.index_cast %get3A_1114 : i32 to index
        %get3A_1116 = arith.index_cast %add3A_1048 : i32 to index
        %get3A_1117 = arith.constant 16 : index
        %get3A_1118 = tpu.vector_load %arg21[%get3A_1115, %get3A_1116, %get3A_1117] {strides = array<i32>} : memref<2x80x32xf32, #tpu.memory_space<vmem>>, vector<1x1x16xf32>,
        %get3A_1119 = vector.shape_cast %get3A_1118 : vector<1x1x16xf32> to vector<16xf32>
        %get3A_1120 = arith.constant 1 : i32
        %get3A_1121 = arith.index_cast %get3A_1120 : i32 to index
        %get3A_1122 = arith.index_cast %add3A_1048 : i32 to index
        %get3A_1123 = arith.constant 0 : index
        %get3A_1124 = tpu.vector_load %arg22[%get3A_1121, %get3A_1122, %get3A_1123] {strides = array<i32>} : memref<2x80x32xf32, #tpu.memory_space<vmem>>, vector<1x1x16xf32>,
        %get3A_1125 = vector.shape_cast %get3A_1124 : vector<1x1x16xf32> to vector<16xf32>
        %get3A_1126 = arith.constant 1 : i32
        %get3A_1127 = arith.index_cast %get3A_1126 : i32 to index
        %get3A_1128 = arith.index_cast %add3A_1048 : i32 to index
        %get3A_1129 = arith.constant 16 : index
        %get3A_1130 = tpu.vector_load %arg22[%get3A_1127, %get3A_1128, %get3A_1129] {strides = array<i32>} : memref<2x80x32xf32, #tpu.memory_space<vmem>>, vector<1x1x16xf32>,
        %get3A_1131 = vector.shape_cast %get3A_1130 : vector<1x1x16xf32> to vector<16xf32>
        %mul3A_1132 = arith.mulf %get3A_1089, %get3A_1113 : vector<16xf32>
        %mul3A_1133 = arith.mulf %get3A_1101, %get3A_1125 : vector<16xf32>
        %sub3A_1134 = arith.subf %mul3A_1132, %mul3A_1133 : vector<16xf32>
        %mul3A_1135 = arith.mulf %exp3A_1078, %sub3A_1134 : vector<16xf32>
        %swap3A_1136 = arith.index_cast %add3A_1048 : i32 to index
        %swap3A_1137 = arith.constant 0 : index
        %swap3A_1138 = tpu.vector_load %arg23[%swap3A_1136, %swap3A_1137] {strides = array<i32>} : memref<80x32xf32, #tpu.memory_space<vmem>>, vector<1x16xf32>,
        %swap3A_1139 = vector.shape_cast %swap3A_1138 : vector<1x16xf32> to vector<16xf32>
        %swap3A_1140 = vector.shape_cast %mul3A_1135 : vector<16xf32> to vector<1x16xf32>
        tpu.vector_store %arg23[%swap3A_1136, %swap3A_1137], %swap3A_1140 {strides = array<i32>} : memref<80x32xf32, #tpu.memory_space<vmem>>, vector<1x16xf32>,
        %mul3A_1141 = arith.mulf %get3A_1095, %get3A_1119 : vector<16xf32>
        %mul3A_1142 = arith.mulf %get3A_1107, %get3A_1131 : vector<16xf32>
        %sub3A_1143 = arith.subf %mul3A_1141, %mul3A_1142 : vector<16xf32>
        %mul3A_1144 = arith.mulf %exp3A_1083, %sub3A_1143 : vector<16xf32>
        %swap3A_1145 = arith.index_cast %add3A_1048 : i32 to index
        %swap3A_1146 = arith.constant 16 : index
        %swap3A_1147 = tpu.vector_load %arg23[%swap3A_1145, %swap3A_1146] {strides = array<i32>} : memref<80x32xf32, #tpu.memory_space<vmem>>, vector<1x16xf32>,
        %swap3A_1148 = vector.shape_cast %swap3A_1147 : vector<1x16xf32> to vector<16xf32>
        %swap3A_1149 = vector.shape_cast %mul3A_1144 : vector<16xf32> to vector<1x16xf32>
        tpu.vector_store %arg23[%swap3A_1145, %swap3A_1146], %swap3A_1149 {strides = array<i32>} : memref<80x32xf32, #tpu.memory_space<vmem>>, vector<1x16xf32>,
        %scan3A_1150 = arith.constant 6 : i32
        %scan3A_1151 = arith.addi %scan3A_513, %scan3A_1150 : i32
        %mul3A_1152 = arith.constant 1 : i32
        %mul3A_1153 = arith.muli %scan3A_1151, %mul3A_1152 : i32
        %add3A_1154 = arith.constant 0 : i32
        %add3A_1155 = arith.addi %add3A_1154, %mul3A_1153 : i32
        %get3A_1156 = arith.constant 1 : i32
        %get3A_1157 = arith.index_cast %get3A_1156 : i32 to index
        %get3A_1158 = arith.index_cast %add3A_1155 : i32 to index
        %get3A_1159 = arith.constant 0 : index
        %get3A_1160 = tpu.vector_load %arg17[%get3A_1157, %get3A_1158, %get3A_1159] {strides = array<i32>} : memref<2x80x16xf32, #tpu.memory_space<vmem>>, vector<1x1x16xf32>,
        %get3A_1161 = vector.shape_cast %get3A_1160 : vector<1x1x16xf32> to vector<16xf32>
        %get3A_1162 = arith.constant 1 : i32
        %get3A_1163 = arith.index_cast %get3A_1162 : i32 to index
        %get3A_1164 = arith.index_cast %add3A_1155 : i32 to index
        %get3A_1165 = arith.constant 0 : index
        %get3A_1166 = tpu.vector_load %arg18[%get3A_1163, %get3A_1164, %get3A_1165] {strides = array<i32>} : memref<2x80x16xf32, #tpu.memory_space<vmem>>, vector<1x1x16xf32>,
        %get3A_1167 = vector.shape_cast %get3A_1166 : vector<1x1x16xf32> to vector<16xf32>
        %sub3A_1168 = arith.subf %get3A_1161, %get3A_1167 : vector<16xf32>
        %mul3A_1169 = arith.mulf %sub3A_1168, %sub3A_1168 : vector<16xf32>
        %broadcast_in_dim3A_1170 = vector.shape_cast %broadcast_in_dim3A_21 : vector<16xi32> to vector<16x1xi32>
        %gather3A_1171 = vector.shape_cast %broadcast_in_dim3A_1170 : vector<16x1xi32> to vector<16xi32>
        %gather3A_1172 = tpu.dynamic_gather %mul3A_1169[%gather3A_1171] in [0] : vector<16xf32>, vector<16xi32> -> vector<16xf32>
        %broadcast_in_dim3A_1173 = vector.shape_cast %broadcast_in_dim3A_23 : vector<16xi32> to vector<16x1xi32>
        %gather3A_1174 = vector.shape_cast %broadcast_in_dim3A_1173 : vector<16x1xi32> to vector<16xi32>
        %gather3A_1175 = tpu.dynamic_gather %mul3A_1169[%gather3A_1174] in [0] : vector<16xf32>, vector<16xi32> -> vector<16xf32>
        %add3A_1176 = arith.addf %gather3A_1172, %gather3A_1175 : vector<16xf32>
        %broadcast_in_dim3A_1177 = vector.shape_cast %broadcast_in_dim3A_25 : vector<16xi32> to vector<16x1xi32>
        %gather3A_1178 = vector.shape_cast %broadcast_in_dim3A_1177 : vector<16x1xi32> to vector<16xi32>
        %gather3A_1179 = tpu.dynamic_gather %mul3A_1169[%gather3A_1178] in [0] : vector<16xf32>, vector<16xi32> -> vector<16xf32>
        %add3A_1180 = arith.addf %add3A_1176, %gather3A_1179 : vector<16xf32>
        %mul3A_1181 = arith.mulf %get3A_15, %add3A_1180 : vector<16xf32>
        %neg3A_1182 = arith.constant 0.000000e+00 : f32
        %neg3A_1183 = vector.broadcast %neg3A_1182 : f32 to vector<16xf32>
        %neg3A_1184 = arith.subf %neg3A_1183, %mul3A_1181 : vector<16xf32>
        %exp3A_1185 = math.exp %neg3A_1184 : vector<16xf32>
        %mul3A_1186 = arith.mulf %get3A_20, %add3A_1180 : vector<16xf32>
        %neg3A_1187 = arith.constant 0.000000e+00 : f32
        %neg3A_1188 = vector.broadcast %neg3A_1187 : f32 to vector<16xf32>
        %neg3A_1189 = arith.subf %neg3A_1188, %mul3A_1186 : vector<16xf32>
        %exp3A_1190 = math.exp %neg3A_1189 : vector<16xf32>
        %get3A_1191 = arith.constant 1 : i32
        %get3A_1192 = arith.index_cast %get3A_1191 : i32 to index
        %get3A_1193 = arith.index_cast %add3A_1155 : i32 to index
        %get3A_1194 = arith.constant 0 : index
        %get3A_1195 = tpu.vector_load %arg19[%get3A_1192, %get3A_1193, %get3A_1194] {strides = array<i32>} : memref<2x80x32xf32, #tpu.memory_space<vmem>>, vector<1x1x16xf32>,
        %get3A_1196 = vector.shape_cast %get3A_1195 : vector<1x1x16xf32> to vector<16xf32>
        %get3A_1197 = arith.constant 1 : i32
        %get3A_1198 = arith.index_cast %get3A_1197 : i32 to index
        %get3A_1199 = arith.index_cast %add3A_1155 : i32 to index
        %get3A_1200 = arith.constant 16 : index
        %get3A_1201 = tpu.vector_load %arg19[%get3A_1198, %get3A_1199, %get3A_1200] {strides = array<i32>} : memref<2x80x32xf32, #tpu.memory_space<vmem>>, vector<1x1x16xf32>,
        %get3A_1202 = vector.shape_cast %get3A_1201 : vector<1x1x16xf32> to vector<16xf32>
        %get3A_1203 = arith.constant 1 : i32
        %get3A_1204 = arith.index_cast %get3A_1203 : i32 to index
        %get3A_1205 = arith.index_cast %add3A_1155 : i32 to index
        %get3A_1206 = arith.constant 0 : index
        %get3A_1207 = tpu.vector_load %arg20[%get3A_1204, %get3A_1205, %get3A_1206] {strides = array<i32>} : memref<2x80x32xf32, #tpu.memory_space<vmem>>, vector<1x1x16xf32>,
        %get3A_1208 = vector.shape_cast %get3A_1207 : vector<1x1x16xf32> to vector<16xf32>
        %get3A_1209 = arith.constant 1 : i32
        %get3A_1210 = arith.index_cast %get3A_1209 : i32 to index
        %get3A_1211 = arith.index_cast %add3A_1155 : i32 to index
        %get3A_1212 = arith.constant 16 : index
        %get3A_1213 = tpu.vector_load %arg20[%get3A_1210, %get3A_1211, %get3A_1212] {strides = array<i32>} : memref<2x80x32xf32, #tpu.memory_space<vmem>>, vector<1x1x16xf32>,
        %get3A_1214 = vector.shape_cast %get3A_1213 : vector<1x1x16xf32> to vector<16xf32>
        %get3A_1215 = arith.constant 1 : i32
        %get3A_1216 = arith.index_cast %get3A_1215 : i32 to index
        %get3A_1217 = arith.index_cast %add3A_1155 : i32 to index
        %get3A_1218 = arith.constant 0 : index
        %get3A_1219 = tpu.vector_load %arg21[%get3A_1216, %get3A_1217, %get3A_1218] {strides = array<i32>} : memref<2x80x32xf32, #tpu.memory_space<vmem>>, vector<1x1x16xf32>,
        %get3A_1220 = vector.shape_cast %get3A_1219 : vector<1x1x16xf32> to vector<16xf32>
        %get3A_1221 = arith.constant 1 : i32
        %get3A_1222 = arith.index_cast %get3A_1221 : i32 to index
        %get3A_1223 = arith.index_cast %add3A_1155 : i32 to index
        %get3A_1224 = arith.constant 16 : index
        %get3A_1225 = tpu.vector_load %arg21[%get3A_1222, %get3A_1223, %get3A_1224] {strides = array<i32>} : memref<2x80x32xf32, #tpu.memory_space<vmem>>, vector<1x1x16xf32>,
        %get3A_1226 = vector.shape_cast %get3A_1225 : vector<1x1x16xf32> to vector<16xf32>
        %get3A_1227 = arith.constant 1 : i32
        %get3A_1228 = arith.index_cast %get3A_1227 : i32 to index
        %get3A_1229 = arith.index_cast %add3A_1155 : i32 to index
        %get3A_1230 = arith.constant 0 : index
        %get3A_1231 = tpu.vector_load %arg22[%get3A_1228, %get3A_1229, %get3A_1230] {strides = array<i32>} : memref<2x80x32xf32, #tpu.memory_space<vmem>>, vector<1x1x16xf32>,
        %get3A_1232 = vector.shape_cast %get3A_1231 : vector<1x1x16xf32> to vector<16xf32>
        %get3A_1233 = arith.constant 1 : i32
        %get3A_1234 = arith.index_cast %get3A_1233 : i32 to index
        %get3A_1235 = arith.index_cast %add3A_1155 : i32 to index
        %get3A_1236 = arith.constant 16 : index
        %get3A_1237 = tpu.vector_load %arg22[%get3A_1234, %get3A_1235, %get3A_1236] {strides = array<i32>} : memref<2x80x32xf32, #tpu.memory_space<vmem>>, vector<1x1x16xf32>,
        %get3A_1238 = vector.shape_cast %get3A_1237 : vector<1x1x16xf32> to vector<16xf32>
        %mul3A_1239 = arith.mulf %get3A_1196, %get3A_1220 : vector<16xf32>
        %mul3A_1240 = arith.mulf %get3A_1208, %get3A_1232 : vector<16xf32>
        %sub3A_1241 = arith.subf %mul3A_1239, %mul3A_1240 : vector<16xf32>
        %mul3A_1242 = arith.mulf %exp3A_1185, %sub3A_1241 : vector<16xf32>
        %swap3A_1243 = arith.index_cast %add3A_1155 : i32 to index
        %swap3A_1244 = arith.constant 0 : index
        %swap3A_1245 = tpu.vector_load %arg23[%swap3A_1243, %swap3A_1244] {strides = array<i32>} : memref<80x32xf32, #tpu.memory_space<vmem>>, vector<1x16xf32>,
        %swap3A_1246 = vector.shape_cast %swap3A_1245 : vector<1x16xf32> to vector<16xf32>
        %swap3A_1247 = vector.shape_cast %mul3A_1242 : vector<16xf32> to vector<1x16xf32>
        tpu.vector_store %arg23[%swap3A_1243, %swap3A_1244], %swap3A_1247 {strides = array<i32>} : memref<80x32xf32, #tpu.memory_space<vmem>>, vector<1x16xf32>,
        %mul3A_1248 = arith.mulf %get3A_1202, %get3A_1226 : vector<16xf32>
        %mul3A_1249 = arith.mulf %get3A_1214, %get3A_1238 : vector<16xf32>
        %sub3A_1250 = arith.subf %mul3A_1248, %mul3A_1249 : vector<16xf32>
        %mul3A_1251 = arith.mulf %exp3A_1190, %sub3A_1250 : vector<16xf32>
        %swap3A_1252 = arith.index_cast %add3A_1155 : i32 to index
        %swap3A_1253 = arith.constant 16 : index
        %swap3A_1254 = tpu.vector_load %arg23[%swap3A_1252, %swap3A_1253] {strides = array<i32>} : memref<80x32xf32, #tpu.memory_space<vmem>>, vector<1x16xf32>,
        %swap3A_1255 = vector.shape_cast %swap3A_1254 : vector<1x16xf32> to vector<16xf32>
        %swap3A_1256 = vector.shape_cast %mul3A_1251 : vector<16xf32> to vector<1x16xf32>
        tpu.vector_store %arg23[%swap3A_1252, %swap3A_1253], %swap3A_1256 {strides = array<i32>} : memref<80x32xf32, #tpu.memory_space<vmem>>, vector<1x16xf32>,
        %scan3A_1257 = arith.constant 7 : i32
        %scan3A_1258 = arith.addi %scan3A_513, %scan3A_1257 : i32
        %mul3A_1259 = arith.constant 1 : i32
        %mul3A_1260 = arith.muli %scan3A_1258, %mul3A_1259 : i32
        %add3A_1261 = arith.constant 0 : i32
        %add3A_1262 = arith.addi %add3A_1261, %mul3A_1260 : i32
        %get3A_1263 = arith.constant 1 : i32
        %get3A_1264 = arith.index_cast %get3A_1263 : i32 to index
        %get3A_1265 = arith.index_cast %add3A_1262 : i32 to index
        %get3A_1266 = arith.constant 0 : index
        %get3A_1267 = tpu.vector_load %arg17[%get3A_1264, %get3A_1265, %get3A_1266] {strides = array<i32>} : memref<2x80x16xf32, #tpu.memory_space<vmem>>, vector<1x1x16xf32>,
        %get3A_1268 = vector.shape_cast %get3A_1267 : vector<1x1x16xf32> to vector<16xf32>
        %get3A_1269 = arith.constant 1 : i32
        %get3A_1270 = arith.index_cast %get3A_1269 : i32 to index
        %get3A_1271 = arith.index_cast %add3A_1262 : i32 to index
        %get3A_1272 = arith.constant 0 : index
        %get3A_1273 = tpu.vector_load %arg18[%get3A_1270, %get3A_1271, %get3A_1272] {strides = array<i32>} : memref<2x80x16xf32, #tpu.memory_space<vmem>>, vector<1x1x16xf32>,
        %get3A_1274 = vector.shape_cast %get3A_1273 : vector<1x1x16xf32> to vector<16xf32>
        %sub3A_1275 = arith.subf %get3A_1268, %get3A_1274 : vector<16xf32>
        %mul3A_1276 = arith.mulf %sub3A_1275, %sub3A_1275 : vector<16xf32>
        %broadcast_in_dim3A_1277 = vector.shape_cast %broadcast_in_dim3A_21 : vector<16xi32> to vector<16x1xi32>
        %gather3A_1278 = vector.shape_cast %broadcast_in_dim3A_1277 : vector<16x1xi32> to vector<16xi32>
        %gather3A_1279 = tpu.dynamic_gather %mul3A_1276[%gather3A_1278] in [0] : vector<16xf32>, vector<16xi32> -> vector<16xf32>
        %broadcast_in_dim3A_1280 = vector.shape_cast %broadcast_in_dim3A_23 : vector<16xi32> to vector<16x1xi32>
        %gather3A_1281 = vector.shape_cast %broadcast_in_dim3A_1280 : vector<16x1xi32> to vector<16xi32>
        %gather3A_1282 = tpu.dynamic_gather %mul3A_1276[%gather3A_1281] in [0] : vector<16xf32>, vector<16xi32> -> vector<16xf32>
        %add3A_1283 = arith.addf %gather3A_1279, %gather3A_1282 : vector<16xf32>
        %broadcast_in_dim3A_1284 = vector.shape_cast %broadcast_in_dim3A_25 : vector<16xi32> to vector<16x1xi32>
        %gather3A_1285 = vector.shape_cast %broadcast_in_dim3A_1284 : vector<16x1xi32> to vector<16xi32>
        %gather3A_1286 = tpu.dynamic_gather %mul3A_1276[%gather3A_1285] in [0] : vector<16xf32>, vector<16xi32> -> vector<16xf32>
        %add3A_1287 = arith.addf %add3A_1283, %gather3A_1286 : vector<16xf32>
        %mul3A_1288 = arith.mulf %get3A_15, %add3A_1287 : vector<16xf32>
        %neg3A_1289 = arith.constant 0.000000e+00 : f32
        %neg3A_1290 = vector.broadcast %neg3A_1289 : f32 to vector<16xf32>
        %neg3A_1291 = arith.subf %neg3A_1290, %mul3A_1288 : vector<16xf32>
        %exp3A_1292 = math.exp %neg3A_1291 : vector<16xf32>
        %mul3A_1293 = arith.mulf %get3A_20, %add3A_1287 : vector<16xf32>
        %neg3A_1294 = arith.constant 0.000000e+00 : f32
        %neg3A_1295 = vector.broadcast %neg3A_1294 : f32 to vector<16xf32>
        %neg3A_1296 = arith.subf %neg3A_1295, %mul3A_1293 : vector<16xf32>
        %exp3A_1297 = math.exp %neg3A_1296 : vector<16xf32>
        %get3A_1298 = arith.constant 1 : i32
        %get3A_1299 = arith.index_cast %get3A_1298 : i32 to index
        %get3A_1300 = arith.index_cast %add3A_1262 : i32 to index
        %get3A_1301 = arith.constant 0 : index
        %get3A_1302 = tpu.vector_load %arg19[%get3A_1299, %get3A_1300, %get3A_1301] {strides = array<i32>} : memref<2x80x32xf32, #tpu.memory_space<vmem>>, vector<1x1x16xf32>,
        %get3A_1303 = vector.shape_cast %get3A_1302 : vector<1x1x16xf32> to vector<16xf32>
        %get3A_1304 = arith.constant 1 : i32
        %get3A_1305 = arith.index_cast %get3A_1304 : i32 to index
        %get3A_1306 = arith.index_cast %add3A_1262 : i32 to index
        %get3A_1307 = arith.constant 16 : index
        %get3A_1308 = tpu.vector_load %arg19[%get3A_1305, %get3A_1306, %get3A_1307] {strides = array<i32>} : memref<2x80x32xf32, #tpu.memory_space<vmem>>, vector<1x1x16xf32>,
        %get3A_1309 = vector.shape_cast %get3A_1308 : vector<1x1x16xf32> to vector<16xf32>
        %get3A_1310 = arith.constant 1 : i32
        %get3A_1311 = arith.index_cast %get3A_1310 : i32 to index
        %get3A_1312 = arith.index_cast %add3A_1262 : i32 to index
        %get3A_1313 = arith.constant 0 : index
        %get3A_1314 = tpu.vector_load %arg20[%get3A_1311, %get3A_1312, %get3A_1313] {strides = array<i32>} : memref<2x80x32xf32, #tpu.memory_space<vmem>>, vector<1x1x16xf32>,
        %get3A_1315 = vector.shape_cast %get3A_1314 : vector<1x1x16xf32> to vector<16xf32>
        %get3A_1316 = arith.constant 1 : i32
        %get3A_1317 = arith.index_cast %get3A_1316 : i32 to index
        %get3A_1318 = arith.index_cast %add3A_1262 : i32 to index
        %get3A_1319 = arith.constant 16 : index
        %get3A_1320 = tpu.vector_load %arg20[%get3A_1317, %get3A_1318, %get3A_1319] {strides = array<i32>} : memref<2x80x32xf32, #tpu.memory_space<vmem>>, vector<1x1x16xf32>,
        %get3A_1321 = vector.shape_cast %get3A_1320 : vector<1x1x16xf32> to vector<16xf32>
        %get3A_1322 = arith.constant 1 : i32
        %get3A_1323 = arith.index_cast %get3A_1322 : i32 to index
        %get3A_1324 = arith.index_cast %add3A_1262 : i32 to index
        %get3A_1325 = arith.constant 0 : index
        %get3A_1326 = tpu.vector_load %arg21[%get3A_1323, %get3A_1324, %get3A_1325] {strides = array<i32>} : memref<2x80x32xf32, #tpu.memory_space<vmem>>, vector<1x1x16xf32>,
        %get3A_1327 = vector.shape_cast %get3A_1326 : vector<1x1x16xf32> to vector<16xf32>
        %get3A_1328 = arith.constant 1 : i32
        %get3A_1329 = arith.index_cast %get3A_1328 : i32 to index
        %get3A_1330 = arith.index_cast %add3A_1262 : i32 to index
        %get3A_1331 = arith.constant 16 : index
        %get3A_1332 = tpu.vector_load %arg21[%get3A_1329, %get3A_1330, %get3A_1331] {strides = array<i32>} : memref<2x80x32xf32, #tpu.memory_space<vmem>>, vector<1x1x16xf32>,
        %get3A_1333 = vector.shape_cast %get3A_1332 : vector<1x1x16xf32> to vector<16xf32>
        %get3A_1334 = arith.constant 1 : i32
        %get3A_1335 = arith.index_cast %get3A_1334 : i32 to index
        %get3A_1336 = arith.index_cast %add3A_1262 : i32 to index
        %get3A_1337 = arith.constant 0 : index
        %get3A_1338 = tpu.vector_load %arg22[%get3A_1335, %get3A_1336, %get3A_1337] {strides = array<i32>} : memref<2x80x32xf32, #tpu.memory_space<vmem>>, vector<1x1x16xf32>,
        %get3A_1339 = vector.shape_cast %get3A_1338 : vector<1x1x16xf32> to vector<16xf32>
        %get3A_1340 = arith.constant 1 : i32
        %get3A_1341 = arith.index_cast %get3A_1340 : i32 to index
        %get3A_1342 = arith.index_cast %add3A_1262 : i32 to index
        %get3A_1343 = arith.constant 16 : index
        %get3A_1344 = tpu.vector_load %arg22[%get3A_1341, %get3A_1342, %get3A_1343] {strides = array<i32>} : memref<2x80x32xf32, #tpu.memory_space<vmem>>, vector<1x1x16xf32>,
        %get3A_1345 = vector.shape_cast %get3A_1344 : vector<1x1x16xf32> to vector<16xf32>
        %mul3A_1346 = arith.mulf %get3A_1303, %get3A_1327 : vector<16xf32>
        %mul3A_1347 = arith.mulf %get3A_1315, %get3A_1339 : vector<16xf32>
        %sub3A_1348 = arith.subf %mul3A_1346, %mul3A_1347 : vector<16xf32>
        %mul3A_1349 = arith.mulf %exp3A_1292, %sub3A_1348 : vector<16xf32>
        %swap3A_1350 = arith.index_cast %add3A_1262 : i32 to index
        %swap3A_1351 = arith.constant 0 : index
        %swap3A_1352 = tpu.vector_load %arg23[%swap3A_1350, %swap3A_1351] {strides = array<i32>} : memref<80x32xf32, #tpu.memory_space<vmem>>, vector<1x16xf32>,
        %swap3A_1353 = vector.shape_cast %swap3A_1352 : vector<1x16xf32> to vector<16xf32>
        %swap3A_1354 = vector.shape_cast %mul3A_1349 : vector<16xf32> to vector<1x16xf32>
        tpu.vector_store %arg23[%swap3A_1350, %swap3A_1351], %swap3A_1354 {strides = array<i32>} : memref<80x32xf32, #tpu.memory_space<vmem>>, vector<1x16xf32>,
        %mul3A_1355 = arith.mulf %get3A_1309, %get3A_1333 : vector<16xf32>
        %mul3A_1356 = arith.mulf %get3A_1321, %get3A_1345 : vector<16xf32>
        %sub3A_1357 = arith.subf %mul3A_1355, %mul3A_1356 : vector<16xf32>
        %mul3A_1358 = arith.mulf %exp3A_1297, %sub3A_1357 : vector<16xf32>
        %swap3A_1359 = arith.index_cast %add3A_1262 : i32 to index
        %swap3A_1360 = arith.constant 16 : index
        %swap3A_1361 = tpu.vector_load %arg23[%swap3A_1359, %swap3A_1360] {strides = array<i32>} : memref<80x32xf32, #tpu.memory_space<vmem>>, vector<1x16xf32>,
        %swap3A_1362 = vector.shape_cast %swap3A_1361 : vector<1x16xf32> to vector<16xf32>
        %swap3A_1363 = vector.shape_cast %mul3A_1358 : vector<16xf32> to vector<1x16xf32>
        tpu.vector_store %arg23[%swap3A_1359, %swap3A_1360], %swap3A_1363 {strides = array<i32>} : memref<80x32xf32, #tpu.memory_space<vmem>>, vector<1x16xf32>,
      }
      %scan3A_512 = arith.constant 80 : i32
      "tpu.region"() ({
        %run_scoped3A = tpu.sem_alloc : memref<!tpu.dma_semaphore, #tpu.memory_space<semaphore_mem>>
        %dma_start3A_513 = arith.constant 0 : i32
        %dma_start3A_514 = arith.constant 0 : i32
        %dma_start3A_515 = tpu.memref_slice %arg26[%dma_start3A_513, %dma_start3A_514] : memref<50000x32xf32, #tpu.memory_space<vmem_shared>> -> memref<50000x32xf32, #tpu.memory_space<vmem_shared>>
        tpu.enqueue_indirect_dma source(%arg23 : memref<80x32xf32, #tpu.memory_space<vmem>>) target(%dma_start3A_515 : memref<50000x32xf32, #tpu.memory_space<vmem_shared>>) offsets(%arg16 : memref<80xi32, #tpu.memory_space<vmem>>) semaphore(%run_scoped3A : memref<!tpu.dma_semaphore, #tpu.memory_space<semaphore_mem>>) {add = true}
        %dma_wait3A_516 = arith.constant 0 : i32
        %dma_wait3A_517 = arith.constant 0 : i32
        %dma_wait3A_518 = tpu.memref_slice %arg26[%dma_wait3A_516, %dma_wait3A_517] : memref<50000x32xf32, #tpu.memory_space<vmem_shared>> -> memref<50000x32xf32, #tpu.memory_space<vmem_shared>>
        tpu.wait_indirect_dma semaphore(%run_scoped3A : memref<!tpu.dma_semaphore, #tpu.memory_space<semaphore_mem>>) src(%arg23 : memref<80x32xf32, #tpu.memory_space<vmem>>) dst(%dma_wait3A_518 : memref<50000x32xf32, #tpu.memory_space<vmem_shared>>)
        tpu.yield
      }) : () -> ()
    }
    %scan3A_100 = arith.constant 312 : i32
    %dma_wait3A_101 = arith.constant 0 : i32
    %dma_wait3A_102 = arith.constant 0 : i32
    %dma_wait3A_103 = arith.constant 0 : i32
    %dma_wait3A_104 = tpu.memref_slice %arg17[%dma_wait3A_101, %dma_wait3A_102, %dma_wait3A_103] : memref<2x80x16xf32, #tpu.memory_space<vmem>> -> memref<1x80x16xf32, #tpu.memory_space<vmem>>
    %dma_wait3A_105 = tpu.memref_squeeze %dma_wait3A_104 : memref<1x80x16xf32, #tpu.memory_space<vmem>> -> memref<80x16xf32, #tpu.memory_space<vmem>>
    %dma_wait3A_106 = arith.constant 0 : i32
    %dma_wait3A_107 = arith.constant 0 : i32
    %dma_wait3A_108 = tpu.memref_slice %arg2[%dma_wait3A_106, %dma_wait3A_107] : memref<50000x16xf32, #tpu.memory_space<hbm>> -> memref<50000x16xf32, #tpu.memory_space<hbm>>
    tpu.wait_indirect_dma semaphore(%arg29 : memref<!tpu.dma_semaphore, #tpu.memory_space<semaphore_mem>>) src(%dma_wait3A_108 : memref<50000x16xf32, #tpu.memory_space<hbm>>) dst(%dma_wait3A_105 : memref<80x16xf32, #tpu.memory_space<vmem>>)
    %dma_wait3A_109 = arith.constant 0 : i32
    %dma_wait3A_110 = arith.constant 0 : i32
    %dma_wait3A_111 = arith.constant 0 : i32
    %dma_wait3A_112 = tpu.memref_slice %arg18[%dma_wait3A_109, %dma_wait3A_110, %dma_wait3A_111] : memref<2x80x16xf32, #tpu.memory_space<vmem>> -> memref<1x80x16xf32, #tpu.memory_space<vmem>>
    %dma_wait3A_113 = tpu.memref_squeeze %dma_wait3A_112 : memref<1x80x16xf32, #tpu.memory_space<vmem>> -> memref<80x16xf32, #tpu.memory_space<vmem>>
    %dma_wait3A_114 = arith.constant 0 : i32
    %dma_wait3A_115 = arith.constant 0 : i32
    %dma_wait3A_116 = tpu.memref_slice %arg2[%dma_wait3A_114, %dma_wait3A_115] : memref<50000x16xf32, #tpu.memory_space<hbm>> -> memref<50000x16xf32, #tpu.memory_space<hbm>>
    tpu.wait_indirect_dma semaphore(%arg29 : memref<!tpu.dma_semaphore, #tpu.memory_space<semaphore_mem>>) src(%dma_wait3A_116 : memref<50000x16xf32, #tpu.memory_space<hbm>>) dst(%dma_wait3A_113 : memref<80x16xf32, #tpu.memory_space<vmem>>)
    %dma_wait3A_117 = arith.constant 0 : i32
    %dma_wait3A_118 = arith.constant 0 : i32
    %dma_wait3A_119 = arith.constant 0 : i32
    %dma_wait3A_120 = tpu.memref_slice %arg19[%dma_wait3A_117, %dma_wait3A_118, %dma_wait3A_119] : memref<2x80x32xf32, #tpu.memory_space<vmem>> -> memref<1x80x32xf32, #tpu.memory_space<vmem>>
    %dma_wait3A_121 = tpu.memref_squeeze %dma_wait3A_120 : memref<1x80x32xf32, #tpu.memory_space<vmem>> -> memref<80x32xf32, #tpu.memory_space<vmem>>
    %dma_wait3A_122 = arith.constant 0 : i32
    %dma_wait3A_123 = arith.constant 0 : i32
    %dma_wait3A_124 = tpu.memref_slice %arg3[%dma_wait3A_122, %dma_wait3A_123] : memref<50000x32xf32, #tpu.memory_space<hbm>> -> memref<50000x32xf32, #tpu.memory_space<hbm>>
    tpu.wait_indirect_dma semaphore(%arg29 : memref<!tpu.dma_semaphore, #tpu.memory_space<semaphore_mem>>) src(%dma_wait3A_124 : memref<50000x32xf32, #tpu.memory_space<hbm>>) dst(%dma_wait3A_121 : memref<80x32xf32, #tpu.memory_space<vmem>>)
    %dma_wait3A_125 = arith.constant 0 : i32
    %dma_wait3A_126 = arith.constant 0 : i32
    %dma_wait3A_127 = arith.constant 0 : i32
    %dma_wait3A_128 = tpu.memref_slice %arg20[%dma_wait3A_125, %dma_wait3A_126, %dma_wait3A_127] : memref<2x80x32xf32, #tpu.memory_space<vmem>> -> memref<1x80x32xf32, #tpu.memory_space<vmem>>
    %dma_wait3A_129 = tpu.memref_squeeze %dma_wait3A_128 : memref<1x80x32xf32, #tpu.memory_space<vmem>> -> memref<80x32xf32, #tpu.memory_space<vmem>>
    %dma_wait3A_130 = arith.constant 0 : i32
    %dma_wait3A_131 = arith.constant 0 : i32
    %dma_wait3A_132 = tpu.memref_slice %arg4[%dma_wait3A_130, %dma_wait3A_131] : memref<50000x32xf32, #tpu.memory_space<hbm>> -> memref<50000x32xf32, #tpu.memory_space<hbm>>
    tpu.wait_indirect_dma semaphore(%arg29 : memref<!tpu.dma_semaphore, #tpu.memory_space<semaphore_mem>>) src(%dma_wait3A_132 : memref<50000x32xf32, #tpu.memory_space<hbm>>) dst(%dma_wait3A_129 : memref<80x32xf32, #tpu.memory_space<vmem>>)
    %dma_wait3A_133 = arith.constant 0 : i32
    %dma_wait3A_134 = arith.constant 0 : i32
    %dma_wait3A_135 = arith.constant 0 : i32
    %dma_wait3A_136 = tpu.memref_slice %arg21[%dma_wait3A_133, %dma_wait3A_134, %dma_wait3A_135] : memref<2x80x32xf32, #tpu.memory_space<vmem>> -> memref<1x80x32xf32, #tpu.memory_space<vmem>>
    %dma_wait3A_137 = tpu.memref_squeeze %dma_wait3A_136 : memref<1x80x32xf32, #tpu.memory_space<vmem>> -> memref<80x32xf32, #tpu.memory_space<vmem>>
    %dma_wait3A_138 = arith.constant 0 : i32
    %dma_wait3A_139 = arith.constant 0 : i32
    %dma_wait3A_140 = tpu.memref_slice %arg5[%dma_wait3A_138, %dma_wait3A_139] : memref<50000x32xf32, #tpu.memory_space<hbm>> -> memref<50000x32xf32, #tpu.memory_space<hbm>>
    tpu.wait_indirect_dma semaphore(%arg29 : memref<!tpu.dma_semaphore, #tpu.memory_space<semaphore_mem>>) src(%dma_wait3A_140 : memref<50000x32xf32, #tpu.memory_space<hbm>>) dst(%dma_wait3A_137 : memref<80x32xf32, #tpu.memory_space<vmem>>)
    %dma_wait3A_141 = arith.constant 0 : i32
    %dma_wait3A_142 = arith.constant 0 : i32
    %dma_wait3A_143 = arith.constant 0 : i32
    %dma_wait3A_144 = tpu.memref_slice %arg22[%dma_wait3A_141, %dma_wait3A_142, %dma_wait3A_143] : memref<2x80x32xf32, #tpu.memory_space<vmem>> -> memref<1x80x32xf32, #tpu.memory_space<vmem>>
    %dma_wait3A_145 = tpu.memref_squeeze %dma_wait3A_144 : memref<1x80x32xf32, #tpu.memory_space<vmem>> -> memref<80x32xf32, #tpu.memory_space<vmem>>
    %dma_wait3A_146 = arith.constant 0 : i32
    %dma_wait3A_147 = arith.constant 0 : i32
    %dma_wait3A_148 = tpu.memref_slice %arg6[%dma_wait3A_146, %dma_wait3A_147] : memref<50000x32xf32, #tpu.memory_space<hbm>> -> memref<50000x32xf32, #tpu.memory_space<hbm>>
    tpu.wait_indirect_dma semaphore(%arg29 : memref<!tpu.dma_semaphore, #tpu.memory_space<semaphore_mem>>) src(%dma_wait3A_148 : memref<50000x32xf32, #tpu.memory_space<hbm>>) dst(%dma_wait3A_145 : memref<80x32xf32, #tpu.memory_space<vmem>>)
    %get3A_149 = arith.constant 0 : index
    %get3A_150 = tpu.vector_load %arg13[%get3A_149] {strides = array<i32>} : memref<80xi32, #tpu.memory_space<vmem>>, vector<16xi32>,
    %get3A_151 = vector.shape_cast %get3A_150 : vector<16xi32> to vector<16xi32>
    %swap3A = arith.constant 0 : index
    %swap3A_152 = tpu.vector_load %arg15[%swap3A] {strides = array<i32>} : memref<80xi32, #tpu.memory_space<vmem>>, vector<16xi32>,
    %swap3A_153 = vector.shape_cast %swap3A_152 : vector<16xi32> to vector<16xi32>
    %swap3A_154 = vector.shape_cast %get3A_151 : vector<16xi32> to vector<16xi32>
    tpu.vector_store %arg15[%swap3A], %swap3A_154 {strides = array<i32>} : memref<80xi32, #tpu.memory_space<vmem>>, vector<16xi32>,
    %get3A_155 = arith.constant 16 : index
    %get3A_156 = tpu.vector_load %arg13[%get3A_155] {strides = array<i32>} : memref<80xi32, #tpu.memory_space<vmem>>, vector<16xi32>,
    %get3A_157 = vector.shape_cast %get3A_156 : vector<16xi32> to vector<16xi32>
    %swap3A_158 = arith.constant 16 : index
    %swap3A_159 = tpu.vector_load %arg15[%swap3A_158] {strides = array<i32>} : memref<80xi32, #tpu.memory_space<vmem>>, vector<16xi32>,
    %swap3A_160 = vector.shape_cast %swap3A_159 : vector<16xi32> to vector<16xi32>
    %swap3A_161 = vector.shape_cast %get3A_157 : vector<16xi32> to vector<16xi32>
    tpu.vector_store %arg15[%swap3A_158], %swap3A_161 {strides = array<i32>} : memref<80xi32, #tpu.memory_space<vmem>>, vector<16xi32>,
    %get3A_162 = arith.constant 32 : index
    %get3A_163 = tpu.vector_load %arg13[%get3A_162] {strides = array<i32>} : memref<80xi32, #tpu.memory_space<vmem>>, vector<16xi32>,
    %get3A_164 = vector.shape_cast %get3A_163 : vector<16xi32> to vector<16xi32>
    %swap3A_165 = arith.constant 32 : index
    %swap3A_166 = tpu.vector_load %arg15[%swap3A_165] {strides = array<i32>} : memref<80xi32, #tpu.memory_space<vmem>>, vector<16xi32>,
    %swap3A_167 = vector.shape_cast %swap3A_166 : vector<16xi32> to vector<16xi32>
    %swap3A_168 = vector.shape_cast %get3A_164 : vector<16xi32> to vector<16xi32>
    tpu.vector_store %arg15[%swap3A_165], %swap3A_168 {strides = array<i32>} : memref<80xi32, #tpu.memory_space<vmem>>, vector<16xi32>,
    %get3A_169 = arith.constant 48 : index
    %get3A_170 = tpu.vector_load %arg13[%get3A_169] {strides = array<i32>} : memref<80xi32, #tpu.memory_space<vmem>>, vector<16xi32>,
    %get3A_171 = vector.shape_cast %get3A_170 : vector<16xi32> to vector<16xi32>
    %swap3A_172 = arith.constant 48 : index
    %swap3A_173 = tpu.vector_load %arg15[%swap3A_172] {strides = array<i32>} : memref<80xi32, #tpu.memory_space<vmem>>, vector<16xi32>,
    %swap3A_174 = vector.shape_cast %swap3A_173 : vector<16xi32> to vector<16xi32>
    %swap3A_175 = vector.shape_cast %get3A_171 : vector<16xi32> to vector<16xi32>
    tpu.vector_store %arg15[%swap3A_172], %swap3A_175 {strides = array<i32>} : memref<80xi32, #tpu.memory_space<vmem>>, vector<16xi32>,
    %get3A_176 = arith.constant 64 : index
    %get3A_177 = tpu.vector_load %arg13[%get3A_176] {strides = array<i32>} : memref<80xi32, #tpu.memory_space<vmem>>, vector<16xi32>,
    %get3A_178 = vector.shape_cast %get3A_177 : vector<16xi32> to vector<16xi32>
    %swap3A_179 = arith.constant 64 : index
    %swap3A_180 = tpu.vector_load %arg15[%swap3A_179] {strides = array<i32>} : memref<80xi32, #tpu.memory_space<vmem>>, vector<16xi32>,
    %swap3A_181 = vector.shape_cast %swap3A_180 : vector<16xi32> to vector<16xi32>
    %swap3A_182 = vector.shape_cast %get3A_178 : vector<16xi32> to vector<16xi32>
    tpu.vector_store %arg15[%swap3A_179], %swap3A_182 {strides = array<i32>} : memref<80xi32, #tpu.memory_space<vmem>>, vector<16xi32>,
    %scan3A_183 = arith.constant 0 : i32
    %scan3A_184 = arith.constant 80 : i32
    %scan3A_185 = arith.addi %scan3A_183, %scan3A_184 : i32
    %scan3A_186 = arith.constant 8 : i32
    scf.for %scan3A_199 = %scan3A_183 to %scan3A_185 step %scan3A_186  : i32 {
      %mul3A_200 = arith.constant 1 : i32
      %mul3A_201 = arith.muli %scan3A_199, %mul3A_200 : i32
      %add3A_202 = arith.constant 0 : i32
      %add3A_203 = arith.addi %add3A_202, %mul3A_201 : i32
      %get3A_204 = arith.constant 0 : i32
      %get3A_205 = arith.index_cast %get3A_204 : i32 to index
      %get3A_206 = arith.index_cast %add3A_203 : i32 to index
      %get3A_207 = arith.constant 0 : index
      %get3A_208 = tpu.vector_load %arg17[%get3A_205, %get3A_206, %get3A_207] {strides = array<i32>} : memref<2x80x16xf32, #tpu.memory_space<vmem>>, vector<1x1x16xf32>,
      %get3A_209 = vector.shape_cast %get3A_208 : vector<1x1x16xf32> to vector<16xf32>
      %get3A_210 = arith.constant 0 : i32
      %get3A_211 = arith.index_cast %get3A_210 : i32 to index
      %get3A_212 = arith.index_cast %add3A_203 : i32 to index
      %get3A_213 = arith.constant 0 : index
      %get3A_214 = tpu.vector_load %arg18[%get3A_211, %get3A_212, %get3A_213] {strides = array<i32>} : memref<2x80x16xf32, #tpu.memory_space<vmem>>, vector<1x1x16xf32>,
      %get3A_215 = vector.shape_cast %get3A_214 : vector<1x1x16xf32> to vector<16xf32>
      %sub3A = arith.subf %get3A_209, %get3A_215 : vector<16xf32>
      %mul3A_216 = arith.mulf %sub3A, %sub3A : vector<16xf32>
      %broadcast_in_dim3A_217 = vector.shape_cast %broadcast_in_dim3A_21 : vector<16xi32> to vector<16x1xi32>
      %gather3A = vector.shape_cast %broadcast_in_dim3A_217 : vector<16x1xi32> to vector<16xi32>
      %gather3A_218 = tpu.dynamic_gather %mul3A_216[%gather3A] in [0] : vector<16xf32>, vector<16xi32> -> vector<16xf32>
      %broadcast_in_dim3A_219 = vector.shape_cast %broadcast_in_dim3A_23 : vector<16xi32> to vector<16x1xi32>
      %gather3A_220 = vector.shape_cast %broadcast_in_dim3A_219 : vector<16x1xi32> to vector<16xi32>
      %gather3A_221 = tpu.dynamic_gather %mul3A_216[%gather3A_220] in [0] : vector<16xf32>, vector<16xi32> -> vector<16xf32>
      %add3A_222 = arith.addf %gather3A_218, %gather3A_221 : vector<16xf32>
      %broadcast_in_dim3A_223 = vector.shape_cast %broadcast_in_dim3A_25 : vector<16xi32> to vector<16x1xi32>
      %gather3A_224 = vector.shape_cast %broadcast_in_dim3A_223 : vector<16x1xi32> to vector<16xi32>
      %gather3A_225 = tpu.dynamic_gather %mul3A_216[%gather3A_224] in [0] : vector<16xf32>, vector<16xi32> -> vector<16xf32>
      %add3A_226 = arith.addf %add3A_222, %gather3A_225 : vector<16xf32>
      %mul3A_227 = arith.mulf %get3A_15, %add3A_226 : vector<16xf32>
      %neg3A = arith.constant 0.000000e+00 : f32
      %neg3A_228 = vector.broadcast %neg3A : f32 to vector<16xf32>
      %neg3A_229 = arith.subf %neg3A_228, %mul3A_227 : vector<16xf32>
      %exp3A = math.exp %neg3A_229 : vector<16xf32>
      %mul3A_230 = arith.mulf %get3A_20, %add3A_226 : vector<16xf32>
      %neg3A_231 = arith.constant 0.000000e+00 : f32
      %neg3A_232 = vector.broadcast %neg3A_231 : f32 to vector<16xf32>
      %neg3A_233 = arith.subf %neg3A_232, %mul3A_230 : vector<16xf32>
      %exp3A_234 = math.exp %neg3A_233 : vector<16xf32>
      %get3A_235 = arith.constant 0 : i32
      %get3A_236 = arith.index_cast %get3A_235 : i32 to index
      %get3A_237 = arith.index_cast %add3A_203 : i32 to index
      %get3A_238 = arith.constant 0 : index
      %get3A_239 = tpu.vector_load %arg19[%get3A_236, %get3A_237, %get3A_238] {strides = array<i32>} : memref<2x80x32xf32, #tpu.memory_space<vmem>>, vector<1x1x16xf32>,
      %get3A_240 = vector.shape_cast %get3A_239 : vector<1x1x16xf32> to vector<16xf32>
      %get3A_241 = arith.constant 0 : i32
      %get3A_242 = arith.index_cast %get3A_241 : i32 to index
      %get3A_243 = arith.index_cast %add3A_203 : i32 to index
      %get3A_244 = arith.constant 16 : index
      %get3A_245 = tpu.vector_load %arg19[%get3A_242, %get3A_243, %get3A_244] {strides = array<i32>} : memref<2x80x32xf32, #tpu.memory_space<vmem>>, vector<1x1x16xf32>,
      %get3A_246 = vector.shape_cast %get3A_245 : vector<1x1x16xf32> to vector<16xf32>
      %get3A_247 = arith.constant 0 : i32
      %get3A_248 = arith.index_cast %get3A_247 : i32 to index
      %get3A_249 = arith.index_cast %add3A_203 : i32 to index
      %get3A_250 = arith.constant 0 : index
      %get3A_251 = tpu.vector_load %arg20[%get3A_248, %get3A_249, %get3A_250] {strides = array<i32>} : memref<2x80x32xf32, #tpu.memory_space<vmem>>, vector<1x1x16xf32>,
      %get3A_252 = vector.shape_cast %get3A_251 : vector<1x1x16xf32> to vector<16xf32>
      %get3A_253 = arith.constant 0 : i32
      %get3A_254 = arith.index_cast %get3A_253 : i32 to index
      %get3A_255 = arith.index_cast %add3A_203 : i32 to index
      %get3A_256 = arith.constant 16 : index
      %get3A_257 = tpu.vector_load %arg20[%get3A_254, %get3A_255, %get3A_256] {strides = array<i32>} : memref<2x80x32xf32, #tpu.memory_space<vmem>>, vector<1x1x16xf32>,
      %get3A_258 = vector.shape_cast %get3A_257 : vector<1x1x16xf32> to vector<16xf32>
      %get3A_259 = arith.constant 0 : i32
      %get3A_260 = arith.index_cast %get3A_259 : i32 to index
      %get3A_261 = arith.index_cast %add3A_203 : i32 to index
      %get3A_262 = arith.constant 0 : index
      %get3A_263 = tpu.vector_load %arg21[%get3A_260, %get3A_261, %get3A_262] {strides = array<i32>} : memref<2x80x32xf32, #tpu.memory_space<vmem>>, vector<1x1x16xf32>,
      %get3A_264 = vector.shape_cast %get3A_263 : vector<1x1x16xf32> to vector<16xf32>
      %get3A_265 = arith.constant 0 : i32
      %get3A_266 = arith.index_cast %get3A_265 : i32 to index
      %get3A_267 = arith.index_cast %add3A_203 : i32 to index
      %get3A_268 = arith.constant 16 : index
      %get3A_269 = tpu.vector_load %arg21[%get3A_266, %get3A_267, %get3A_268] {strides = array<i32>} : memref<2x80x32xf32, #tpu.memory_space<vmem>>, vector<1x1x16xf32>,
      %get3A_270 = vector.shape_cast %get3A_269 : vector<1x1x16xf32> to vector<16xf32>
      %get3A_271 = arith.constant 0 : i32
      %get3A_272 = arith.index_cast %get3A_271 : i32 to index
      %get3A_273 = arith.index_cast %add3A_203 : i32 to index
      %get3A_274 = arith.constant 0 : index
      %get3A_275 = tpu.vector_load %arg22[%get3A_272, %get3A_273, %get3A_274] {strides = array<i32>} : memref<2x80x32xf32, #tpu.memory_space<vmem>>, vector<1x1x16xf32>,
      %get3A_276 = vector.shape_cast %get3A_275 : vector<1x1x16xf32> to vector<16xf32>
      %get3A_277 = arith.constant 0 : i32
      %get3A_278 = arith.index_cast %get3A_277 : i32 to index
      %get3A_279 = arith.index_cast %add3A_203 : i32 to index
      %get3A_280 = arith.constant 16 : index
      %get3A_281 = tpu.vector_load %arg22[%get3A_278, %get3A_279, %get3A_280] {strides = array<i32>} : memref<2x80x32xf32, #tpu.memory_space<vmem>>, vector<1x1x16xf32>,
      %get3A_282 = vector.shape_cast %get3A_281 : vector<1x1x16xf32> to vector<16xf32>
      %mul3A_283 = arith.mulf %get3A_240, %get3A_264 : vector<16xf32>
      %mul3A_284 = arith.mulf %get3A_252, %get3A_276 : vector<16xf32>
      %sub3A_285 = arith.subf %mul3A_283, %mul3A_284 : vector<16xf32>
      %mul3A_286 = arith.mulf %exp3A, %sub3A_285 : vector<16xf32>
      %swap3A_287 = arith.index_cast %add3A_203 : i32 to index
      %swap3A_288 = arith.constant 0 : index
      %swap3A_289 = tpu.vector_load %arg23[%swap3A_287, %swap3A_288] {strides = array<i32>} : memref<80x32xf32, #tpu.memory_space<vmem>>, vector<1x16xf32>,
      %swap3A_290 = vector.shape_cast %swap3A_289 : vector<1x16xf32> to vector<16xf32>
      %swap3A_291 = vector.shape_cast %mul3A_286 : vector<16xf32> to vector<1x16xf32>
      tpu.vector_store %arg23[%swap3A_287, %swap3A_288], %swap3A_291 {strides = array<i32>} : memref<80x32xf32, #tpu.memory_space<vmem>>, vector<1x16xf32>,
      %mul3A_292 = arith.mulf %get3A_246, %get3A_270 : vector<16xf32>
      %mul3A_293 = arith.mulf %get3A_258, %get3A_282 : vector<16xf32>
      %sub3A_294 = arith.subf %mul3A_292, %mul3A_293 : vector<16xf32>
      %mul3A_295 = arith.mulf %exp3A_234, %sub3A_294 : vector<16xf32>
      %swap3A_296 = arith.index_cast %add3A_203 : i32 to index
      %swap3A_297 = arith.constant 16 : index
      %swap3A_298 = tpu.vector_load %arg23[%swap3A_296, %swap3A_297] {strides = array<i32>} : memref<80x32xf32, #tpu.memory_space<vmem>>, vector<1x16xf32>,
      %swap3A_299 = vector.shape_cast %swap3A_298 : vector<1x16xf32> to vector<16xf32>
      %swap3A_300 = vector.shape_cast %mul3A_295 : vector<16xf32> to vector<1x16xf32>
      tpu.vector_store %arg23[%swap3A_296, %swap3A_297], %swap3A_300 {strides = array<i32>} : memref<80x32xf32, #tpu.memory_space<vmem>>, vector<1x16xf32>,
      %scan3A_301 = arith.constant 1 : i32
      %scan3A_302 = arith.addi %scan3A_199, %scan3A_301 : i32
      %mul3A_303 = arith.constant 1 : i32
      %mul3A_304 = arith.muli %scan3A_302, %mul3A_303 : i32
      %add3A_305 = arith.constant 0 : i32
      %add3A_306 = arith.addi %add3A_305, %mul3A_304 : i32
      %get3A_307 = arith.constant 0 : i32
      %get3A_308 = arith.index_cast %get3A_307 : i32 to index
      %get3A_309 = arith.index_cast %add3A_306 : i32 to index
      %get3A_310 = arith.constant 0 : index
      %get3A_311 = tpu.vector_load %arg17[%get3A_308, %get3A_309, %get3A_310] {strides = array<i32>} : memref<2x80x16xf32, #tpu.memory_space<vmem>>, vector<1x1x16xf32>,
      %get3A_312 = vector.shape_cast %get3A_311 : vector<1x1x16xf32> to vector<16xf32>
      %get3A_313 = arith.constant 0 : i32
      %get3A_314 = arith.index_cast %get3A_313 : i32 to index
      %get3A_315 = arith.index_cast %add3A_306 : i32 to index
      %get3A_316 = arith.constant 0 : index
      %get3A_317 = tpu.vector_load %arg18[%get3A_314, %get3A_315, %get3A_316] {strides = array<i32>} : memref<2x80x16xf32, #tpu.memory_space<vmem>>, vector<1x1x16xf32>,
      %get3A_318 = vector.shape_cast %get3A_317 : vector<1x1x16xf32> to vector<16xf32>
      %sub3A_319 = arith.subf %get3A_312, %get3A_318 : vector<16xf32>
      %mul3A_320 = arith.mulf %sub3A_319, %sub3A_319 : vector<16xf32>
      %broadcast_in_dim3A_321 = vector.shape_cast %broadcast_in_dim3A_21 : vector<16xi32> to vector<16x1xi32>
      %gather3A_322 = vector.shape_cast %broadcast_in_dim3A_321 : vector<16x1xi32> to vector<16xi32>
      %gather3A_323 = tpu.dynamic_gather %mul3A_320[%gather3A_322] in [0] : vector<16xf32>, vector<16xi32> -> vector<16xf32>
      %broadcast_in_dim3A_324 = vector.shape_cast %broadcast_in_dim3A_23 : vector<16xi32> to vector<16x1xi32>
      %gather3A_325 = vector.shape_cast %broadcast_in_dim3A_324 : vector<16x1xi32> to vector<16xi32>
      %gather3A_326 = tpu.dynamic_gather %mul3A_320[%gather3A_325] in [0] : vector<16xf32>, vector<16xi32> -> vector<16xf32>
      %add3A_327 = arith.addf %gather3A_323, %gather3A_326 : vector<16xf32>
      %broadcast_in_dim3A_328 = vector.shape_cast %broadcast_in_dim3A_25 : vector<16xi32> to vector<16x1xi32>
      %gather3A_329 = vector.shape_cast %broadcast_in_dim3A_328 : vector<16x1xi32> to vector<16xi32>
      %gather3A_330 = tpu.dynamic_gather %mul3A_320[%gather3A_329] in [0] : vector<16xf32>, vector<16xi32> -> vector<16xf32>
      %add3A_331 = arith.addf %add3A_327, %gather3A_330 : vector<16xf32>
      %mul3A_332 = arith.mulf %get3A_15, %add3A_331 : vector<16xf32>
      %neg3A_333 = arith.constant 0.000000e+00 : f32
      %neg3A_334 = vector.broadcast %neg3A_333 : f32 to vector<16xf32>
      %neg3A_335 = arith.subf %neg3A_334, %mul3A_332 : vector<16xf32>
      %exp3A_336 = math.exp %neg3A_335 : vector<16xf32>
      %mul3A_337 = arith.mulf %get3A_20, %add3A_331 : vector<16xf32>
      %neg3A_338 = arith.constant 0.000000e+00 : f32
      %neg3A_339 = vector.broadcast %neg3A_338 : f32 to vector<16xf32>
      %neg3A_340 = arith.subf %neg3A_339, %mul3A_337 : vector<16xf32>
      %exp3A_341 = math.exp %neg3A_340 : vector<16xf32>
      %get3A_342 = arith.constant 0 : i32
      %get3A_343 = arith.index_cast %get3A_342 : i32 to index
      %get3A_344 = arith.index_cast %add3A_306 : i32 to index
      %get3A_345 = arith.constant 0 : index
      %get3A_346 = tpu.vector_load %arg19[%get3A_343, %get3A_344, %get3A_345] {strides = array<i32>} : memref<2x80x32xf32, #tpu.memory_space<vmem>>, vector<1x1x16xf32>,
      %get3A_347 = vector.shape_cast %get3A_346 : vector<1x1x16xf32> to vector<16xf32>
      %get3A_348 = arith.constant 0 : i32
      %get3A_349 = arith.index_cast %get3A_348 : i32 to index
      %get3A_350 = arith.index_cast %add3A_306 : i32 to index
      %get3A_351 = arith.constant 16 : index
      %get3A_352 = tpu.vector_load %arg19[%get3A_349, %get3A_350, %get3A_351] {strides = array<i32>} : memref<2x80x32xf32, #tpu.memory_space<vmem>>, vector<1x1x16xf32>,
      %get3A_353 = vector.shape_cast %get3A_352 : vector<1x1x16xf32> to vector<16xf32>
      %get3A_354 = arith.constant 0 : i32
      %get3A_355 = arith.index_cast %get3A_354 : i32 to index
      %get3A_356 = arith.index_cast %add3A_306 : i32 to index
      %get3A_357 = arith.constant 0 : index
      %get3A_358 = tpu.vector_load %arg20[%get3A_355, %get3A_356, %get3A_357] {strides = array<i32>} : memref<2x80x32xf32, #tpu.memory_space<vmem>>, vector<1x1x16xf32>,
      %get3A_359 = vector.shape_cast %get3A_358 : vector<1x1x16xf32> to vector<16xf32>
      %get3A_360 = arith.constant 0 : i32
      %get3A_361 = arith.index_cast %get3A_360 : i32 to index
      %get3A_362 = arith.index_cast %add3A_306 : i32 to index
      %get3A_363 = arith.constant 16 : index
      %get3A_364 = tpu.vector_load %arg20[%get3A_361, %get3A_362, %get3A_363] {strides = array<i32>} : memref<2x80x32xf32, #tpu.memory_space<vmem>>, vector<1x1x16xf32>,
      %get3A_365 = vector.shape_cast %get3A_364 : vector<1x1x16xf32> to vector<16xf32>
      %get3A_366 = arith.constant 0 : i32
      %get3A_367 = arith.index_cast %get3A_366 : i32 to index
      %get3A_368 = arith.index_cast %add3A_306 : i32 to index
      %get3A_369 = arith.constant 0 : index
      %get3A_370 = tpu.vector_load %arg21[%get3A_367, %get3A_368, %get3A_369] {strides = array<i32>} : memref<2x80x32xf32, #tpu.memory_space<vmem>>, vector<1x1x16xf32>,
      %get3A_371 = vector.shape_cast %get3A_370 : vector<1x1x16xf32> to vector<16xf32>
      %get3A_372 = arith.constant 0 : i32
      %get3A_373 = arith.index_cast %get3A_372 : i32 to index
      %get3A_374 = arith.index_cast %add3A_306 : i32 to index
      %get3A_375 = arith.constant 16 : index
      %get3A_376 = tpu.vector_load %arg21[%get3A_373, %get3A_374, %get3A_375] {strides = array<i32>} : memref<2x80x32xf32, #tpu.memory_space<vmem>>, vector<1x1x16xf32>,
      %get3A_377 = vector.shape_cast %get3A_376 : vector<1x1x16xf32> to vector<16xf32>
      %get3A_378 = arith.constant 0 : i32
      %get3A_379 = arith.index_cast %get3A_378 : i32 to index
      %get3A_380 = arith.index_cast %add3A_306 : i32 to index
      %get3A_381 = arith.constant 0 : index
      %get3A_382 = tpu.vector_load %arg22[%get3A_379, %get3A_380, %get3A_381] {strides = array<i32>} : memref<2x80x32xf32, #tpu.memory_space<vmem>>, vector<1x1x16xf32>,
      %get3A_383 = vector.shape_cast %get3A_382 : vector<1x1x16xf32> to vector<16xf32>
      %get3A_384 = arith.constant 0 : i32
      %get3A_385 = arith.index_cast %get3A_384 : i32 to index
      %get3A_386 = arith.index_cast %add3A_306 : i32 to index
      %get3A_387 = arith.constant 16 : index
      %get3A_388 = tpu.vector_load %arg22[%get3A_385, %get3A_386, %get3A_387] {strides = array<i32>} : memref<2x80x32xf32, #tpu.memory_space<vmem>>, vector<1x1x16xf32>,
      %get3A_389 = vector.shape_cast %get3A_388 : vector<1x1x16xf32> to vector<16xf32>
      %mul3A_390 = arith.mulf %get3A_347, %get3A_371 : vector<16xf32>
      %mul3A_391 = arith.mulf %get3A_359, %get3A_383 : vector<16xf32>
      %sub3A_392 = arith.subf %mul3A_390, %mul3A_391 : vector<16xf32>
      %mul3A_393 = arith.mulf %exp3A_336, %sub3A_392 : vector<16xf32>
      %swap3A_394 = arith.index_cast %add3A_306 : i32 to index
      %swap3A_395 = arith.constant 0 : index
      %swap3A_396 = tpu.vector_load %arg23[%swap3A_394, %swap3A_395] {strides = array<i32>} : memref<80x32xf32, #tpu.memory_space<vmem>>, vector<1x16xf32>,
      %swap3A_397 = vector.shape_cast %swap3A_396 : vector<1x16xf32> to vector<16xf32>
      %swap3A_398 = vector.shape_cast %mul3A_393 : vector<16xf32> to vector<1x16xf32>
      tpu.vector_store %arg23[%swap3A_394, %swap3A_395], %swap3A_398 {strides = array<i32>} : memref<80x32xf32, #tpu.memory_space<vmem>>, vector<1x16xf32>,
      %mul3A_399 = arith.mulf %get3A_353, %get3A_377 : vector<16xf32>
      %mul3A_400 = arith.mulf %get3A_365, %get3A_389 : vector<16xf32>
      %sub3A_401 = arith.subf %mul3A_399, %mul3A_400 : vector<16xf32>
      %mul3A_402 = arith.mulf %exp3A_341, %sub3A_401 : vector<16xf32>
      %swap3A_403 = arith.index_cast %add3A_306 : i32 to index
      %swap3A_404 = arith.constant 16 : index
      %swap3A_405 = tpu.vector_load %arg23[%swap3A_403, %swap3A_404] {strides = array<i32>} : memref<80x32xf32, #tpu.memory_space<vmem>>, vector<1x16xf32>,
      %swap3A_406 = vector.shape_cast %swap3A_405 : vector<1x16xf32> to vector<16xf32>
      %swap3A_407 = vector.shape_cast %mul3A_402 : vector<16xf32> to vector<1x16xf32>
      tpu.vector_store %arg23[%swap3A_403, %swap3A_404], %swap3A_407 {strides = array<i32>} : memref<80x32xf32, #tpu.memory_space<vmem>>, vector<1x16xf32>,
      %scan3A_408 = arith.constant 2 : i32
      %scan3A_409 = arith.addi %scan3A_199, %scan3A_408 : i32
      %mul3A_410 = arith.constant 1 : i32
      %mul3A_411 = arith.muli %scan3A_409, %mul3A_410 : i32
      %add3A_412 = arith.constant 0 : i32
      %add3A_413 = arith.addi %add3A_412, %mul3A_411 : i32
      %get3A_414 = arith.constant 0 : i32
      %get3A_415 = arith.index_cast %get3A_414 : i32 to index
      %get3A_416 = arith.index_cast %add3A_413 : i32 to index
      %get3A_417 = arith.constant 0 : index
      %get3A_418 = tpu.vector_load %arg17[%get3A_415, %get3A_416, %get3A_417] {strides = array<i32>} : memref<2x80x16xf32, #tpu.memory_space<vmem>>, vector<1x1x16xf32>,
      %get3A_419 = vector.shape_cast %get3A_418 : vector<1x1x16xf32> to vector<16xf32>
      %get3A_420 = arith.constant 0 : i32
      %get3A_421 = arith.index_cast %get3A_420 : i32 to index
      %get3A_422 = arith.index_cast %add3A_413 : i32 to index
      %get3A_423 = arith.constant 0 : index
      %get3A_424 = tpu.vector_load %arg18[%get3A_421, %get3A_422, %get3A_423] {strides = array<i32>} : memref<2x80x16xf32, #tpu.memory_space<vmem>>, vector<1x1x16xf32>,
      %get3A_425 = vector.shape_cast %get3A_424 : vector<1x1x16xf32> to vector<16xf32>
      %sub3A_426 = arith.subf %get3A_419, %get3A_425 : vector<16xf32>
      %mul3A_427 = arith.mulf %sub3A_426, %sub3A_426 : vector<16xf32>
      %broadcast_in_dim3A_428 = vector.shape_cast %broadcast_in_dim3A_21 : vector<16xi32> to vector<16x1xi32>
      %gather3A_429 = vector.shape_cast %broadcast_in_dim3A_428 : vector<16x1xi32> to vector<16xi32>
      %gather3A_430 = tpu.dynamic_gather %mul3A_427[%gather3A_429] in [0] : vector<16xf32>, vector<16xi32> -> vector<16xf32>
      %broadcast_in_dim3A_431 = vector.shape_cast %broadcast_in_dim3A_23 : vector<16xi32> to vector<16x1xi32>
      %gather3A_432 = vector.shape_cast %broadcast_in_dim3A_431 : vector<16x1xi32> to vector<16xi32>
      %gather3A_433 = tpu.dynamic_gather %mul3A_427[%gather3A_432] in [0] : vector<16xf32>, vector<16xi32> -> vector<16xf32>
      %add3A_434 = arith.addf %gather3A_430, %gather3A_433 : vector<16xf32>
      %broadcast_in_dim3A_435 = vector.shape_cast %broadcast_in_dim3A_25 : vector<16xi32> to vector<16x1xi32>
      %gather3A_436 = vector.shape_cast %broadcast_in_dim3A_435 : vector<16x1xi32> to vector<16xi32>
      %gather3A_437 = tpu.dynamic_gather %mul3A_427[%gather3A_436] in [0] : vector<16xf32>, vector<16xi32> -> vector<16xf32>
      %add3A_438 = arith.addf %add3A_434, %gather3A_437 : vector<16xf32>
      %mul3A_439 = arith.mulf %get3A_15, %add3A_438 : vector<16xf32>
      %neg3A_440 = arith.constant 0.000000e+00 : f32
      %neg3A_441 = vector.broadcast %neg3A_440 : f32 to vector<16xf32>
      %neg3A_442 = arith.subf %neg3A_441, %mul3A_439 : vector<16xf32>
      %exp3A_443 = math.exp %neg3A_442 : vector<16xf32>
      %mul3A_444 = arith.mulf %get3A_20, %add3A_438 : vector<16xf32>
      %neg3A_445 = arith.constant 0.000000e+00 : f32
      %neg3A_446 = vector.broadcast %neg3A_445 : f32 to vector<16xf32>
      %neg3A_447 = arith.subf %neg3A_446, %mul3A_444 : vector<16xf32>
      %exp3A_448 = math.exp %neg3A_447 : vector<16xf32>
      %get3A_449 = arith.constant 0 : i32
      %get3A_450 = arith.index_cast %get3A_449 : i32 to index
      %get3A_451 = arith.index_cast %add3A_413 : i32 to index
      %get3A_452 = arith.constant 0 : index
      %get3A_453 = tpu.vector_load %arg19[%get3A_450, %get3A_451, %get3A_452] {strides = array<i32>} : memref<2x80x32xf32, #tpu.memory_space<vmem>>, vector<1x1x16xf32>,
      %get3A_454 = vector.shape_cast %get3A_453 : vector<1x1x16xf32> to vector<16xf32>
      %get3A_455 = arith.constant 0 : i32
      %get3A_456 = arith.index_cast %get3A_455 : i32 to index
      %get3A_457 = arith.index_cast %add3A_413 : i32 to index
      %get3A_458 = arith.constant 16 : index
      %get3A_459 = tpu.vector_load %arg19[%get3A_456, %get3A_457, %get3A_458] {strides = array<i32>} : memref<2x80x32xf32, #tpu.memory_space<vmem>>, vector<1x1x16xf32>,
      %get3A_460 = vector.shape_cast %get3A_459 : vector<1x1x16xf32> to vector<16xf32>
      %get3A_461 = arith.constant 0 : i32
      %get3A_462 = arith.index_cast %get3A_461 : i32 to index
      %get3A_463 = arith.index_cast %add3A_413 : i32 to index
      %get3A_464 = arith.constant 0 : index
      %get3A_465 = tpu.vector_load %arg20[%get3A_462, %get3A_463, %get3A_464] {strides = array<i32>} : memref<2x80x32xf32, #tpu.memory_space<vmem>>, vector<1x1x16xf32>,
      %get3A_466 = vector.shape_cast %get3A_465 : vector<1x1x16xf32> to vector<16xf32>
      %get3A_467 = arith.constant 0 : i32
      %get3A_468 = arith.index_cast %get3A_467 : i32 to index
      %get3A_469 = arith.index_cast %add3A_413 : i32 to index
      %get3A_470 = arith.constant 16 : index
      %get3A_471 = tpu.vector_load %arg20[%get3A_468, %get3A_469, %get3A_470] {strides = array<i32>} : memref<2x80x32xf32, #tpu.memory_space<vmem>>, vector<1x1x16xf32>,
      %get3A_472 = vector.shape_cast %get3A_471 : vector<1x1x16xf32> to vector<16xf32>
      %get3A_473 = arith.constant 0 : i32
      %get3A_474 = arith.index_cast %get3A_473 : i32 to index
      %get3A_475 = arith.index_cast %add3A_413 : i32 to index
      %get3A_476 = arith.constant 0 : index
      %get3A_477 = tpu.vector_load %arg21[%get3A_474, %get3A_475, %get3A_476] {strides = array<i32>} : memref<2x80x32xf32, #tpu.memory_space<vmem>>, vector<1x1x16xf32>,
      %get3A_478 = vector.shape_cast %get3A_477 : vector<1x1x16xf32> to vector<16xf32>
      %get3A_479 = arith.constant 0 : i32
      %get3A_480 = arith.index_cast %get3A_479 : i32 to index
      %get3A_481 = arith.index_cast %add3A_413 : i32 to index
      %get3A_482 = arith.constant 16 : index
      %get3A_483 = tpu.vector_load %arg21[%get3A_480, %get3A_481, %get3A_482] {strides = array<i32>} : memref<2x80x32xf32, #tpu.memory_space<vmem>>, vector<1x1x16xf32>,
      %get3A_484 = vector.shape_cast %get3A_483 : vector<1x1x16xf32> to vector<16xf32>
      %get3A_485 = arith.constant 0 : i32
      %get3A_486 = arith.index_cast %get3A_485 : i32 to index
      %get3A_487 = arith.index_cast %add3A_413 : i32 to index
      %get3A_488 = arith.constant 0 : index
      %get3A_489 = tpu.vector_load %arg22[%get3A_486, %get3A_487, %get3A_488] {strides = array<i32>} : memref<2x80x32xf32, #tpu.memory_space<vmem>>, vector<1x1x16xf32>,
      %get3A_490 = vector.shape_cast %get3A_489 : vector<1x1x16xf32> to vector<16xf32>
      %get3A_491 = arith.constant 0 : i32
      %get3A_492 = arith.index_cast %get3A_491 : i32 to index
      %get3A_493 = arith.index_cast %add3A_413 : i32 to index
      %get3A_494 = arith.constant 16 : index
      %get3A_495 = tpu.vector_load %arg22[%get3A_492, %get3A_493, %get3A_494] {strides = array<i32>} : memref<2x80x32xf32, #tpu.memory_space<vmem>>, vector<1x1x16xf32>,
      %get3A_496 = vector.shape_cast %get3A_495 : vector<1x1x16xf32> to vector<16xf32>
      %mul3A_497 = arith.mulf %get3A_454, %get3A_478 : vector<16xf32>
      %mul3A_498 = arith.mulf %get3A_466, %get3A_490 : vector<16xf32>
      %sub3A_499 = arith.subf %mul3A_497, %mul3A_498 : vector<16xf32>
      %mul3A_500 = arith.mulf %exp3A_443, %sub3A_499 : vector<16xf32>
      %swap3A_501 = arith.index_cast %add3A_413 : i32 to index
      %swap3A_502 = arith.constant 0 : index
      %swap3A_503 = tpu.vector_load %arg23[%swap3A_501, %swap3A_502] {strides = array<i32>} : memref<80x32xf32, #tpu.memory_space<vmem>>, vector<1x16xf32>,
      %swap3A_504 = vector.shape_cast %swap3A_503 : vector<1x16xf32> to vector<16xf32>
      %swap3A_505 = vector.shape_cast %mul3A_500 : vector<16xf32> to vector<1x16xf32>
      tpu.vector_store %arg23[%swap3A_501, %swap3A_502], %swap3A_505 {strides = array<i32>} : memref<80x32xf32, #tpu.memory_space<vmem>>, vector<1x16xf32>,
      %mul3A_506 = arith.mulf %get3A_460, %get3A_484 : vector<16xf32>
      %mul3A_507 = arith.mulf %get3A_472, %get3A_496 : vector<16xf32>
      %sub3A_508 = arith.subf %mul3A_506, %mul3A_507 : vector<16xf32>
      %mul3A_509 = arith.mulf %exp3A_448, %sub3A_508 : vector<16xf32>
      %swap3A_510 = arith.index_cast %add3A_413 : i32 to index
      %swap3A_511 = arith.constant 16 : index
      %swap3A_512 = tpu.vector_load %arg23[%swap3A_510, %swap3A_511] {strides = array<i32>} : memref<80x32xf32, #tpu.memory_space<vmem>>, vector<1x16xf32>,
      %swap3A_513 = vector.shape_cast %swap3A_512 : vector<1x16xf32> to vector<16xf32>
      %swap3A_514 = vector.shape_cast %mul3A_509 : vector<16xf32> to vector<1x16xf32>
      tpu.vector_store %arg23[%swap3A_510, %swap3A_511], %swap3A_514 {strides = array<i32>} : memref<80x32xf32, #tpu.memory_space<vmem>>, vector<1x16xf32>,
      %scan3A_515 = arith.constant 3 : i32
      %scan3A_516 = arith.addi %scan3A_199, %scan3A_515 : i32
      %mul3A_517 = arith.constant 1 : i32
      %mul3A_518 = arith.muli %scan3A_516, %mul3A_517 : i32
      %add3A_519 = arith.constant 0 : i32
      %add3A_520 = arith.addi %add3A_519, %mul3A_518 : i32
      %get3A_521 = arith.constant 0 : i32
      %get3A_522 = arith.index_cast %get3A_521 : i32 to index
      %get3A_523 = arith.index_cast %add3A_520 : i32 to index
      %get3A_524 = arith.constant 0 : index
      %get3A_525 = tpu.vector_load %arg17[%get3A_522, %get3A_523, %get3A_524] {strides = array<i32>} : memref<2x80x16xf32, #tpu.memory_space<vmem>>, vector<1x1x16xf32>,
      %get3A_526 = vector.shape_cast %get3A_525 : vector<1x1x16xf32> to vector<16xf32>
      %get3A_527 = arith.constant 0 : i32
      %get3A_528 = arith.index_cast %get3A_527 : i32 to index
      %get3A_529 = arith.index_cast %add3A_520 : i32 to index
      %get3A_530 = arith.constant 0 : index
      %get3A_531 = tpu.vector_load %arg18[%get3A_528, %get3A_529, %get3A_530] {strides = array<i32>} : memref<2x80x16xf32, #tpu.memory_space<vmem>>, vector<1x1x16xf32>,
      %get3A_532 = vector.shape_cast %get3A_531 : vector<1x1x16xf32> to vector<16xf32>
      %sub3A_533 = arith.subf %get3A_526, %get3A_532 : vector<16xf32>
      %mul3A_534 = arith.mulf %sub3A_533, %sub3A_533 : vector<16xf32>
      %broadcast_in_dim3A_535 = vector.shape_cast %broadcast_in_dim3A_21 : vector<16xi32> to vector<16x1xi32>
      %gather3A_536 = vector.shape_cast %broadcast_in_dim3A_535 : vector<16x1xi32> to vector<16xi32>
      %gather3A_537 = tpu.dynamic_gather %mul3A_534[%gather3A_536] in [0] : vector<16xf32>, vector<16xi32> -> vector<16xf32>
      %broadcast_in_dim3A_538 = vector.shape_cast %broadcast_in_dim3A_23 : vector<16xi32> to vector<16x1xi32>
      %gather3A_539 = vector.shape_cast %broadcast_in_dim3A_538 : vector<16x1xi32> to vector<16xi32>
      %gather3A_540 = tpu.dynamic_gather %mul3A_534[%gather3A_539] in [0] : vector<16xf32>, vector<16xi32> -> vector<16xf32>
      %add3A_541 = arith.addf %gather3A_537, %gather3A_540 : vector<16xf32>
      %broadcast_in_dim3A_542 = vector.shape_cast %broadcast_in_dim3A_25 : vector<16xi32> to vector<16x1xi32>
      %gather3A_543 = vector.shape_cast %broadcast_in_dim3A_542 : vector<16x1xi32> to vector<16xi32>
      %gather3A_544 = tpu.dynamic_gather %mul3A_534[%gather3A_543] in [0] : vector<16xf32>, vector<16xi32> -> vector<16xf32>
      %add3A_545 = arith.addf %add3A_541, %gather3A_544 : vector<16xf32>
      %mul3A_546 = arith.mulf %get3A_15, %add3A_545 : vector<16xf32>
      %neg3A_547 = arith.constant 0.000000e+00 : f32
      %neg3A_548 = vector.broadcast %neg3A_547 : f32 to vector<16xf32>
      %neg3A_549 = arith.subf %neg3A_548, %mul3A_546 : vector<16xf32>
      %exp3A_550 = math.exp %neg3A_549 : vector<16xf32>
      %mul3A_551 = arith.mulf %get3A_20, %add3A_545 : vector<16xf32>
      %neg3A_552 = arith.constant 0.000000e+00 : f32
      %neg3A_553 = vector.broadcast %neg3A_552 : f32 to vector<16xf32>
      %neg3A_554 = arith.subf %neg3A_553, %mul3A_551 : vector<16xf32>
      %exp3A_555 = math.exp %neg3A_554 : vector<16xf32>
      %get3A_556 = arith.constant 0 : i32
      %get3A_557 = arith.index_cast %get3A_556 : i32 to index
      %get3A_558 = arith.index_cast %add3A_520 : i32 to index
      %get3A_559 = arith.constant 0 : index
      %get3A_560 = tpu.vector_load %arg19[%get3A_557, %get3A_558, %get3A_559] {strides = array<i32>} : memref<2x80x32xf32, #tpu.memory_space<vmem>>, vector<1x1x16xf32>,
      %get3A_561 = vector.shape_cast %get3A_560 : vector<1x1x16xf32> to vector<16xf32>
      %get3A_562 = arith.constant 0 : i32
      %get3A_563 = arith.index_cast %get3A_562 : i32 to index
      %get3A_564 = arith.index_cast %add3A_520 : i32 to index
      %get3A_565 = arith.constant 16 : index
      %get3A_566 = tpu.vector_load %arg19[%get3A_563, %get3A_564, %get3A_565] {strides = array<i32>} : memref<2x80x32xf32, #tpu.memory_space<vmem>>, vector<1x1x16xf32>,
      %get3A_567 = vector.shape_cast %get3A_566 : vector<1x1x16xf32> to vector<16xf32>
      %get3A_568 = arith.constant 0 : i32
      %get3A_569 = arith.index_cast %get3A_568 : i32 to index
      %get3A_570 = arith.index_cast %add3A_520 : i32 to index
      %get3A_571 = arith.constant 0 : index
      %get3A_572 = tpu.vector_load %arg20[%get3A_569, %get3A_570, %get3A_571] {strides = array<i32>} : memref<2x80x32xf32, #tpu.memory_space<vmem>>, vector<1x1x16xf32>,
      %get3A_573 = vector.shape_cast %get3A_572 : vector<1x1x16xf32> to vector<16xf32>
      %get3A_574 = arith.constant 0 : i32
      %get3A_575 = arith.index_cast %get3A_574 : i32 to index
      %get3A_576 = arith.index_cast %add3A_520 : i32 to index
      %get3A_577 = arith.constant 16 : index
      %get3A_578 = tpu.vector_load %arg20[%get3A_575, %get3A_576, %get3A_577] {strides = array<i32>} : memref<2x80x32xf32, #tpu.memory_space<vmem>>, vector<1x1x16xf32>,
      %get3A_579 = vector.shape_cast %get3A_578 : vector<1x1x16xf32> to vector<16xf32>
      %get3A_580 = arith.constant 0 : i32
      %get3A_581 = arith.index_cast %get3A_580 : i32 to index
      %get3A_582 = arith.index_cast %add3A_520 : i32 to index
      %get3A_583 = arith.constant 0 : index
      %get3A_584 = tpu.vector_load %arg21[%get3A_581, %get3A_582, %get3A_583] {strides = array<i32>} : memref<2x80x32xf32, #tpu.memory_space<vmem>>, vector<1x1x16xf32>,
      %get3A_585 = vector.shape_cast %get3A_584 : vector<1x1x16xf32> to vector<16xf32>
      %get3A_586 = arith.constant 0 : i32
      %get3A_587 = arith.index_cast %get3A_586 : i32 to index
      %get3A_588 = arith.index_cast %add3A_520 : i32 to index
      %get3A_589 = arith.constant 16 : index
      %get3A_590 = tpu.vector_load %arg21[%get3A_587, %get3A_588, %get3A_589] {strides = array<i32>} : memref<2x80x32xf32, #tpu.memory_space<vmem>>, vector<1x1x16xf32>,
      %get3A_591 = vector.shape_cast %get3A_590 : vector<1x1x16xf32> to vector<16xf32>
      %get3A_592 = arith.constant 0 : i32
      %get3A_593 = arith.index_cast %get3A_592 : i32 to index
      %get3A_594 = arith.index_cast %add3A_520 : i32 to index
      %get3A_595 = arith.constant 0 : index
      %get3A_596 = tpu.vector_load %arg22[%get3A_593, %get3A_594, %get3A_595] {strides = array<i32>} : memref<2x80x32xf32, #tpu.memory_space<vmem>>, vector<1x1x16xf32>,
      %get3A_597 = vector.shape_cast %get3A_596 : vector<1x1x16xf32> to vector<16xf32>
      %get3A_598 = arith.constant 0 : i32
      %get3A_599 = arith.index_cast %get3A_598 : i32 to index
      %get3A_600 = arith.index_cast %add3A_520 : i32 to index
      %get3A_601 = arith.constant 16 : index
      %get3A_602 = tpu.vector_load %arg22[%get3A_599, %get3A_600, %get3A_601] {strides = array<i32>} : memref<2x80x32xf32, #tpu.memory_space<vmem>>, vector<1x1x16xf32>,
      %get3A_603 = vector.shape_cast %get3A_602 : vector<1x1x16xf32> to vector<16xf32>
      %mul3A_604 = arith.mulf %get3A_561, %get3A_585 : vector<16xf32>
      %mul3A_605 = arith.mulf %get3A_573, %get3A_597 : vector<16xf32>
      %sub3A_606 = arith.subf %mul3A_604, %mul3A_605 : vector<16xf32>
      %mul3A_607 = arith.mulf %exp3A_550, %sub3A_606 : vector<16xf32>
      %swap3A_608 = arith.index_cast %add3A_520 : i32 to index
      %swap3A_609 = arith.constant 0 : index
      %swap3A_610 = tpu.vector_load %arg23[%swap3A_608, %swap3A_609] {strides = array<i32>} : memref<80x32xf32, #tpu.memory_space<vmem>>, vector<1x16xf32>,
      %swap3A_611 = vector.shape_cast %swap3A_610 : vector<1x16xf32> to vector<16xf32>
      %swap3A_612 = vector.shape_cast %mul3A_607 : vector<16xf32> to vector<1x16xf32>
      tpu.vector_store %arg23[%swap3A_608, %swap3A_609], %swap3A_612 {strides = array<i32>} : memref<80x32xf32, #tpu.memory_space<vmem>>, vector<1x16xf32>,
      %mul3A_613 = arith.mulf %get3A_567, %get3A_591 : vector<16xf32>
      %mul3A_614 = arith.mulf %get3A_579, %get3A_603 : vector<16xf32>
      %sub3A_615 = arith.subf %mul3A_613, %mul3A_614 : vector<16xf32>
      %mul3A_616 = arith.mulf %exp3A_555, %sub3A_615 : vector<16xf32>
      %swap3A_617 = arith.index_cast %add3A_520 : i32 to index
      %swap3A_618 = arith.constant 16 : index
      %swap3A_619 = tpu.vector_load %arg23[%swap3A_617, %swap3A_618] {strides = array<i32>} : memref<80x32xf32, #tpu.memory_space<vmem>>, vector<1x16xf32>,
      %swap3A_620 = vector.shape_cast %swap3A_619 : vector<1x16xf32> to vector<16xf32>
      %swap3A_621 = vector.shape_cast %mul3A_616 : vector<16xf32> to vector<1x16xf32>
      tpu.vector_store %arg23[%swap3A_617, %swap3A_618], %swap3A_621 {strides = array<i32>} : memref<80x32xf32, #tpu.memory_space<vmem>>, vector<1x16xf32>,
      %scan3A_622 = arith.constant 4 : i32
      %scan3A_623 = arith.addi %scan3A_199, %scan3A_622 : i32
      %mul3A_624 = arith.constant 1 : i32
      %mul3A_625 = arith.muli %scan3A_623, %mul3A_624 : i32
      %add3A_626 = arith.constant 0 : i32
      %add3A_627 = arith.addi %add3A_626, %mul3A_625 : i32
      %get3A_628 = arith.constant 0 : i32
      %get3A_629 = arith.index_cast %get3A_628 : i32 to index
      %get3A_630 = arith.index_cast %add3A_627 : i32 to index
      %get3A_631 = arith.constant 0 : index
      %get3A_632 = tpu.vector_load %arg17[%get3A_629, %get3A_630, %get3A_631] {strides = array<i32>} : memref<2x80x16xf32, #tpu.memory_space<vmem>>, vector<1x1x16xf32>,
      %get3A_633 = vector.shape_cast %get3A_632 : vector<1x1x16xf32> to vector<16xf32>
      %get3A_634 = arith.constant 0 : i32
      %get3A_635 = arith.index_cast %get3A_634 : i32 to index
      %get3A_636 = arith.index_cast %add3A_627 : i32 to index
      %get3A_637 = arith.constant 0 : index
      %get3A_638 = tpu.vector_load %arg18[%get3A_635, %get3A_636, %get3A_637] {strides = array<i32>} : memref<2x80x16xf32, #tpu.memory_space<vmem>>, vector<1x1x16xf32>,
      %get3A_639 = vector.shape_cast %get3A_638 : vector<1x1x16xf32> to vector<16xf32>
      %sub3A_640 = arith.subf %get3A_633, %get3A_639 : vector<16xf32>
      %mul3A_641 = arith.mulf %sub3A_640, %sub3A_640 : vector<16xf32>
      %broadcast_in_dim3A_642 = vector.shape_cast %broadcast_in_dim3A_21 : vector<16xi32> to vector<16x1xi32>
      %gather3A_643 = vector.shape_cast %broadcast_in_dim3A_642 : vector<16x1xi32> to vector<16xi32>
      %gather3A_644 = tpu.dynamic_gather %mul3A_641[%gather3A_643] in [0] : vector<16xf32>, vector<16xi32> -> vector<16xf32>
      %broadcast_in_dim3A_645 = vector.shape_cast %broadcast_in_dim3A_23 : vector<16xi32> to vector<16x1xi32>
      %gather3A_646 = vector.shape_cast %broadcast_in_dim3A_645 : vector<16x1xi32> to vector<16xi32>
      %gather3A_647 = tpu.dynamic_gather %mul3A_641[%gather3A_646] in [0] : vector<16xf32>, vector<16xi32> -> vector<16xf32>
      %add3A_648 = arith.addf %gather3A_644, %gather3A_647 : vector<16xf32>
      %broadcast_in_dim3A_649 = vector.shape_cast %broadcast_in_dim3A_25 : vector<16xi32> to vector<16x1xi32>
      %gather3A_650 = vector.shape_cast %broadcast_in_dim3A_649 : vector<16x1xi32> to vector<16xi32>
      %gather3A_651 = tpu.dynamic_gather %mul3A_641[%gather3A_650] in [0] : vector<16xf32>, vector<16xi32> -> vector<16xf32>
      %add3A_652 = arith.addf %add3A_648, %gather3A_651 : vector<16xf32>
      %mul3A_653 = arith.mulf %get3A_15, %add3A_652 : vector<16xf32>
      %neg3A_654 = arith.constant 0.000000e+00 : f32
      %neg3A_655 = vector.broadcast %neg3A_654 : f32 to vector<16xf32>
      %neg3A_656 = arith.subf %neg3A_655, %mul3A_653 : vector<16xf32>
      %exp3A_657 = math.exp %neg3A_656 : vector<16xf32>
      %mul3A_658 = arith.mulf %get3A_20, %add3A_652 : vector<16xf32>
      %neg3A_659 = arith.constant 0.000000e+00 : f32
      %neg3A_660 = vector.broadcast %neg3A_659 : f32 to vector<16xf32>
      %neg3A_661 = arith.subf %neg3A_660, %mul3A_658 : vector<16xf32>
      %exp3A_662 = math.exp %neg3A_661 : vector<16xf32>
      %get3A_663 = arith.constant 0 : i32
      %get3A_664 = arith.index_cast %get3A_663 : i32 to index
      %get3A_665 = arith.index_cast %add3A_627 : i32 to index
      %get3A_666 = arith.constant 0 : index
      %get3A_667 = tpu.vector_load %arg19[%get3A_664, %get3A_665, %get3A_666] {strides = array<i32>} : memref<2x80x32xf32, #tpu.memory_space<vmem>>, vector<1x1x16xf32>,
      %get3A_668 = vector.shape_cast %get3A_667 : vector<1x1x16xf32> to vector<16xf32>
      %get3A_669 = arith.constant 0 : i32
      %get3A_670 = arith.index_cast %get3A_669 : i32 to index
      %get3A_671 = arith.index_cast %add3A_627 : i32 to index
      %get3A_672 = arith.constant 16 : index
      %get3A_673 = tpu.vector_load %arg19[%get3A_670, %get3A_671, %get3A_672] {strides = array<i32>} : memref<2x80x32xf32, #tpu.memory_space<vmem>>, vector<1x1x16xf32>,
      %get3A_674 = vector.shape_cast %get3A_673 : vector<1x1x16xf32> to vector<16xf32>
      %get3A_675 = arith.constant 0 : i32
      %get3A_676 = arith.index_cast %get3A_675 : i32 to index
      %get3A_677 = arith.index_cast %add3A_627 : i32 to index
      %get3A_678 = arith.constant 0 : index
      %get3A_679 = tpu.vector_load %arg20[%get3A_676, %get3A_677, %get3A_678] {strides = array<i32>} : memref<2x80x32xf32, #tpu.memory_space<vmem>>, vector<1x1x16xf32>,
      %get3A_680 = vector.shape_cast %get3A_679 : vector<1x1x16xf32> to vector<16xf32>
      %get3A_681 = arith.constant 0 : i32
      %get3A_682 = arith.index_cast %get3A_681 : i32 to index
      %get3A_683 = arith.index_cast %add3A_627 : i32 to index
      %get3A_684 = arith.constant 16 : index
      %get3A_685 = tpu.vector_load %arg20[%get3A_682, %get3A_683, %get3A_684] {strides = array<i32>} : memref<2x80x32xf32, #tpu.memory_space<vmem>>, vector<1x1x16xf32>,
      %get3A_686 = vector.shape_cast %get3A_685 : vector<1x1x16xf32> to vector<16xf32>
      %get3A_687 = arith.constant 0 : i32
      %get3A_688 = arith.index_cast %get3A_687 : i32 to index
      %get3A_689 = arith.index_cast %add3A_627 : i32 to index
      %get3A_690 = arith.constant 0 : index
      %get3A_691 = tpu.vector_load %arg21[%get3A_688, %get3A_689, %get3A_690] {strides = array<i32>} : memref<2x80x32xf32, #tpu.memory_space<vmem>>, vector<1x1x16xf32>,
      %get3A_692 = vector.shape_cast %get3A_691 : vector<1x1x16xf32> to vector<16xf32>
      %get3A_693 = arith.constant 0 : i32
      %get3A_694 = arith.index_cast %get3A_693 : i32 to index
      %get3A_695 = arith.index_cast %add3A_627 : i32 to index
      %get3A_696 = arith.constant 16 : index
      %get3A_697 = tpu.vector_load %arg21[%get3A_694, %get3A_695, %get3A_696] {strides = array<i32>} : memref<2x80x32xf32, #tpu.memory_space<vmem>>, vector<1x1x16xf32>,
      %get3A_698 = vector.shape_cast %get3A_697 : vector<1x1x16xf32> to vector<16xf32>
      %get3A_699 = arith.constant 0 : i32
      %get3A_700 = arith.index_cast %get3A_699 : i32 to index
      %get3A_701 = arith.index_cast %add3A_627 : i32 to index
      %get3A_702 = arith.constant 0 : index
      %get3A_703 = tpu.vector_load %arg22[%get3A_700, %get3A_701, %get3A_702] {strides = array<i32>} : memref<2x80x32xf32, #tpu.memory_space<vmem>>, vector<1x1x16xf32>,
      %get3A_704 = vector.shape_cast %get3A_703 : vector<1x1x16xf32> to vector<16xf32>
      %get3A_705 = arith.constant 0 : i32
      %get3A_706 = arith.index_cast %get3A_705 : i32 to index
      %get3A_707 = arith.index_cast %add3A_627 : i32 to index
      %get3A_708 = arith.constant 16 : index
      %get3A_709 = tpu.vector_load %arg22[%get3A_706, %get3A_707, %get3A_708] {strides = array<i32>} : memref<2x80x32xf32, #tpu.memory_space<vmem>>, vector<1x1x16xf32>,
      %get3A_710 = vector.shape_cast %get3A_709 : vector<1x1x16xf32> to vector<16xf32>
      %mul3A_711 = arith.mulf %get3A_668, %get3A_692 : vector<16xf32>
      %mul3A_712 = arith.mulf %get3A_680, %get3A_704 : vector<16xf32>
      %sub3A_713 = arith.subf %mul3A_711, %mul3A_712 : vector<16xf32>
      %mul3A_714 = arith.mulf %exp3A_657, %sub3A_713 : vector<16xf32>
      %swap3A_715 = arith.index_cast %add3A_627 : i32 to index
      %swap3A_716 = arith.constant 0 : index
      %swap3A_717 = tpu.vector_load %arg23[%swap3A_715, %swap3A_716] {strides = array<i32>} : memref<80x32xf32, #tpu.memory_space<vmem>>, vector<1x16xf32>,
      %swap3A_718 = vector.shape_cast %swap3A_717 : vector<1x16xf32> to vector<16xf32>
      %swap3A_719 = vector.shape_cast %mul3A_714 : vector<16xf32> to vector<1x16xf32>
      tpu.vector_store %arg23[%swap3A_715, %swap3A_716], %swap3A_719 {strides = array<i32>} : memref<80x32xf32, #tpu.memory_space<vmem>>, vector<1x16xf32>,
      %mul3A_720 = arith.mulf %get3A_674, %get3A_698 : vector<16xf32>
      %mul3A_721 = arith.mulf %get3A_686, %get3A_710 : vector<16xf32>
      %sub3A_722 = arith.subf %mul3A_720, %mul3A_721 : vector<16xf32>
      %mul3A_723 = arith.mulf %exp3A_662, %sub3A_722 : vector<16xf32>
      %swap3A_724 = arith.index_cast %add3A_627 : i32 to index
      %swap3A_725 = arith.constant 16 : index
      %swap3A_726 = tpu.vector_load %arg23[%swap3A_724, %swap3A_725] {strides = array<i32>} : memref<80x32xf32, #tpu.memory_space<vmem>>, vector<1x16xf32>,
      %swap3A_727 = vector.shape_cast %swap3A_726 : vector<1x16xf32> to vector<16xf32>
      %swap3A_728 = vector.shape_cast %mul3A_723 : vector<16xf32> to vector<1x16xf32>
      tpu.vector_store %arg23[%swap3A_724, %swap3A_725], %swap3A_728 {strides = array<i32>} : memref<80x32xf32, #tpu.memory_space<vmem>>, vector<1x16xf32>,
      %scan3A_729 = arith.constant 5 : i32
      %scan3A_730 = arith.addi %scan3A_199, %scan3A_729 : i32
      %mul3A_731 = arith.constant 1 : i32
      %mul3A_732 = arith.muli %scan3A_730, %mul3A_731 : i32
      %add3A_733 = arith.constant 0 : i32
      %add3A_734 = arith.addi %add3A_733, %mul3A_732 : i32
      %get3A_735 = arith.constant 0 : i32
      %get3A_736 = arith.index_cast %get3A_735 : i32 to index
      %get3A_737 = arith.index_cast %add3A_734 : i32 to index
      %get3A_738 = arith.constant 0 : index
      %get3A_739 = tpu.vector_load %arg17[%get3A_736, %get3A_737, %get3A_738] {strides = array<i32>} : memref<2x80x16xf32, #tpu.memory_space<vmem>>, vector<1x1x16xf32>,
      %get3A_740 = vector.shape_cast %get3A_739 : vector<1x1x16xf32> to vector<16xf32>
      %get3A_741 = arith.constant 0 : i32
      %get3A_742 = arith.index_cast %get3A_741 : i32 to index
      %get3A_743 = arith.index_cast %add3A_734 : i32 to index
      %get3A_744 = arith.constant 0 : index
      %get3A_745 = tpu.vector_load %arg18[%get3A_742, %get3A_743, %get3A_744] {strides = array<i32>} : memref<2x80x16xf32, #tpu.memory_space<vmem>>, vector<1x1x16xf32>,
      %get3A_746 = vector.shape_cast %get3A_745 : vector<1x1x16xf32> to vector<16xf32>
      %sub3A_747 = arith.subf %get3A_740, %get3A_746 : vector<16xf32>
      %mul3A_748 = arith.mulf %sub3A_747, %sub3A_747 : vector<16xf32>
      %broadcast_in_dim3A_749 = vector.shape_cast %broadcast_in_dim3A_21 : vector<16xi32> to vector<16x1xi32>
      %gather3A_750 = vector.shape_cast %broadcast_in_dim3A_749 : vector<16x1xi32> to vector<16xi32>
      %gather3A_751 = tpu.dynamic_gather %mul3A_748[%gather3A_750] in [0] : vector<16xf32>, vector<16xi32> -> vector<16xf32>
      %broadcast_in_dim3A_752 = vector.shape_cast %broadcast_in_dim3A_23 : vector<16xi32> to vector<16x1xi32>
      %gather3A_753 = vector.shape_cast %broadcast_in_dim3A_752 : vector<16x1xi32> to vector<16xi32>
      %gather3A_754 = tpu.dynamic_gather %mul3A_748[%gather3A_753] in [0] : vector<16xf32>, vector<16xi32> -> vector<16xf32>
      %add3A_755 = arith.addf %gather3A_751, %gather3A_754 : vector<16xf32>
      %broadcast_in_dim3A_756 = vector.shape_cast %broadcast_in_dim3A_25 : vector<16xi32> to vector<16x1xi32>
      %gather3A_757 = vector.shape_cast %broadcast_in_dim3A_756 : vector<16x1xi32> to vector<16xi32>
      %gather3A_758 = tpu.dynamic_gather %mul3A_748[%gather3A_757] in [0] : vector<16xf32>, vector<16xi32> -> vector<16xf32>
      %add3A_759 = arith.addf %add3A_755, %gather3A_758 : vector<16xf32>
      %mul3A_760 = arith.mulf %get3A_15, %add3A_759 : vector<16xf32>
      %neg3A_761 = arith.constant 0.000000e+00 : f32
      %neg3A_762 = vector.broadcast %neg3A_761 : f32 to vector<16xf32>
      %neg3A_763 = arith.subf %neg3A_762, %mul3A_760 : vector<16xf32>
      %exp3A_764 = math.exp %neg3A_763 : vector<16xf32>
      %mul3A_765 = arith.mulf %get3A_20, %add3A_759 : vector<16xf32>
      %neg3A_766 = arith.constant 0.000000e+00 : f32
      %neg3A_767 = vector.broadcast %neg3A_766 : f32 to vector<16xf32>
      %neg3A_768 = arith.subf %neg3A_767, %mul3A_765 : vector<16xf32>
      %exp3A_769 = math.exp %neg3A_768 : vector<16xf32>
      %get3A_770 = arith.constant 0 : i32
      %get3A_771 = arith.index_cast %get3A_770 : i32 to index
      %get3A_772 = arith.index_cast %add3A_734 : i32 to index
      %get3A_773 = arith.constant 0 : index
      %get3A_774 = tpu.vector_load %arg19[%get3A_771, %get3A_772, %get3A_773] {strides = array<i32>} : memref<2x80x32xf32, #tpu.memory_space<vmem>>, vector<1x1x16xf32>,
      %get3A_775 = vector.shape_cast %get3A_774 : vector<1x1x16xf32> to vector<16xf32>
      %get3A_776 = arith.constant 0 : i32
      %get3A_777 = arith.index_cast %get3A_776 : i32 to index
      %get3A_778 = arith.index_cast %add3A_734 : i32 to index
      %get3A_779 = arith.constant 16 : index
      %get3A_780 = tpu.vector_load %arg19[%get3A_777, %get3A_778, %get3A_779] {strides = array<i32>} : memref<2x80x32xf32, #tpu.memory_space<vmem>>, vector<1x1x16xf32>,
      %get3A_781 = vector.shape_cast %get3A_780 : vector<1x1x16xf32> to vector<16xf32>
      %get3A_782 = arith.constant 0 : i32
      %get3A_783 = arith.index_cast %get3A_782 : i32 to index
      %get3A_784 = arith.index_cast %add3A_734 : i32 to index
      %get3A_785 = arith.constant 0 : index
      %get3A_786 = tpu.vector_load %arg20[%get3A_783, %get3A_784, %get3A_785] {strides = array<i32>} : memref<2x80x32xf32, #tpu.memory_space<vmem>>, vector<1x1x16xf32>,
      %get3A_787 = vector.shape_cast %get3A_786 : vector<1x1x16xf32> to vector<16xf32>
      %get3A_788 = arith.constant 0 : i32
      %get3A_789 = arith.index_cast %get3A_788 : i32 to index
      %get3A_790 = arith.index_cast %add3A_734 : i32 to index
      %get3A_791 = arith.constant 16 : index
      %get3A_792 = tpu.vector_load %arg20[%get3A_789, %get3A_790, %get3A_791] {strides = array<i32>} : memref<2x80x32xf32, #tpu.memory_space<vmem>>, vector<1x1x16xf32>,
      %get3A_793 = vector.shape_cast %get3A_792 : vector<1x1x16xf32> to vector<16xf32>
      %get3A_794 = arith.constant 0 : i32
      %get3A_795 = arith.index_cast %get3A_794 : i32 to index
      %get3A_796 = arith.index_cast %add3A_734 : i32 to index
      %get3A_797 = arith.constant 0 : index
      %get3A_798 = tpu.vector_load %arg21[%get3A_795, %get3A_796, %get3A_797] {strides = array<i32>} : memref<2x80x32xf32, #tpu.memory_space<vmem>>, vector<1x1x16xf32>,
      %get3A_799 = vector.shape_cast %get3A_798 : vector<1x1x16xf32> to vector<16xf32>
      %get3A_800 = arith.constant 0 : i32
      %get3A_801 = arith.index_cast %get3A_800 : i32 to index
      %get3A_802 = arith.index_cast %add3A_734 : i32 to index
      %get3A_803 = arith.constant 16 : index
      %get3A_804 = tpu.vector_load %arg21[%get3A_801, %get3A_802, %get3A_803] {strides = array<i32>} : memref<2x80x32xf32, #tpu.memory_space<vmem>>, vector<1x1x16xf32>,
      %get3A_805 = vector.shape_cast %get3A_804 : vector<1x1x16xf32> to vector<16xf32>
      %get3A_806 = arith.constant 0 : i32
      %get3A_807 = arith.index_cast %get3A_806 : i32 to index
      %get3A_808 = arith.index_cast %add3A_734 : i32 to index
      %get3A_809 = arith.constant 0 : index
      %get3A_810 = tpu.vector_load %arg22[%get3A_807, %get3A_808, %get3A_809] {strides = array<i32>} : memref<2x80x32xf32, #tpu.memory_space<vmem>>, vector<1x1x16xf32>,
      %get3A_811 = vector.shape_cast %get3A_810 : vector<1x1x16xf32> to vector<16xf32>
      %get3A_812 = arith.constant 0 : i32
      %get3A_813 = arith.index_cast %get3A_812 : i32 to index
      %get3A_814 = arith.index_cast %add3A_734 : i32 to index
      %get3A_815 = arith.constant 16 : index
      %get3A_816 = tpu.vector_load %arg22[%get3A_813, %get3A_814, %get3A_815] {strides = array<i32>} : memref<2x80x32xf32, #tpu.memory_space<vmem>>, vector<1x1x16xf32>,
      %get3A_817 = vector.shape_cast %get3A_816 : vector<1x1x16xf32> to vector<16xf32>
      %mul3A_818 = arith.mulf %get3A_775, %get3A_799 : vector<16xf32>
      %mul3A_819 = arith.mulf %get3A_787, %get3A_811 : vector<16xf32>
      %sub3A_820 = arith.subf %mul3A_818, %mul3A_819 : vector<16xf32>
      %mul3A_821 = arith.mulf %exp3A_764, %sub3A_820 : vector<16xf32>
      %swap3A_822 = arith.index_cast %add3A_734 : i32 to index
      %swap3A_823 = arith.constant 0 : index
      %swap3A_824 = tpu.vector_load %arg23[%swap3A_822, %swap3A_823] {strides = array<i32>} : memref<80x32xf32, #tpu.memory_space<vmem>>, vector<1x16xf32>,
      %swap3A_825 = vector.shape_cast %swap3A_824 : vector<1x16xf32> to vector<16xf32>
      %swap3A_826 = vector.shape_cast %mul3A_821 : vector<16xf32> to vector<1x16xf32>
      tpu.vector_store %arg23[%swap3A_822, %swap3A_823], %swap3A_826 {strides = array<i32>} : memref<80x32xf32, #tpu.memory_space<vmem>>, vector<1x16xf32>,
      %mul3A_827 = arith.mulf %get3A_781, %get3A_805 : vector<16xf32>
      %mul3A_828 = arith.mulf %get3A_793, %get3A_817 : vector<16xf32>
      %sub3A_829 = arith.subf %mul3A_827, %mul3A_828 : vector<16xf32>
      %mul3A_830 = arith.mulf %exp3A_769, %sub3A_829 : vector<16xf32>
      %swap3A_831 = arith.index_cast %add3A_734 : i32 to index
      %swap3A_832 = arith.constant 16 : index
      %swap3A_833 = tpu.vector_load %arg23[%swap3A_831, %swap3A_832] {strides = array<i32>} : memref<80x32xf32, #tpu.memory_space<vmem>>, vector<1x16xf32>,
      %swap3A_834 = vector.shape_cast %swap3A_833 : vector<1x16xf32> to vector<16xf32>
      %swap3A_835 = vector.shape_cast %mul3A_830 : vector<16xf32> to vector<1x16xf32>
      tpu.vector_store %arg23[%swap3A_831, %swap3A_832], %swap3A_835 {strides = array<i32>} : memref<80x32xf32, #tpu.memory_space<vmem>>, vector<1x16xf32>,
      %scan3A_836 = arith.constant 6 : i32
      %scan3A_837 = arith.addi %scan3A_199, %scan3A_836 : i32
      %mul3A_838 = arith.constant 1 : i32
      %mul3A_839 = arith.muli %scan3A_837, %mul3A_838 : i32
      %add3A_840 = arith.constant 0 : i32
      %add3A_841 = arith.addi %add3A_840, %mul3A_839 : i32
      %get3A_842 = arith.constant 0 : i32
      %get3A_843 = arith.index_cast %get3A_842 : i32 to index
      %get3A_844 = arith.index_cast %add3A_841 : i32 to index
      %get3A_845 = arith.constant 0 : index
      %get3A_846 = tpu.vector_load %arg17[%get3A_843, %get3A_844, %get3A_845] {strides = array<i32>} : memref<2x80x16xf32, #tpu.memory_space<vmem>>, vector<1x1x16xf32>,
      %get3A_847 = vector.shape_cast %get3A_846 : vector<1x1x16xf32> to vector<16xf32>
      %get3A_848 = arith.constant 0 : i32
      %get3A_849 = arith.index_cast %get3A_848 : i32 to index
      %get3A_850 = arith.index_cast %add3A_841 : i32 to index
      %get3A_851 = arith.constant 0 : index
      %get3A_852 = tpu.vector_load %arg18[%get3A_849, %get3A_850, %get3A_851] {strides = array<i32>} : memref<2x80x16xf32, #tpu.memory_space<vmem>>, vector<1x1x16xf32>,
      %get3A_853 = vector.shape_cast %get3A_852 : vector<1x1x16xf32> to vector<16xf32>
      %sub3A_854 = arith.subf %get3A_847, %get3A_853 : vector<16xf32>
      %mul3A_855 = arith.mulf %sub3A_854, %sub3A_854 : vector<16xf32>
      %broadcast_in_dim3A_856 = vector.shape_cast %broadcast_in_dim3A_21 : vector<16xi32> to vector<16x1xi32>
      %gather3A_857 = vector.shape_cast %broadcast_in_dim3A_856 : vector<16x1xi32> to vector<16xi32>
      %gather3A_858 = tpu.dynamic_gather %mul3A_855[%gather3A_857] in [0] : vector<16xf32>, vector<16xi32> -> vector<16xf32>
      %broadcast_in_dim3A_859 = vector.shape_cast %broadcast_in_dim3A_23 : vector<16xi32> to vector<16x1xi32>
      %gather3A_860 = vector.shape_cast %broadcast_in_dim3A_859 : vector<16x1xi32> to vector<16xi32>
      %gather3A_861 = tpu.dynamic_gather %mul3A_855[%gather3A_860] in [0] : vector<16xf32>, vector<16xi32> -> vector<16xf32>
      %add3A_862 = arith.addf %gather3A_858, %gather3A_861 : vector<16xf32>
      %broadcast_in_dim3A_863 = vector.shape_cast %broadcast_in_dim3A_25 : vector<16xi32> to vector<16x1xi32>
      %gather3A_864 = vector.shape_cast %broadcast_in_dim3A_863 : vector<16x1xi32> to vector<16xi32>
      %gather3A_865 = tpu.dynamic_gather %mul3A_855[%gather3A_864] in [0] : vector<16xf32>, vector<16xi32> -> vector<16xf32>
      %add3A_866 = arith.addf %add3A_862, %gather3A_865 : vector<16xf32>
      %mul3A_867 = arith.mulf %get3A_15, %add3A_866 : vector<16xf32>
      %neg3A_868 = arith.constant 0.000000e+00 : f32
      %neg3A_869 = vector.broadcast %neg3A_868 : f32 to vector<16xf32>
      %neg3A_870 = arith.subf %neg3A_869, %mul3A_867 : vector<16xf32>
      %exp3A_871 = math.exp %neg3A_870 : vector<16xf32>
      %mul3A_872 = arith.mulf %get3A_20, %add3A_866 : vector<16xf32>
      %neg3A_873 = arith.constant 0.000000e+00 : f32
      %neg3A_874 = vector.broadcast %neg3A_873 : f32 to vector<16xf32>
      %neg3A_875 = arith.subf %neg3A_874, %mul3A_872 : vector<16xf32>
      %exp3A_876 = math.exp %neg3A_875 : vector<16xf32>
      %get3A_877 = arith.constant 0 : i32
      %get3A_878 = arith.index_cast %get3A_877 : i32 to index
      %get3A_879 = arith.index_cast %add3A_841 : i32 to index
      %get3A_880 = arith.constant 0 : index
      %get3A_881 = tpu.vector_load %arg19[%get3A_878, %get3A_879, %get3A_880] {strides = array<i32>} : memref<2x80x32xf32, #tpu.memory_space<vmem>>, vector<1x1x16xf32>,
      %get3A_882 = vector.shape_cast %get3A_881 : vector<1x1x16xf32> to vector<16xf32>
      %get3A_883 = arith.constant 0 : i32
      %get3A_884 = arith.index_cast %get3A_883 : i32 to index
      %get3A_885 = arith.index_cast %add3A_841 : i32 to index
      %get3A_886 = arith.constant 16 : index
      %get3A_887 = tpu.vector_load %arg19[%get3A_884, %get3A_885, %get3A_886] {strides = array<i32>} : memref<2x80x32xf32, #tpu.memory_space<vmem>>, vector<1x1x16xf32>,
      %get3A_888 = vector.shape_cast %get3A_887 : vector<1x1x16xf32> to vector<16xf32>
      %get3A_889 = arith.constant 0 : i32
      %get3A_890 = arith.index_cast %get3A_889 : i32 to index
      %get3A_891 = arith.index_cast %add3A_841 : i32 to index
      %get3A_892 = arith.constant 0 : index
      %get3A_893 = tpu.vector_load %arg20[%get3A_890, %get3A_891, %get3A_892] {strides = array<i32>} : memref<2x80x32xf32, #tpu.memory_space<vmem>>, vector<1x1x16xf32>,
      %get3A_894 = vector.shape_cast %get3A_893 : vector<1x1x16xf32> to vector<16xf32>
      %get3A_895 = arith.constant 0 : i32
      %get3A_896 = arith.index_cast %get3A_895 : i32 to index
      %get3A_897 = arith.index_cast %add3A_841 : i32 to index
      %get3A_898 = arith.constant 16 : index
      %get3A_899 = tpu.vector_load %arg20[%get3A_896, %get3A_897, %get3A_898] {strides = array<i32>} : memref<2x80x32xf32, #tpu.memory_space<vmem>>, vector<1x1x16xf32>,
      %get3A_900 = vector.shape_cast %get3A_899 : vector<1x1x16xf32> to vector<16xf32>
      %get3A_901 = arith.constant 0 : i32
      %get3A_902 = arith.index_cast %get3A_901 : i32 to index
      %get3A_903 = arith.index_cast %add3A_841 : i32 to index
      %get3A_904 = arith.constant 0 : index
      %get3A_905 = tpu.vector_load %arg21[%get3A_902, %get3A_903, %get3A_904] {strides = array<i32>} : memref<2x80x32xf32, #tpu.memory_space<vmem>>, vector<1x1x16xf32>,
      %get3A_906 = vector.shape_cast %get3A_905 : vector<1x1x16xf32> to vector<16xf32>
      %get3A_907 = arith.constant 0 : i32
      %get3A_908 = arith.index_cast %get3A_907 : i32 to index
      %get3A_909 = arith.index_cast %add3A_841 : i32 to index
      %get3A_910 = arith.constant 16 : index
      %get3A_911 = tpu.vector_load %arg21[%get3A_908, %get3A_909, %get3A_910] {strides = array<i32>} : memref<2x80x32xf32, #tpu.memory_space<vmem>>, vector<1x1x16xf32>,
      %get3A_912 = vector.shape_cast %get3A_911 : vector<1x1x16xf32> to vector<16xf32>
      %get3A_913 = arith.constant 0 : i32
      %get3A_914 = arith.index_cast %get3A_913 : i32 to index
      %get3A_915 = arith.index_cast %add3A_841 : i32 to index
      %get3A_916 = arith.constant 0 : index
      %get3A_917 = tpu.vector_load %arg22[%get3A_914, %get3A_915, %get3A_916] {strides = array<i32>} : memref<2x80x32xf32, #tpu.memory_space<vmem>>, vector<1x1x16xf32>,
      %get3A_918 = vector.shape_cast %get3A_917 : vector<1x1x16xf32> to vector<16xf32>
      %get3A_919 = arith.constant 0 : i32
      %get3A_920 = arith.index_cast %get3A_919 : i32 to index
      %get3A_921 = arith.index_cast %add3A_841 : i32 to index
      %get3A_922 = arith.constant 16 : index
      %get3A_923 = tpu.vector_load %arg22[%get3A_920, %get3A_921, %get3A_922] {strides = array<i32>} : memref<2x80x32xf32, #tpu.memory_space<vmem>>, vector<1x1x16xf32>,
      %get3A_924 = vector.shape_cast %get3A_923 : vector<1x1x16xf32> to vector<16xf32>
      %mul3A_925 = arith.mulf %get3A_882, %get3A_906 : vector<16xf32>
      %mul3A_926 = arith.mulf %get3A_894, %get3A_918 : vector<16xf32>
      %sub3A_927 = arith.subf %mul3A_925, %mul3A_926 : vector<16xf32>
      %mul3A_928 = arith.mulf %exp3A_871, %sub3A_927 : vector<16xf32>
      %swap3A_929 = arith.index_cast %add3A_841 : i32 to index
      %swap3A_930 = arith.constant 0 : index
      %swap3A_931 = tpu.vector_load %arg23[%swap3A_929, %swap3A_930] {strides = array<i32>} : memref<80x32xf32, #tpu.memory_space<vmem>>, vector<1x16xf32>,
      %swap3A_932 = vector.shape_cast %swap3A_931 : vector<1x16xf32> to vector<16xf32>
      %swap3A_933 = vector.shape_cast %mul3A_928 : vector<16xf32> to vector<1x16xf32>
      tpu.vector_store %arg23[%swap3A_929, %swap3A_930], %swap3A_933 {strides = array<i32>} : memref<80x32xf32, #tpu.memory_space<vmem>>, vector<1x16xf32>,
      %mul3A_934 = arith.mulf %get3A_888, %get3A_912 : vector<16xf32>
      %mul3A_935 = arith.mulf %get3A_900, %get3A_924 : vector<16xf32>
      %sub3A_936 = arith.subf %mul3A_934, %mul3A_935 : vector<16xf32>
      %mul3A_937 = arith.mulf %exp3A_876, %sub3A_936 : vector<16xf32>
      %swap3A_938 = arith.index_cast %add3A_841 : i32 to index
      %swap3A_939 = arith.constant 16 : index
      %swap3A_940 = tpu.vector_load %arg23[%swap3A_938, %swap3A_939] {strides = array<i32>} : memref<80x32xf32, #tpu.memory_space<vmem>>, vector<1x16xf32>,
      %swap3A_941 = vector.shape_cast %swap3A_940 : vector<1x16xf32> to vector<16xf32>
      %swap3A_942 = vector.shape_cast %mul3A_937 : vector<16xf32> to vector<1x16xf32>
      tpu.vector_store %arg23[%swap3A_938, %swap3A_939], %swap3A_942 {strides = array<i32>} : memref<80x32xf32, #tpu.memory_space<vmem>>, vector<1x16xf32>,
      %scan3A_943 = arith.constant 7 : i32
      %scan3A_944 = arith.addi %scan3A_199, %scan3A_943 : i32
      %mul3A_945 = arith.constant 1 : i32
      %mul3A_946 = arith.muli %scan3A_944, %mul3A_945 : i32
      %add3A_947 = arith.constant 0 : i32
      %add3A_948 = arith.addi %add3A_947, %mul3A_946 : i32
      %get3A_949 = arith.constant 0 : i32
      %get3A_950 = arith.index_cast %get3A_949 : i32 to index
      %get3A_951 = arith.index_cast %add3A_948 : i32 to index
      %get3A_952 = arith.constant 0 : index
      %get3A_953 = tpu.vector_load %arg17[%get3A_950, %get3A_951, %get3A_952] {strides = array<i32>} : memref<2x80x16xf32, #tpu.memory_space<vmem>>, vector<1x1x16xf32>,
      %get3A_954 = vector.shape_cast %get3A_953 : vector<1x1x16xf32> to vector<16xf32>
      %get3A_955 = arith.constant 0 : i32
      %get3A_956 = arith.index_cast %get3A_955 : i32 to index
      %get3A_957 = arith.index_cast %add3A_948 : i32 to index
      %get3A_958 = arith.constant 0 : index
      %get3A_959 = tpu.vector_load %arg18[%get3A_956, %get3A_957, %get3A_958] {strides = array<i32>} : memref<2x80x16xf32, #tpu.memory_space<vmem>>, vector<1x1x16xf32>,
      %get3A_960 = vector.shape_cast %get3A_959 : vector<1x1x16xf32> to vector<16xf32>
      %sub3A_961 = arith.subf %get3A_954, %get3A_960 : vector<16xf32>
      %mul3A_962 = arith.mulf %sub3A_961, %sub3A_961 : vector<16xf32>
      %broadcast_in_dim3A_963 = vector.shape_cast %broadcast_in_dim3A_21 : vector<16xi32> to vector<16x1xi32>
      %gather3A_964 = vector.shape_cast %broadcast_in_dim3A_963 : vector<16x1xi32> to vector<16xi32>
      %gather3A_965 = tpu.dynamic_gather %mul3A_962[%gather3A_964] in [0] : vector<16xf32>, vector<16xi32> -> vector<16xf32>
      %broadcast_in_dim3A_966 = vector.shape_cast %broadcast_in_dim3A_23 : vector<16xi32> to vector<16x1xi32>
      %gather3A_967 = vector.shape_cast %broadcast_in_dim3A_966 : vector<16x1xi32> to vector<16xi32>
      %gather3A_968 = tpu.dynamic_gather %mul3A_962[%gather3A_967] in [0] : vector<16xf32>, vector<16xi32> -> vector<16xf32>
      %add3A_969 = arith.addf %gather3A_965, %gather3A_968 : vector<16xf32>
      %broadcast_in_dim3A_970 = vector.shape_cast %broadcast_in_dim3A_25 : vector<16xi32> to vector<16x1xi32>
      %gather3A_971 = vector.shape_cast %broadcast_in_dim3A_970 : vector<16x1xi32> to vector<16xi32>
      %gather3A_972 = tpu.dynamic_gather %mul3A_962[%gather3A_971] in [0] : vector<16xf32>, vector<16xi32> -> vector<16xf32>
      %add3A_973 = arith.addf %add3A_969, %gather3A_972 : vector<16xf32>
      %mul3A_974 = arith.mulf %get3A_15, %add3A_973 : vector<16xf32>
      %neg3A_975 = arith.constant 0.000000e+00 : f32
      %neg3A_976 = vector.broadcast %neg3A_975 : f32 to vector<16xf32>
      %neg3A_977 = arith.subf %neg3A_976, %mul3A_974 : vector<16xf32>
      %exp3A_978 = math.exp %neg3A_977 : vector<16xf32>
      %mul3A_979 = arith.mulf %get3A_20, %add3A_973 : vector<16xf32>
      %neg3A_980 = arith.constant 0.000000e+00 : f32
      %neg3A_981 = vector.broadcast %neg3A_980 : f32 to vector<16xf32>
      %neg3A_982 = arith.subf %neg3A_981, %mul3A_979 : vector<16xf32>
      %exp3A_983 = math.exp %neg3A_982 : vector<16xf32>
      %get3A_984 = arith.constant 0 : i32
      %get3A_985 = arith.index_cast %get3A_984 : i32 to index
      %get3A_986 = arith.index_cast %add3A_948 : i32 to index
      %get3A_987 = arith.constant 0 : index
      %get3A_988 = tpu.vector_load %arg19[%get3A_985, %get3A_986, %get3A_987] {strides = array<i32>} : memref<2x80x32xf32, #tpu.memory_space<vmem>>, vector<1x1x16xf32>,
      %get3A_989 = vector.shape_cast %get3A_988 : vector<1x1x16xf32> to vector<16xf32>
      %get3A_990 = arith.constant 0 : i32
      %get3A_991 = arith.index_cast %get3A_990 : i32 to index
      %get3A_992 = arith.index_cast %add3A_948 : i32 to index
      %get3A_993 = arith.constant 16 : index
      %get3A_994 = tpu.vector_load %arg19[%get3A_991, %get3A_992, %get3A_993] {strides = array<i32>} : memref<2x80x32xf32, #tpu.memory_space<vmem>>, vector<1x1x16xf32>,
      %get3A_995 = vector.shape_cast %get3A_994 : vector<1x1x16xf32> to vector<16xf32>
      %get3A_996 = arith.constant 0 : i32
      %get3A_997 = arith.index_cast %get3A_996 : i32 to index
      %get3A_998 = arith.index_cast %add3A_948 : i32 to index
      %get3A_999 = arith.constant 0 : index
      %get3A_1000 = tpu.vector_load %arg20[%get3A_997, %get3A_998, %get3A_999] {strides = array<i32>} : memref<2x80x32xf32, #tpu.memory_space<vmem>>, vector<1x1x16xf32>,
      %get3A_1001 = vector.shape_cast %get3A_1000 : vector<1x1x16xf32> to vector<16xf32>
      %get3A_1002 = arith.constant 0 : i32
      %get3A_1003 = arith.index_cast %get3A_1002 : i32 to index
      %get3A_1004 = arith.index_cast %add3A_948 : i32 to index
      %get3A_1005 = arith.constant 16 : index
      %get3A_1006 = tpu.vector_load %arg20[%get3A_1003, %get3A_1004, %get3A_1005] {strides = array<i32>} : memref<2x80x32xf32, #tpu.memory_space<vmem>>, vector<1x1x16xf32>,
      %get3A_1007 = vector.shape_cast %get3A_1006 : vector<1x1x16xf32> to vector<16xf32>
      %get3A_1008 = arith.constant 0 : i32
      %get3A_1009 = arith.index_cast %get3A_1008 : i32 to index
      %get3A_1010 = arith.index_cast %add3A_948 : i32 to index
      %get3A_1011 = arith.constant 0 : index
      %get3A_1012 = tpu.vector_load %arg21[%get3A_1009, %get3A_1010, %get3A_1011] {strides = array<i32>} : memref<2x80x32xf32, #tpu.memory_space<vmem>>, vector<1x1x16xf32>,
      %get3A_1013 = vector.shape_cast %get3A_1012 : vector<1x1x16xf32> to vector<16xf32>
      %get3A_1014 = arith.constant 0 : i32
      %get3A_1015 = arith.index_cast %get3A_1014 : i32 to index
      %get3A_1016 = arith.index_cast %add3A_948 : i32 to index
      %get3A_1017 = arith.constant 16 : index
      %get3A_1018 = tpu.vector_load %arg21[%get3A_1015, %get3A_1016, %get3A_1017] {strides = array<i32>} : memref<2x80x32xf32, #tpu.memory_space<vmem>>, vector<1x1x16xf32>,
      %get3A_1019 = vector.shape_cast %get3A_1018 : vector<1x1x16xf32> to vector<16xf32>
      %get3A_1020 = arith.constant 0 : i32
      %get3A_1021 = arith.index_cast %get3A_1020 : i32 to index
      %get3A_1022 = arith.index_cast %add3A_948 : i32 to index
      %get3A_1023 = arith.constant 0 : index
      %get3A_1024 = tpu.vector_load %arg22[%get3A_1021, %get3A_1022, %get3A_1023] {strides = array<i32>} : memref<2x80x32xf32, #tpu.memory_space<vmem>>, vector<1x1x16xf32>,
      %get3A_1025 = vector.shape_cast %get3A_1024 : vector<1x1x16xf32> to vector<16xf32>
      %get3A_1026 = arith.constant 0 : i32
      %get3A_1027 = arith.index_cast %get3A_1026 : i32 to index
      %get3A_1028 = arith.index_cast %add3A_948 : i32 to index
      %get3A_1029 = arith.constant 16 : index
      %get3A_1030 = tpu.vector_load %arg22[%get3A_1027, %get3A_1028, %get3A_1029] {strides = array<i32>} : memref<2x80x32xf32, #tpu.memory_space<vmem>>, vector<1x1x16xf32>,
      %get3A_1031 = vector.shape_cast %get3A_1030 : vector<1x1x16xf32> to vector<16xf32>
      %mul3A_1032 = arith.mulf %get3A_989, %get3A_1013 : vector<16xf32>
      %mul3A_1033 = arith.mulf %get3A_1001, %get3A_1025 : vector<16xf32>
      %sub3A_1034 = arith.subf %mul3A_1032, %mul3A_1033 : vector<16xf32>
      %mul3A_1035 = arith.mulf %exp3A_978, %sub3A_1034 : vector<16xf32>
      %swap3A_1036 = arith.index_cast %add3A_948 : i32 to index
      %swap3A_1037 = arith.constant 0 : index
      %swap3A_1038 = tpu.vector_load %arg23[%swap3A_1036, %swap3A_1037] {strides = array<i32>} : memref<80x32xf32, #tpu.memory_space<vmem>>, vector<1x16xf32>,
      %swap3A_1039 = vector.shape_cast %swap3A_1038 : vector<1x16xf32> to vector<16xf32>
      %swap3A_1040 = vector.shape_cast %mul3A_1035 : vector<16xf32> to vector<1x16xf32>
      tpu.vector_store %arg23[%swap3A_1036, %swap3A_1037], %swap3A_1040 {strides = array<i32>} : memref<80x32xf32, #tpu.memory_space<vmem>>, vector<1x16xf32>,
      %mul3A_1041 = arith.mulf %get3A_995, %get3A_1019 : vector<16xf32>
      %mul3A_1042 = arith.mulf %get3A_1007, %get3A_1031 : vector<16xf32>
      %sub3A_1043 = arith.subf %mul3A_1041, %mul3A_1042 : vector<16xf32>
      %mul3A_1044 = arith.mulf %exp3A_983, %sub3A_1043 : vector<16xf32>
      %swap3A_1045 = arith.index_cast %add3A_948 : i32 to index
      %swap3A_1046 = arith.constant 16 : index
      %swap3A_1047 = tpu.vector_load %arg23[%swap3A_1045, %swap3A_1046] {strides = array<i32>} : memref<80x32xf32, #tpu.memory_space<vmem>>, vector<1x16xf32>,
      %swap3A_1048 = vector.shape_cast %swap3A_1047 : vector<1x16xf32> to vector<16xf32>
      %swap3A_1049 = vector.shape_cast %mul3A_1044 : vector<16xf32> to vector<1x16xf32>
      tpu.vector_store %arg23[%swap3A_1045, %swap3A_1046], %swap3A_1049 {strides = array<i32>} : memref<80x32xf32, #tpu.memory_space<vmem>>, vector<1x16xf32>,
    }
    %scan3A_187 = arith.constant 80 : i32
    "tpu.region"() ({
      %run_scoped3A = tpu.sem_alloc : memref<!tpu.dma_semaphore, #tpu.memory_space<semaphore_mem>>
      %dma_start3A_199 = arith.constant 0 : i32
      %dma_start3A_200 = arith.constant 0 : i32
      %dma_start3A_201 = tpu.memref_slice %arg26[%dma_start3A_199, %dma_start3A_200] : memref<50000x32xf32, #tpu.memory_space<vmem_shared>> -> memref<50000x32xf32, #tpu.memory_space<vmem_shared>>
      tpu.enqueue_indirect_dma source(%arg23 : memref<80x32xf32, #tpu.memory_space<vmem>>) target(%dma_start3A_201 : memref<50000x32xf32, #tpu.memory_space<vmem_shared>>) offsets(%arg15 : memref<80xi32, #tpu.memory_space<vmem>>) semaphore(%run_scoped3A : memref<!tpu.dma_semaphore, #tpu.memory_space<semaphore_mem>>) {add = true}
      %dma_wait3A_202 = arith.constant 0 : i32
      %dma_wait3A_203 = arith.constant 0 : i32
      %dma_wait3A_204 = tpu.memref_slice %arg26[%dma_wait3A_202, %dma_wait3A_203] : memref<50000x32xf32, #tpu.memory_space<vmem_shared>> -> memref<50000x32xf32, #tpu.memory_space<vmem_shared>>
      tpu.wait_indirect_dma semaphore(%run_scoped3A : memref<!tpu.dma_semaphore, #tpu.memory_space<semaphore_mem>>) src(%arg23 : memref<80x32xf32, #tpu.memory_space<vmem>>) dst(%dma_wait3A_204 : memref<50000x32xf32, #tpu.memory_space<vmem_shared>>)
      tpu.yield
    }) : () -> ()
    %barrier3A_188 = arith.constant 0 : index
    tpu.barrier barrier_id(%barrier3A_188)
    %scan3A_189 = arith.constant 0 : i32
    %scan3A_190 = arith.constant 156 : i32
    %scan3A_191 = arith.addi %scan3A_189, %scan3A_190 : i32
    %scan3A_192 = arith.constant 1 : i32
    scf.for %scan3A_199 = %scan3A_189 to %scan3A_191 step %scan3A_192  : i32 {
      %mul3A_200 = arith.constant 1 : i32
      %mul3A_201 = arith.muli %scan3A_199, %mul3A_200 : i32
      %add3A_202 = arith.constant 0 : i32
      %add3A_203 = arith.addi %add3A_202, %mul3A_201 : i32
      %mul3A_204 = arith.constant 3120 : i32
      %mul3A_205 = arith.muli %arg1, %mul3A_204 : i32
      %mul3A_206 = arith.constant 20 : i32
      %mul3A_207 = arith.muli %add3A_203, %mul3A_206 : i32
      %add3A_208 = arith.addi %mul3A_205, %mul3A_207 : i32
      "tpu.region"() ({
        %run_scoped3A = tpu.sem_alloc : memref<!tpu.dma_semaphore, #tpu.memory_space<semaphore_mem>>
        %dma_start3A_214 = arith.constant 0 : i32
        %dma_start3A_215 = tpu.memref_slice %arg26[%add3A_208, %dma_start3A_214] : memref<50000x32xf32, #tpu.memory_space<vmem_shared>> -> memref<20x32xf32, #tpu.memory_space<vmem_shared>>
        %dma_start3A_216 = arith.constant 0 : i32
        %dma_start3A_217 = tpu.memref_slice %arg26[%add3A_208, %dma_start3A_216] : memref<50000x32xf32, #tpu.memory_space<vmem_shared>> -> memref<20x32xf32, #tpu.memory_space<vmem_shared>>
        tpu.enqueue_dma source(%dma_start3A_217 : memref<20x32xf32, #tpu.memory_space<vmem_shared>>) target(%arg24 : memref<20x32xf32, #tpu.memory_space<vmem>>) target_semaphore(%run_scoped3A : memref<!tpu.dma_semaphore, #tpu.memory_space<semaphore_mem>>)
        %dma_wait3A_218 = arith.constant 0 : i32
        %dma_wait3A_219 = tpu.memref_slice %arg26[%add3A_208, %dma_wait3A_218] : memref<50000x32xf32, #tpu.memory_space<vmem_shared>> -> memref<20x32xf32, #tpu.memory_space<vmem_shared>>
        %dma_wait3A_220 = arith.constant 0 : i32
        %dma_wait3A_221 = tpu.memref_slice %arg26[%add3A_208, %dma_wait3A_220] : memref<50000x32xf32, #tpu.memory_space<vmem_shared>> -> memref<20x32xf32, #tpu.memory_space<vmem_shared>>
        tpu.wait_dma2 semaphore(%run_scoped3A : memref<!tpu.dma_semaphore, #tpu.memory_space<semaphore_mem>>) src(%dma_wait3A_221 : memref<20x32xf32, #tpu.memory_space<vmem_shared>>) dst(%arg24 : memref<20x32xf32, #tpu.memory_space<vmem>>)
        tpu.yield
      }) : () -> ()
      %mul3A_209 = arith.constant 3120 : i32
      %mul3A_210 = arith.muli %arg1, %mul3A_209 : i32
      %mul3A_211 = arith.constant 20 : i32
      %mul3A_212 = arith.muli %add3A_203, %mul3A_211 : i32
      %add3A_213 = arith.addi %mul3A_210, %mul3A_212 : i32
      "tpu.region"() ({
        %run_scoped3A = tpu.sem_alloc : memref<!tpu.dma_semaphore, #tpu.memory_space<semaphore_mem>>
        %dma_start3A_214 = arith.constant 0 : i32
        %dma_start3A_215 = tpu.memref_slice %arg10[%arg0, %add3A_213, %dma_start3A_214] : memref<2x50000x32xf32, #tpu.memory_space<hbm>> -> memref<1x20x32xf32, #tpu.memory_space<hbm>>
        %dma_start3A_216 = tpu.memref_squeeze %dma_start3A_215 : memref<1x20x32xf32, #tpu.memory_space<hbm>> -> memref<20x32xf32, #tpu.memory_space<hbm>>
        %dma_start3A_217 = arith.constant 0 : i32
        %dma_start3A_218 = tpu.memref_slice %arg10[%arg0, %add3A_213, %dma_start3A_217] : memref<2x50000x32xf32, #tpu.memory_space<hbm>> -> memref<1x20x32xf32, #tpu.memory_space<hbm>>
        %dma_start3A_219 = tpu.memref_squeeze %dma_start3A_218 : memref<1x20x32xf32, #tpu.memory_space<hbm>> -> memref<20x32xf32, #tpu.memory_space<hbm>>
        tpu.enqueue_dma source(%arg24 : memref<20x32xf32, #tpu.memory_space<vmem>>) target(%dma_start3A_219 : memref<20x32xf32, #tpu.memory_space<hbm>>) target_semaphore(%run_scoped3A : memref<!tpu.dma_semaphore, #tpu.memory_space<semaphore_mem>>)
        %dma_wait3A_220 = arith.constant 0 : i32
        %dma_wait3A_221 = tpu.memref_slice %arg10[%arg0, %add3A_213, %dma_wait3A_220] : memref<2x50000x32xf32, #tpu.memory_space<hbm>> -> memref<1x20x32xf32, #tpu.memory_space<hbm>>
        %dma_wait3A_222 = tpu.memref_squeeze %dma_wait3A_221 : memref<1x20x32xf32, #tpu.memory_space<hbm>> -> memref<20x32xf32, #tpu.memory_space<hbm>>
        %dma_wait3A_223 = arith.constant 0 : i32
        %dma_wait3A_224 = tpu.memref_slice %arg10[%arg0, %add3A_213, %dma_wait3A_223] : memref<2x50000x32xf32, #tpu.memory_space<hbm>> -> memref<1x20x32xf32, #tpu.memory_space<hbm>>
        %dma_wait3A_225 = tpu.memref_squeeze %dma_wait3A_224 : memref<1x20x32xf32, #tpu.memory_space<hbm>> -> memref<20x32xf32, #tpu.memory_space<hbm>>
        tpu.wait_dma2 semaphore(%run_scoped3A : memref<!tpu.dma_semaphore, #tpu.memory_space<semaphore_mem>>) src(%arg24 : memref<20x32xf32, #tpu.memory_space<vmem>>) dst(%dma_wait3A_225 : memref<20x32xf32, #tpu.memory_space<hbm>>)
        tpu.yield
      }) : () -> ()
    }
    %scan3A_193 = arith.constant 156 : i32
    %eq3A_194 = arith.constant 15 : i32
    %eq3A_195 = arith.cmpi eq, %arg1, %eq3A_194 : i32
    %convert_element_type3A_196 = arith.extui %eq3A_195 : i1 to i32
    %cond3A_197 = arith.constant 0 : i32
    %cond3A_198 = arith.cmpi ne, %convert_element_type3A_196, %cond3A_197 : i32
    scf.if %cond3A_198 {
      %scan3A_199 = arith.constant 0 : i32
      %scan3A_200 = arith.constant 4 : i32
      %scan3A_201 = arith.addi %scan3A_199, %scan3A_200 : i32
      %scan3A_202 = arith.constant 1 : i32
      scf.for %scan3A_204 = %scan3A_199 to %scan3A_201 step %scan3A_202  : i32 {
        %mul3A_205 = arith.constant 1 : i32
        %mul3A_206 = arith.muli %scan3A_204, %mul3A_205 : i32
        %add3A_207 = arith.constant 0 : i32
        %add3A_208 = arith.addi %add3A_207, %mul3A_206 : i32
        %mul3A_209 = arith.constant 20 : i32
        %mul3A_210 = arith.muli %add3A_208, %mul3A_209 : i32
        %add3A_211 = arith.constant 49920 : i32
        %add3A_212 = arith.addi %add3A_211, %mul3A_210 : i32
        "tpu.region"() ({
          %run_scoped3A = tpu.sem_alloc : memref<!tpu.dma_semaphore, #tpu.memory_space<semaphore_mem>>
          %dma_start3A_217 = arith.constant 0 : i32
          %dma_start3A_218 = tpu.memref_slice %arg26[%add3A_212, %dma_start3A_217] : memref<50000x32xf32, #tpu.memory_space<vmem_shared>> -> memref<20x32xf32, #tpu.memory_space<vmem_shared>>
          %dma_start3A_219 = arith.constant 0 : i32
          %dma_start3A_220 = tpu.memref_slice %arg26[%add3A_212, %dma_start3A_219] : memref<50000x32xf32, #tpu.memory_space<vmem_shared>> -> memref<20x32xf32, #tpu.memory_space<vmem_shared>>
          tpu.enqueue_dma source(%dma_start3A_220 : memref<20x32xf32, #tpu.memory_space<vmem_shared>>) target(%arg24 : memref<20x32xf32, #tpu.memory_space<vmem>>) target_semaphore(%run_scoped3A : memref<!tpu.dma_semaphore, #tpu.memory_space<semaphore_mem>>)
          %dma_wait3A_221 = arith.constant 0 : i32
          %dma_wait3A_222 = tpu.memref_slice %arg26[%add3A_212, %dma_wait3A_221] : memref<50000x32xf32, #tpu.memory_space<vmem_shared>> -> memref<20x32xf32, #tpu.memory_space<vmem_shared>>
          %dma_wait3A_223 = arith.constant 0 : i32
          %dma_wait3A_224 = tpu.memref_slice %arg26[%add3A_212, %dma_wait3A_223] : memref<50000x32xf32, #tpu.memory_space<vmem_shared>> -> memref<20x32xf32, #tpu.memory_space<vmem_shared>>
          tpu.wait_dma2 semaphore(%run_scoped3A : memref<!tpu.dma_semaphore, #tpu.memory_space<semaphore_mem>>) src(%dma_wait3A_224 : memref<20x32xf32, #tpu.memory_space<vmem_shared>>) dst(%arg24 : memref<20x32xf32, #tpu.memory_space<vmem>>)
          tpu.yield
        }) : () -> ()
        %mul3A_213 = arith.constant 20 : i32
        %mul3A_214 = arith.muli %add3A_208, %mul3A_213 : i32
        %add3A_215 = arith.constant 49920 : i32
        %add3A_216 = arith.addi %add3A_215, %mul3A_214 : i32
        "tpu.region"() ({
          %run_scoped3A = tpu.sem_alloc : memref<!tpu.dma_semaphore, #tpu.memory_space<semaphore_mem>>
          %dma_start3A_217 = arith.constant 0 : i32
          %dma_start3A_218 = tpu.memref_slice %arg10[%arg0, %add3A_216, %dma_start3A_217] : memref<2x50000x32xf32, #tpu.memory_space<hbm>> -> memref<1x20x32xf32, #tpu.memory_space<hbm>>
          %dma_start3A_219 = tpu.memref_squeeze %dma_start3A_218 : memref<1x20x32xf32, #tpu.memory_space<hbm>> -> memref<20x32xf32, #tpu.memory_space<hbm>>
          %dma_start3A_220 = arith.constant 0 : i32
          %dma_start3A_221 = tpu.memref_slice %arg10[%arg0, %add3A_216, %dma_start3A_220] : memref<2x50000x32xf32, #tpu.memory_space<hbm>> -> memref<1x20x32xf32, #tpu.memory_space<hbm>>
          %dma_start3A_222 = tpu.memref_squeeze %dma_start3A_221 : memref<1x20x32xf32, #tpu.memory_space<hbm>> -> memref<20x32xf32, #tpu.memory_space<hbm>>
          tpu.enqueue_dma source(%arg24 : memref<20x32xf32, #tpu.memory_space<vmem>>) target(%dma_start3A_222 : memref<20x32xf32, #tpu.memory_space<hbm>>) target_semaphore(%run_scoped3A : memref<!tpu.dma_semaphore, #tpu.memory_space<semaphore_mem>>)
          %dma_wait3A_223 = arith.constant 0 : i32
          %dma_wait3A_224 = tpu.memref_slice %arg10[%arg0, %add3A_216, %dma_wait3A_223] : memref<2x50000x32xf32, #tpu.memory_space<hbm>> -> memref<1x20x32xf32, #tpu.memory_space<hbm>>
          %dma_wait3A_225 = tpu.memref_squeeze %dma_wait3A_224 : memref<1x20x32xf32, #tpu.memory_space<hbm>> -> memref<20x32xf32, #tpu.memory_space<hbm>>
          %dma_wait3A_226 = arith.constant 0 : i32
          %dma_wait3A_227 = tpu.memref_slice %arg10[%arg0, %add3A_216, %dma_wait3A_226] : memref<2x50000x32xf32, #tpu.memory_space<hbm>> -> memref<1x20x32xf32, #tpu.memory_space<hbm>>
          %dma_wait3A_228 = tpu.memref_squeeze %dma_wait3A_227 : memref<1x20x32xf32, #tpu.memory_space<hbm>> -> memref<20x32xf32, #tpu.memory_space<hbm>>
          tpu.wait_dma2 semaphore(%run_scoped3A : memref<!tpu.dma_semaphore, #tpu.memory_space<semaphore_mem>>) src(%arg24 : memref<20x32xf32, #tpu.memory_space<vmem>>) dst(%dma_wait3A_228 : memref<20x32xf32, #tpu.memory_space<hbm>>)
          tpu.yield
        }) : () -> ()
      }
      %scan3A_203 = arith.constant 4 : i32
    } else {
    }
    return
  }
}

module attributes {stable_mosaic.version = 14 : i64} {
  func.func @_fc1_body(%arg0: i32, %arg1: memref<128x2048xf32, #tpu.memory_space<vmem>>, %arg2: memref<32x128xf32, #tpu.memory_space<vmem>>, %arg3: memref<1x32xf32, #tpu.memory_space<vmem>>, %arg4: memref<2048x1xf32, #tpu.memory_space<vmem>>, %arg5: memref<2048x3xf32, #tpu.memory_space<vmem>>, %arg6: memref<3x32xf32, #tpu.memory_space<vmem>>, %arg7: memref<2048x32xf32, #tpu.memory_space<vmem>>, %arg8: memref<2048x32xf32, #tpu.memory_space<vmem>>, %arg9: memref<2048x32xf32, #tpu.memory_space<vmem>>, %arg10: memref<2048x32xf32, #tpu.memory_space<vmem>>, %arg11: memref<2048x16xf32, #tpu.memory_space<vmem>>) attributes {dimension_semantics = [#tpu.dimension_semantics<arbitrary>], iteration_bounds = array<i64: 25>, scalar_prefetch = 0 : i64, scratch_operands = 0 : i64, tpu.core_type = #tpu.core_type<tc>, window_params = [{transform_indices = @transform_0, window_bounds = array<i64: 128, 2048>}, {pipeline_mode = #tpu.pipeline_mode<synchronous>, transform_indices = @transform_1, window_bounds = array<i64: 32, 128>}, {pipeline_mode = #tpu.pipeline_mode<synchronous>, transform_indices = @transform_2, window_bounds = array<i64: 1, 32>}, {transform_indices = @transform_3, window_bounds = array<i64: 2048, 1>}, {transform_indices = @transform_4, window_bounds = array<i64: 2048, 3>}, {pipeline_mode = #tpu.pipeline_mode<synchronous>, transform_indices = @transform_5, window_bounds = array<i64: 3, 32>}, {transform_indices = @transform_6, window_bounds = array<i64: 2048, 32>}, {transform_indices = @transform_7, window_bounds = array<i64: 2048, 32>}, {transform_indices = @transform_8, window_bounds = array<i64: 2048, 32>}, {transform_indices = @transform_9, window_bounds = array<i64: 2048, 32>}, {transform_indices = @transform_10, window_bounds = array<i64: 2048, 16>}]} {
    %get3A = arith.constant 0 : index
    %get3A_0 = arith.constant 0 : index
    %get3A_1 = vector.load %arg1[%get3A, %get3A_0] : memref<128x2048xf32, #tpu.memory_space<vmem>>, vector<128x2048xf32>
    %get3A_2 = arith.constant 0 : index
    %get3A_3 = arith.constant 0 : index
    %get3A_4 = vector.load %arg2[%get3A_2, %get3A_3] : memref<32x128xf32, #tpu.memory_space<vmem>>, vector<32x128xf32>
    %dot_general3A = arith.constant dense<0.000000e+00> : vector<2048x32xf32>
    %dot_general3A_5 = tpu.matmul %get3A_1, %get3A_4, %dot_general3A {dimension_numbers = #tpu.dot_dimension_numbers<[0], [1], [1], [0], [0, 1, 1, 0], [], []>, precision = #tpu.contract_precision<fp32>, transpose_lhs_hint = false} : vector<128x2048xf32>, vector<32x128xf32>, vector<2048x32xf32> -> vector<2048x32xf32>
    %get3A_6 = arith.constant 0 : index
    %get3A_7 = arith.constant 0 : index
    %get3A_8 = vector.load %arg3[%get3A_6, %get3A_7] : memref<1x32xf32, #tpu.memory_space<vmem>>, vector<1x32xf32>
    %add3A = vector.broadcast %get3A_8 : vector<1x32xf32> to vector<2048x32xf32>
    %add3A_9 = arith.addf %dot_general3A_5, %add3A : vector<2048x32xf32>
    %get3A_10 = arith.constant 0 : index
    %get3A_11 = arith.constant 0 : index
    %get3A_12 = vector.load %arg4[%get3A_10, %get3A_11] : memref<2048x1xf32, #tpu.memory_space<vmem>>, vector<2048x1xf32>
    %mul3A = vector.broadcast %get3A_12 : vector<2048x1xf32> to vector<2048x32xf32>
    %mul3A_13 = arith.mulf %add3A_9, %mul3A : vector<2048x32xf32>
    %get3A_14 = arith.constant 0 : index
    %get3A_15 = arith.constant 0 : index
    %get3A_16 = vector.load %arg5[%get3A_14, %get3A_15] : memref<2048x3xf32, #tpu.memory_space<vmem>>, vector<2048x3xf32>
    %get3A_17 = arith.constant 0 : index
    %get3A_18 = arith.constant 0 : index
    %get3A_19 = vector.load %arg6[%get3A_17, %get3A_18] : memref<3x32xf32, #tpu.memory_space<vmem>>, vector<3x32xf32>
    %slice3A = vector.extract_strided_slice %get3A_16 {offsets = [0, 0], sizes = [2048, 1], strides = [1, 1]} : vector<2048x3xf32> to vector<2048x1xf32>
    %slice3A_20 = vector.extract_strided_slice %get3A_19 {offsets = [0, 0], sizes = [1, 32], strides = [1, 1]} : vector<3x32xf32> to vector<1x32xf32>
    %mul3A_21 = vector.broadcast %slice3A : vector<2048x1xf32> to vector<2048x32xf32>
    %mul3A_22 = vector.broadcast %slice3A_20 : vector<1x32xf32> to vector<2048x32xf32>
    %mul3A_23 = arith.mulf %mul3A_21, %mul3A_22 : vector<2048x32xf32>
    %slice3A_24 = vector.extract_strided_slice %get3A_16 {offsets = [0, 1], sizes = [2048, 1], strides = [1, 1]} : vector<2048x3xf32> to vector<2048x1xf32>
    %slice3A_25 = vector.extract_strided_slice %get3A_19 {offsets = [1, 0], sizes = [1, 32], strides = [1, 1]} : vector<3x32xf32> to vector<1x32xf32>
    %mul3A_26 = vector.broadcast %slice3A_24 : vector<2048x1xf32> to vector<2048x32xf32>
    %mul3A_27 = vector.broadcast %slice3A_25 : vector<1x32xf32> to vector<2048x32xf32>
    %mul3A_28 = arith.mulf %mul3A_26, %mul3A_27 : vector<2048x32xf32>
    %add3A_29 = arith.addf %mul3A_23, %mul3A_28 : vector<2048x32xf32>
    %slice3A_30 = vector.extract_strided_slice %get3A_16 {offsets = [0, 2], sizes = [2048, 1], strides = [1, 1]} : vector<2048x3xf32> to vector<2048x1xf32>
    %slice3A_31 = vector.extract_strided_slice %get3A_19 {offsets = [2, 0], sizes = [1, 32], strides = [1, 1]} : vector<3x32xf32> to vector<1x32xf32>
    %mul3A_32 = vector.broadcast %slice3A_30 : vector<2048x1xf32> to vector<2048x32xf32>
    %mul3A_33 = vector.broadcast %slice3A_31 : vector<1x32xf32> to vector<2048x32xf32>
    %mul3A_34 = arith.mulf %mul3A_32, %mul3A_33 : vector<2048x32xf32>
    %add3A_35 = arith.addf %add3A_29, %mul3A_34 : vector<2048x32xf32>
    %sin3A = math.sin %add3A_35 : vector<2048x32xf32>
    %cos3A = math.cos %add3A_35 : vector<2048x32xf32>
    %mul3A_36 = arith.mulf %mul3A_13, %sin3A : vector<2048x32xf32>
    %swap3A = arith.constant 0 : index
    %swap3A_37 = arith.constant 0 : index
    %swap3A_38 = vector.load %arg7[%swap3A, %swap3A_37] : memref<2048x32xf32, #tpu.memory_space<vmem>>, vector<2048x32xf32>
    tpu.vector_store %arg7[%swap3A, %swap3A_37], %mul3A_36 {strides = array<i32>} : memref<2048x32xf32, #tpu.memory_space<vmem>>, vector<2048x32xf32>,
    %mul3A_39 = arith.mulf %mul3A_13, %cos3A : vector<2048x32xf32>
    %swap3A_40 = arith.constant 0 : index
    %swap3A_41 = arith.constant 0 : index
    %swap3A_42 = vector.load %arg8[%swap3A_40, %swap3A_41] : memref<2048x32xf32, #tpu.memory_space<vmem>>, vector<2048x32xf32>
    tpu.vector_store %arg8[%swap3A_40, %swap3A_41], %mul3A_39 {strides = array<i32>} : memref<2048x32xf32, #tpu.memory_space<vmem>>, vector<2048x32xf32>,
    %swap3A_43 = arith.constant 0 : index
    %swap3A_44 = arith.constant 0 : index
    %swap3A_45 = vector.load %arg9[%swap3A_43, %swap3A_44] : memref<2048x32xf32, #tpu.memory_space<vmem>>, vector<2048x32xf32>
    tpu.vector_store %arg9[%swap3A_43, %swap3A_44], %cos3A {strides = array<i32>} : memref<2048x32xf32, #tpu.memory_space<vmem>>, vector<2048x32xf32>,
    %swap3A_46 = arith.constant 0 : index
    %swap3A_47 = arith.constant 0 : index
    %swap3A_48 = vector.load %arg10[%swap3A_46, %swap3A_47] : memref<2048x32xf32, #tpu.memory_space<vmem>>, vector<2048x32xf32>
    tpu.vector_store %arg10[%swap3A_46, %swap3A_47], %sin3A {strides = array<i32>} : memref<2048x32xf32, #tpu.memory_space<vmem>>, vector<2048x32xf32>,
    %broadcast_in_dim3A = arith.constant 0.000000e+00 : f32
    %broadcast_in_dim3A_49 = vector.broadcast %broadcast_in_dim3A : f32 to vector<2048x13xf32>
    %concatenate3A = tpu.concatenate %get3A_16, %broadcast_in_dim3A_49 in 1 : vector<2048x3xf32>, vector<2048x13xf32> -> vector<2048x16xf32>
    %swap3A_50 = arith.constant 0 : index
    %swap3A_51 = arith.constant 0 : index
    %swap3A_52 = vector.load %arg11[%swap3A_50, %swap3A_51] : memref<2048x16xf32, #tpu.memory_space<vmem>>, vector<2048x16xf32>
    tpu.vector_store %arg11[%swap3A_50, %swap3A_51], %concatenate3A {strides = array<i32>} : memref<2048x16xf32, #tpu.memory_space<vmem>>, vector<2048x16xf32>,
    return
  }
  func.func @transform_0(%arg0: i32) -> (i32, i32) {
    %c0_i32 = arith.constant 0 : i32
    %c0_i32_0 = arith.constant 0 : i32
    return %c0_i32, %arg0 : i32, i32
  }
  func.func @transform_1(%arg0: i32) -> (i32, i32) {
    %c0_i32 = arith.constant 0 : i32
    %c0_i32_0 = arith.constant 0 : i32
    %c0_i32_1 = arith.constant 0 : i32
    return %c0_i32, %c0_i32_0 : i32, i32
  }
  func.func @transform_2(%arg0: i32) -> (i32, i32) {
    %c0_i32 = arith.constant 0 : i32
    %c0_i32_0 = arith.constant 0 : i32
    %c0_i32_1 = arith.constant 0 : i32
    return %c0_i32, %c0_i32_0 : i32, i32
  }
  func.func @transform_3(%arg0: i32) -> (i32, i32) {
    %c0_i32 = arith.constant 0 : i32
    %c0_i32_0 = arith.constant 0 : i32
    return %arg0, %c0_i32 : i32, i32
  }
  func.func @transform_4(%arg0: i32) -> (i32, i32) {
    %c0_i32 = arith.constant 0 : i32
    %c0_i32_0 = arith.constant 0 : i32
    return %arg0, %c0_i32 : i32, i32
  }
  func.func @transform_5(%arg0: i32) -> (i32, i32) {
    %c0_i32 = arith.constant 0 : i32
    %c0_i32_0 = arith.constant 0 : i32
    %c0_i32_1 = arith.constant 0 : i32
    return %c0_i32, %c0_i32_0 : i32, i32
  }
  func.func @transform_6(%arg0: i32) -> (i32, i32) {
    %c0_i32 = arith.constant 0 : i32
    %c0_i32_0 = arith.constant 0 : i32
    return %arg0, %c0_i32 : i32, i32
  }
  func.func @transform_7(%arg0: i32) -> (i32, i32) {
    %c0_i32 = arith.constant 0 : i32
    %c0_i32_0 = arith.constant 0 : i32
    return %arg0, %c0_i32 : i32, i32
  }
  func.func @transform_8(%arg0: i32) -> (i32, i32) {
    %c0_i32 = arith.constant 0 : i32
    %c0_i32_0 = arith.constant 0 : i32
    return %arg0, %c0_i32 : i32, i32
  }
  func.func @transform_9(%arg0: i32) -> (i32, i32) {
    %c0_i32 = arith.constant 0 : i32
    %c0_i32_0 = arith.constant 0 : i32
    return %arg0, %c0_i32 : i32, i32
  }
  func.func @transform_10(%arg0: i32) -> (i32, i32) {
    %c0_i32 = arith.constant 0 : i32
    %c0_i32_0 = arith.constant 0 : i32
    return %arg0, %c0_i32 : i32, i32
  }
}

module attributes {stable_mosaic.version = 14 : i64} {
  func.func @_fc2_body(%arg0: i32, %arg1: memref<2x2048x32xf32, #tpu.memory_space<vmem>>, %arg2: memref<128x32xf32, #tpu.memory_space<vmem>>, %arg3: memref<128x1xf32, #tpu.memory_space<vmem>>, %arg4: memref<128x2048xf32, #tpu.memory_space<vmem>>) attributes {dimension_semantics = [#tpu.dimension_semantics<arbitrary>], iteration_bounds = array<i64: 25>, scalar_prefetch = 0 : i64, scratch_operands = 0 : i64, tpu.core_type = #tpu.core_type<tc>, window_params = [{transform_indices = @transform_0, window_bounds = array<i64: 2, 2048, 32>}, {pipeline_mode = #tpu.pipeline_mode<synchronous>, transform_indices = @transform_1, window_bounds = array<i64: 128, 32>}, {pipeline_mode = #tpu.pipeline_mode<synchronous>, transform_indices = @transform_2, window_bounds = array<i64: 128, 1>}, {transform_indices = @transform_3, window_bounds = array<i64: 128, 2048>}]} {
    %get3A = arith.constant 0 : index
    %get3A_0 = arith.constant 0 : index
    %get3A_1 = arith.constant 0 : index
    %get3A_2 = vector.load %arg1[%get3A, %get3A_0, %get3A_1] : memref<2x2048x32xf32, #tpu.memory_space<vmem>>, vector<1x2048x32xf32>
    %get3A_3 = vector.shape_cast %get3A_2 : vector<1x2048x32xf32> to vector<2048x32xf32>
    %get3A_4 = arith.constant 1 : index
    %get3A_5 = arith.constant 0 : index
    %get3A_6 = arith.constant 0 : index
    %get3A_7 = vector.load %arg1[%get3A_4, %get3A_5, %get3A_6] : memref<2x2048x32xf32, #tpu.memory_space<vmem>>, vector<1x2048x32xf32>
    %get3A_8 = vector.shape_cast %get3A_7 : vector<1x2048x32xf32> to vector<2048x32xf32>
    %add3A = arith.addf %get3A_3, %get3A_8 : vector<2048x32xf32>
    %get3A_9 = arith.constant 0 : index
    %get3A_10 = arith.constant 0 : index
    %get3A_11 = vector.load %arg2[%get3A_9, %get3A_10] : memref<128x32xf32, #tpu.memory_space<vmem>>, vector<128x32xf32>
    %dot_general3A = arith.constant dense<0.000000e+00> : vector<128x2048xf32>
    %dot_general3A_12 = tpu.matmul %get3A_11, %add3A, %dot_general3A {dimension_numbers = #tpu.dot_dimension_numbers<[1], [1], [0], [0], [0, 0, 1, 0], [], []>, transpose_lhs_hint = false} : vector<128x32xf32>, vector<2048x32xf32>, vector<128x2048xf32> -> vector<128x2048xf32>
    %get3A_13 = arith.constant 0 : index
    %get3A_14 = arith.constant 0 : index
    %get3A_15 = vector.load %arg3[%get3A_13, %get3A_14] : memref<128x1xf32, #tpu.memory_space<vmem>>, vector<128x1xf32>
    %add3A_16 = vector.broadcast %get3A_15 : vector<128x1xf32> to vector<128x2048xf32>
    %add3A_17 = arith.addf %dot_general3A_12, %add3A_16 : vector<128x2048xf32>
    %swap3A = arith.constant 0 : index
    %swap3A_18 = arith.constant 0 : index
    %swap3A_19 = vector.load %arg4[%swap3A, %swap3A_18] : memref<128x2048xf32, #tpu.memory_space<vmem>>, vector<128x2048xf32>
    tpu.vector_store %arg4[%swap3A, %swap3A_18], %add3A_17 {strides = array<i32>} : memref<128x2048xf32, #tpu.memory_space<vmem>>, vector<128x2048xf32>,
    return
  }
  func.func @transform_0(%arg0: i32) -> (i32, i32, i32) {
    %c0_i32 = arith.constant 0 : i32
    %c0_i32_0 = arith.constant 0 : i32
    %c0_i32_1 = arith.constant 0 : i32
    return %c0_i32, %arg0, %c0_i32_0 : i32, i32, i32
  }
  func.func @transform_1(%arg0: i32) -> (i32, i32) {
    %c0_i32 = arith.constant 0 : i32
    %c0_i32_0 = arith.constant 0 : i32
    %c0_i32_1 = arith.constant 0 : i32
    return %c0_i32, %c0_i32_0 : i32, i32
  }
  func.func @transform_2(%arg0: i32) -> (i32, i32) {
    %c0_i32 = arith.constant 0 : i32
    %c0_i32_0 = arith.constant 0 : i32
    %c0_i32_1 = arith.constant 0 : i32
    return %c0_i32, %c0_i32_0 : i32, i32
  }
  func.func @transform_3(%arg0: i32) -> (i32, i32) {
    %c0_i32 = arith.constant 0 : i32
    %c0_i32_0 = arith.constant 0 : i32
    return %c0_i32, %arg0 : i32, i32
  }
}

</mosaic_0001>

<sc_bundles>
// kernel: kernel.5.cloned.1.call-start
scs
__scs_entry_jumppad:
0x0: {  	(pc) =	sbr.rel $0x88, $3  }
0x1: {  	(tag) =	ssettag $0x0;
	lr =	simm.s32 $0x1  }
0x2: {  	[smem:$0x3F97] =	sst lr;
	_ =	strace $0xD0000000  }
0x3: {  	_ = 	snop  }
0x4: {  	_ = 	snop  }
0x5: {  	_ = 	snop  }
0x6: {  	_ = 	snop  }
0x7: {  	_ = 	snop  }
__scs_overlays_trampoline_lowered:
0x8: {  	[smem:$0x3FA6] =	sst s0  }
0x9: {  	[smem:$0x3FA7] =	sst s1  }
0xa: {  	[smem:$0x3FA8] =	sst s2  }
0xb: {  	[smem:$0x3FA9] =	sst s3  }
0xc: {  	[smem:$0x3FAA] =	sst s4  }
0xd: {  	[smem:$0x3FAB] =	sst s5  }
0xe: {  	[smem:$0x3FAC] =	sst s6  }
0xf: {  	[smem:$0x3FAD] =	sst s7  }
0x10: {  	[smem:$0x3FAE] =	sst s8  }
0x11: {  	[smem:$0x3FAF] =	sst s9;
	s0 =	simm.s32 @!p0 $0x0  }
0x12: {  	s1 =	sld [smem:$0x3F95];
	s0 =	simm.s32 @p0 $0x1  }
0x13: {  	[smem:$0x3FB0] =	sst s0;
	s0 =	simm.s32 @!p1 $0x0  }
0x14: {  	s2 =	sld [smem:$0x3F94];
	s0 =	simm.s32 @p1 $0x1  }
0x15: {  	[smem:$0x3FB1] =	sst s0;
	s0 =	simm.s32 @!p2 $0x0  }
0x16: {  	s3 =	sld [smem:$0x3FDB];
	s0 =	simm.s32 @p2 $0x1  }
0x17: {  	s4 =	simm.s32 $0x1BF5;
	[smem:$0x3FB3] =	sst s0  }
0x18: {  	s0 =	sld [smem:$0x3F96];
	_ =	swait.ge [sflag:s4], $0x0  }
0x19: {  	s7 =	sld [smem:$0x3F97]  }
0x1a: {  	s8 =	sadd.s32 $0xFFFFE003, lr  }
0x1b: {  	s9 =	sadd.s32 $0xFFFFFEF7, lr;
	s5 =	simm.s32 $0xFFFFFFFF;
	p2 =	slt.u32 s8, $0xFFFFF086  }
0x1c: {  	p1 =	slt.u32 s9, $0xF7A;
	s5 =	simm.s32 @!p2 $0x0  }
0x1d: {  	s5 =	simm.s32 @p1 $0x1;
	p0 =	seq.s32 s7, s2  }
0x1e: {  	s7 =	smul.u32 @!p0 $0xF7A, s2;
	p2 =	seq.s32 @!p0 s5, $0x0  }
0x1f: {  	s9 =	smul.u32 $0xF7A, s1;
	s8 =	simm.s32 @!p0 $0x1BF5;
	p2 =	por !p2, p0  }
0x20: {  	[sflag:s8] =	ssyncset.s32 @!p0 $0xFFFFF086;
	s6 =	sadd.s32 @!p0 s3, s7;
	s7 =	simm.s32 @!p0 $0x108  }
0x21: {  	s3 =	sadd.s32 s3, s9;
	s6 =	sadd.s32 @!p0 $0x88, s6;
	s7 =	simm.s32 @p2 $0x1082  }
0x22: {  	[simem:s7], [sflag:s8] =	dma.local @!p0 [hbm:s6], $0xF7A  }
0x23: {  	s9 =	sor.u32 $0xD0000000, s2;
	s6 =	simm.s32 $0x108;
	_ =	swait.ge @!p0 [sflag:s8], $0x0  }
0x24: {  	s3 =	sadd.s32 $0x88, s3;
	s6 =	simm.s32 @!p1 $0x1082;
	[sflag:s4] =	ssyncset.s32 $0xFFFFF086  }
0x25: {  	[simem:s6], [sflag:s4] =	dma.local [hbm:s3], $0xF7A  }
0x26: {  	[smem:$0x3F97] =	sst s1;
	(tag) =	ssettag s2;
	_ =	strace s9  }
0x27: {  	s1 =	sld [smem:$0x3FA7]  }
0x28: {  	s2 =	sld [smem:$0x3FA8]  }
0x29: {  	s4 =	sld [smem:$0x3FAA]  }
0x2a: {  	p0 =	seq.s32 s5, $0x0;
	s5 =	sld [smem:$0x3FAB]  }
0x2b: {  	s6 =	sld [smem:$0x3FAC]  }
0x2c: {  	s7 =	sld [smem:$0x3FAD]  }
0x2d: {  	s3 =	simm.s32 $0x108;
	s8 =	sld [smem:$0x3FAE]  }
0x2e: {  	s3 =	simm.s32 @!p0 $0x1082;
	s9 =	sld [smem:$0x3FAF]  }
0x2f: {  	lr =	sadd.s32 s0, s3;
	s0 =	sld [smem:$0x3FA6]  }
0x30: {  	s3 =	sld [smem:$0x3FA9]  }
0x31: {  	[smem:$0x3FB2] =	sst s10  }
0x32: {  	s10 =	sld [smem:$0x3FB0];
	_ =	sdelay $0x3  }
0x33: {  	p0 =	seq.s32 s10, $0x1;
	s10 =	sld [smem:$0x3FB2];
	_ =	sdelay $0x3  }
0x34: {  	[smem:$0x3FB2] =	sst s10  }
0x35: {  	s10 =	sld [smem:$0x3FB1];
	_ =	sdelay $0x3  }
0x36: {  	p1 =	seq.s32 s10, $0x1;
	s10 =	sld [smem:$0x3FB2];
	_ =	sdelay $0x3  }
0x37: {  	[smem:$0x3FB2] =	sst s10  }
0x38: {  	s10 =	sld [smem:$0x3FB3]  }
0x39: {  	_ = 	snop;
	(pc) =	sbr.ind lr, $3  }
0x3a: {  	_ = 	snop  }
0x3b: {  	_ = 	snop  }
0x3c: {  	p2 =	seq.s32 s10, $0x1;
	s10 =	sld [smem:$0x3FB2]  }
0x3d: {  	_ =	shalt  }
0x3e: {  	_ =	shalt  }
0x3f: {  	_ =	shalt  }
0x40: {  	_ =	shalt  }
0x41: {  	_ =	shalt  }
0x42: {  	_ =	shalt  }
0x43: {  	_ =	shalt  }
0x44: {  	_ =	shalt  }
0x45: {  	_ =	shalt  }
0x46: {  	_ =	shalt  }
0x47: {  	_ =	shalt  }
0x48: {  	_ =	shalt  }
0x49: {  	_ =	shalt  }
0x4a: {  	_ =	shalt  }
0x4b: {  	_ =	shalt  }
0x4c: {  	_ =	shalt  }
0x4d: {  	_ =	shalt  }
0x4e: {  	_ =	shalt  }
0x4f: {  	_ =	shalt  }
0x50: {  	_ =	shalt  }
0x51: {  	_ =	shalt  }
0x52: {  	_ =	shalt  }
0x53: {  	_ =	shalt  }
0x54: {  	_ =	shalt  }
0x55: {  	_ =	shalt  }
0x56: {  	_ =	shalt  }
0x57: {  	_ =	shalt  }
0x58: {  	_ =	shalt  }
0x59: {  	_ =	shalt  }
0x5a: {  	_ =	shalt  }
0x5b: {  	_ =	shalt  }
0x5c: {  	_ =	shalt  }
0x5d: {  	_ =	shalt  }
0x5e: {  	_ =	shalt  }
0x5f: {  	_ =	shalt  }
0x60: {  	_ =	shalt  }
0x61: {  	_ =	shalt  }
0x62: {  	_ =	shalt  }
0x63: {  	_ =	shalt  }
0x64: {  	_ =	shalt  }
0x65: {  	_ =	shalt  }
0x66: {  	_ =	shalt  }
0x67: {  	_ =	shalt  }
0x68: {  	_ =	shalt  }
0x69: {  	_ =	shalt  }
0x6a: {  	_ =	shalt  }
0x6b: {  	_ =	shalt  }
0x6c: {  	_ =	shalt  }
0x6d: {  	_ =	shalt  }
0x6e: {  	_ =	shalt  }
0x6f: {  	_ =	shalt  }
0x70: {  	_ =	shalt  }
0x71: {  	_ =	shalt  }
0x72: {  	_ =	shalt  }
0x73: {  	_ =	shalt  }
0x74: {  	_ =	shalt  }
0x75: {  	_ =	shalt  }
0x76: {  	_ =	shalt  }
0x77: {  	_ =	shalt  }
0x78: {  	_ =	shalt  }
0x79: {  	_ =	shalt  }
0x7a: {  	_ =	shalt  }
0x7b: {  	_ =	shalt  }
0x7c: {  	_ =	shalt  }
0x7d: {  	_ =	shalt  }
0x7e: {  	_ =	shalt  }
0x7f: {  	_ =	shalt  }
0x80: {  	_ =	shalt  }
0x81: {  	_ =	shalt  }
0x82: {  	_ =	shalt  }
0x83: {  	_ =	shalt  }
0x84: {  	_ =	shalt  }
0x85: {  	_ =	shalt  }
0x86: {  	_ =	shalt  }
0x87: {  	_ =	shalt  }
.Lfunc_end0:
.L_simem_size_0:
called_computation_lowered:
.L_overlay_start_0:
0x88: {  	s2 =	sld [smem:$0x3FD9]  }
0x89: {  	s3 =	sld [smem:$0x3FFE];
	_ =	sdelay $0x1  }
0x8a: {  	s1 =	srdreg.scid  }
0x8b: {  	s0 =	sand.u32 $0x1, s1  }
0x8c: {  	s17 =	sshll.u32 s0, $0xA;
	s2 =	sadd.s32 s3, s2  }
0x8d: {  	s2 =	sadd.s32 s2, s17  }
0x8e: {  	[smem:$0x3FBE] =	sst s2  }
0x8f: {  	_ = 	snop  }
0x90: {  	s2 =	sld [smem:$0x3FD0];
	(tm) =	ssettm $0x1  }
0x91: {  	s18 =	sld [smem:$0x3FFB];
	_ =	sdelay $0x3  }
0x92: {  	_ =	strace s18  }
0x93: {  	s3 =	sld [smem:$0x3FFC];
	_ =	sdelay $0x3  }
0x94: {  	_ =	strace s3  }
0x95: {  	s3 =	sld [smem:$0x3FFD];
	_ =	sdelay $0x3  }
0x96: {  	_ =	strace s3  }
0x97: {  	_ =	strace $0x8FFFFFFF  }
0x98: {  	s19 =	sld [smem:$0x3FDB];
	_ =	sdelay $0x1  }
0x99: {  	s4 =	simm.s32 $_scs_section_size  }
0x9a: {  	s5 =	simm.s32 $_size__tile_overlayer_lowered;
	s6 =	simm.s32 $_tile_overlayer_lowered  }
0x9b: {  	s22 =	simm.s32 $0x1BFF;
	s21 =	sshll.u32 s6, $0x1;
	s3 =	sadd.s32 s4, s19  }
0x9c: {  	s7 =	simm.s32 $0x0;
	s20 =	sshll.u32 s5, $0x1;
	s5 =	sadd.s32 s21, s3  }
0x9d: {  	[timem:s7], [sflag:s22] =	dma.local [hbm:s5], s20  }
0x9e: {  	_ =	swait.ge [sflag:s22], s20  }
0x9f: {  	s4 =	ssub.s32 $0x0, s20;
	[sflag:s22] =	ssyncset.done $0x0  }
0xa0: {  	[sflag:s22] =	ssyncadd.s32 s4;
	_ =	sdelay $0x1  }
0xa1: {  	s23 =	simm.s32 $0x1B8B  }
0xa2: {  	_ =	swait.ge [sflag:s23], $0x1  }
0xa3: {  	[sflag:s23] =	ssyncset.done $0x0  }
0xa4: {  	s25 =	simm.s32 $0x1B8E;
	s24 =	sld [smem:$0x3FFE];
	[sflag:s23] =	ssyncadd.s32 $0xFFFFFFFF  }
0xa5: {  	s26 =	simm.s32 $execute0_lowered;
	[smem:$0x3FD2] =	sst s25  }
0xa6: {  	s5 =	sshll.u32 s26, $0x1;
	_ =	strace $0x80000046;
	[dreg:$0x1] =	wrdreg $0xFFFFFFFF  }
0xa7: {  	s28 =	simm.s32 $_size_execute0_lowered;
	s3 =	sadd.s32 s3, s5;
	[dreg:$0x0] =	wrdreg $0x0  }
0xa8: {  	s5 =	sshll.u32 s28, $0x1;
	[dreg:$0x2] =	wrdreg s3  }
0xa9: {  	[dreg:$0x3] =	wrdreg s5  }
0xaa: {  	[dreg:$0x4] =	wrdreg $0xC0  }
0xab: {  	_ =	task [dreg:s7], $0x5FFFF  }
0xac: {  	[dreg:$0x1] =	wrdreg $0xFFFFFFFF  }
0xad: {  	[dreg:$0x0] =	wrdreg $0x60  }
0xae: {  	[dreg:$0x2] =	wrdreg s24  }
0xaf: {  	[dreg:$0x3] =	wrdreg s2  }
0xb0: {  	[dreg:$0x4] =	wrdreg $0x72800  }
0xb1: {  	[dreg:$0x5] =	wrdreg $0x9  }
0xb2: {  	_ =	task.clear_ibuf [dreg:s7], $0x6FFFF;
	_ =	strace $0x90000046  }
0xb3: {  	s29 =	simm.s32 $0x9;
	_ =	strace $0x80000048  }
0xb4: {  	_ =	swait.ge [sflag:s29], $0x1  }
0xb5: {  	[sflag:s29] =	ssyncadd.s32 $0xFFFFFFFF  }
0xb6: {  	_ =	strace $0x90000048  }
0xb7: {  	_ =	sfence  }
0xb8: {  	s30 =	sld [smem:$0x0];
	_ =	sdelay $0x2  }
0xb9: {  	s31 =	sshll.u32 s1, $0xD;
	s1 =	sshrl.u32 s1, $0x2  }
0xba: {  	s3 =	sand.u32 $0x4000, s31;
	s1 =	sadd.s32 s1, s30  }
0xbb: {  	s0 =	sor.u32 s3, s0;
	s1 =	sshll.u32 s1, $0x11  }
0xbc: {  	s0 =	sor.u32 s1, s0  }
0xbd: {  	s0 =	sadd.s32 $0x8F2B, s0  }
0xbe: {  	[sflag:s0] =	ssyncadd.remote.s32 $0x1  }
0xbf: {  	_ =	sfence.sel $0xFFFF  }
0xc0: {  	[dreg:$0x0] =	wrdreg $0xFFFFFFFF;
	(pc) =	sbr.abs _section_cstart, $3  }
0xc1: {  	[dreg:$0x1] =	wrdreg $0xFFFFFFFF  }
0xc2: {  	_ =	task.clear_ibuf [dreg:s7], $0x2FFFF;
	_ =	strace $0x9FFFFFFF  }
0xc3: {  	(tm) =	ssettm $0x7FFFFFFF  }
tec
execute0_lowered:
.L_overlay_start_1:
0x0: {  	(tag) =	ssettag $0x1  }
0x1: {  	s0 =	rddreg [dreg:$0x0]  }
0x2: {  	s1 =	rddreg [dreg:$0x1]  }
0x3: {  	s28 =	rddreg [dreg:$0x2]  }
0x4: {  	s3 =	simm.s32 $0x0;
	s2 =	srdreg.scid;
	s7 =	stileid.u32  }
0x5: {  	s31 =	simm.s32 $0x5;
	s30 =	simm.s32 $0x1;
	s29 =	simm.s32 $0x4  }
0x6: {  	[smem:$0x7FF] =	sst s3;
	s4 =	sadd.s32 $0xC6400, s0;
	s2 =	sand.u32 $0x1, s2  }
0x7: {  	s5 =	sshll.u32 s7, $0x1;
	s6 =	sadd.s32 $0x95600, s0;
	s12 =	sadd.s32 $0x64800, s0  }
0x8: {  	s13 =	sadd.s32 $0x33A00, s0;
	s8 =	sadd.s32 $0x2C00, s0;
	s10 =	sadd.s32 $0x10FC00, s0  }
0x9: {  	s11 =	sadd.s32 $0xDEE00, s0;
	_ =	strace $0x80000047;
	[dreg:$0x4] =	wrdreg s6  }
0xa: {  	s0 =	sadd.s32 $0xDEC00, s0;
	s20 =	smul.u32 $0x18600, s7;
	[dreg:$0x5] =	wrdreg s12  }
0xb: {  	s23 =	smul.u32 $0x61800, s7;
	p0 =	sne.s32 s7, $0xF;
	[dreg:$0x6] =	wrdreg s13  }
0xc: {  	s5 =	sor.u32 s2, s5;
	s14 =	ssub.s32 $0x2, s2;
	[dreg:$0x9] =	wrdreg s0  }
0xd: {  	[dreg:$0x7] =	wrdreg s10;
	s2 =	smul.u32 $0x186A00, s2;
	s12 =	sadd.s32 $0x186500, s28  }
0xe: {  	[dreg:$0x8] =	wrdreg s11;
	s13 =	sadd.s32 $0x186780, s28;
	s5 =	smul.u32 $0xC350, s5  }
0xf: {  	s15 =	sshrl.u32 s14, $0x1;
	s26 =	sshrl.u32 s23, $0x2;
	[dreg:$0x17] =	wrdreg s12  }
0x10: {  	[dreg:$0x18] =	wrdreg s13;
	s0 =	ssub.s32 s14, s15;
	s19 =	sadd.s32 $0xA0, s5  }
0x11: {  	s9 =	sshrl.u32 s5, $0x3;
	s5 =	sadd.s32 $0xF0, s5;
	[dreg:$0xe] =	wrdreg s19  }
0x12: {  	s23 =	simm.s32 $0x2;
	s0 =	smax.u32 s0, $0x1;
	[dreg:$0xf] =	wrdreg s5  }
0x13: {  	s21 =	sshrl.u32 s2, $0x3;
	s16 =	sadd.s32 s10, s9;
	[dreg:$0x10] =	wrdreg s0  }
0x14: {  	s17 =	sadd.s32 $0xA, s9;
	s9 =	sadd.s32 s11, s9;
	[dreg:$0xa] =	wrdreg s16  }
0x15: {  	s2 =	sadd.s32 s20, s2;
	[dreg:$0xb] =	wrdreg s9;
	s18 =	sadd.s32 s10, s17  }
0x16: {  	s0 =	sadd.s32 s1, s21;
	s6 =	sadd.s32 s11, s17;
	[dreg:$0xc] =	wrdreg s18  }
0x17: {  	s2 =	sshrl.u32 s2, $0x3;
	s22 =	sadd.s32 $0x30C00, s0;
	[dreg:$0xd] =	wrdreg s6  }
0x18: {  	s19 =	simm.s32 $0x3;
	s24 =	sadd.s32 $0x30C50, s0;
	[dreg:$0x12] =	wrdreg s22  }
0x19: {  	s9 =	sadd.s32 $0x186000, s28;
	s25 =	sadd.s32 $0x30CA0, s0;
	[dreg:$0x13] =	wrdreg s24  }
0x1a: {  	s0 =	sadd.s32 $0x30CF0, s0;
	s10 =	sadd.s32 $0x186280, s28;
	[dreg:$0x14] =	wrdreg s25  }
0x1b: {  	s11 =	simm.s32 $0x50;
	s22 =	sadd.s32 s2, s1;
	[dreg:$0x15] =	wrdreg s0  }
0x1c: {  	v0 =	vimm.f32 $0.0e+00;
	s25 =	sadd.s32 s26, s28;
	s0 =	simm.s32 $0x6FE0;
	[dreg:$0x11] =	wrdreg s9  }
0x1d: {  	v1 =	vimm.s32 $0x0;
	v2 =	vimm.s32 $0x1;
	v3 =	vimm.s32 $0x2;
	s2 =	simm.s32 $0xA0;
	s6 =	simm.s32 $0x0;
	[dreg:$0x16] =	wrdreg s10  }
.LBB2_1:
0x1e: {  	s1 =	rddreg [dreg:$0x9];
	s5 =	simm.s32 $0x7260  }
0x1f: {  	[tilespmem:s5], [sflag:$0x5] =	stream.linear.gather [hbm4b:s1+s3], $0x20, $0x38;
	[tilespmem:$0x1F920] =	vst v63  }
0x20: {  	_ =	swait.ge [sflag:s31], $0x20  }
0x21: {  	[sflag:s31] =	ssyncset.done $0x0  }
0x22: {  	[sflag:s31] =	ssyncadd.s32 $0xFFFFFFE0  }
0x23: {  	[tilespmem:$0x6FE0] =	vst v0  }
0x24: {  	[tilespmem:$0x6FF0] =	vst v0  }
0x25: {  	[tilespmem:$0x7000] =	vst v0  }
0x26: {  	[tilespmem:$0x7010] =	vst v0  }
0x27: {  	[tilespmem:$0x7020] =	vst v0  }
0x28: {  	[tilespmem:$0x7030] =	vst v0  }
0x29: {  	[tilespmem:$0x7040] =	vst v0  }
0x2a: {  	[tilespmem:$0x7050] =	vst v0  }
0x2b: {  	[tilespmem:$0x7060] =	vst v0  }
0x2c: {  	[tilespmem:$0x7070] =	vst v0  }
0x2d: {  	[tilespmem:$0x7080] =	vst v0  }
0x2e: {  	[tilespmem:$0x7090] =	vst v0  }
0x2f: {  	[tilespmem:$0x70A0] =	vst v0  }
0x30: {  	[tilespmem:$0x70B0] =	vst v0  }
0x31: {  	[tilespmem:$0x70C0] =	vst v0  }
0x32: {  	[tilespmem:$0x70D0] =	vst v0  }
0x33: {  	[tilespmem:$0x70E0] =	vst v0  }
0x34: {  	[tilespmem:$0x70F0] =	vst v0  }
0x35: {  	[tilespmem:$0x7100] =	vst v0  }
0x36: {  	[tilespmem:$0x7110] =	vst v0  }
0x37: {  	[tilespmem:$0x7120] =	vst v0  }
0x38: {  	[tilespmem:$0x7130] =	vst v0  }
0x39: {  	[tilespmem:$0x7140] =	vst v0  }
0x3a: {  	[tilespmem:$0x7150] =	vst v0  }
0x3b: {  	[tilespmem:$0x7160] =	vst v0  }
0x3c: {  	[tilespmem:$0x7170] =	vst v0  }
0x3d: {  	[tilespmem:$0x7180] =	vst v0  }
0x3e: {  	[tilespmem:$0x7190] =	vst v0  }
0x3f: {  	[tilespmem:$0x71A0] =	vst v0  }
0x40: {  	[tilespmem:$0x71B0] =	vst v0  }
0x41: {  	[tilespmem:$0x71C0] =	vst v0  }
0x42: {  	[tilespmem:$0x71D0] =	vst v0  }
0x43: {  	[tilespmem:$0x71E0] =	vst v0  }
0x44: {  	[tilespmem:$0x71F0] =	vst v0  }
0x45: {  	[tilespmem:$0x7200] =	vst v0  }
0x46: {  	[tilespmem:$0x7210] =	vst v0  }
0x47: {  	[tilespmem:$0x7220] =	vst v0  }
0x48: {  	[tilespmem:$0x7230] =	vst v0  }
0x49: {  	[tilespmem:$0x7240] =	vst v0  }
0x4a: {  	s26 =	sadd.s32 $0x0, s25;
	[tilespmem:$0x7250] =	vst v0  }
0x4b: {  	[spmem:s26] =	stream.linear.scatter [tilespmem:s0], [sflag:$0x5], $0x280, $0x38;
	[tilespmem:$0x1F920] =	vst v63  }
0x4c: {  	s1 =	simm.s32 $0xA00;
	_ =	swait.ge [sflag:s31], $0x280  }
.LBB2_2:
0x4d: {  	s5 =	sshra.s32 s1, $0x2;
	[sflag:s31] =	ssyncset.done $0x0;
	p1 =	sne.s32 s1, $0x60E00  }
.Ltmp0:
0x4e: {  	s5 =	sadd.s32 s5, s25;
	[sflag:s31] =	ssyncadd.s32 $0xFFFFFD80;
	(pc) =	sbr.rel @p1 .LBB2_2-.Ltmp0, $3  }
0x4f: {  	[spmem:s5] =	stream.linear.scatter [tilespmem:s0], [sflag:$0x5], $0x280, $0x38;
	[tilespmem:$0x1F920] =	vst v63  }
0x50: {  	s1 =	sadd.s32 $0xA00, s1;
	_ =	sdelay $0x1  }
0x51: {  	_ =	swait.ge [sflag:s31], $0x280  }
0x52: {  	[dreg:$0x19] =	wrdreg s6;
	[sflag:s31] =	ssyncset.done $0x0  }
0x53: {  	s1 =	simm.s32 @!p0 $0x6FE0;
	s5 =	simm.s32 @!p0 $0x5;
	[sflag:s31] =	ssyncadd.s32 $0xFFFFFD80  }
0x54: {  	[spmem:s9] =	stream.linear.scatter @!p0 [tilespmem:s1], [sflag:$0x5], $0x280, $0x38;
	[tilespmem:$0x1F920] =	vst v63  }
0x55: {  	_ =	swait.ge @!p0 [sflag:s5], $0x280  }
0x56: {  	[sflag:s5] =	ssyncset.done @!p0 $0x0  }
0x57: {  	[sflag:s5] =	ssyncadd.s32 @!p0 $0xFFFFFD80  }
0x58: {  	[spmem:s10] =	stream.linear.scatter @!p0 [tilespmem:s1], [sflag:$0x5], $0x280, $0x38;
	[tilespmem:$0x1F920] =	vst v63  }
0x59: {  	_ =	swait.ge @!p0 [sflag:s5], $0x280  }
0x5a: {  	[sflag:s5] =	ssyncset.done @!p0 $0x0  }
0x5b: {  	[sflag:s5] =	ssyncadd.s32 @!p0 $0xFFFFFD80  }
0x5c: {  	[spmem:s12] =	stream.linear.scatter @!p0 [tilespmem:s1], [sflag:$0x5], $0x280, $0x38;
	[tilespmem:$0x1F920] =	vst v63  }
0x5d: {  	_ =	swait.ge @!p0 [sflag:s5], $0x280  }
0x5e: {  	[sflag:s5] =	ssyncset.done @!p0 $0x0  }
0x5f: {  	[sflag:s5] =	ssyncadd.s32 @!p0 $0xFFFFFD80  }
0x60: {  	[spmem:s13] =	stream.linear.scatter @!p0 [tilespmem:s1], [sflag:$0x5], $0x280, $0x38;
	[tilespmem:$0x1F920] =	vst v63  }
0x61: {  	_ =	swait.ge @!p0 [sflag:s5], $0x280  }
0x62: {  	[sflag:s5] =	ssyncset.done @!p0 $0x0  }
0x63: {  	[sflag:s5] =	ssyncadd.s32 @!p0 $0xFFFFFD80  }
0x64: {  	[bflag:$0x0] =	sbarrier.arrive $0xFFFF  }
0x65: {  	s24 =	simm.s32 $0x0;
	v5 =	vld [tilespmem:$0x7260];
	s6 =	rddreg [dreg:$0xa]  }
0x66: {  	v4 =	vld [tilespmem:$0x7270];
	[tilespmem:s24], [sflag:$0x1] =	stream.linear.gather [hbm4b:s6+s24], $0x50, $0x38  }
0x67: {  	s7 =	rddreg [dreg:$0xb]  }
0x68: {  	[tilespmem:s2], [sflag:$0x1] =	stream.linear.gather [hbm4b:s7+s24], $0x50, $0x38;
	[tilespmem:$0x1F920] =	vst v63  }
0x69: {  	_ =	swait.ge [sflag:s30], $0x50  }
0x6a: {  	[sflag:s30] =	ssyncset.done $0x0  }
0x6b: {  	[sflag:s30] =	ssyncadd.s32 $0xFFFFFFB0  }
0x6c: {  	_ =	swait.ge [sflag:s30], $0x50  }
0x6d: {  	[sflag:s30] =	ssyncset.done $0x0  }
0x6e: {  	s9 =	simm.s32 $0x1E0;
	[sflag:s30] =	ssyncadd.s32 $0xFFFFFFB0  }
0x6f: {  	[tilespmem:s9], [sflag:$0x3] =	stream.indirect.gather [hbm4b:s4+s11], $0x10, s24, s11, $0xb8;
	[tilespmem:$0x1F920] =	vst v63  }
0x70: {  	s10 =	simm.s32 $0xBE0  }
0x71: {  	[tilespmem:s10], [sflag:$0x3] =	stream.indirect.gather [hbm4b:s4+s11], $0x10, s2, s11, $0xb8;
	[tilespmem:$0x1F920] =	vst v63  }
0x72: {  	s13 =	simm.s32 $0x15E0;
	s12 =	rddreg [dreg:$0x4]  }
0x73: {  	[tilespmem:s13], [sflag:$0x3] =	stream.indirect.gather [hbm4b:s12+s11], $0x20, s24, s11, $0xb8;
	[tilespmem:$0x1F920] =	vst v63  }
0x74: {  	s15 =	simm.s32 $0x29E0;
	s14 =	rddreg [dreg:$0x5]  }
0x75: {  	[tilespmem:s15], [sflag:$0x3] =	stream.indirect.gather [hbm4b:s14+s11], $0x20, s24, s11, $0xb8;
	[tilespmem:$0x1F920] =	vst v63  }
0x76: {  	s17 =	simm.s32 $0x3DE0;
	s16 =	rddreg [dreg:$0x6]  }
0x77: {  	[tilespmem:s17], [sflag:$0x3] =	stream.indirect.gather [hbm4b:s16+s11], $0x20, s2, s11, $0xb8;
	[tilespmem:$0x1F920] =	vst v63  }
0x78: {  	s18 =	simm.s32 $0x51E0  }
0x79: {  	[tilespmem:s18], [sflag:$0x3] =	stream.indirect.gather [hbm4b:s8+s11], $0x20, s2, s11, $0xb8;
	[tilespmem:$0x1F920] =	vst v63  }
0x7a: {  	s20 =	rddreg [dreg:$0xc]  }
0x7b: {  	[tilespmem:s11], [sflag:$0x2] =	stream.linear.gather [hbm4b:s20+s24], $0x50, $0x38;
	[tilespmem:$0x1F920] =	vst v63  }
0x7c: {  	s26 =	simm.s32 $0xF0;
	s21 =	rddreg [dreg:$0xd]  }
0x7d: {  	[tilespmem:s26], [sflag:$0x2] =	stream.linear.gather [hbm4b:s21+s24], $0x50, $0x38;
	[tilespmem:$0x1F920] =	vst v63  }
.LBB2_4:
0x7e: {  	_ =	swait.ge [sflag:s23], $0x50  }
0x7f: {  	[sflag:s23] =	ssyncset.done $0x0  }
0x80: {  	[sflag:s23] =	ssyncadd.s32 $0xFFFFFFB0  }
0x81: {  	_ =	swait.ge [sflag:s23], $0x50  }
0x82: {  	[sflag:s23] =	ssyncset.done $0x0  }
0x83: {  	s1 =	simm.s32 $0x6E0;
	[sflag:s23] =	ssyncadd.s32 $0xFFFFFFB0  }
0x84: {  	[tilespmem:s1], [sflag:$0x4] =	stream.indirect.gather [hbm4b:s4+s11], $0x10, s11, s11, $0xb8;
	[tilespmem:$0x1F920] =	vst v63  }
0x85: {  	s5 =	simm.s32 $0xF0;
	s12 =	simm.s32 $0x10E0  }
0x86: {  	[tilespmem:s12], [sflag:$0x4] =	stream.indirect.gather [hbm4b:s4+s11], $0x10, s5, s11, $0xb8;
	[tilespmem:$0x1F920] =	vst v63  }
0x87: {  	s6 =	simm.s32 $0x1FE0;
	s13 =	rddreg [dreg:$0x4]  }
0x88: {  	[tilespmem:s6], [sflag:$0x4] =	stream.indirect.gather [hbm4b:s13+s11], $0x20, s11, s11, $0xb8;
	[tilespmem:$0x1F920] =	vst v63  }
0x89: {  	s15 =	simm.s32 $0x33E0;
	s14 =	rddreg [dreg:$0x5]  }
0x8a: {  	[tilespmem:s15], [sflag:$0x4] =	stream.indirect.gather [hbm4b:s14+s11], $0x20, s11, s11, $0xb8;
	[tilespmem:$0x1F920] =	vst v63  }
0x8b: {  	s17 =	simm.s32 $0x47E0;
	s16 =	rddreg [dreg:$0x6]  }
0x8c: {  	[tilespmem:s17], [sflag:$0x4] =	stream.indirect.gather [hbm4b:s16+s11], $0x20, s5, s11, $0xb8;
	[tilespmem:$0x1F920] =	vst v63  }
0x8d: {  	s18 =	simm.s32 $0x5BE0  }
0x8e: {  	[tilespmem:s18], [sflag:$0x4] =	stream.indirect.gather [hbm4b:s8+s11], $0x20, s5, s11, $0xb8;
	[tilespmem:$0x1F920] =	vst v63  }
0x8f: {  	_ =	swait.ge [sflag:s19], $0x500  }
0x90: {  	[sflag:s19] =	ssyncset.done $0x0  }
0x91: {  	[sflag:s19] =	ssyncadd.s32 $0xFFFFFB00  }
0x92: {  	_ =	swait.ge [sflag:s19], $0x500  }
0x93: {  	[sflag:s19] =	ssyncset.done $0x0  }
0x94: {  	[sflag:s19] =	ssyncadd.s32 $0xFFFFFB00  }
0x95: {  	_ =	swait.ge [sflag:s19], $0xA00  }
0x96: {  	[sflag:s19] =	ssyncset.done $0x0  }
0x97: {  	[sflag:s19] =	ssyncadd.s32 $0xFFFFF600  }
0x98: {  	_ =	swait.ge [sflag:s19], $0xA00  }
0x99: {  	[sflag:s19] =	ssyncset.done $0x0  }
0x9a: {  	[sflag:s19] =	ssyncadd.s32 $0xFFFFF600  }
0x9b: {  	_ =	swait.ge [sflag:s19], $0xA00  }
0x9c: {  	[sflag:s19] =	ssyncset.done $0x0  }
0x9d: {  	[sflag:s19] =	ssyncadd.s32 $0xFFFFF600  }
0x9e: {  	_ =	swait.ge [sflag:s19], $0xA00  }
0x9f: {  	[sflag:s19] =	ssyncset.done $0x0  }
0xa0: {  	[sflag:s19] =	ssyncadd.s32 $0xFFFFF600  }
0xa1: {  	v6 =	vld [tilespmem:$0xA0]  }
0xa2: {  	v7 =	vld [tilespmem:$0xB0]  }
0xa3: {  	v8 =	vld [tilespmem:$0xC0]  }
0xa4: {  	v9 =	vld [tilespmem:$0xD0]  }
0xa5: {  	v10 =	vld [tilespmem:$0xE0]  }
0xa6: {  	s12 =	smul.u32 $0xA0, s24;
	[tilespmem:$0x140] =	vst v6  }
0xa7: {  	s20 =	rddreg [dreg:$0xe];
	[tilespmem:$0x150] =	vst v7  }
0xa8: {  	s1 =	sadd.s32 s12, s20;
	[tilespmem:$0x160] =	vst v8  }
0xa9: {  	s21 =	rddreg [dreg:$0x7];
	s1 =	sshrl.u32 s1, $0x3;
	[tilespmem:$0x170] =	vst v9  }
0xaa: {  	s26 =	rddreg [dreg:$0x8];
	s5 =	sadd.s32 s21, s1;
	[tilespmem:$0x180] =	vst v10  }
0xab: {  	[tilespmem:s3], [sflag:$0x1] =	stream.linear.gather [hbm4b:s5+s3], $0x50, $0x38;
	[tilespmem:$0x1F920] =	vst v63  }
0xac: {  	s15 =	simm.s32 $0xC20;
	s1 =	sadd.s32 s26, s1  }
0xad: {  	[tilespmem:s2], [sflag:$0x1] =	stream.linear.gather [hbm4b:s1+s3], $0x50, $0x38;
	[tilespmem:$0x1F920] =	vst v63  }
0xae: {  	s18 =	simm.s32 $0x220;
	v6 =	vld [tilespmem:s15+$0xFFFFFFC0]  }
0xaf: {  	v7 =	vld [tilespmem:s18+$0xFFFFFFC0];
	_ =	sdelay $0x4  }
0xb0: {  	v6 =	vsub.f32 v7, v6;
	_ =	sdelay $0x1  }
0xb1: {  	v6 =	vmul.f32 v6, v6;
	_ =	sdelay $0x1  }
0xb2: {  	v7 =	vperm.xlane v6, v1;
	v8 =	vperm.xlane v6, v2;
	_ =	sdelay $0x1  }
0xb3: {  	v6 =	vperm.xlane v6, v3;
	v7 =	vadd.f32 v8, v7;
	_ =	sdelay $0x1  }
0xb4: {  	v6 =	vadd.f32 v6, v7;
	_ =	sdelay $0x1  }
0xb5: {  	s14 =	simm.s32 $0x3E60;
	v7 =	vmul.f32 v6, v5  }
0xb6: {  	s26 =	simm.s32 $0x2A60;
	v9 =	vld [tilespmem:s14+$0xFFFFFF90];
	v6 =	vmul.f32 v6, v4  }
0xb7: {  	s13 =	simm.s32 $0x5260;
	v10 =	vld [tilespmem:s26+$0xFFFFFF90];
	v7 =	vsub.f32 $0.0e+00, v7  }
0xb8: {  	v11 =	vld [tilespmem:s13+$0xFFFFFF80];
	v6 =	vsub.f32 $0.0e+00, v6  }
0xb9: {  	v12 =	vld [tilespmem:s14+$0xFFFFFF80];
	v7 =	vmul.f32 $1.442695020e+00, v7  }
0xba: {  	v13 =	vld [tilespmem:s26+$0xFFFFFF80];
	v6 =	vmul.f32 $1.442695020e+00, v6  }
0xbb: {  	s16 =	simm.s32 $0x1660;
	v8 =	vld [tilespmem:s13+$0xFFFFFF90];
	(erf) = vpow2.f32 v7  }
0xbc: {  	v7 =	vld [tilespmem:s16+$0xFFFFFF80];
	(erf) = vpow2.f32 v6  }
0xbd: {  	v6 =	vld [tilespmem:s16+$0xFFFFFF90];
	_ =	sdelay $0x2  }
0xbe: {  	v8 =	vmul.f32 v8, v10  }
0xbf: {  	v11 =	vmul.f32 v11, v13;
	v7 =	vmul.f32 v12, v7  }
0xc0: {  	v6 =	vmul.f32 v9, v6  }
0xc1: {  	v7 =	vsub.f32 v7, v11  }
0xc2: {  	v6 =	vsub.f32 v6, v8;
	v8 =	vpop (erf)  }
0xc3: {  	v7 =	vmul.f32 v7, v8;
	v8 =	vpop (erf)  }
0xc4: {  	s20 =	simm.s32 $0x6660;
	v6 =	vmul.f32 v6, v8  }
0xc5: {  	[tilespmem:s20+$0xFFFFFF80] =	vst v7  }
0xc6: {  	[tilespmem:s20+$0xFFFFFF90] =	vst v6  }
0xc7: {  	v6 =	vld [tilespmem:s18+$0xFFFFFFD0]  }
0xc8: {  	v7 =	vld [tilespmem:s15+$0xFFFFFFD0];
	_ =	sdelay $0x4  }
0xc9: {  	v6 =	vsub.f32 v6, v7;
	_ =	sdelay $0x1  }
0xca: {  	v6 =	vmul.f32 v6, v6;
	_ =	sdelay $0x1  }
0xcb: {  	v7 =	vperm.xlane v6, v1;
	v8 =	vperm.xlane v6, v2;
	_ =	sdelay $0x1  }
0xcc: {  	v6 =	vperm.xlane v6, v3;
	v7 =	vadd.f32 v8, v7;
	_ =	sdelay $0x1  }
0xcd: {  	v6 =	vadd.f32 v6, v7;
	_ =	sdelay $0x1  }
0xce: {  	v7 =	vmul.f32 v6, v5  }
0xcf: {  	v9 =	vld [tilespmem:s14+$0xFFFFFFB0];
	v6 =	vmul.f32 v6, v4  }
0xd0: {  	v10 =	vld [tilespmem:s26+$0xFFFFFFB0];
	v7 =	vsub.f32 $0.0e+00, v7  }
0xd1: {  	v11 =	vld [tilespmem:s13+$0xFFFFFFA0];
	v6 =	vsub.f32 $0.0e+00, v6  }
0xd2: {  	v52 =	vld [tilespmem:s14+$0xFFFFFFA0];
	v7 =	vmul.f32 $1.442695020e+00, v7  }
0xd3: {  	v53 =	vld [tilespmem:s26+$0xFFFFFFA0];
	v6 =	vmul.f32 $1.442695020e+00, v6  }
0xd4: {  	v8 =	vld [tilespmem:s13+$0xFFFFFFB0];
	(erf) = vpow2.f32 v7  }
0xd5: {  	v7 =	vld [tilespmem:s16+$0xFFFFFFA0];
	(erf) = vpow2.f32 v6  }
0xd6: {  	v6 =	vld [tilespmem:s16+$0xFFFFFFB0];
	_ =	sdelay $0x2  }
0xd7: {  	v8 =	vmul.f32 v8, v10  }
0xd8: {  	v11 =	vmul.f32 v11, v53;
	v7 =	vmul.f32 v52, v7  }
0xd9: {  	v6 =	vmul.f32 v9, v6  }
0xda: {  	v7 =	vsub.f32 v7, v11  }
0xdb: {  	v6 =	vsub.f32 v6, v8;
	v8 =	vpop (erf)  }
0xdc: {  	v7 =	vmul.f32 v7, v8;
	v8 =	vpop (erf)  }
0xdd: {  	v6 =	vmul.f32 v6, v8  }
0xde: {  	[tilespmem:s20+$0xFFFFFFA0] =	vst v7  }
0xdf: {  	[tilespmem:s20+$0xFFFFFFB0] =	vst v6  }
0xe0: {  	v6 =	vld [tilespmem:s18+$0xFFFFFFE0]  }
0xe1: {  	v7 =	vld [tilespmem:s15+$0xFFFFFFE0];
	_ =	sdelay $0x4  }
0xe2: {  	v6 =	vsub.f32 v6, v7;
	_ =	sdelay $0x1  }
0xe3: {  	v6 =	vmul.f32 v6, v6;
	_ =	sdelay $0x1  }
0xe4: {  	v7 =	vperm.xlane v6, v1;
	v8 =	vperm.xlane v6, v2;
	_ =	sdelay $0x1  }
0xe5: {  	v6 =	vperm.xlane v6, v3;
	v7 =	vadd.f32 v8, v7;
	_ =	sdelay $0x1  }
0xe6: {  	v6 =	vadd.f32 v6, v7;
	_ =	sdelay $0x1  }
0xe7: {  	v7 =	vmul.f32 v6, v5  }
0xe8: {  	v9 =	vld [tilespmem:s14+$0xFFFFFFD0];
	v6 =	vmul.f32 v6, v4  }
0xe9: {  	v10 =	vld [tilespmem:s26+$0xFFFFFFD0];
	v7 =	vsub.f32 $0.0e+00, v7  }
0xea: {  	v11 =	vld [tilespmem:s13+$0xFFFFFFC0];
	v6 =	vsub.f32 $0.0e+00, v6  }
0xeb: {  	v54 =	vld [tilespmem:s14+$0xFFFFFFC0];
	v7 =	vmul.f32 $1.442695020e+00, v7  }
0xec: {  	v55 =	vld [tilespmem:s26+$0xFFFFFFC0];
	v6 =	vmul.f32 $1.442695020e+00, v6  }
0xed: {  	v8 =	vld [tilespmem:s13+$0xFFFFFFD0];
	(erf) = vpow2.f32 v7  }
0xee: {  	v7 =	vld [tilespmem:s16+$0xFFFFFFC0];
	(erf) = vpow2.f32 v6  }
0xef: {  	v6 =	vld [tilespmem:s16+$0xFFFFFFD0];
	_ =	sdelay $0x2  }
0xf0: {  	v8 =	vmul.f32 v8, v10  }
0xf1: {  	v11 =	vmul.f32 v11, v55;
	v7 =	vmul.f32 v54, v7  }
0xf2: {  	v6 =	vmul.f32 v9, v6  }
0xf3: {  	v7 =	vsub.f32 v7, v11  }
0xf4: {  	v6 =	vsub.f32 v6, v8;
	v8 =	vpop (erf)  }
0xf5: {  	v7 =	vmul.f32 v7, v8;
	v8 =	vpop (erf)  }
0xf6: {  	v6 =	vmul.f32 v6, v8  }
0xf7: {  	[tilespmem:s20+$0xFFFFFFC0] =	vst v7  }
0xf8: {  	[tilespmem:s20+$0xFFFFFFD0] =	vst v6  }
0xf9: {  	v6 =	vld [tilespmem:s18+$0xFFFFFFF0]  }
0xfa: {  	v7 =	vld [tilespmem:s15+$0xFFFFFFF0];
	_ =	sdelay $0x4  }
0xfb: {  	v6 =	vsub.f32 v6, v7;
	_ =	sdelay $0x1  }
0xfc: {  	v6 =	vmul.f32 v6, v6;
	_ =	sdelay $0x1  }
0xfd: {  	v7 =	vperm.xlane v6, v1;
	v8 =	vperm.xlane v6, v2;
	_ =	sdelay $0x1  }
0xfe: {  	v6 =	vperm.xlane v6, v3;
	v7 =	vadd.f32 v8, v7;
	_ =	sdelay $0x1  }
0xff: {  	v6 =	vadd.f32 v6, v7;
	_ =	sdelay $0x1  }
0x100: {  	v7 =	vmul.f32 v6, v5  }
0x101: {  	v9 =	vld [tilespmem:s14+$0xFFFFFFF0];
	v6 =	vmul.f32 v6, v4  }
0x102: {  	v10 =	vld [tilespmem:s26+$0xFFFFFFF0];
	v7 =	vsub.f32 $0.0e+00, v7  }
0x103: {  	v11 =	vld [tilespmem:s13+$0xFFFFFFE0];
	v6 =	vsub.f32 $0.0e+00, v6  }
0x104: {  	v56 =	vld [tilespmem:s14+$0xFFFFFFE0];
	v7 =	vmul.f32 $1.442695020e+00, v7  }
0x105: {  	v57 =	vld [tilespmem:s26+$0xFFFFFFE0];
	v6 =	vmul.f32 $1.442695020e+00, v6  }
0x106: {  	v8 =	vld [tilespmem:s13+$0xFFFFFFF0];
	(erf) = vpow2.f32 v7  }
0x107: {  	v7 =	vld [tilespmem:s16+$0xFFFFFFE0];
	(erf) = vpow2.f32 v6  }
0x108: {  	v6 =	vld [tilespmem:s16+$0xFFFFFFF0];
	_ =	sdelay $0x2  }
0x109: {  	v8 =	vmul.f32 v8, v10  }
0x10a: {  	v11 =	vmul.f32 v11, v57;
	v7 =	vmul.f32 v56, v7  }
0x10b: {  	v6 =	vmul.f32 v9, v6  }
0x10c: {  	v7 =	vsub.f32 v7, v11  }
0x10d: {  	v6 =	vsub.f32 v6, v8;
	v8 =	vpop (erf)  }
0x10e: {  	v7 =	vmul.f32 v7, v8;
	v8 =	vpop (erf)  }
0x10f: {  	v6 =	vmul.f32 v6, v8  }
0x110: {  	[tilespmem:s20+$0xFFFFFFE0] =	vst v7  }
0x111: {  	[tilespmem:s20+$0xFFFFFFF0] =	vst v6  }
0x112: {  	v6 =	vld [tilespmem:s18+$0x0]  }
0x113: {  	v7 =	vld [tilespmem:s15+$0x0];
	_ =	sdelay $0x4  }
0x114: {  	v6 =	vsub.f32 v6, v7;
	_ =	sdelay $0x1  }
0x115: {  	v6 =	vmul.f32 v6, v6;
	_ =	sdelay $0x1  }
0x116: {  	v7 =	vperm.xlane v6, v1;
	v8 =	vperm.xlane v6, v2;
	_ =	sdelay $0x1  }
0x117: {  	v6 =	vperm.xlane v6, v3;
	v7 =	vadd.f32 v8, v7;
	_ =	sdelay $0x1  }
0x118: {  	v6 =	vadd.f32 v6, v7;
	_ =	sdelay $0x1  }
0x119: {  	v7 =	vmul.f32 v6, v5  }
0x11a: {  	v9 =	vld [tilespmem:s14+$0x10];
	v6 =	vmul.f32 v6, v4  }
0x11b: {  	v10 =	vld [tilespmem:s26+$0x10];
	v7 =	vsub.f32 $0.0e+00, v7  }
0x11c: {  	v11 =	vld [tilespmem:s13+$0x0];
	v6 =	vsub.f32 $0.0e+00, v6  }
0x11d: {  	v58 =	vld [tilespmem:s14+$0x0];
	v7 =	vmul.f32 $1.442695020e+00, v7  }
0x11e: {  	v59 =	vld [tilespmem:s26+$0x0];
	v6 =	vmul.f32 $1.442695020e+00, v6  }
0x11f: {  	v8 =	vld [tilespmem:s13+$0x10];
	(erf) = vpow2.f32 v7  }
0x120: {  	v7 =	vld [tilespmem:s16+$0x0];
	(erf) = vpow2.f32 v6  }
0x121: {  	v6 =	vld [tilespmem:s16+$0x10];
	_ =	sdelay $0x2  }
0x122: {  	v8 =	vmul.f32 v8, v10  }
0x123: {  	v11 =	vmul.f32 v11, v59;
	v7 =	vmul.f32 v58, v7  }
0x124: {  	v6 =	vmul.f32 v9, v6  }
0x125: {  	v7 =	vsub.f32 v7, v11  }
0x126: {  	v6 =	vsub.f32 v6, v8;
	v8 =	vpop (erf)  }
0x127: {  	v7 =	vmul.f32 v7, v8;
	v8 =	vpop (erf)  }
0x128: {  	v6 =	vmul.f32 v6, v8  }
0x129: {  	[tilespmem:s20+$0x0] =	vst v7  }
0x12a: {  	[tilespmem:s20+$0x10] =	vst v6  }
0x12b: {  	v6 =	vld [tilespmem:s15+$0x10]  }
0x12c: {  	v7 =	vld [tilespmem:s18+$0x10];
	_ =	sdelay $0x4  }
0x12d: {  	v6 =	vsub.f32 v7, v6;
	_ =	sdelay $0x1  }
0x12e: {  	v6 =	vmul.f32 v6, v6;
	_ =	sdelay $0x1  }
0x12f: {  	v7 =	vperm.xlane v6, v1;
	v8 =	vperm.xlane v6, v2;
	_ =	sdelay $0x1  }
0x130: {  	v6 =	vperm.xlane v6, v3;
	v7 =	vadd.f32 v8, v7;
	_ =	sdelay $0x1  }
0x131: {  	v6 =	vadd.f32 v6, v7;
	_ =	sdelay $0x1  }
0x132: {  	v7 =	vmul.f32 v6, v5  }
0x133: {  	v9 =	vld [tilespmem:s26+$0x20];
	v6 =	vmul.f32 v6, v4  }
0x134: {  	v10 =	vld [tilespmem:s14+$0x20];
	v7 =	vsub.f32 $0.0e+00, v7  }
0x135: {  	v11 =	vld [tilespmem:s13+$0x20];
	v6 =	vsub.f32 $0.0e+00, v6  }
0x136: {  	v60 =	vld [tilespmem:s16+$0x30];
	v7 =	vmul.f32 $1.442695020e+00, v7  }
0x137: {  	v8 =	vld [tilespmem:s16+$0x20];
	v6 =	vmul.f32 $1.442695020e+00, v6  }
0x138: {  	(erf) = vpow2.f32 v7;
	v7 =	vld [tilespmem:s14+$0x30]  }
0x139: {  	v61 =	vld [tilespmem:s26+$0x30];
	(erf) = vpow2.f32 v6  }
0x13a: {  	v6 =	vld [tilespmem:s13+$0x30];
	_ =	sdelay $0x1  }
0x13b: {  	v9 =	vmul.f32 v11, v9;
	v8 =	vmul.f32 v10, v8  }
0x13c: {  	v7 =	vmul.f32 v7, v60  }
0x13d: {  	v8 =	vsub.f32 v8, v9  }
0x13e: {  	v6 =	vmul.f32 v6, v61;
	_ =	sdelay $0x1  }
0x13f: {  	v6 =	vsub.f32 v7, v6;
	v7 =	vpop (erf)  }
0x140: {  	v7 =	vmul.f32 v8, v7;
	v8 =	vpop (erf)  }
0x141: {  	v6 =	vmul.f32 v6, v8  }
0x142: {  	[tilespmem:s20+$0x20] =	vst v7  }
0x143: {  	[tilespmem:s20+$0x30] =	vst v6  }
0x144: {  	v6 =	vld [tilespmem:s18+$0x20]  }
0x145: {  	v7 =	vld [tilespmem:s15+$0x20];
	_ =	sdelay $0x4  }
0x146: {  	v6 =	vsub.f32 v6, v7;
	_ =	sdelay $0x1  }
0x147: {  	v6 =	vmul.f32 v6, v6;
	_ =	sdelay $0x1  }
0x148: {  	v7 =	vperm.xlane v6, v1;
	v8 =	vperm.xlane v6, v2;
	_ =	sdelay $0x1  }
0x149: {  	v6 =	vperm.xlane v6, v3;
	v7 =	vadd.f32 v8, v7  }
0x14a: {  	v9 =	vld [tilespmem:s16+$0x40]  }
0x14b: {  	v10 =	vld [tilespmem:s26+$0x40];
	v6 =	vadd.f32 v6, v7  }
0x14c: {  	v8 =	vld [tilespmem:s14+$0x40]  }
0x14d: {  	v11 =	vld [tilespmem:s13+$0x40];
	v7 =	vmul.f32 v6, v5  }
0x14e: {  	v6 =	vmul.f32 v6, v4  }
0x14f: {  	v7 =	vsub.f32 $0.0e+00, v7  }
0x150: {  	v16 =	vsub.f32 $0.0e+00, v6  }
0x151: {  	v62 =	vld [tilespmem:s16+$0x50];
	v6 =	vmul.f32 v8, v9;
	v9 =	vmul.f32 $1.442695020e+00, v7  }
0x152: {  	v63 =	vld [tilespmem:s26+$0x50];
	v7 =	vmul.f32 v11, v10;
	v10 =	vmul.f32 $1.442695020e+00, v16  }
0x153: {  	v14 =	vld [tilespmem:s14+$0x50];
	(erf) = vpow2.f32 v9  }
0x154: {  	v15 =	vld [tilespmem:s13+$0x50];
	(erf) = vpow2.f32 v10;
	_ =	sdelay $0x2  }
0x155: {  	s7 =	smov.u32 s28;
	s28 =	simm.s32 $0x0;
	s9 =	simm.s32 $0x2A0  }
0x156: {  	s10 =	simm.s32 $0x3F60;
	s6 =	simm.s32 $0x6760;
	s17 =	simm.s32 $0x1660  }
0x157: {  	s21 =	simm.s32 $0xCA0;
	s5 =	simm.s32 $0x5360;
	s1 =	simm.s32 $0x2A60;
	v8 =	vmul.f32 v14, v62;
	v9 =	vmul.f32 v15, v63  }
.LBB2_5:
0x158: {  	s28 =	sadd.s32 $0x8, s28;
	s16 =	sadd.s32 $0x100, s16;
	s26 =	sadd.s32 $0x100, s26  }
0x159: {  	v6 =	vsub.f32 v6, v7;
	p1 =	slt.u32 s28, $0x48  }
0x15a: {  	v7 =	vsub.f32 v8, v9;
	v8 =	vpop (erf)  }
0x15b: {  	v6 =	vmul.f32 v6, v8;
	v8 =	vpop (erf)  }
0x15c: {  	v7 =	vmul.f32 v7, v8  }
0x15d: {  	[tilespmem:s20+$0x40] =	vst v6  }
0x15e: {  	[tilespmem:s20+$0x50] =	vst v7  }
0x15f: {  	v6 =	vld [tilespmem:s17+$0x60]  }
0x160: {  	v7 =	vld [tilespmem:s14+$0x60]  }
0x161: {  	v8 =	vld [tilespmem:s18+$0x30];
	s18 =	smov.u32 s9  }
0x162: {  	v9 =	vld [tilespmem:s15+$0x30];
	s15 =	smov.u32 s21  }
0x163: {  	v10 =	vld [tilespmem:s1+$0x60]  }
0x164: {  	v11 =	vld [tilespmem:s13+$0x60]  }
0x165: {  	v12 =	vld [tilespmem:s17+$0x70];
	s17 =	smov.u32 s16  }
0x166: {  	v6 =	vmul.f32 v7, v6;
	v13 =	vld [tilespmem:s1+$0x70];
	s1 =	smov.u32 s26  }
0x167: {  	v7 =	vsub.f32 v8, v9;
	v8 =	vld [tilespmem:s14+$0x70];
	s14 =	smov.u32 s10  }
0x168: {  	v9 =	vld [tilespmem:s13+$0x70];
	s13 =	smov.u32 s5  }
0x169: {  	v7 =	vmul.f32 v7, v7;
	v10 =	vmul.f32 v11, v10;
	_ =	sdelay $0x1  }
0x16a: {  	v11 =	vperm.xlane v7, v1;
	v14 =	vperm.xlane v7, v2  }
0x16b: {  	v8 =	vmul.f32 v8, v12  }
0x16c: {  	v7 =	vperm.xlane v7, v3;
	v11 =	vadd.f32 v14, v11;
	_ =	sdelay $0x1  }
0x16d: {  	v7 =	vadd.f32 v7, v11;
	_ =	sdelay $0x1  }
0x16e: {  	v11 =	vmul.f32 v7, v5;
	v7 =	vmul.f32 v7, v4;
	_ =	sdelay $0x1  }
0x16f: {  	v11 =	vsub.f32 $0.0e+00, v11;
	v7 =	vsub.f32 $0.0e+00, v7;
	_ =	sdelay $0x1  }
0x170: {  	v11 =	vmul.f32 $1.442695020e+00, v11;
	v7 =	vmul.f32 $1.442695020e+00, v7;
	_ =	sdelay $0x1  }
0x171: {  	(erf) = vpow2.f32 v11  }
0x172: {  	(erf) = vpow2.f32 v7;
	_ =	sdelay $0x5  }
0x173: {  	v7 =	vmul.f32 v9, v13  }
0x174: {  	v6 =	vsub.f32 v6, v10  }
0x175: {  	v7 =	vsub.f32 v8, v7;
	v8 =	vpop (erf)  }
0x176: {  	v6 =	vmul.f32 v6, v8;
	v8 =	vpop (erf)  }
0x177: {  	v7 =	vmul.f32 v7, v8  }
0x178: {  	[tilespmem:s20+$0x60] =	vst v6  }
0x179: {  	[tilespmem:s20+$0x70] =	vst v7;
	s20 =	smov.u32 s6;
	_ =	sdelay $0x1  }
0x17a: {  	v6 =	vld [tilespmem:s21+$0xFFFFFFC0]  }
0x17b: {  	v7 =	vld [tilespmem:s9+$0xFFFFFFC0];
	_ =	sdelay $0x4  }
0x17c: {  	v6 =	vsub.f32 v7, v6;
	_ =	sdelay $0x1  }
0x17d: {  	v6 =	vmul.f32 v6, v6;
	_ =	sdelay $0x1  }
0x17e: {  	v7 =	vperm.xlane v6, v1;
	v8 =	vperm.xlane v6, v2;
	_ =	sdelay $0x1  }
0x17f: {  	v6 =	vperm.xlane v6, v3;
	v7 =	vadd.f32 v8, v7;
	_ =	sdelay $0x1  }
0x180: {  	v6 =	vadd.f32 v6, v7;
	_ =	sdelay $0x1  }
0x181: {  	v7 =	vmul.f32 v6, v5;
	v6 =	vmul.f32 v6, v4  }
0x182: {  	v8 =	vld [tilespmem:s5+$0xFFFFFF90]  }
0x183: {  	v7 =	vsub.f32 $0.0e+00, v7;
	v6 =	vsub.f32 $0.0e+00, v6;
	v9 =	vld [tilespmem:s10+$0xFFFFFF90]  }
0x184: {  	v10 =	vld [tilespmem:s26+$0xFFFFFF90]  }
0x185: {  	v7 =	vmul.f32 $1.442695020e+00, v7;
	v6 =	vmul.f32 $1.442695020e+00, v6;
	v11 =	vld [tilespmem:s5+$0xFFFFFF80]  }
0x186: {  	v12 =	vld [tilespmem:s10+$0xFFFFFF80]  }
0x187: {  	v13 =	vld [tilespmem:s26+$0xFFFFFF80];
	(erf) = vpow2.f32 v7  }
0x188: {  	v7 =	vld [tilespmem:s16+$0xFFFFFF80];
	(erf) = vpow2.f32 v6  }
0x189: {  	v6 =	vld [tilespmem:s16+$0xFFFFFF90];
	_ =	sdelay $0x2  }
0x18a: {  	v11 =	vmul.f32 v11, v13  }
0x18b: {  	v7 =	vmul.f32 v12, v7  }
0x18c: {  	v6 =	vmul.f32 v9, v6;
	v9 =	vmul.f32 v8, v10  }
0x18d: {  	v7 =	vsub.f32 v7, v11  }
0x18e: {  	v6 =	vsub.f32 v6, v9;
	v8 =	vpop (erf)  }
0x18f: {  	v7 =	vmul.f32 v7, v8;
	v8 =	vpop (erf)  }
0x190: {  	v6 =	vmul.f32 v6, v8  }
0x191: {  	[tilespmem:s6+$0xFFFFFF80] =	vst v7  }
0x192: {  	[tilespmem:s6+$0xFFFFFF90] =	vst v6  }
0x193: {  	v6 =	vld [tilespmem:s9+$0xFFFFFFD0]  }
0x194: {  	v7 =	vld [tilespmem:s21+$0xFFFFFFD0];
	_ =	sdelay $0x4  }
0x195: {  	v6 =	vsub.f32 v6, v7;
	_ =	sdelay $0x1  }
0x196: {  	v6 =	vmul.f32 v6, v6;
	_ =	sdelay $0x1  }
0x197: {  	v7 =	vperm.xlane v6, v1;
	v8 =	vperm.xlane v6, v2;
	_ =	sdelay $0x1  }
0x198: {  	v6 =	vperm.xlane v6, v3;
	v7 =	vadd.f32 v8, v7;
	_ =	sdelay $0x1  }
0x199: {  	v6 =	vadd.f32 v6, v7;
	_ =	sdelay $0x1  }
0x19a: {  	v7 =	vmul.f32 v6, v5;
	v6 =	vmul.f32 v6, v4  }
0x19b: {  	v8 =	vld [tilespmem:s5+$0xFFFFFFB0]  }
0x19c: {  	v7 =	vsub.f32 $0.0e+00, v7;
	v6 =	vsub.f32 $0.0e+00, v6;
	v9 =	vld [tilespmem:s10+$0xFFFFFFB0]  }
0x19d: {  	v10 =	vld [tilespmem:s26+$0xFFFFFFB0]  }
0x19e: {  	v7 =	vmul.f32 $1.442695020e+00, v7;
	v6 =	vmul.f32 $1.442695020e+00, v6;
	v11 =	vld [tilespmem:s5+$0xFFFFFFA0]  }
0x19f: {  	v12 =	vld [tilespmem:s10+$0xFFFFFFA0]  }
0x1a0: {  	v13 =	vld [tilespmem:s26+$0xFFFFFFA0];
	(erf) = vpow2.f32 v7  }
0x1a1: {  	v7 =	vld [tilespmem:s16+$0xFFFFFFA0];
	(erf) = vpow2.f32 v6  }
0x1a2: {  	v6 =	vld [tilespmem:s16+$0xFFFFFFB0];
	_ =	sdelay $0x2  }
0x1a3: {  	v11 =	vmul.f32 v11, v13  }
0x1a4: {  	v7 =	vmul.f32 v12, v7  }
0x1a5: {  	v6 =	vmul.f32 v9, v6;
	v9 =	vmul.f32 v8, v10  }
0x1a6: {  	v7 =	vsub.f32 v7, v11  }
0x1a7: {  	v6 =	vsub.f32 v6, v9;
	v8 =	vpop (erf)  }
0x1a8: {  	v7 =	vmul.f32 v7, v8;
	v8 =	vpop (erf)  }
0x1a9: {  	v6 =	vmul.f32 v6, v8  }
0x1aa: {  	[tilespmem:s6+$0xFFFFFFA0] =	vst v7  }
0x1ab: {  	[tilespmem:s6+$0xFFFFFFB0] =	vst v6  }
0x1ac: {  	v6 =	vld [tilespmem:s9+$0xFFFFFFE0]  }
0x1ad: {  	v7 =	vld [tilespmem:s21+$0xFFFFFFE0];
	_ =	sdelay $0x4  }
0x1ae: {  	v6 =	vsub.f32 v6, v7;
	_ =	sdelay $0x1  }
0x1af: {  	v6 =	vmul.f32 v6, v6;
	_ =	sdelay $0x1  }
0x1b0: {  	v7 =	vperm.xlane v6, v1;
	v8 =	vperm.xlane v6, v2;
	_ =	sdelay $0x1  }
0x1b1: {  	v6 =	vperm.xlane v6, v3;
	v7 =	vadd.f32 v8, v7;
	_ =	sdelay $0x1  }
0x1b2: {  	v6 =	vadd.f32 v6, v7;
	_ =	sdelay $0x1  }
0x1b3: {  	v7 =	vmul.f32 v6, v5;
	v6 =	vmul.f32 v6, v4  }
0x1b4: {  	v8 =	vld [tilespmem:s5+$0xFFFFFFD0]  }
0x1b5: {  	v7 =	vsub.f32 $0.0e+00, v7;
	v6 =	vsub.f32 $0.0e+00, v6;
	v9 =	vld [tilespmem:s10+$0xFFFFFFD0]  }
0x1b6: {  	v10 =	vld [tilespmem:s26+$0xFFFFFFD0]  }
0x1b7: {  	v7 =	vmul.f32 $1.442695020e+00, v7;
	v6 =	vmul.f32 $1.442695020e+00, v6;
	v11 =	vld [tilespmem:s5+$0xFFFFFFC0]  }
0x1b8: {  	v12 =	vld [tilespmem:s10+$0xFFFFFFC0]  }
0x1b9: {  	v13 =	vld [tilespmem:s26+$0xFFFFFFC0];
	(erf) = vpow2.f32 v7  }
0x1ba: {  	v7 =	vld [tilespmem:s16+$0xFFFFFFC0];
	(erf) = vpow2.f32 v6  }
0x1bb: {  	v6 =	vld [tilespmem:s16+$0xFFFFFFD0];
	_ =	sdelay $0x2  }
0x1bc: {  	v11 =	vmul.f32 v11, v13  }
0x1bd: {  	v7 =	vmul.f32 v12, v7  }
0x1be: {  	v6 =	vmul.f32 v9, v6;
	v9 =	vmul.f32 v8, v10  }
0x1bf: {  	v7 =	vsub.f32 v7, v11  }
0x1c0: {  	v6 =	vsub.f32 v6, v9;
	v8 =	vpop (erf)  }
0x1c1: {  	v7 =	vmul.f32 v7, v8;
	v8 =	vpop (erf)  }
0x1c2: {  	v6 =	vmul.f32 v6, v8  }
0x1c3: {  	[tilespmem:s6+$0xFFFFFFC0] =	vst v7  }
0x1c4: {  	[tilespmem:s6+$0xFFFFFFD0] =	vst v6  }
0x1c5: {  	v6 =	vld [tilespmem:s5+$0xFFFFFFF0]  }
0x1c6: {  	v7 =	vld [tilespmem:s9+$0xFFFFFFF0]  }
0x1c7: {  	v8 =	vld [tilespmem:s21+$0xFFFFFFF0];
	_ =	sdelay $0x4  }
0x1c8: {  	v7 =	vsub.f32 v7, v8;
	_ =	sdelay $0x1  }
0x1c9: {  	v7 =	vmul.f32 v7, v7;
	_ =	sdelay $0x1  }
0x1ca: {  	v8 =	vperm.xlane v7, v1;
	v9 =	vperm.xlane v7, v2;
	_ =	sdelay $0x1  }
0x1cb: {  	v7 =	vperm.xlane v7, v3;
	v8 =	vadd.f32 v9, v8;
	_ =	sdelay $0x1  }
0x1cc: {  	v7 =	vadd.f32 v7, v8;
	_ =	sdelay $0x1  }
0x1cd: {  	v8 =	vmul.f32 v7, v5;
	v7 =	vmul.f32 v7, v4;
	_ =	sdelay $0x1  }
0x1ce: {  	v8 =	vsub.f32 $0.0e+00, v8;
	v7 =	vsub.f32 $0.0e+00, v7;
	v9 =	vld [tilespmem:s10+$0xFFFFFFF0]  }
0x1cf: {  	v10 =	vld [tilespmem:s26+$0xFFFFFFF0]  }
0x1d0: {  	v8 =	vmul.f32 $1.442695020e+00, v8;
	v7 =	vmul.f32 $1.442695020e+00, v7;
	v11 =	vld [tilespmem:s5+$0xFFFFFFE0]  }
0x1d1: {  	v12 =	vld [tilespmem:s10+$0xFFFFFFE0]  }
0x1d2: {  	v13 =	vld [tilespmem:s26+$0xFFFFFFE0];
	(erf) = vpow2.f32 v8  }
0x1d3: {  	v8 =	vld [tilespmem:s16+$0xFFFFFFE0];
	(erf) = vpow2.f32 v7  }
0x1d4: {  	v7 =	vld [tilespmem:s16+$0xFFFFFFF0];
	v6 =	vmul.f32 v6, v10;
	_ =	sdelay $0x2  }
0x1d5: {  	v10 =	vmul.f32 v11, v13  }
0x1d6: {  	v8 =	vmul.f32 v12, v8  }
0x1d7: {  	v9 =	vmul.f32 v9, v7  }
0x1d8: {  	v10 =	vsub.f32 v8, v10  }
0x1d9: {  	v6 =	vsub.f32 v9, v6;
	v7 =	vpop (erf)  }
0x1da: {  	v7 =	vmul.f32 v10, v7;
	v8 =	vpop (erf)  }
0x1db: {  	v6 =	vmul.f32 v6, v8  }
0x1dc: {  	[tilespmem:s6+$0xFFFFFFE0] =	vst v7  }
0x1dd: {  	[tilespmem:s6+$0xFFFFFFF0] =	vst v6  }
0x1de: {  	v6 =	vld [tilespmem:s9+$0x0]  }
0x1df: {  	v7 =	vld [tilespmem:s21+$0x0];
	_ =	sdelay $0x4  }
0x1e0: {  	v6 =	vsub.f32 v6, v7;
	_ =	sdelay $0x1  }
0x1e1: {  	v6 =	vmul.f32 v6, v6;
	_ =	sdelay $0x1  }
0x1e2: {  	v7 =	vperm.xlane v6, v1;
	v8 =	vperm.xlane v6, v2;
	_ =	sdelay $0x1  }
0x1e3: {  	v6 =	vperm.xlane v6, v3;
	v7 =	vadd.f32 v8, v7;
	_ =	sdelay $0x1  }
0x1e4: {  	v6 =	vadd.f32 v6, v7;
	_ =	sdelay $0x1  }
0x1e5: {  	v7 =	vmul.f32 v6, v5;
	v6 =	vmul.f32 v6, v4  }
0x1e6: {  	v8 =	vld [tilespmem:s5+$0x10]  }
0x1e7: {  	v7 =	vsub.f32 $0.0e+00, v7;
	v6 =	vsub.f32 $0.0e+00, v6;
	v9 =	vld [tilespmem:s10+$0x10]  }
0x1e8: {  	v10 =	vld [tilespmem:s26+$0x10]  }
0x1e9: {  	v7 =	vmul.f32 $1.442695020e+00, v7;
	v6 =	vmul.f32 $1.442695020e+00, v6;
	v11 =	vld [tilespmem:s5+$0x0]  }
0x1ea: {  	v12 =	vld [tilespmem:s10+$0x0]  }
0x1eb: {  	v13 =	vld [tilespmem:s26+$0x0];
	(erf) = vpow2.f32 v7  }
0x1ec: {  	v7 =	vld [tilespmem:s16+$0x0];
	(erf) = vpow2.f32 v6  }
0x1ed: {  	v6 =	vld [tilespmem:s16+$0x10];
	v8 =	vmul.f32 v8, v10;
	_ =	sdelay $0x2  }
0x1ee: {  	v10 =	vmul.f32 v11, v13  }
0x1ef: {  	v7 =	vmul.f32 v12, v7  }
0x1f0: {  	v6 =	vmul.f32 v9, v6  }
0x1f1: {  	v7 =	vsub.f32 v7, v10  }
0x1f2: {  	v6 =	vsub.f32 v6, v8;
	v8 =	vpop (erf)  }
0x1f3: {  	v7 =	vmul.f32 v7, v8;
	v8 =	vpop (erf)  }
0x1f4: {  	v6 =	vmul.f32 v6, v8  }
0x1f5: {  	[tilespmem:s6+$0x0] =	vst v7  }
0x1f6: {  	[tilespmem:s6+$0x10] =	vst v6  }
0x1f7: {  	v6 =	vld [tilespmem:s21+$0x10]  }
0x1f8: {  	v7 =	vld [tilespmem:s9+$0x10]  }
0x1f9: {  	v8 =	vld [tilespmem:s16+$0x20]  }
0x1fa: {  	v9 =	vld [tilespmem:s26+$0x20]  }
0x1fb: {  	v10 =	vld [tilespmem:s10+$0x20]  }
0x1fc: {  	v11 =	vld [tilespmem:s5+$0x20]  }
0x1fd: {  	v6 =	vsub.f32 v7, v6;
	v7 =	vld [tilespmem:s16+$0x30]  }
0x1fe: {  	v12 =	vld [tilespmem:s26+$0x30]  }
0x1ff: {  	v6 =	vmul.f32 v6, v6;
	v13 =	vld [tilespmem:s10+$0x30]  }
0x200: {  	v14 =	vld [tilespmem:s5+$0x30];
	v8 =	vmul.f32 v10, v8  }
0x201: {  	v10 =	vperm.xlane v6, v1;
	v15 =	vperm.xlane v6, v2  }
0x202: {  	v6 =	vperm.xlane v6, v3;
	v9 =	vmul.f32 v11, v9  }
0x203: {  	v10 =	vadd.f32 v15, v10  }
0x204: {  	v7 =	vmul.f32 v13, v7  }
0x205: {  	v6 =	vadd.f32 v6, v10;
	_ =	sdelay $0x1  }
0x206: {  	v10 =	vmul.f32 v6, v5;
	v6 =	vmul.f32 v6, v4;
	_ =	sdelay $0x1  }
0x207: {  	v10 =	vsub.f32 $0.0e+00, v10;
	v6 =	vsub.f32 $0.0e+00, v6;
	_ =	sdelay $0x1  }
0x208: {  	v10 =	vmul.f32 $1.442695020e+00, v10;
	v6 =	vmul.f32 $1.442695020e+00, v6;
	_ =	sdelay $0x1  }
0x209: {  	(erf) = vpow2.f32 v10  }
0x20a: {  	(erf) = vpow2.f32 v6;
	_ =	sdelay $0x5  }
0x20b: {  	v6 =	vmul.f32 v14, v12  }
0x20c: {  	v9 =	vsub.f32 v8, v9  }
0x20d: {  	v6 =	vsub.f32 v7, v6;
	v7 =	vpop (erf)  }
0x20e: {  	v7 =	vmul.f32 v9, v7;
	v8 =	vpop (erf)  }
0x20f: {  	v6 =	vmul.f32 v6, v8  }
0x210: {  	[tilespmem:s6+$0x20] =	vst v7  }
0x211: {  	[tilespmem:s6+$0x30] =	vst v6  }
0x212: {  	v6 =	vld [tilespmem:s9+$0x20]  }
0x213: {  	v7 =	vld [tilespmem:s21+$0x20]  }
0x214: {  	v8 =	vld [tilespmem:s16+$0x40]  }
0x215: {  	v9 =	vld [tilespmem:s26+$0x40]  }
0x216: {  	v10 =	vld [tilespmem:s10+$0x40]  }
0x217: {  	v11 =	vld [tilespmem:s5+$0x40]  }
0x218: {  	v6 =	vsub.f32 v6, v7;
	v12 =	vld [tilespmem:s16+$0x50]  }
0x219: {  	v13 =	vld [tilespmem:s26+$0x50]  }
0x21a: {  	v14 =	vmul.f32 v6, v6;
	v15 =	vld [tilespmem:s10+$0x50]  }
0x21b: {  	v16 =	vld [tilespmem:s5+$0x50];
	v6 =	vmul.f32 v10, v8  }
0x21c: {  	v8 =	vperm.xlane v14, v1;
	v10 =	vperm.xlane v14, v2  }
0x21d: {  	v7 =	vmul.f32 v11, v9  }
0x21e: {  	v9 =	vadd.f32 v10, v8;
	v10 =	vperm.xlane v14, v3  }
0x21f: {  	v8 =	vmul.f32 v15, v12  }
0x220: {  	v10 =	vadd.f32 v10, v9;
	v9 =	vmul.f32 v16, v13;
	_ =	sdelay $0x1  }
0x221: {  	v11 =	vmul.f32 v10, v5;
	v10 =	vmul.f32 v10, v4;
	_ =	sdelay $0x1  }
0x222: {  	v11 =	vsub.f32 $0.0e+00, v11;
	v10 =	vsub.f32 $0.0e+00, v10;
	_ =	sdelay $0x1  }
0x223: {  	v11 =	vmul.f32 $1.442695020e+00, v11;
	v10 =	vmul.f32 $1.442695020e+00, v10;
	_ =	sdelay $0x1  }
0x224: {  	(erf) = vpow2.f32 v11  }
0x225: {  	(erf) = vpow2.f32 v10  }
.Ltmp1:
0x226: {  	(pc) =	sbr.rel @p1 .LBB2_5-.Ltmp1, $3  }
0x227: {  	_ =	sdelay $0x1  }
0x228: {  	s9 =	sadd.s32 $0x80, s9;
	s21 =	sadd.s32 $0x80, s21  }
0x229: {  	s6 =	sadd.s32 $0x100, s6;
	s10 =	sadd.s32 $0x100, s10;
	s5 =	sadd.s32 $0x100, s5  }
0x22a: {  	_ = 	snop  }
0x22b: {  	v6 =	vsub.f32 v6, v7  }
0x22c: {  	v7 =	vsub.f32 v8, v9;
	v8 =	vpop (erf)  }
0x22d: {  	v6 =	vmul.f32 v6, v8;
	v8 =	vpop (erf)  }
0x22e: {  	v7 =	vmul.f32 v7, v8  }
0x22f: {  	[tilespmem:s20+$0x40] =	vst v6  }
0x230: {  	[tilespmem:s20+$0x50] =	vst v7  }
0x231: {  	v6 =	vld [tilespmem:s18+$0x30]  }
0x232: {  	v7 =	vld [tilespmem:s15+$0x30];
	_ =	sdelay $0x4  }
0x233: {  	v6 =	vsub.f32 v6, v7;
	_ =	sdelay $0x1  }
0x234: {  	v6 =	vmul.f32 v6, v6;
	_ =	sdelay $0x1  }
0x235: {  	v7 =	vperm.xlane v6, v1;
	v8 =	vperm.xlane v6, v2;
	_ =	sdelay $0x1  }
0x236: {  	v6 =	vperm.xlane v6, v3;
	v7 =	vadd.f32 v8, v7;
	_ =	sdelay $0x1  }
0x237: {  	v6 =	vadd.f32 v6, v7;
	_ =	sdelay $0x1  }
0x238: {  	v7 =	vmul.f32 v6, v5  }
0x239: {  	v9 =	vld [tilespmem:s14+$0x60];
	v6 =	vmul.f32 v6, v4  }
0x23a: {  	v10 =	vld [tilespmem:s1+$0x60];
	v7 =	vsub.f32 $0.0e+00, v7  }
0x23b: {  	v11 =	vld [tilespmem:s13+$0x60];
	v6 =	vsub.f32 $0.0e+00, v6  }
0x23c: {  	v12 =	vld [tilespmem:s17+$0x70];
	v7 =	vmul.f32 $1.442695020e+00, v7  }
0x23d: {  	v8 =	vld [tilespmem:s17+$0x60];
	v6 =	vmul.f32 $1.442695020e+00, v6  }
0x23e: {  	(erf) = vpow2.f32 v7;
	v7 =	vld [tilespmem:s14+$0x70]  }
0x23f: {  	v13 =	vld [tilespmem:s1+$0x70];
	(erf) = vpow2.f32 v6  }
0x240: {  	v6 =	vld [tilespmem:s13+$0x70];
	_ =	sdelay $0x1  }
0x241: {  	v8 =	vmul.f32 v9, v8;
	v9 =	vmul.f32 v11, v10  }
0x242: {  	v7 =	vmul.f32 v7, v12  }
0x243: {  	v8 =	vsub.f32 v8, v9  }
0x244: {  	v6 =	vmul.f32 v6, v13;
	_ =	sdelay $0x1  }
0x245: {  	v6 =	vsub.f32 v7, v6;
	v7 =	vpop (erf)  }
0x246: {  	v7 =	vmul.f32 v8, v7;
	v8 =	vpop (erf)  }
0x247: {  	v6 =	vmul.f32 v6, v8  }
0x248: {  	[tilespmem:s20+$0x60] =	vst v7  }
0x249: {  	s10 =	simm.s32 $0x140;
	s5 =	simm.s32 $0x65E0;
	[tilespmem:s20+$0x70] =	vst v6  }
0x24a: {  	[spmem:s7] =	stream.indirect.scatter.add.f32 [tilespmem:s5], [sflag:$0x5], $0x20, s10, s11, $0xb8;
	[tilespmem:$0x1F920] =	vst v63  }
0x24b: {  	_ =	swait.ge [sflag:s31], $0xA00  }
0x24c: {  	[sflag:s31] =	ssyncset.done $0x0  }
0x24d: {  	[sflag:s31] =	ssyncadd.s32 $0xFFFFF600  }
0x24e: {  	_ =	swait.ge [sflag:s30], $0x50  }
0x24f: {  	[sflag:s30] =	ssyncset.done $0x0  }
0x250: {  	[sflag:s30] =	ssyncadd.s32 $0xFFFFFFB0  }
0x251: {  	_ =	swait.ge [sflag:s30], $0x50  }
0x252: {  	[sflag:s30] =	ssyncset.done $0x0  }
0x253: {  	s13 =	simm.s32 $0x1E0;
	[sflag:s30] =	ssyncadd.s32 $0xFFFFFFB0  }
0x254: {  	[tilespmem:s13], [sflag:$0x3] =	stream.indirect.gather [hbm4b:s4+s11], $0x10, s3, s11, $0xb8;
	[tilespmem:$0x1F920] =	vst v63  }
0x255: {  	s14 =	simm.s32 $0xBE0  }
0x256: {  	[tilespmem:s14], [sflag:$0x3] =	stream.indirect.gather [hbm4b:s4+s11], $0x10, s2, s11, $0xb8;
	[tilespmem:$0x1F920] =	vst v63  }
0x257: {  	s16 =	simm.s32 $0x15E0;
	s15 =	rddreg [dreg:$0x4]  }
0x258: {  	[tilespmem:s16], [sflag:$0x3] =	stream.indirect.gather [hbm4b:s15+s11], $0x20, s3, s11, $0xb8;
	[tilespmem:$0x1F920] =	vst v63  }
0x259: {  	s18 =	simm.s32 $0x29E0;
	s17 =	rddreg [dreg:$0x5]  }
0x25a: {  	[tilespmem:s18], [sflag:$0x3] =	stream.indirect.gather [hbm4b:s17+s11], $0x20, s3, s11, $0xb8;
	[tilespmem:$0x1F920] =	vst v63  }
0x25b: {  	s21 =	simm.s32 $0x3DE0;
	s20 =	rddreg [dreg:$0x6]  }
0x25c: {  	[tilespmem:s21], [sflag:$0x3] =	stream.indirect.gather [hbm4b:s20+s11], $0x20, s2, s11, $0xb8;
	[tilespmem:$0x1F920] =	vst v63  }
0x25d: {  	s26 =	simm.s32 $0x51E0  }
0x25e: {  	[tilespmem:s26], [sflag:$0x3] =	stream.indirect.gather [hbm4b:s8+s11], $0x20, s2, s11, $0xb8;
	[tilespmem:$0x1F920] =	vst v63  }
0x25f: {  	_ =	swait.ge [sflag:s29], $0x500  }
0x260: {  	[sflag:s29] =	ssyncset.done $0x0  }
0x261: {  	[sflag:s29] =	ssyncadd.s32 $0xFFFFFB00  }
0x262: {  	_ =	swait.ge [sflag:s29], $0x500  }
0x263: {  	[sflag:s29] =	ssyncset.done $0x0  }
0x264: {  	[sflag:s29] =	ssyncadd.s32 $0xFFFFFB00  }
0x265: {  	_ =	swait.ge [sflag:s29], $0xA00  }
0x266: {  	[sflag:s29] =	ssyncset.done $0x0  }
0x267: {  	[sflag:s29] =	ssyncadd.s32 $0xFFFFF600  }
0x268: {  	_ =	swait.ge [sflag:s29], $0xA00  }
0x269: {  	[sflag:s29] =	ssyncset.done $0x0  }
0x26a: {  	[sflag:s29] =	ssyncadd.s32 $0xFFFFF600  }
0x26b: {  	_ =	swait.ge [sflag:s29], $0xA00  }
0x26c: {  	[sflag:s29] =	ssyncset.done $0x0  }
0x26d: {  	[sflag:s29] =	ssyncadd.s32 $0xFFFFF600  }
0x26e: {  	_ =	swait.ge [sflag:s29], $0xA00  }
0x26f: {  	[sflag:s29] =	ssyncset.done $0x0  }
0x270: {  	[sflag:s29] =	ssyncadd.s32 $0xFFFFF600  }
0x271: {  	v6 =	vld [tilespmem:$0xF0]  }
0x272: {  	v7 =	vld [tilespmem:$0x100]  }
0x273: {  	v8 =	vld [tilespmem:$0x110]  }
0x274: {  	v9 =	vld [tilespmem:$0x120]  }
0x275: {  	v10 =	vld [tilespmem:$0x130]  }
0x276: {  	[tilespmem:$0x190] =	vst v6  }
0x277: {  	p1 =	seq.s32 s24, $0x137;
	s1 =	rddreg [dreg:$0xf];
	[tilespmem:$0x1A0] =	vst v7  }
0x278: {  	s1 =	sadd.s32 @!p1 s12, s1;
	[tilespmem:$0x1B0] =	vst v8  }
0x279: {  	s5 =	rddreg [dreg:$0x7];
	s1 =	sshrl.u32 @!p1 s1, $0x3;
	[tilespmem:$0x1C0] =	vst v9  }
0x27a: {  	s6 =	simm.s32 @!p1 $0x0;
	s9 =	simm.s32 @!p1 $0x50;
	s5 =	sadd.s32 @!p1 s5, s1;
	[tilespmem:$0x1D0] =	vst v10  }
0x27b: {  	[tilespmem:s9], [sflag:$0x2] =	stream.linear.gather @!p1 [hbm4b:s5+s6], $0x50, $0x38;
	[tilespmem:$0x1F920] =	vst v63  }
0x27c: {  	s5 =	rddreg [dreg:$0x8]  }
0x27d: {  	s13 =	simm.s32 $0x1150;
	s1 =	sadd.s32 @!p1 s5, s1;
	s5 =	simm.s32 @!p1 $0xF0  }
0x27e: {  	[tilespmem:s5], [sflag:$0x2] =	stream.linear.gather @!p1 [hbm4b:s1+s6], $0x50, $0x38;
	[tilespmem:$0x1F920] =	vst v63  }
0x27f: {  	s14 =	simm.s32 $0x750;
	v6 =	vld [tilespmem:s13+$0xFFFFFF90]  }
0x280: {  	v7 =	vld [tilespmem:s14+$0xFFFFFF90];
	_ =	sdelay $0x4  }
0x281: {  	v6 =	vsub.f32 v7, v6;
	_ =	sdelay $0x1  }
0x282: {  	v6 =	vmul.f32 v6, v6;
	_ =	sdelay $0x1  }
0x283: {  	v7 =	vperm.xlane v6, v1;
	v8 =	vperm.xlane v6, v2;
	_ =	sdelay $0x1  }
0x284: {  	v6 =	vperm.xlane v6, v3;
	v7 =	vadd.f32 v8, v7;
	_ =	sdelay $0x1  }
0x285: {  	v6 =	vadd.f32 v6, v7;
	_ =	sdelay $0x1  }
0x286: {  	s26 =	simm.s32 $0x48D0;
	v7 =	vmul.f32 v6, v5  }
0x287: {  	s12 =	simm.s32 $0x34D0;
	v9 =	vld [tilespmem:s26+$0xFFFFFF20];
	v6 =	vmul.f32 v6, v4  }
0x288: {  	s20 =	simm.s32 $0x5CD0;
	v10 =	vld [tilespmem:s12+$0xFFFFFF20];
	v7 =	vsub.f32 $0.0e+00, v7  }
0x289: {  	v11 =	vld [tilespmem:s20+$0xFFFFFF10];
	v6 =	vsub.f32 $0.0e+00, v6  }
0x28a: {  	v50 =	vld [tilespmem:s26+$0xFFFFFF10];
	v7 =	vmul.f32 $1.442695020e+00, v7  }
0x28b: {  	v51 =	vld [tilespmem:s12+$0xFFFFFF10];
	v6 =	vmul.f32 $1.442695020e+00, v6  }
0x28c: {  	s18 =	simm.s32 $0x20D0;
	v8 =	vld [tilespmem:s20+$0xFFFFFF20];
	(erf) = vpow2.f32 v7  }
0x28d: {  	v7 =	vld [tilespmem:s18+$0xFFFFFF10];
	(erf) = vpow2.f32 v6  }
0x28e: {  	v6 =	vld [tilespmem:s18+$0xFFFFFF20];
	_ =	sdelay $0x2  }
0x28f: {  	v8 =	vmul.f32 v8, v10  }
0x290: {  	v11 =	vmul.f32 v11, v51;
	v7 =	vmul.f32 v50, v7  }
0x291: {  	v6 =	vmul.f32 v9, v6  }
0x292: {  	v7 =	vsub.f32 v7, v11  }
0x293: {  	v6 =	vsub.f32 v6, v8;
	v8 =	vpop (erf)  }
0x294: {  	v7 =	vmul.f32 v7, v8;
	v8 =	vpop (erf)  }
0x295: {  	s15 =	simm.s32 $0x6660;
	v6 =	vmul.f32 v6, v8  }
0x296: {  	[tilespmem:s15+$0xFFFFFF80] =	vst v7  }
0x297: {  	[tilespmem:s15+$0xFFFFFF90] =	vst v6  }
0x298: {  	v6 =	vld [tilespmem:s14+$0xFFFFFFA0]  }
0x299: {  	v7 =	vld [tilespmem:s13+$0xFFFFFFA0];
	_ =	sdelay $0x4  }
0x29a: {  	v6 =	vsub.f32 v6, v7;
	_ =	sdelay $0x1  }
0x29b: {  	v6 =	vmul.f32 v6, v6;
	_ =	sdelay $0x1  }
0x29c: {  	v7 =	vperm.xlane v6, v1;
	v8 =	vperm.xlane v6, v2;
	_ =	sdelay $0x1  }
0x29d: {  	v6 =	vperm.xlane v6, v3;
	v7 =	vadd.f32 v8, v7;
	_ =	sdelay $0x1  }
0x29e: {  	v6 =	vadd.f32 v6, v7;
	_ =	sdelay $0x1  }
0x29f: {  	v7 =	vmul.f32 v6, v5  }
0x2a0: {  	v9 =	vld [tilespmem:s26+$0xFFFFFF40];
	v6 =	vmul.f32 v6, v4  }
0x2a1: {  	v10 =	vld [tilespmem:s12+$0xFFFFFF40];
	v7 =	vsub.f32 $0.0e+00, v7  }
0x2a2: {  	v11 =	vld [tilespmem:s20+$0xFFFFFF30];
	v6 =	vsub.f32 $0.0e+00, v6  }
0x2a3: {  	v52 =	vld [tilespmem:s26+$0xFFFFFF30];
	v7 =	vmul.f32 $1.442695020e+00, v7  }
0x2a4: {  	v53 =	vld [tilespmem:s12+$0xFFFFFF30];
	v6 =	vmul.f32 $1.442695020e+00, v6  }
0x2a5: {  	v8 =	vld [tilespmem:s20+$0xFFFFFF40];
	(erf) = vpow2.f32 v7  }
0x2a6: {  	v7 =	vld [tilespmem:s18+$0xFFFFFF30];
	(erf) = vpow2.f32 v6  }
0x2a7: {  	v6 =	vld [tilespmem:s18+$0xFFFFFF40];
	_ =	sdelay $0x2  }
0x2a8: {  	v8 =	vmul.f32 v8, v10  }
0x2a9: {  	v11 =	vmul.f32 v11, v53;
	v7 =	vmul.f32 v52, v7  }
0x2aa: {  	v6 =	vmul.f32 v9, v6  }
0x2ab: {  	v7 =	vsub.f32 v7, v11  }
0x2ac: {  	v6 =	vsub.f32 v6, v8;
	v8 =	vpop (erf)  }
0x2ad: {  	v7 =	vmul.f32 v7, v8;
	v8 =	vpop (erf)  }
0x2ae: {  	v6 =	vmul.f32 v6, v8  }
0x2af: {  	[tilespmem:s15+$0xFFFFFFA0] =	vst v7  }
0x2b0: {  	[tilespmem:s15+$0xFFFFFFB0] =	vst v6  }
0x2b1: {  	v6 =	vld [tilespmem:s14+$0xFFFFFFB0]  }
0x2b2: {  	v7 =	vld [tilespmem:s13+$0xFFFFFFB0];
	_ =	sdelay $0x4  }
0x2b3: {  	v6 =	vsub.f32 v6, v7;
	_ =	sdelay $0x1  }
0x2b4: {  	v6 =	vmul.f32 v6, v6;
	_ =	sdelay $0x1  }
0x2b5: {  	v7 =	vperm.xlane v6, v1;
	v8 =	vperm.xlane v6, v2;
	_ =	sdelay $0x1  }
0x2b6: {  	v6 =	vperm.xlane v6, v3;
	v7 =	vadd.f32 v8, v7;
	_ =	sdelay $0x1  }
0x2b7: {  	v6 =	vadd.f32 v6, v7;
	_ =	sdelay $0x1  }
0x2b8: {  	v7 =	vmul.f32 v6, v5  }
0x2b9: {  	v9 =	vld [tilespmem:s26+$0xFFFFFF60];
	v6 =	vmul.f32 v6, v4  }
0x2ba: {  	v10 =	vld [tilespmem:s12+$0xFFFFFF60];
	v7 =	vsub.f32 $0.0e+00, v7  }
0x2bb: {  	v11 =	vld [tilespmem:s20+$0xFFFFFF50];
	v6 =	vsub.f32 $0.0e+00, v6  }
0x2bc: {  	v54 =	vld [tilespmem:s26+$0xFFFFFF50];
	v7 =	vmul.f32 $1.442695020e+00, v7  }
0x2bd: {  	v55 =	vld [tilespmem:s12+$0xFFFFFF50];
	v6 =	vmul.f32 $1.442695020e+00, v6  }
0x2be: {  	v8 =	vld [tilespmem:s20+$0xFFFFFF60];
	(erf) = vpow2.f32 v7  }
0x2bf: {  	v7 =	vld [tilespmem:s18+$0xFFFFFF50];
	(erf) = vpow2.f32 v6  }
0x2c0: {  	v6 =	vld [tilespmem:s18+$0xFFFFFF60];
	_ =	sdelay $0x2  }
0x2c1: {  	v8 =	vmul.f32 v8, v10  }
0x2c2: {  	v11 =	vmul.f32 v11, v55;
	v7 =	vmul.f32 v54, v7  }
0x2c3: {  	v6 =	vmul.f32 v9, v6  }
0x2c4: {  	v7 =	vsub.f32 v7, v11  }
0x2c5: {  	v6 =	vsub.f32 v6, v8;
	v8 =	vpop (erf)  }
0x2c6: {  	v7 =	vmul.f32 v7, v8;
	v8 =	vpop (erf)  }
0x2c7: {  	v6 =	vmul.f32 v6, v8  }
0x2c8: {  	[tilespmem:s15+$0xFFFFFFC0] =	vst v7  }
0x2c9: {  	[tilespmem:s15+$0xFFFFFFD0] =	vst v6  }
0x2ca: {  	v6 =	vld [tilespmem:s14+$0xFFFFFFC0]  }
0x2cb: {  	v7 =	vld [tilespmem:s13+$0xFFFFFFC0];
	_ =	sdelay $0x4  }
0x2cc: {  	v6 =	vsub.f32 v6, v7;
	_ =	sdelay $0x1  }
0x2cd: {  	v6 =	vmul.f32 v6, v6;
	_ =	sdelay $0x1  }
0x2ce: {  	v7 =	vperm.xlane v6, v1;
	v8 =	vperm.xlane v6, v2;
	_ =	sdelay $0x1  }
0x2cf: {  	v6 =	vperm.xlane v6, v3;
	v7 =	vadd.f32 v8, v7;
	_ =	sdelay $0x1  }
0x2d0: {  	v6 =	vadd.f32 v6, v7;
	_ =	sdelay $0x1  }
0x2d1: {  	v7 =	vmul.f32 v6, v5  }
0x2d2: {  	v9 =	vld [tilespmem:s26+$0xFFFFFF80];
	v6 =	vmul.f32 v6, v4  }
0x2d3: {  	v10 =	vld [tilespmem:s12+$0xFFFFFF80];
	v7 =	vsub.f32 $0.0e+00, v7  }
0x2d4: {  	v11 =	vld [tilespmem:s20+$0xFFFFFF70];
	v6 =	vsub.f32 $0.0e+00, v6  }
0x2d5: {  	v56 =	vld [tilespmem:s26+$0xFFFFFF70];
	v7 =	vmul.f32 $1.442695020e+00, v7  }
0x2d6: {  	v57 =	vld [tilespmem:s12+$0xFFFFFF70];
	v6 =	vmul.f32 $1.442695020e+00, v6  }
0x2d7: {  	v8 =	vld [tilespmem:s20+$0xFFFFFF80];
	(erf) = vpow2.f32 v7  }
0x2d8: {  	v7 =	vld [tilespmem:s18+$0xFFFFFF70];
	(erf) = vpow2.f32 v6  }
0x2d9: {  	v6 =	vld [tilespmem:s18+$0xFFFFFF80];
	_ =	sdelay $0x2  }
0x2da: {  	v8 =	vmul.f32 v8, v10  }
0x2db: {  	v11 =	vmul.f32 v11, v57;
	v7 =	vmul.f32 v56, v7  }
0x2dc: {  	v6 =	vmul.f32 v9, v6  }
0x2dd: {  	v7 =	vsub.f32 v7, v11  }
0x2de: {  	v6 =	vsub.f32 v6, v8;
	v8 =	vpop (erf)  }
0x2df: {  	v7 =	vmul.f32 v7, v8;
	v8 =	vpop (erf)  }
0x2e0: {  	v6 =	vmul.f32 v6, v8  }
0x2e1: {  	[tilespmem:s15+$0xFFFFFFE0] =	vst v7  }
0x2e2: {  	[tilespmem:s15+$0xFFFFFFF0] =	vst v6  }
0x2e3: {  	v6 =	vld [tilespmem:s14+$0xFFFFFFD0]  }
0x2e4: {  	v7 =	vld [tilespmem:s13+$0xFFFFFFD0];
	_ =	sdelay $0x4  }
0x2e5: {  	v6 =	vsub.f32 v6, v7;
	_ =	sdelay $0x1  }
0x2e6: {  	v6 =	vmul.f32 v6, v6;
	_ =	sdelay $0x1  }
0x2e7: {  	v7 =	vperm.xlane v6, v1;
	v8 =	vperm.xlane v6, v2;
	_ =	sdelay $0x1  }
0x2e8: {  	v6 =	vperm.xlane v6, v3;
	v7 =	vadd.f32 v8, v7;
	_ =	sdelay $0x1  }
0x2e9: {  	v6 =	vadd.f32 v6, v7;
	_ =	sdelay $0x1  }
0x2ea: {  	v7 =	vmul.f32 v6, v5  }
0x2eb: {  	v9 =	vld [tilespmem:s26+$0xFFFFFFA0];
	v6 =	vmul.f32 v6, v4  }
0x2ec: {  	v10 =	vld [tilespmem:s12+$0xFFFFFFA0];
	v7 =	vsub.f32 $0.0e+00, v7  }
0x2ed: {  	v11 =	vld [tilespmem:s20+$0xFFFFFF90];
	v6 =	vsub.f32 $0.0e+00, v6  }
0x2ee: {  	v58 =	vld [tilespmem:s26+$0xFFFFFF90];
	v7 =	vmul.f32 $1.442695020e+00, v7  }
0x2ef: {  	v59 =	vld [tilespmem:s12+$0xFFFFFF90];
	v6 =	vmul.f32 $1.442695020e+00, v6  }
0x2f0: {  	v8 =	vld [tilespmem:s20+$0xFFFFFFA0];
	(erf) = vpow2.f32 v7  }
0x2f1: {  	v7 =	vld [tilespmem:s18+$0xFFFFFF90];
	(erf) = vpow2.f32 v6  }
0x2f2: {  	v6 =	vld [tilespmem:s18+$0xFFFFFFA0];
	_ =	sdelay $0x2  }
0x2f3: {  	v8 =	vmul.f32 v8, v10  }
0x2f4: {  	v11 =	vmul.f32 v11, v59;
	v7 =	vmul.f32 v58, v7  }
0x2f5: {  	v6 =	vmul.f32 v9, v6  }
0x2f6: {  	v7 =	vsub.f32 v7, v11  }
0x2f7: {  	v6 =	vsub.f32 v6, v8;
	v8 =	vpop (erf)  }
0x2f8: {  	v7 =	vmul.f32 v7, v8;
	v8 =	vpop (erf)  }
0x2f9: {  	v6 =	vmul.f32 v6, v8  }
0x2fa: {  	[tilespmem:s15+$0x0] =	vst v7  }
0x2fb: {  	[tilespmem:s15+$0x10] =	vst v6  }
0x2fc: {  	v6 =	vld [tilespmem:s13+$0xFFFFFFE0]  }
0x2fd: {  	v7 =	vld [tilespmem:s14+$0xFFFFFFE0];
	_ =	sdelay $0x4  }
0x2fe: {  	v6 =	vsub.f32 v7, v6;
	_ =	sdelay $0x1  }
0x2ff: {  	v6 =	vmul.f32 v6, v6;
	_ =	sdelay $0x1  }
0x300: {  	v7 =	vperm.xlane v6, v1;
	v8 =	vperm.xlane v6, v2;
	_ =	sdelay $0x1  }
0x301: {  	v6 =	vperm.xlane v6, v3;
	v7 =	vadd.f32 v8, v7;
	_ =	sdelay $0x1  }
0x302: {  	v6 =	vadd.f32 v6, v7;
	_ =	sdelay $0x1  }
0x303: {  	v7 =	vmul.f32 v6, v5  }
0x304: {  	v9 =	vld [tilespmem:s12+$0xFFFFFFB0];
	v6 =	vmul.f32 v6, v4  }
0x305: {  	v10 =	vld [tilespmem:s26+$0xFFFFFFB0];
	v7 =	vsub.f32 $0.0e+00, v7  }
0x306: {  	v11 =	vld [tilespmem:s20+$0xFFFFFFB0];
	v6 =	vsub.f32 $0.0e+00, v6  }
0x307: {  	v60 =	vld [tilespmem:s18+$0xFFFFFFC0];
	v7 =	vmul.f32 $1.442695020e+00, v7  }
0x308: {  	v8 =	vld [tilespmem:s18+$0xFFFFFFB0];
	v6 =	vmul.f32 $1.442695020e+00, v6  }
0x309: {  	(erf) = vpow2.f32 v7;
	v7 =	vld [tilespmem:s26+$0xFFFFFFC0]  }
0x30a: {  	v61 =	vld [tilespmem:s12+$0xFFFFFFC0];
	(erf) = vpow2.f32 v6  }
0x30b: {  	v6 =	vld [tilespmem:s20+$0xFFFFFFC0];
	_ =	sdelay $0x1  }
0x30c: {  	v9 =	vmul.f32 v11, v9;
	v8 =	vmul.f32 v10, v8  }
0x30d: {  	v7 =	vmul.f32 v7, v60  }
0x30e: {  	v8 =	vsub.f32 v8, v9  }
0x30f: {  	v6 =	vmul.f32 v6, v61;
	_ =	sdelay $0x1  }
0x310: {  	v6 =	vsub.f32 v7, v6;
	v7 =	vpop (erf)  }
0x311: {  	v7 =	vmul.f32 v8, v7;
	v8 =	vpop (erf)  }
0x312: {  	v6 =	vmul.f32 v6, v8  }
0x313: {  	[tilespmem:s15+$0x20] =	vst v7  }
0x314: {  	[tilespmem:s15+$0x30] =	vst v6  }
0x315: {  	v6 =	vld [tilespmem:s14+$0xFFFFFFF0]  }
0x316: {  	v7 =	vld [tilespmem:s13+$0xFFFFFFF0];
	_ =	sdelay $0x4  }
0x317: {  	v6 =	vsub.f32 v6, v7;
	_ =	sdelay $0x1  }
0x318: {  	v6 =	vmul.f32 v6, v6;
	_ =	sdelay $0x1  }
0x319: {  	v7 =	vperm.xlane v6, v1;
	v8 =	vperm.xlane v6, v2;
	_ =	sdelay $0x1  }
0x31a: {  	v6 =	vperm.xlane v6, v3;
	v7 =	vadd.f32 v8, v7  }
0x31b: {  	v9 =	vld [tilespmem:s18+$0xFFFFFFD0]  }
0x31c: {  	v10 =	vld [tilespmem:s12+$0xFFFFFFD0];
	v6 =	vadd.f32 v6, v7  }
0x31d: {  	v8 =	vld [tilespmem:s26+$0xFFFFFFD0]  }
0x31e: {  	v11 =	vld [tilespmem:s20+$0xFFFFFFD0];
	v7 =	vmul.f32 v6, v5  }
0x31f: {  	v6 =	vmul.f32 v6, v4  }
0x320: {  	v7 =	vsub.f32 $0.0e+00, v7  }
0x321: {  	v16 =	vsub.f32 $0.0e+00, v6  }
0x322: {  	v62 =	vld [tilespmem:s18+$0xFFFFFFE0];
	v6 =	vmul.f32 v8, v9;
	v9 =	vmul.f32 $1.442695020e+00, v7  }
0x323: {  	v63 =	vld [tilespmem:s12+$0xFFFFFFE0];
	v7 =	vmul.f32 v11, v10;
	v10 =	vmul.f32 $1.442695020e+00, v16  }
0x324: {  	v14 =	vld [tilespmem:s26+$0xFFFFFFE0];
	(erf) = vpow2.f32 v9  }
0x325: {  	v15 =	vld [tilespmem:s20+$0xFFFFFFE0];
	(erf) = vpow2.f32 v10;
	_ =	sdelay $0x2  }
0x326: {  	s28 =	smov.u32 s7;
	s10 =	simm.s32 $0x35D0;
	s16 =	simm.s32 $0x5CD0  }
0x327: {  	s17 =	simm.s32 $0x48D0;
	s21 =	simm.s32 $0x11D0;
	s9 =	simm.s32 $0x6760  }
0x328: {  	s1 =	simm.s32 $0x0;
	s5 =	simm.s32 $0x21D0;
	s6 =	simm.s32 $0x7D0;
	v8 =	vmul.f32 v14, v62;
	v9 =	vmul.f32 v15, v63  }
.LBB2_7:
0x329: {  	s1 =	sadd.s32 $0x8, s1;
	s20 =	sadd.s32 $0x100, s20;
	s26 =	sadd.s32 $0x100, s26  }
0x32a: {  	v6 =	vsub.f32 v6, v7;
	p1 =	slt.u32 s1, $0x48  }
0x32b: {  	v7 =	vsub.f32 v8, v9;
	v8 =	vpop (erf)  }
0x32c: {  	v6 =	vmul.f32 v6, v8;
	v8 =	vpop (erf)  }
0x32d: {  	v7 =	vmul.f32 v7, v8  }
0x32e: {  	[tilespmem:s15+$0x40] =	vst v6  }
0x32f: {  	[tilespmem:s15+$0x50] =	vst v7  }
0x330: {  	v6 =	vld [tilespmem:s18+$0xFFFFFFF0]  }
0x331: {  	v7 =	vld [tilespmem:s17+$0xFFFFFFF0]  }
0x332: {  	v8 =	vld [tilespmem:s14+$0x0];
	s14 =	smov.u32 s6  }
0x333: {  	v9 =	vld [tilespmem:s13+$0x0];
	s13 =	smov.u32 s21  }
0x334: {  	v10 =	vld [tilespmem:s12+$0xFFFFFFF0]  }
0x335: {  	v11 =	vld [tilespmem:s16+$0xFFFFFFF0]  }
0x336: {  	v12 =	vld [tilespmem:s18+$0x0];
	s18 =	smov.u32 s5  }
0x337: {  	v6 =	vmul.f32 v7, v6;
	v13 =	vld [tilespmem:s12+$0x0];
	s12 =	smov.u32 s10  }
0x338: {  	v7 =	vsub.f32 v8, v9;
	v8 =	vld [tilespmem:s17+$0x0];
	s17 =	smov.u32 s26  }
0x339: {  	v9 =	vld [tilespmem:s16+$0x0];
	s16 =	smov.u32 s20  }
0x33a: {  	v7 =	vmul.f32 v7, v7;
	v10 =	vmul.f32 v11, v10;
	_ =	sdelay $0x1  }
0x33b: {  	v11 =	vperm.xlane v7, v1;
	v14 =	vperm.xlane v7, v2  }
0x33c: {  	v8 =	vmul.f32 v8, v12  }
0x33d: {  	v7 =	vperm.xlane v7, v3;
	v11 =	vadd.f32 v14, v11;
	_ =	sdelay $0x1  }
0x33e: {  	v7 =	vadd.f32 v7, v11;
	_ =	sdelay $0x1  }
0x33f: {  	v11 =	vmul.f32 v7, v5;
	v7 =	vmul.f32 v7, v4;
	_ =	sdelay $0x1  }
0x340: {  	v11 =	vsub.f32 $0.0e+00, v11;
	v7 =	vsub.f32 $0.0e+00, v7;
	_ =	sdelay $0x1  }
0x341: {  	v11 =	vmul.f32 $1.442695020e+00, v11;
	v7 =	vmul.f32 $1.442695020e+00, v7;
	_ =	sdelay $0x1  }
0x342: {  	(erf) = vpow2.f32 v11  }
0x343: {  	(erf) = vpow2.f32 v7;
	_ =	sdelay $0x5  }
0x344: {  	v7 =	vmul.f32 v9, v13  }
0x345: {  	v6 =	vsub.f32 v6, v10  }
0x346: {  	v7 =	vsub.f32 v8, v7;
	v8 =	vpop (erf)  }
0x347: {  	v6 =	vmul.f32 v6, v8;
	v8 =	vpop (erf)  }
0x348: {  	v7 =	vmul.f32 v7, v8  }
0x349: {  	[tilespmem:s15+$0x60] =	vst v6  }
0x34a: {  	[tilespmem:s15+$0x70] =	vst v7;
	s15 =	smov.u32 s9;
	_ =	sdelay $0x1  }
0x34b: {  	v6 =	vld [tilespmem:s21+$0xFFFFFF90]  }
0x34c: {  	v7 =	vld [tilespmem:s6+$0xFFFFFF90];
	_ =	sdelay $0x4  }
0x34d: {  	v6 =	vsub.f32 v7, v6;
	_ =	sdelay $0x1  }
0x34e: {  	v6 =	vmul.f32 v6, v6;
	_ =	sdelay $0x1  }
0x34f: {  	v7 =	vperm.xlane v6, v1;
	v8 =	vperm.xlane v6, v2;
	_ =	sdelay $0x1  }
0x350: {  	v6 =	vperm.xlane v6, v3;
	v7 =	vadd.f32 v8, v7;
	_ =	sdelay $0x1  }
0x351: {  	v6 =	vadd.f32 v6, v7;
	_ =	sdelay $0x1  }
0x352: {  	v7 =	vmul.f32 v6, v5;
	v6 =	vmul.f32 v6, v4  }
0x353: {  	v8 =	vld [tilespmem:s20+$0xFFFFFF20]  }
0x354: {  	v7 =	vsub.f32 $0.0e+00, v7;
	v6 =	vsub.f32 $0.0e+00, v6;
	v9 =	vld [tilespmem:s26+$0xFFFFFF20]  }
0x355: {  	v10 =	vld [tilespmem:s10+$0xFFFFFF20]  }
0x356: {  	v7 =	vmul.f32 $1.442695020e+00, v7;
	v6 =	vmul.f32 $1.442695020e+00, v6;
	v11 =	vld [tilespmem:s20+$0xFFFFFF10]  }
0x357: {  	v12 =	vld [tilespmem:s26+$0xFFFFFF10]  }
0x358: {  	v13 =	vld [tilespmem:s10+$0xFFFFFF10];
	(erf) = vpow2.f32 v7  }
0x359: {  	v7 =	vld [tilespmem:s5+$0xFFFFFF10];
	(erf) = vpow2.f32 v6  }
0x35a: {  	v6 =	vld [tilespmem:s5+$0xFFFFFF20];
	_ =	sdelay $0x2  }
0x35b: {  	v11 =	vmul.f32 v11, v13  }
0x35c: {  	v7 =	vmul.f32 v12, v7  }
0x35d: {  	v6 =	vmul.f32 v9, v6;
	v9 =	vmul.f32 v8, v10  }
0x35e: {  	v7 =	vsub.f32 v7, v11  }
0x35f: {  	v6 =	vsub.f32 v6, v9;
	v8 =	vpop (erf)  }
0x360: {  	v7 =	vmul.f32 v7, v8;
	v8 =	vpop (erf)  }
0x361: {  	v6 =	vmul.f32 v6, v8  }
0x362: {  	[tilespmem:s9+$0xFFFFFF80] =	vst v7  }
0x363: {  	[tilespmem:s9+$0xFFFFFF90] =	vst v6  }
0x364: {  	v6 =	vld [tilespmem:s6+$0xFFFFFFA0]  }
0x365: {  	v7 =	vld [tilespmem:s21+$0xFFFFFFA0];
	_ =	sdelay $0x4  }
0x366: {  	v6 =	vsub.f32 v6, v7;
	_ =	sdelay $0x1  }
0x367: {  	v6 =	vmul.f32 v6, v6;
	_ =	sdelay $0x1  }
0x368: {  	v7 =	vperm.xlane v6, v1;
	v8 =	vperm.xlane v6, v2;
	_ =	sdelay $0x1  }
0x369: {  	v6 =	vperm.xlane v6, v3;
	v7 =	vadd.f32 v8, v7;
	_ =	sdelay $0x1  }
0x36a: {  	v6 =	vadd.f32 v6, v7;
	_ =	sdelay $0x1  }
0x36b: {  	v7 =	vmul.f32 v6, v5;
	v6 =	vmul.f32 v6, v4  }
0x36c: {  	v8 =	vld [tilespmem:s20+$0xFFFFFF40]  }
0x36d: {  	v7 =	vsub.f32 $0.0e+00, v7;
	v6 =	vsub.f32 $0.0e+00, v6;
	v9 =	vld [tilespmem:s26+$0xFFFFFF40]  }
0x36e: {  	v10 =	vld [tilespmem:s10+$0xFFFFFF40]  }
0x36f: {  	v7 =	vmul.f32 $1.442695020e+00, v7;
	v6 =	vmul.f32 $1.442695020e+00, v6;
	v11 =	vld [tilespmem:s20+$0xFFFFFF30]  }
0x370: {  	v12 =	vld [tilespmem:s26+$0xFFFFFF30]  }
0x371: {  	v13 =	vld [tilespmem:s10+$0xFFFFFF30];
	(erf) = vpow2.f32 v7  }
0x372: {  	v7 =	vld [tilespmem:s5+$0xFFFFFF30];
	(erf) = vpow2.f32 v6  }
0x373: {  	v6 =	vld [tilespmem:s5+$0xFFFFFF40];
	_ =	sdelay $0x2  }
0x374: {  	v11 =	vmul.f32 v11, v13  }
0x375: {  	v7 =	vmul.f32 v12, v7  }
0x376: {  	v6 =	vmul.f32 v9, v6;
	v9 =	vmul.f32 v8, v10  }
0x377: {  	v7 =	vsub.f32 v7, v11  }
0x378: {  	v6 =	vsub.f32 v6, v9;
	v8 =	vpop (erf)  }
0x379: {  	v7 =	vmul.f32 v7, v8;
	v8 =	vpop (erf)  }
0x37a: {  	v6 =	vmul.f32 v6, v8  }
0x37b: {  	[tilespmem:s9+$0xFFFFFFA0] =	vst v7  }
0x37c: {  	[tilespmem:s9+$0xFFFFFFB0] =	vst v6  }
0x37d: {  	v6 =	vld [tilespmem:s6+$0xFFFFFFB0]  }
0x37e: {  	v7 =	vld [tilespmem:s21+$0xFFFFFFB0];
	_ =	sdelay $0x4  }
0x37f: {  	v6 =	vsub.f32 v6, v7;
	_ =	sdelay $0x1  }
0x380: {  	v6 =	vmul.f32 v6, v6;
	_ =	sdelay $0x1  }
0x381: {  	v7 =	vperm.xlane v6, v1;
	v8 =	vperm.xlane v6, v2;
	_ =	sdelay $0x1  }
0x382: {  	v6 =	vperm.xlane v6, v3;
	v7 =	vadd.f32 v8, v7;
	_ =	sdelay $0x1  }
0x383: {  	v6 =	vadd.f32 v6, v7;
	_ =	sdelay $0x1  }
0x384: {  	v7 =	vmul.f32 v6, v5;
	v6 =	vmul.f32 v6, v4  }
0x385: {  	v8 =	vld [tilespmem:s20+$0xFFFFFF60]  }
0x386: {  	v7 =	vsub.f32 $0.0e+00, v7;
	v6 =	vsub.f32 $0.0e+00, v6;
	v9 =	vld [tilespmem:s26+$0xFFFFFF60]  }
0x387: {  	v10 =	vld [tilespmem:s10+$0xFFFFFF60]  }
0x388: {  	v7 =	vmul.f32 $1.442695020e+00, v7;
	v6 =	vmul.f32 $1.442695020e+00, v6;
	v11 =	vld [tilespmem:s20+$0xFFFFFF50]  }
0x389: {  	v12 =	vld [tilespmem:s26+$0xFFFFFF50]  }
0x38a: {  	v13 =	vld [tilespmem:s10+$0xFFFFFF50];
	(erf) = vpow2.f32 v7  }
0x38b: {  	v7 =	vld [tilespmem:s5+$0xFFFFFF50];
	(erf) = vpow2.f32 v6  }
0x38c: {  	v6 =	vld [tilespmem:s5+$0xFFFFFF60];
	_ =	sdelay $0x2  }
0x38d: {  	v11 =	vmul.f32 v11, v13  }
0x38e: {  	v7 =	vmul.f32 v12, v7  }
0x38f: {  	v6 =	vmul.f32 v9, v6;
	v9 =	vmul.f32 v8, v10  }
0x390: {  	v7 =	vsub.f32 v7, v11  }
0x391: {  	v6 =	vsub.f32 v6, v9;
	v8 =	vpop (erf)  }
0x392: {  	v7 =	vmul.f32 v7, v8;
	v8 =	vpop (erf)  }
0x393: {  	v6 =	vmul.f32 v6, v8  }
0x394: {  	[tilespmem:s9+$0xFFFFFFC0] =	vst v7  }
0x395: {  	[tilespmem:s9+$0xFFFFFFD0] =	vst v6  }
0x396: {  	v6 =	vld [tilespmem:s20+$0xFFFFFF80]  }
0x397: {  	v7 =	vld [tilespmem:s6+$0xFFFFFFC0]  }
0x398: {  	v8 =	vld [tilespmem:s21+$0xFFFFFFC0];
	_ =	sdelay $0x4  }
0x399: {  	v7 =	vsub.f32 v7, v8;
	_ =	sdelay $0x1  }
0x39a: {  	v7 =	vmul.f32 v7, v7;
	_ =	sdelay $0x1  }
0x39b: {  	v8 =	vperm.xlane v7, v1;
	v9 =	vperm.xlane v7, v2;
	_ =	sdelay $0x1  }
0x39c: {  	v7 =	vperm.xlane v7, v3;
	v8 =	vadd.f32 v9, v8;
	_ =	sdelay $0x1  }
0x39d: {  	v7 =	vadd.f32 v7, v8;
	_ =	sdelay $0x1  }
0x39e: {  	v8 =	vmul.f32 v7, v5;
	v7 =	vmul.f32 v7, v4;
	_ =	sdelay $0x1  }
0x39f: {  	v8 =	vsub.f32 $0.0e+00, v8;
	v7 =	vsub.f32 $0.0e+00, v7;
	v9 =	vld [tilespmem:s26+$0xFFFFFF80]  }
0x3a0: {  	v10 =	vld [tilespmem:s10+$0xFFFFFF80]  }
0x3a1: {  	v8 =	vmul.f32 $1.442695020e+00, v8;
	v7 =	vmul.f32 $1.442695020e+00, v7;
	v11 =	vld [tilespmem:s20+$0xFFFFFF70]  }
0x3a2: {  	v12 =	vld [tilespmem:s26+$0xFFFFFF70]  }
0x3a3: {  	v13 =	vld [tilespmem:s10+$0xFFFFFF70];
	(erf) = vpow2.f32 v8  }
0x3a4: {  	v8 =	vld [tilespmem:s5+$0xFFFFFF70];
	(erf) = vpow2.f32 v7  }
0x3a5: {  	v7 =	vld [tilespmem:s5+$0xFFFFFF80];
	v6 =	vmul.f32 v6, v10;
	_ =	sdelay $0x2  }
0x3a6: {  	v10 =	vmul.f32 v11, v13  }
0x3a7: {  	v8 =	vmul.f32 v12, v8  }
0x3a8: {  	v9 =	vmul.f32 v9, v7  }
0x3a9: {  	v10 =	vsub.f32 v8, v10  }
0x3aa: {  	v6 =	vsub.f32 v9, v6;
	v7 =	vpop (erf)  }
0x3ab: {  	v7 =	vmul.f32 v10, v7;
	v8 =	vpop (erf)  }
0x3ac: {  	v6 =	vmul.f32 v6, v8  }
0x3ad: {  	[tilespmem:s9+$0xFFFFFFE0] =	vst v7  }
0x3ae: {  	[tilespmem:s9+$0xFFFFFFF0] =	vst v6  }
0x3af: {  	v6 =	vld [tilespmem:s6+$0xFFFFFFD0]  }
0x3b0: {  	v7 =	vld [tilespmem:s21+$0xFFFFFFD0];
	_ =	sdelay $0x4  }
0x3b1: {  	v6 =	vsub.f32 v6, v7;
	_ =	sdelay $0x1  }
0x3b2: {  	v6 =	vmul.f32 v6, v6;
	_ =	sdelay $0x1  }
0x3b3: {  	v7 =	vperm.xlane v6, v1;
	v8 =	vperm.xlane v6, v2;
	_ =	sdelay $0x1  }
0x3b4: {  	v6 =	vperm.xlane v6, v3;
	v7 =	vadd.f32 v8, v7;
	_ =	sdelay $0x1  }
0x3b5: {  	v6 =	vadd.f32 v6, v7;
	_ =	sdelay $0x1  }
0x3b6: {  	v7 =	vmul.f32 v6, v5;
	v6 =	vmul.f32 v6, v4  }
0x3b7: {  	v8 =	vld [tilespmem:s20+$0xFFFFFFA0]  }
0x3b8: {  	v7 =	vsub.f32 $0.0e+00, v7;
	v6 =	vsub.f32 $0.0e+00, v6;
	v9 =	vld [tilespmem:s26+$0xFFFFFFA0]  }
0x3b9: {  	v10 =	vld [tilespmem:s10+$0xFFFFFFA0]  }
0x3ba: {  	v7 =	vmul.f32 $1.442695020e+00, v7;
	v6 =	vmul.f32 $1.442695020e+00, v6;
	v11 =	vld [tilespmem:s20+$0xFFFFFF90]  }
0x3bb: {  	v12 =	vld [tilespmem:s26+$0xFFFFFF90]  }
0x3bc: {  	v13 =	vld [tilespmem:s10+$0xFFFFFF90];
	(erf) = vpow2.f32 v7  }
0x3bd: {  	v7 =	vld [tilespmem:s5+$0xFFFFFF90];
	(erf) = vpow2.f32 v6  }
0x3be: {  	v6 =	vld [tilespmem:s5+$0xFFFFFFA0];
	v8 =	vmul.f32 v8, v10;
	_ =	sdelay $0x2  }
0x3bf: {  	v10 =	vmul.f32 v11, v13  }
0x3c0: {  	v7 =	vmul.f32 v12, v7  }
0x3c1: {  	v6 =	vmul.f32 v9, v6  }
0x3c2: {  	v7 =	vsub.f32 v7, v10  }
0x3c3: {  	v6 =	vsub.f32 v6, v8;
	v8 =	vpop (erf)  }
0x3c4: {  	v7 =	vmul.f32 v7, v8;
	v8 =	vpop (erf)  }
0x3c5: {  	v6 =	vmul.f32 v6, v8  }
0x3c6: {  	[tilespmem:s9+$0x0] =	vst v7  }
0x3c7: {  	[tilespmem:s9+$0x10] =	vst v6  }
0x3c8: {  	v6 =	vld [tilespmem:s21+$0xFFFFFFE0]  }
0x3c9: {  	v7 =	vld [tilespmem:s6+$0xFFFFFFE0]  }
0x3ca: {  	v8 =	vld [tilespmem:s5+$0xFFFFFFB0]  }
0x3cb: {  	v9 =	vld [tilespmem:s10+$0xFFFFFFB0]  }
0x3cc: {  	v10 =	vld [tilespmem:s26+$0xFFFFFFB0]  }
0x3cd: {  	v11 =	vld [tilespmem:s20+$0xFFFFFFB0]  }
0x3ce: {  	v6 =	vsub.f32 v7, v6;
	v7 =	vld [tilespmem:s5+$0xFFFFFFC0]  }
0x3cf: {  	v12 =	vld [tilespmem:s10+$0xFFFFFFC0]  }
0x3d0: {  	v6 =	vmul.f32 v6, v6;
	v13 =	vld [tilespmem:s26+$0xFFFFFFC0]  }
0x3d1: {  	v14 =	vld [tilespmem:s20+$0xFFFFFFC0];
	v8 =	vmul.f32 v10, v8  }
0x3d2: {  	v10 =	vperm.xlane v6, v1;
	v15 =	vperm.xlane v6, v2  }
0x3d3: {  	v6 =	vperm.xlane v6, v3;
	v9 =	vmul.f32 v11, v9  }
0x3d4: {  	v10 =	vadd.f32 v15, v10  }
0x3d5: {  	v7 =	vmul.f32 v13, v7  }
0x3d6: {  	v6 =	vadd.f32 v6, v10;
	_ =	sdelay $0x1  }
0x3d7: {  	v10 =	vmul.f32 v6, v5;
	v6 =	vmul.f32 v6, v4;
	_ =	sdelay $0x1  }
0x3d8: {  	v10 =	vsub.f32 $0.0e+00, v10;
	v6 =	vsub.f32 $0.0e+00, v6;
	_ =	sdelay $0x1  }
0x3d9: {  	v10 =	vmul.f32 $1.442695020e+00, v10;
	v6 =	vmul.f32 $1.442695020e+00, v6;
	_ =	sdelay $0x1  }
0x3da: {  	(erf) = vpow2.f32 v10  }
0x3db: {  	(erf) = vpow2.f32 v6;
	_ =	sdelay $0x5  }
0x3dc: {  	v6 =	vmul.f32 v14, v12  }
0x3dd: {  	v9 =	vsub.f32 v8, v9  }
0x3de: {  	v6 =	vsub.f32 v7, v6;
	v7 =	vpop (erf)  }
0x3df: {  	v7 =	vmul.f32 v9, v7;
	v8 =	vpop (erf)  }
0x3e0: {  	v6 =	vmul.f32 v6, v8  }
0x3e1: {  	[tilespmem:s9+$0x20] =	vst v7  }
0x3e2: {  	[tilespmem:s9+$0x30] =	vst v6  }
0x3e3: {  	v6 =	vld [tilespmem:s6+$0xFFFFFFF0]  }
0x3e4: {  	v7 =	vld [tilespmem:s21+$0xFFFFFFF0]  }
0x3e5: {  	v8 =	vld [tilespmem:s5+$0xFFFFFFD0]  }
0x3e6: {  	v9 =	vld [tilespmem:s10+$0xFFFFFFD0]  }
0x3e7: {  	v10 =	vld [tilespmem:s26+$0xFFFFFFD0]  }
0x3e8: {  	v11 =	vld [tilespmem:s20+$0xFFFFFFD0]  }
0x3e9: {  	v6 =	vsub.f32 v6, v7;
	v12 =	vld [tilespmem:s5+$0xFFFFFFE0]  }
0x3ea: {  	v13 =	vld [tilespmem:s10+$0xFFFFFFE0]  }
0x3eb: {  	v14 =	vmul.f32 v6, v6;
	v15 =	vld [tilespmem:s26+$0xFFFFFFE0]  }
0x3ec: {  	v16 =	vld [tilespmem:s20+$0xFFFFFFE0];
	v6 =	vmul.f32 v10, v8  }
0x3ed: {  	v8 =	vperm.xlane v14, v1;
	v10 =	vperm.xlane v14, v2  }
0x3ee: {  	v7 =	vmul.f32 v11, v9  }
0x3ef: {  	v9 =	vadd.f32 v10, v8;
	v10 =	vperm.xlane v14, v3  }
0x3f0: {  	v8 =	vmul.f32 v15, v12  }
0x3f1: {  	v10 =	vadd.f32 v10, v9;
	v9 =	vmul.f32 v16, v13;
	_ =	sdelay $0x1  }
0x3f2: {  	v11 =	vmul.f32 v10, v5;
	v10 =	vmul.f32 v10, v4;
	_ =	sdelay $0x1  }
0x3f3: {  	v11 =	vsub.f32 $0.0e+00, v11;
	v10 =	vsub.f32 $0.0e+00, v10;
	_ =	sdelay $0x1  }
0x3f4: {  	v11 =	vmul.f32 $1.442695020e+00, v11;
	v10 =	vmul.f32 $1.442695020e+00, v10;
	_ =	sdelay $0x1  }
0x3f5: {  	(erf) = vpow2.f32 v11  }
0x3f6: {  	(erf) = vpow2.f32 v10  }
.Ltmp2:
0x3f7: {  	(pc) =	sbr.rel @p1 .LBB2_7-.Ltmp2, $3  }
0x3f8: {  	_ =	sdelay $0x1  }
0x3f9: {  	s9 =	sadd.s32 $0x100, s9;
	s21 =	sadd.s32 $0x80, s21  }
0x3fa: {  	s6 =	sadd.s32 $0x80, s6;
	s5 =	sadd.s32 $0x100, s5;
	s10 =	sadd.s32 $0x100, s10  }
0x3fb: {  	_ = 	snop  }
0x3fc: {  	v6 =	vsub.f32 v6, v7  }
0x3fd: {  	v7 =	vsub.f32 v8, v9;
	v57 =	vpop (erf)  }
0x3fe: {  	v6 =	vmul.f32 v6, v57;
	v58 =	vpop (erf)  }
0x3ff: {  	v7 =	vmul.f32 v7, v58  }
0x400: {  	[tilespmem:s15+$0x40] =	vst v6  }
0x401: {  	[tilespmem:s15+$0x50] =	vst v7  }
0x402: {  	v6 =	vld [tilespmem:s14+$0x0]  }
0x403: {  	v7 =	vld [tilespmem:s13+$0x0];
	_ =	sdelay $0x4  }
0x404: {  	v6 =	vsub.f32 v6, v7;
	_ =	sdelay $0x1  }
0x405: {  	v6 =	vmul.f32 v6, v6;
	_ =	sdelay $0x1  }
0x406: {  	v7 =	vperm.xlane v6, v1;
	v59 =	vperm.xlane v6, v2;
	_ =	sdelay $0x1  }
0x407: {  	v6 =	vperm.xlane v6, v3;
	v7 =	vadd.f32 v59, v7;
	_ =	sdelay $0x1  }
0x408: {  	v6 =	vadd.f32 v6, v7;
	_ =	sdelay $0x1  }
0x409: {  	v7 =	vmul.f32 v6, v5  }
0x40a: {  	v60 =	vld [tilespmem:s18+$0xFFFFFFF0];
	v6 =	vmul.f32 v6, v4  }
0x40b: {  	v61 =	vld [tilespmem:s17+$0xFFFFFFF0];
	v7 =	vsub.f32 $0.0e+00, v7  }
0x40c: {  	v10 =	vld [tilespmem:s12+$0xFFFFFFF0];
	v6 =	vsub.f32 $0.0e+00, v6  }
0x40d: {  	v11 =	vld [tilespmem:s16+$0xFFFFFFF0];
	v7 =	vmul.f32 $1.442695020e+00, v7  }
0x40e: {  	v12 =	vld [tilespmem:s18+$0x0];
	v6 =	vmul.f32 $1.442695020e+00, v6  }
0x40f: {  	(erf) = vpow2.f32 v7;
	v7 =	vld [tilespmem:s17+$0x0]  }
0x410: {  	v13 =	vld [tilespmem:s12+$0x0];
	(erf) = vpow2.f32 v6  }
0x411: {  	v6 =	vld [tilespmem:s16+$0x0];
	_ =	sdelay $0x2  }
0x412: {  	v7 =	vmul.f32 v7, v12  }
0x413: {  	v8 =	vmul.f32 v61, v60;
	v62 =	vmul.f32 v11, v10  }
0x414: {  	v6 =	vmul.f32 v6, v13  }
0x415: {  	v8 =	vsub.f32 v8, v62  }
0x416: {  	v6 =	vsub.f32 v7, v6;
	v7 =	vpop (erf)  }
0x417: {  	v7 =	vmul.f32 v8, v7;
	v63 =	vpop (erf)  }
0x418: {  	s24 =	sadd.s32 $0x1, s24;
	v6 =	vmul.f32 v6, v63  }
0x419: {  	p1 =	sne.s32 s24, $0x138;
	[tilespmem:s15+$0x60] =	vst v7  }
.Ltmp3:
0x41a: {  	s1 =	simm.s32 $0x65E0;
	s5 =	simm.s32 $0x190;
	[tilespmem:s15+$0x70] =	vst v6;
	(pc) =	sbr.rel @p1 .LBB2_4-.Ltmp3, $4  }
0x41b: {  	[spmem:s28] =	stream.indirect.scatter.add.f32 [tilespmem:s1], [sflag:$0x5], $0x20, s5, s11, $0xb8;
	[tilespmem:$0x1F920] =	vst v63  }
0x41c: {  	_ =	swait.ge [sflag:s31], $0xA00  }
0x41d: {  	[sflag:s31] =	ssyncset.done $0x0  }
0x41e: {  	[sflag:s31] =	ssyncadd.s32 $0xFFFFF600  }
0x41f: {  	_ =	swait.ge [sflag:s19], $0x500  }
0x420: {  	[sflag:s19] =	ssyncset.done $0x0  }
0x421: {  	[sflag:s19] =	ssyncadd.s32 $0xFFFFFB00  }
0x422: {  	_ =	swait.ge [sflag:s19], $0x500  }
0x423: {  	[sflag:s19] =	ssyncset.done $0x0  }
0x424: {  	[sflag:s19] =	ssyncadd.s32 $0xFFFFFB00  }
0x425: {  	_ =	swait.ge [sflag:s19], $0xA00  }
0x426: {  	[sflag:s19] =	ssyncset.done $0x0  }
0x427: {  	[sflag:s19] =	ssyncadd.s32 $0xFFFFF600  }
0x428: {  	_ =	swait.ge [sflag:s19], $0xA00  }
0x429: {  	[sflag:s19] =	ssyncset.done $0x0  }
0x42a: {  	[sflag:s19] =	ssyncadd.s32 $0xFFFFF600  }
0x42b: {  	_ =	swait.ge [sflag:s19], $0xA00  }
0x42c: {  	[sflag:s19] =	ssyncset.done $0x0  }
0x42d: {  	[sflag:s19] =	ssyncadd.s32 $0xFFFFF600  }
0x42e: {  	_ =	swait.ge [sflag:s19], $0xA00  }
0x42f: {  	[sflag:s19] =	ssyncset.done $0x0  }
0x430: {  	[sflag:s19] =	ssyncadd.s32 $0xFFFFF600  }
0x431: {  	v6 =	vld [tilespmem:$0xA0]  }
0x432: {  	v7 =	vld [tilespmem:$0xB0]  }
0x433: {  	v8 =	vld [tilespmem:$0xC0]  }
0x434: {  	v9 =	vld [tilespmem:$0xD0]  }
0x435: {  	v10 =	vld [tilespmem:$0xE0]  }
0x436: {  	[tilespmem:$0x140] =	vst v6  }
0x437: {  	[tilespmem:$0x150] =	vst v7  }
0x438: {  	[tilespmem:$0x160] =	vst v8  }
0x439: {  	[tilespmem:$0x170] =	vst v9  }
0x43a: {  	s14 =	simm.s32 $0xC20;
	[tilespmem:$0x180] =	vst v10  }
0x43b: {  	s15 =	simm.s32 $0x220;
	v6 =	vld [tilespmem:s14+$0xFFFFFFC0]  }
0x43c: {  	v7 =	vld [tilespmem:s15+$0xFFFFFFC0];
	_ =	sdelay $0x4  }
0x43d: {  	v6 =	vsub.f32 v7, v6;
	_ =	sdelay $0x1  }
0x43e: {  	v6 =	vmul.f32 v6, v6;
	_ =	sdelay $0x1  }
0x43f: {  	v7 =	vperm.xlane v6, v1;
	v8 =	vperm.xlane v6, v2;
	_ =	sdelay $0x1  }
0x440: {  	v6 =	vperm.xlane v6, v3;
	v7 =	vadd.f32 v8, v7;
	_ =	sdelay $0x1  }
0x441: {  	v6 =	vadd.f32 v6, v7;
	_ =	sdelay $0x1  }
0x442: {  	s13 =	simm.s32 $0x3E60;
	v7 =	vmul.f32 v6, v5  }
0x443: {  	s20 =	simm.s32 $0x2A60;
	v9 =	vld [tilespmem:s13+$0xFFFFFF90];
	v6 =	vmul.f32 v6, v4  }
0x444: {  	s12 =	simm.s32 $0x5260;
	v10 =	vld [tilespmem:s20+$0xFFFFFF90];
	v7 =	vsub.f32 $0.0e+00, v7  }
0x445: {  	v11 =	vld [tilespmem:s12+$0xFFFFFF80];
	v6 =	vsub.f32 $0.0e+00, v6  }
0x446: {  	v12 =	vld [tilespmem:s13+$0xFFFFFF80];
	v7 =	vmul.f32 $1.442695020e+00, v7  }
0x447: {  	v13 =	vld [tilespmem:s20+$0xFFFFFF80];
	v6 =	vmul.f32 $1.442695020e+00, v6  }
0x448: {  	s16 =	simm.s32 $0x1660;
	v8 =	vld [tilespmem:s12+$0xFFFFFF90];
	(erf) = vpow2.f32 v7  }
0x449: {  	v7 =	vld [tilespmem:s16+$0xFFFFFF80];
	(erf) = vpow2.f32 v6  }
0x44a: {  	v6 =	vld [tilespmem:s16+$0xFFFFFF90];
	_ =	sdelay $0x2  }
0x44b: {  	v8 =	vmul.f32 v8, v10  }
0x44c: {  	v11 =	vmul.f32 v11, v13;
	v7 =	vmul.f32 v12, v7  }
0x44d: {  	v6 =	vmul.f32 v9, v6  }
0x44e: {  	v7 =	vsub.f32 v7, v11  }
0x44f: {  	v6 =	vsub.f32 v6, v8;
	v8 =	vpop (erf)  }
0x450: {  	v7 =	vmul.f32 v7, v8;
	v8 =	vpop (erf)  }
0x451: {  	s18 =	simm.s32 $0x6660;
	v6 =	vmul.f32 v6, v8  }
0x452: {  	[tilespmem:s18+$0xFFFFFF80] =	vst v7  }
0x453: {  	[tilespmem:s18+$0xFFFFFF90] =	vst v6  }
0x454: {  	v6 =	vld [tilespmem:s15+$0xFFFFFFD0]  }
0x455: {  	v7 =	vld [tilespmem:s14+$0xFFFFFFD0];
	_ =	sdelay $0x4  }
0x456: {  	v6 =	vsub.f32 v6, v7;
	_ =	sdelay $0x1  }
0x457: {  	v6 =	vmul.f32 v6, v6;
	_ =	sdelay $0x1  }
0x458: {  	v7 =	vperm.xlane v6, v1;
	v8 =	vperm.xlane v6, v2;
	_ =	sdelay $0x1  }
0x459: {  	v6 =	vperm.xlane v6, v3;
	v7 =	vadd.f32 v8, v7;
	_ =	sdelay $0x1  }
0x45a: {  	v6 =	vadd.f32 v6, v7;
	_ =	sdelay $0x1  }
0x45b: {  	v7 =	vmul.f32 v6, v5  }
0x45c: {  	v9 =	vld [tilespmem:s13+$0xFFFFFFB0];
	v6 =	vmul.f32 v6, v4  }
0x45d: {  	v10 =	vld [tilespmem:s20+$0xFFFFFFB0];
	v7 =	vsub.f32 $0.0e+00, v7  }
0x45e: {  	v11 =	vld [tilespmem:s12+$0xFFFFFFA0];
	v6 =	vsub.f32 $0.0e+00, v6  }
0x45f: {  	v52 =	vld [tilespmem:s13+$0xFFFFFFA0];
	v7 =	vmul.f32 $1.442695020e+00, v7  }
0x460: {  	v53 =	vld [tilespmem:s20+$0xFFFFFFA0];
	v6 =	vmul.f32 $1.442695020e+00, v6  }
0x461: {  	v8 =	vld [tilespmem:s12+$0xFFFFFFB0];
	(erf) = vpow2.f32 v7  }
0x462: {  	v7 =	vld [tilespmem:s16+$0xFFFFFFA0];
	(erf) = vpow2.f32 v6  }
0x463: {  	v6 =	vld [tilespmem:s16+$0xFFFFFFB0];
	_ =	sdelay $0x2  }
0x464: {  	v8 =	vmul.f32 v8, v10  }
0x465: {  	v11 =	vmul.f32 v11, v53;
	v7 =	vmul.f32 v52, v7  }
0x466: {  	v6 =	vmul.f32 v9, v6  }
0x467: {  	v7 =	vsub.f32 v7, v11  }
0x468: {  	v6 =	vsub.f32 v6, v8;
	v8 =	vpop (erf)  }
0x469: {  	v7 =	vmul.f32 v7, v8;
	v8 =	vpop (erf)  }
0x46a: {  	v6 =	vmul.f32 v6, v8  }
0x46b: {  	[tilespmem:s18+$0xFFFFFFA0] =	vst v7  }
0x46c: {  	[tilespmem:s18+$0xFFFFFFB0] =	vst v6  }
0x46d: {  	v6 =	vld [tilespmem:s15+$0xFFFFFFE0]  }
0x46e: {  	v7 =	vld [tilespmem:s14+$0xFFFFFFE0];
	_ =	sdelay $0x4  }
0x46f: {  	v6 =	vsub.f32 v6, v7;
	_ =	sdelay $0x1  }
0x470: {  	v6 =	vmul.f32 v6, v6;
	_ =	sdelay $0x1  }
0x471: {  	v7 =	vperm.xlane v6, v1;
	v8 =	vperm.xlane v6, v2;
	_ =	sdelay $0x1  }
0x472: {  	v6 =	vperm.xlane v6, v3;
	v7 =	vadd.f32 v8, v7;
	_ =	sdelay $0x1  }
0x473: {  	v6 =	vadd.f32 v6, v7;
	_ =	sdelay $0x1  }
0x474: {  	v7 =	vmul.f32 v6, v5  }
0x475: {  	v9 =	vld [tilespmem:s13+$0xFFFFFFD0];
	v6 =	vmul.f32 v6, v4  }
0x476: {  	v10 =	vld [tilespmem:s20+$0xFFFFFFD0];
	v7 =	vsub.f32 $0.0e+00, v7  }
0x477: {  	v11 =	vld [tilespmem:s12+$0xFFFFFFC0];
	v6 =	vsub.f32 $0.0e+00, v6  }
0x478: {  	v54 =	vld [tilespmem:s13+$0xFFFFFFC0];
	v7 =	vmul.f32 $1.442695020e+00, v7  }
0x479: {  	v55 =	vld [tilespmem:s20+$0xFFFFFFC0];
	v6 =	vmul.f32 $1.442695020e+00, v6  }
0x47a: {  	v8 =	vld [tilespmem:s12+$0xFFFFFFD0];
	(erf) = vpow2.f32 v7  }
0x47b: {  	v7 =	vld [tilespmem:s16+$0xFFFFFFC0];
	(erf) = vpow2.f32 v6  }
0x47c: {  	v6 =	vld [tilespmem:s16+$0xFFFFFFD0];
	_ =	sdelay $0x2  }
0x47d: {  	v8 =	vmul.f32 v8, v10  }
0x47e: {  	v11 =	vmul.f32 v11, v55;
	v7 =	vmul.f32 v54, v7  }
0x47f: {  	v6 =	vmul.f32 v9, v6  }
0x480: {  	v7 =	vsub.f32 v7, v11  }
0x481: {  	v6 =	vsub.f32 v6, v8;
	v8 =	vpop (erf)  }
0x482: {  	v7 =	vmul.f32 v7, v8;
	v8 =	vpop (erf)  }
0x483: {  	v6 =	vmul.f32 v6, v8  }
0x484: {  	[tilespmem:s18+$0xFFFFFFC0] =	vst v7  }
0x485: {  	[tilespmem:s18+$0xFFFFFFD0] =	vst v6  }
0x486: {  	v6 =	vld [tilespmem:s15+$0xFFFFFFF0]  }
0x487: {  	v7 =	vld [tilespmem:s14+$0xFFFFFFF0];
	_ =	sdelay $0x4  }
0x488: {  	v6 =	vsub.f32 v6, v7;
	_ =	sdelay $0x1  }
0x489: {  	v6 =	vmul.f32 v6, v6;
	_ =	sdelay $0x1  }
0x48a: {  	v7 =	vperm.xlane v6, v1;
	v8 =	vperm.xlane v6, v2;
	_ =	sdelay $0x1  }
0x48b: {  	v6 =	vperm.xlane v6, v3;
	v7 =	vadd.f32 v8, v7;
	_ =	sdelay $0x1  }
0x48c: {  	v6 =	vadd.f32 v6, v7;
	_ =	sdelay $0x1  }
0x48d: {  	v7 =	vmul.f32 v6, v5  }
0x48e: {  	v9 =	vld [tilespmem:s13+$0xFFFFFFF0];
	v6 =	vmul.f32 v6, v4  }
0x48f: {  	v10 =	vld [tilespmem:s20+$0xFFFFFFF0];
	v7 =	vsub.f32 $0.0e+00, v7  }
0x490: {  	v11 =	vld [tilespmem:s12+$0xFFFFFFE0];
	v6 =	vsub.f32 $0.0e+00, v6  }
0x491: {  	v56 =	vld [tilespmem:s13+$0xFFFFFFE0];
	v7 =	vmul.f32 $1.442695020e+00, v7  }
0x492: {  	v57 =	vld [tilespmem:s20+$0xFFFFFFE0];
	v6 =	vmul.f32 $1.442695020e+00, v6  }
0x493: {  	v8 =	vld [tilespmem:s12+$0xFFFFFFF0];
	(erf) = vpow2.f32 v7  }
0x494: {  	v7 =	vld [tilespmem:s16+$0xFFFFFFE0];
	(erf) = vpow2.f32 v6  }
0x495: {  	v6 =	vld [tilespmem:s16+$0xFFFFFFF0];
	_ =	sdelay $0x2  }
0x496: {  	v8 =	vmul.f32 v8, v10  }
0x497: {  	v11 =	vmul.f32 v11, v57;
	v7 =	vmul.f32 v56, v7  }
0x498: {  	v6 =	vmul.f32 v9, v6  }
0x499: {  	v7 =	vsub.f32 v7, v11  }
0x49a: {  	v6 =	vsub.f32 v6, v8;
	v8 =	vpop (erf)  }
0x49b: {  	v7 =	vmul.f32 v7, v8;
	v8 =	vpop (erf)  }
0x49c: {  	v6 =	vmul.f32 v6, v8  }
0x49d: {  	[tilespmem:s18+$0xFFFFFFE0] =	vst v7  }
0x49e: {  	[tilespmem:s18+$0xFFFFFFF0] =	vst v6  }
0x49f: {  	v6 =	vld [tilespmem:s15+$0x0]  }
0x4a0: {  	v7 =	vld [tilespmem:s14+$0x0];
	_ =	sdelay $0x4  }
0x4a1: {  	v6 =	vsub.f32 v6, v7;
	_ =	sdelay $0x1  }
0x4a2: {  	v6 =	vmul.f32 v6, v6;
	_ =	sdelay $0x1  }
0x4a3: {  	v7 =	vperm.xlane v6, v1;
	v8 =	vperm.xlane v6, v2;
	_ =	sdelay $0x1  }
0x4a4: {  	v6 =	vperm.xlane v6, v3;
	v7 =	vadd.f32 v8, v7;
	_ =	sdelay $0x1  }
0x4a5: {  	v6 =	vadd.f32 v6, v7;
	_ =	sdelay $0x1  }
0x4a6: {  	v7 =	vmul.f32 v6, v5  }
0x4a7: {  	v9 =	vld [tilespmem:s13+$0x10];
	v6 =	vmul.f32 v6, v4  }
0x4a8: {  	v10 =	vld [tilespmem:s20+$0x10];
	v7 =	vsub.f32 $0.0e+00, v7  }
0x4a9: {  	v11 =	vld [tilespmem:s12+$0x0];
	v6 =	vsub.f32 $0.0e+00, v6  }
0x4aa: {  	v58 =	vld [tilespmem:s13+$0x0];
	v7 =	vmul.f32 $1.442695020e+00, v7  }
0x4ab: {  	v59 =	vld [tilespmem:s20+$0x0];
	v6 =	vmul.f32 $1.442695020e+00, v6  }
0x4ac: {  	v8 =	vld [tilespmem:s12+$0x10];
	(erf) = vpow2.f32 v7  }
0x4ad: {  	v7 =	vld [tilespmem:s16+$0x0];
	(erf) = vpow2.f32 v6  }
0x4ae: {  	v6 =	vld [tilespmem:s16+$0x10];
	_ =	sdelay $0x2  }
0x4af: {  	v8 =	vmul.f32 v8, v10  }
0x4b0: {  	v11 =	vmul.f32 v11, v59;
	v7 =	vmul.f32 v58, v7  }
0x4b1: {  	v6 =	vmul.f32 v9, v6  }
0x4b2: {  	v7 =	vsub.f32 v7, v11  }
0x4b3: {  	v6 =	vsub.f32 v6, v8;
	v8 =	vpop (erf)  }
0x4b4: {  	v7 =	vmul.f32 v7, v8;
	v8 =	vpop (erf)  }
0x4b5: {  	v6 =	vmul.f32 v6, v8  }
0x4b6: {  	[tilespmem:s18+$0x0] =	vst v7  }
0x4b7: {  	[tilespmem:s18+$0x10] =	vst v6  }
0x4b8: {  	v6 =	vld [tilespmem:s14+$0x10]  }
0x4b9: {  	v7 =	vld [tilespmem:s15+$0x10];
	_ =	sdelay $0x4  }
0x4ba: {  	v6 =	vsub.f32 v7, v6;
	_ =	sdelay $0x1  }
0x4bb: {  	v6 =	vmul.f32 v6, v6;
	_ =	sdelay $0x1  }
0x4bc: {  	v7 =	vperm.xlane v6, v1;
	v8 =	vperm.xlane v6, v2;
	_ =	sdelay $0x1  }
0x4bd: {  	v6 =	vperm.xlane v6, v3;
	v7 =	vadd.f32 v8, v7;
	_ =	sdelay $0x1  }
0x4be: {  	v6 =	vadd.f32 v6, v7;
	_ =	sdelay $0x1  }
0x4bf: {  	v7 =	vmul.f32 v6, v5  }
0x4c0: {  	v9 =	vld [tilespmem:s20+$0x20];
	v6 =	vmul.f32 v6, v4  }
0x4c1: {  	v10 =	vld [tilespmem:s13+$0x20];
	v7 =	vsub.f32 $0.0e+00, v7  }
0x4c2: {  	v11 =	vld [tilespmem:s12+$0x20];
	v6 =	vsub.f32 $0.0e+00, v6  }
0x4c3: {  	v60 =	vld [tilespmem:s16+$0x30];
	v7 =	vmul.f32 $1.442695020e+00, v7  }
0x4c4: {  	v8 =	vld [tilespmem:s16+$0x20];
	v6 =	vmul.f32 $1.442695020e+00, v6  }
0x4c5: {  	(erf) = vpow2.f32 v7;
	v7 =	vld [tilespmem:s13+$0x30]  }
0x4c6: {  	v61 =	vld [tilespmem:s20+$0x30];
	(erf) = vpow2.f32 v6  }
0x4c7: {  	v6 =	vld [tilespmem:s12+$0x30];
	_ =	sdelay $0x1  }
0x4c8: {  	v9 =	vmul.f32 v11, v9;
	v8 =	vmul.f32 v10, v8  }
0x4c9: {  	v7 =	vmul.f32 v7, v60  }
0x4ca: {  	v8 =	vsub.f32 v8, v9  }
0x4cb: {  	v6 =	vmul.f32 v6, v61;
	_ =	sdelay $0x1  }
0x4cc: {  	v6 =	vsub.f32 v7, v6;
	v7 =	vpop (erf)  }
0x4cd: {  	v7 =	vmul.f32 v8, v7;
	v8 =	vpop (erf)  }
0x4ce: {  	v6 =	vmul.f32 v6, v8  }
0x4cf: {  	[tilespmem:s18+$0x20] =	vst v7  }
0x4d0: {  	[tilespmem:s18+$0x30] =	vst v6  }
0x4d1: {  	v6 =	vld [tilespmem:s15+$0x20]  }
0x4d2: {  	v7 =	vld [tilespmem:s14+$0x20];
	_ =	sdelay $0x4  }
0x4d3: {  	v6 =	vsub.f32 v6, v7;
	_ =	sdelay $0x1  }
0x4d4: {  	v6 =	vmul.f32 v6, v6;
	_ =	sdelay $0x1  }
0x4d5: {  	v7 =	vperm.xlane v6, v1;
	v8 =	vperm.xlane v6, v2;
	_ =	sdelay $0x1  }
0x4d6: {  	v6 =	vperm.xlane v6, v3;
	v7 =	vadd.f32 v8, v7  }
0x4d7: {  	v9 =	vld [tilespmem:s16+$0x40]  }
0x4d8: {  	v10 =	vld [tilespmem:s20+$0x40];
	v6 =	vadd.f32 v6, v7  }
0x4d9: {  	v8 =	vld [tilespmem:s13+$0x40]  }
0x4da: {  	v11 =	vld [tilespmem:s12+$0x40];
	v7 =	vmul.f32 v6, v5  }
0x4db: {  	v6 =	vmul.f32 v6, v4  }
0x4dc: {  	v7 =	vsub.f32 $0.0e+00, v7  }
0x4dd: {  	v16 =	vsub.f32 $0.0e+00, v6  }
0x4de: {  	v62 =	vld [tilespmem:s16+$0x50];
	v6 =	vmul.f32 v8, v9;
	v9 =	vmul.f32 $1.442695020e+00, v7  }
0x4df: {  	v63 =	vld [tilespmem:s20+$0x50];
	v7 =	vmul.f32 v11, v10;
	v10 =	vmul.f32 $1.442695020e+00, v16  }
0x4e0: {  	v14 =	vld [tilespmem:s13+$0x50];
	(erf) = vpow2.f32 v9  }
0x4e1: {  	v15 =	vld [tilespmem:s12+$0x50];
	(erf) = vpow2.f32 v10;
	_ =	sdelay $0x2  }
0x4e2: {  	s24 =	simm.s32 $0x0;
	s21 =	simm.s32 $0xCA0  }
0x4e3: {  	s9 =	simm.s32 $0x2A0;
	s10 =	simm.s32 $0x3F60;
	s5 =	simm.s32 $0x5360  }
0x4e4: {  	s6 =	simm.s32 $0x6760;
	s1 =	simm.s32 $0x1660;
	s17 =	simm.s32 $0x2A60;
	v8 =	vmul.f32 v14, v62;
	v9 =	vmul.f32 v15, v63  }
.LBB2_10:
0x4e5: {  	s24 =	sadd.s32 $0x8, s24;
	s16 =	sadd.s32 $0x100, s16;
	s20 =	sadd.s32 $0x100, s20  }
0x4e6: {  	v6 =	vsub.f32 v6, v7;
	p1 =	slt.u32 s24, $0x48  }
0x4e7: {  	v7 =	vsub.f32 v8, v9;
	v8 =	vpop (erf)  }
0x4e8: {  	v6 =	vmul.f32 v6, v8;
	v8 =	vpop (erf)  }
0x4e9: {  	v7 =	vmul.f32 v7, v8  }
0x4ea: {  	[tilespmem:s18+$0x40] =	vst v6  }
0x4eb: {  	[tilespmem:s18+$0x50] =	vst v7  }
0x4ec: {  	v6 =	vld [tilespmem:s1+$0x60]  }
0x4ed: {  	v7 =	vld [tilespmem:s13+$0x60]  }
0x4ee: {  	v8 =	vld [tilespmem:s15+$0x30];
	s15 =	smov.u32 s9  }
0x4ef: {  	v9 =	vld [tilespmem:s14+$0x30];
	s14 =	smov.u32 s21  }
0x4f0: {  	v10 =	vld [tilespmem:s17+$0x60]  }
0x4f1: {  	v11 =	vld [tilespmem:s12+$0x60]  }
0x4f2: {  	v12 =	vld [tilespmem:s1+$0x70];
	s1 =	smov.u32 s16  }
0x4f3: {  	v6 =	vmul.f32 v7, v6;
	v13 =	vld [tilespmem:s17+$0x70];
	s17 =	smov.u32 s20  }
0x4f4: {  	v7 =	vsub.f32 v8, v9;
	v8 =	vld [tilespmem:s13+$0x70];
	s13 =	smov.u32 s10  }
0x4f5: {  	v9 =	vld [tilespmem:s12+$0x70];
	s12 =	smov.u32 s5  }
0x4f6: {  	v7 =	vmul.f32 v7, v7;
	v10 =	vmul.f32 v11, v10;
	_ =	sdelay $0x1  }
0x4f7: {  	v11 =	vperm.xlane v7, v1;
	v14 =	vperm.xlane v7, v2  }
0x4f8: {  	v8 =	vmul.f32 v8, v12  }
0x4f9: {  	v7 =	vperm.xlane v7, v3;
	v11 =	vadd.f32 v14, v11;
	_ =	sdelay $0x1  }
0x4fa: {  	v7 =	vadd.f32 v7, v11;
	_ =	sdelay $0x1  }
0x4fb: {  	v11 =	vmul.f32 v7, v5;
	v7 =	vmul.f32 v7, v4;
	_ =	sdelay $0x1  }
0x4fc: {  	v11 =	vsub.f32 $0.0e+00, v11;
	v7 =	vsub.f32 $0.0e+00, v7;
	_ =	sdelay $0x1  }
0x4fd: {  	v11 =	vmul.f32 $1.442695020e+00, v11;
	v7 =	vmul.f32 $1.442695020e+00, v7;
	_ =	sdelay $0x1  }
0x4fe: {  	(erf) = vpow2.f32 v11  }
0x4ff: {  	(erf) = vpow2.f32 v7;
	_ =	sdelay $0x5  }
0x500: {  	v7 =	vmul.f32 v9, v13  }
0x501: {  	v6 =	vsub.f32 v6, v10  }
0x502: {  	v7 =	vsub.f32 v8, v7;
	v8 =	vpop (erf)  }
0x503: {  	v6 =	vmul.f32 v6, v8;
	v8 =	vpop (erf)  }
0x504: {  	v7 =	vmul.f32 v7, v8  }
0x505: {  	[tilespmem:s18+$0x60] =	vst v6  }
0x506: {  	[tilespmem:s18+$0x70] =	vst v7;
	s18 =	smov.u32 s6;
	_ =	sdelay $0x1  }
0x507: {  	v6 =	vld [tilespmem:s21+$0xFFFFFFC0]  }
0x508: {  	v7 =	vld [tilespmem:s9+$0xFFFFFFC0];
	_ =	sdelay $0x4  }
0x509: {  	v6 =	vsub.f32 v7, v6;
	_ =	sdelay $0x1  }
0x50a: {  	v6 =	vmul.f32 v6, v6;
	_ =	sdelay $0x1  }
0x50b: {  	v7 =	vperm.xlane v6, v1;
	v8 =	vperm.xlane v6, v2;
	_ =	sdelay $0x1  }
0x50c: {  	v6 =	vperm.xlane v6, v3;
	v7 =	vadd.f32 v8, v7;
	_ =	sdelay $0x1  }
0x50d: {  	v6 =	vadd.f32 v6, v7;
	_ =	sdelay $0x1  }
0x50e: {  	v7 =	vmul.f32 v6, v5;
	v6 =	vmul.f32 v6, v4  }
0x50f: {  	v8 =	vld [tilespmem:s5+$0xFFFFFF90]  }
0x510: {  	v7 =	vsub.f32 $0.0e+00, v7;
	v6 =	vsub.f32 $0.0e+00, v6;
	v9 =	vld [tilespmem:s10+$0xFFFFFF90]  }
0x511: {  	v10 =	vld [tilespmem:s20+$0xFFFFFF90]  }
0x512: {  	v7 =	vmul.f32 $1.442695020e+00, v7;
	v6 =	vmul.f32 $1.442695020e+00, v6;
	v11 =	vld [tilespmem:s5+$0xFFFFFF80]  }
0x513: {  	v12 =	vld [tilespmem:s10+$0xFFFFFF80]  }
0x514: {  	v13 =	vld [tilespmem:s20+$0xFFFFFF80];
	(erf) = vpow2.f32 v7  }
0x515: {  	v7 =	vld [tilespmem:s16+$0xFFFFFF80];
	(erf) = vpow2.f32 v6  }
0x516: {  	v6 =	vld [tilespmem:s16+$0xFFFFFF90];
	_ =	sdelay $0x2  }
0x517: {  	v11 =	vmul.f32 v11, v13  }
0x518: {  	v7 =	vmul.f32 v12, v7  }
0x519: {  	v6 =	vmul.f32 v9, v6;
	v9 =	vmul.f32 v8, v10  }
0x51a: {  	v7 =	vsub.f32 v7, v11  }
0x51b: {  	v6 =	vsub.f32 v6, v9;
	v8 =	vpop (erf)  }
0x51c: {  	v7 =	vmul.f32 v7, v8;
	v8 =	vpop (erf)  }
0x51d: {  	v6 =	vmul.f32 v6, v8  }
0x51e: {  	[tilespmem:s6+$0xFFFFFF80] =	vst v7  }
0x51f: {  	[tilespmem:s6+$0xFFFFFF90] =	vst v6  }
0x520: {  	v6 =	vld [tilespmem:s9+$0xFFFFFFD0]  }
0x521: {  	v7 =	vld [tilespmem:s21+$0xFFFFFFD0];
	_ =	sdelay $0x4  }
0x522: {  	v6 =	vsub.f32 v6, v7;
	_ =	sdelay $0x1  }
0x523: {  	v6 =	vmul.f32 v6, v6;
	_ =	sdelay $0x1  }
0x524: {  	v7 =	vperm.xlane v6, v1;
	v8 =	vperm.xlane v6, v2;
	_ =	sdelay $0x1  }
0x525: {  	v6 =	vperm.xlane v6, v3;
	v7 =	vadd.f32 v8, v7;
	_ =	sdelay $0x1  }
0x526: {  	v6 =	vadd.f32 v6, v7;
	_ =	sdelay $0x1  }
0x527: {  	v7 =	vmul.f32 v6, v5;
	v6 =	vmul.f32 v6, v4  }
0x528: {  	v8 =	vld [tilespmem:s5+$0xFFFFFFB0]  }
0x529: {  	v7 =	vsub.f32 $0.0e+00, v7;
	v6 =	vsub.f32 $0.0e+00, v6;
	v9 =	vld [tilespmem:s10+$0xFFFFFFB0]  }
0x52a: {  	v10 =	vld [tilespmem:s20+$0xFFFFFFB0]  }
0x52b: {  	v7 =	vmul.f32 $1.442695020e+00, v7;
	v6 =	vmul.f32 $1.442695020e+00, v6;
	v11 =	vld [tilespmem:s5+$0xFFFFFFA0]  }
0x52c: {  	v12 =	vld [tilespmem:s10+$0xFFFFFFA0]  }
0x52d: {  	v13 =	vld [tilespmem:s20+$0xFFFFFFA0];
	(erf) = vpow2.f32 v7  }
0x52e: {  	v7 =	vld [tilespmem:s16+$0xFFFFFFA0];
	(erf) = vpow2.f32 v6  }
0x52f: {  	v6 =	vld [tilespmem:s16+$0xFFFFFFB0];
	_ =	sdelay $0x2  }
0x530: {  	v11 =	vmul.f32 v11, v13  }
0x531: {  	v7 =	vmul.f32 v12, v7  }
0x532: {  	v6 =	vmul.f32 v9, v6;
	v9 =	vmul.f32 v8, v10  }
0x533: {  	v7 =	vsub.f32 v7, v11  }
0x534: {  	v6 =	vsub.f32 v6, v9;
	v8 =	vpop (erf)  }
0x535: {  	v7 =	vmul.f32 v7, v8;
	v8 =	vpop (erf)  }
0x536: {  	v6 =	vmul.f32 v6, v8  }
0x537: {  	[tilespmem:s6+$0xFFFFFFA0] =	vst v7  }
0x538: {  	[tilespmem:s6+$0xFFFFFFB0] =	vst v6  }
0x539: {  	v6 =	vld [tilespmem:s9+$0xFFFFFFE0]  }
0x53a: {  	v7 =	vld [tilespmem:s21+$0xFFFFFFE0];
	_ =	sdelay $0x4  }
0x53b: {  	v6 =	vsub.f32 v6, v7;
	_ =	sdelay $0x1  }
0x53c: {  	v6 =	vmul.f32 v6, v6;
	_ =	sdelay $0x1  }
0x53d: {  	v7 =	vperm.xlane v6, v1;
	v8 =	vperm.xlane v6, v2;
	_ =	sdelay $0x1  }
0x53e: {  	v6 =	vperm.xlane v6, v3;
	v7 =	vadd.f32 v8, v7;
	_ =	sdelay $0x1  }
0x53f: {  	v6 =	vadd.f32 v6, v7;
	_ =	sdelay $0x1  }
0x540: {  	v7 =	vmul.f32 v6, v5;
	v6 =	vmul.f32 v6, v4  }
0x541: {  	v8 =	vld [tilespmem:s5+$0xFFFFFFD0]  }
0x542: {  	v7 =	vsub.f32 $0.0e+00, v7;
	v6 =	vsub.f32 $0.0e+00, v6;
	v9 =	vld [tilespmem:s10+$0xFFFFFFD0]  }
0x543: {  	v10 =	vld [tilespmem:s20+$0xFFFFFFD0]  }
0x544: {  	v7 =	vmul.f32 $1.442695020e+00, v7;
	v6 =	vmul.f32 $1.442695020e+00, v6;
	v11 =	vld [tilespmem:s5+$0xFFFFFFC0]  }
0x545: {  	v12 =	vld [tilespmem:s10+$0xFFFFFFC0]  }
0x546: {  	v13 =	vld [tilespmem:s20+$0xFFFFFFC0];
	(erf) = vpow2.f32 v7  }
0x547: {  	v7 =	vld [tilespmem:s16+$0xFFFFFFC0];
	(erf) = vpow2.f32 v6  }
0x548: {  	v6 =	vld [tilespmem:s16+$0xFFFFFFD0];
	_ =	sdelay $0x2  }
0x549: {  	v11 =	vmul.f32 v11, v13  }
0x54a: {  	v7 =	vmul.f32 v12, v7  }
0x54b: {  	v6 =	vmul.f32 v9, v6;
	v9 =	vmul.f32 v8, v10  }
0x54c: {  	v7 =	vsub.f32 v7, v11  }
0x54d: {  	v6 =	vsub.f32 v6, v9;
	v8 =	vpop (erf)  }
0x54e: {  	v7 =	vmul.f32 v7, v8;
	v8 =	vpop (erf)  }
0x54f: {  	v6 =	vmul.f32 v6, v8  }
0x550: {  	[tilespmem:s6+$0xFFFFFFC0] =	vst v7  }
0x551: {  	[tilespmem:s6+$0xFFFFFFD0] =	vst v6  }
0x552: {  	v6 =	vld [tilespmem:s5+$0xFFFFFFF0]  }
0x553: {  	v7 =	vld [tilespmem:s9+$0xFFFFFFF0]  }
0x554: {  	v8 =	vld [tilespmem:s21+$0xFFFFFFF0];
	_ =	sdelay $0x4  }
0x555: {  	v7 =	vsub.f32 v7, v8;
	_ =	sdelay $0x1  }
0x556: {  	v7 =	vmul.f32 v7, v7;
	_ =	sdelay $0x1  }
0x557: {  	v8 =	vperm.xlane v7, v1;
	v9 =	vperm.xlane v7, v2;
	_ =	sdelay $0x1  }
0x558: {  	v7 =	vperm.xlane v7, v3;
	v8 =	vadd.f32 v9, v8;
	_ =	sdelay $0x1  }
0x559: {  	v7 =	vadd.f32 v7, v8;
	_ =	sdelay $0x1  }
0x55a: {  	v8 =	vmul.f32 v7, v5;
	v7 =	vmul.f32 v7, v4;
	_ =	sdelay $0x1  }
0x55b: {  	v8 =	vsub.f32 $0.0e+00, v8;
	v7 =	vsub.f32 $0.0e+00, v7;
	v9 =	vld [tilespmem:s10+$0xFFFFFFF0]  }
0x55c: {  	v10 =	vld [tilespmem:s20+$0xFFFFFFF0]  }
0x55d: {  	v8 =	vmul.f32 $1.442695020e+00, v8;
	v7 =	vmul.f32 $1.442695020e+00, v7;
	v11 =	vld [tilespmem:s5+$0xFFFFFFE0]  }
0x55e: {  	v12 =	vld [tilespmem:s10+$0xFFFFFFE0]  }
0x55f: {  	v13 =	vld [tilespmem:s20+$0xFFFFFFE0];
	(erf) = vpow2.f32 v8  }
0x560: {  	v8 =	vld [tilespmem:s16+$0xFFFFFFE0];
	(erf) = vpow2.f32 v7  }
0x561: {  	v7 =	vld [tilespmem:s16+$0xFFFFFFF0];
	v6 =	vmul.f32 v6, v10;
	_ =	sdelay $0x2  }
0x562: {  	v10 =	vmul.f32 v11, v13  }
0x563: {  	v8 =	vmul.f32 v12, v8  }
0x564: {  	v9 =	vmul.f32 v9, v7  }
0x565: {  	v10 =	vsub.f32 v8, v10  }
0x566: {  	v6 =	vsub.f32 v9, v6;
	v7 =	vpop (erf)  }
0x567: {  	v7 =	vmul.f32 v10, v7;
	v8 =	vpop (erf)  }
0x568: {  	v6 =	vmul.f32 v6, v8  }
0x569: {  	[tilespmem:s6+$0xFFFFFFE0] =	vst v7  }
0x56a: {  	[tilespmem:s6+$0xFFFFFFF0] =	vst v6  }
0x56b: {  	v6 =	vld [tilespmem:s9+$0x0]  }
0x56c: {  	v7 =	vld [tilespmem:s21+$0x0];
	_ =	sdelay $0x4  }
0x56d: {  	v6 =	vsub.f32 v6, v7;
	_ =	sdelay $0x1  }
0x56e: {  	v6 =	vmul.f32 v6, v6;
	_ =	sdelay $0x1  }
0x56f: {  	v7 =	vperm.xlane v6, v1;
	v8 =	vperm.xlane v6, v2;
	_ =	sdelay $0x1  }
0x570: {  	v6 =	vperm.xlane v6, v3;
	v7 =	vadd.f32 v8, v7;
	_ =	sdelay $0x1  }
0x571: {  	v6 =	vadd.f32 v6, v7;
	_ =	sdelay $0x1  }
0x572: {  	v7 =	vmul.f32 v6, v5;
	v6 =	vmul.f32 v6, v4  }
0x573: {  	v8 =	vld [tilespmem:s5+$0x10]  }
0x574: {  	v7 =	vsub.f32 $0.0e+00, v7;
	v6 =	vsub.f32 $0.0e+00, v6;
	v9 =	vld [tilespmem:s10+$0x10]  }
0x575: {  	v10 =	vld [tilespmem:s20+$0x10]  }
0x576: {  	v7 =	vmul.f32 $1.442695020e+00, v7;
	v6 =	vmul.f32 $1.442695020e+00, v6;
	v11 =	vld [tilespmem:s5+$0x0]  }
0x577: {  	v12 =	vld [tilespmem:s10+$0x0]  }
0x578: {  	v13 =	vld [tilespmem:s20+$0x0];
	(erf) = vpow2.f32 v7  }
0x579: {  	v7 =	vld [tilespmem:s16+$0x0];
	(erf) = vpow2.f32 v6  }
0x57a: {  	v6 =	vld [tilespmem:s16+$0x10];
	v8 =	vmul.f32 v8, v10;
	_ =	sdelay $0x2  }
0x57b: {  	v10 =	vmul.f32 v11, v13  }
0x57c: {  	v7 =	vmul.f32 v12, v7  }
0x57d: {  	v6 =	vmul.f32 v9, v6  }
0x57e: {  	v7 =	vsub.f32 v7, v10  }
0x57f: {  	v6 =	vsub.f32 v6, v8;
	v8 =	vpop (erf)  }
0x580: {  	v7 =	vmul.f32 v7, v8;
	v8 =	vpop (erf)  }
0x581: {  	v6 =	vmul.f32 v6, v8  }
0x582: {  	[tilespmem:s6+$0x0] =	vst v7  }
0x583: {  	[tilespmem:s6+$0x10] =	vst v6  }
0x584: {  	v6 =	vld [tilespmem:s21+$0x10]  }
0x585: {  	v7 =	vld [tilespmem:s9+$0x10]  }
0x586: {  	v8 =	vld [tilespmem:s16+$0x20]  }
0x587: {  	v9 =	vld [tilespmem:s20+$0x20]  }
0x588: {  	v10 =	vld [tilespmem:s10+$0x20]  }
0x589: {  	v11 =	vld [tilespmem:s5+$0x20]  }
0x58a: {  	v6 =	vsub.f32 v7, v6;
	v7 =	vld [tilespmem:s16+$0x30]  }
0x58b: {  	v12 =	vld [tilespmem:s20+$0x30]  }
0x58c: {  	v6 =	vmul.f32 v6, v6;
	v13 =	vld [tilespmem:s10+$0x30]  }
0x58d: {  	v14 =	vld [tilespmem:s5+$0x30];
	v8 =	vmul.f32 v10, v8  }
0x58e: {  	v10 =	vperm.xlane v6, v1;
	v15 =	vperm.xlane v6, v2  }
0x58f: {  	v6 =	vperm.xlane v6, v3;
	v9 =	vmul.f32 v11, v9  }
0x590: {  	v10 =	vadd.f32 v15, v10  }
0x591: {  	v7 =	vmul.f32 v13, v7  }
0x592: {  	v6 =	vadd.f32 v6, v10;
	_ =	sdelay $0x1  }
0x593: {  	v10 =	vmul.f32 v6, v5;
	v6 =	vmul.f32 v6, v4;
	_ =	sdelay $0x1  }
0x594: {  	v10 =	vsub.f32 $0.0e+00, v10;
	v6 =	vsub.f32 $0.0e+00, v6;
	_ =	sdelay $0x1  }
0x595: {  	v10 =	vmul.f32 $1.442695020e+00, v10;
	v6 =	vmul.f32 $1.442695020e+00, v6;
	_ =	sdelay $0x1  }
0x596: {  	(erf) = vpow2.f32 v10  }
0x597: {  	(erf) = vpow2.f32 v6;
	_ =	sdelay $0x5  }
0x598: {  	v6 =	vmul.f32 v14, v12  }
0x599: {  	v9 =	vsub.f32 v8, v9  }
0x59a: {  	v6 =	vsub.f32 v7, v6;
	v7 =	vpop (erf)  }
0x59b: {  	v7 =	vmul.f32 v9, v7;
	v8 =	vpop (erf)  }
0x59c: {  	v6 =	vmul.f32 v6, v8  }
0x59d: {  	[tilespmem:s6+$0x20] =	vst v7  }
0x59e: {  	[tilespmem:s6+$0x30] =	vst v6  }
0x59f: {  	v6 =	vld [tilespmem:s9+$0x20]  }
0x5a0: {  	v7 =	vld [tilespmem:s21+$0x20]  }
0x5a1: {  	v8 =	vld [tilespmem:s16+$0x40]  }
0x5a2: {  	v9 =	vld [tilespmem:s20+$0x40]  }
0x5a3: {  	v10 =	vld [tilespmem:s10+$0x40]  }
0x5a4: {  	v11 =	vld [tilespmem:s5+$0x40]  }
0x5a5: {  	v6 =	vsub.f32 v6, v7;
	v12 =	vld [tilespmem:s16+$0x50]  }
0x5a6: {  	v13 =	vld [tilespmem:s20+$0x50]  }
0x5a7: {  	v14 =	vmul.f32 v6, v6;
	v15 =	vld [tilespmem:s10+$0x50]  }
0x5a8: {  	v16 =	vld [tilespmem:s5+$0x50];
	v6 =	vmul.f32 v10, v8  }
0x5a9: {  	v8 =	vperm.xlane v14, v1;
	v10 =	vperm.xlane v14, v2  }
0x5aa: {  	v7 =	vmul.f32 v11, v9  }
0x5ab: {  	v9 =	vadd.f32 v10, v8;
	v10 =	vperm.xlane v14, v3  }
0x5ac: {  	v8 =	vmul.f32 v15, v12  }
0x5ad: {  	v10 =	vadd.f32 v10, v9;
	v9 =	vmul.f32 v16, v13;
	_ =	sdelay $0x1  }
0x5ae: {  	v11 =	vmul.f32 v10, v5;
	v10 =	vmul.f32 v10, v4;
	_ =	sdelay $0x1  }
0x5af: {  	v11 =	vsub.f32 $0.0e+00, v11;
	v10 =	vsub.f32 $0.0e+00, v10;
	_ =	sdelay $0x1  }
0x5b0: {  	v11 =	vmul.f32 $1.442695020e+00, v11;
	v10 =	vmul.f32 $1.442695020e+00, v10;
	_ =	sdelay $0x1  }
0x5b1: {  	(erf) = vpow2.f32 v11  }
0x5b2: {  	(erf) = vpow2.f32 v10  }
.Ltmp4:
0x5b3: {  	(pc) =	sbr.rel @p1 .LBB2_10-.Ltmp4, $3  }
0x5b4: {  	_ =	sdelay $0x1  }
0x5b5: {  	s9 =	sadd.s32 $0x80, s9;
	s21 =	sadd.s32 $0x80, s21  }
0x5b6: {  	s6 =	sadd.s32 $0x100, s6;
	s10 =	sadd.s32 $0x100, s10;
	s5 =	sadd.s32 $0x100, s5  }
0x5b7: {  	_ = 	snop  }
0x5b8: {  	v6 =	vsub.f32 v6, v7  }
0x5b9: {  	v53 =	vsub.f32 v8, v9;
	v54 =	vpop (erf)  }
0x5ba: {  	v6 =	vmul.f32 v6, v54;
	v55 =	vpop (erf)  }
0x5bb: {  	v7 =	vmul.f32 v53, v55  }
0x5bc: {  	[tilespmem:s18+$0x40] =	vst v6  }
0x5bd: {  	[tilespmem:s18+$0x50] =	vst v7  }
0x5be: {  	v6 =	vld [tilespmem:s15+$0x30]  }
0x5bf: {  	v7 =	vld [tilespmem:s14+$0x30];
	_ =	sdelay $0x4  }
0x5c0: {  	v6 =	vsub.f32 v6, v7;
	_ =	sdelay $0x1  }
0x5c1: {  	v6 =	vmul.f32 v6, v6;
	_ =	sdelay $0x1  }
0x5c2: {  	v56 =	vperm.xlane v6, v1;
	v57 =	vperm.xlane v6, v2;
	_ =	sdelay $0x1  }
0x5c3: {  	v6 =	vperm.xlane v6, v3;
	v7 =	vadd.f32 v57, v56;
	_ =	sdelay $0x1  }
0x5c4: {  	v6 =	vadd.f32 v6, v7;
	_ =	sdelay $0x1  }
0x5c5: {  	v5 =	vmul.f32 v6, v5  }
0x5c6: {  	v58 =	vld [tilespmem:s1+$0x60];
	v4 =	vmul.f32 v6, v4  }
0x5c7: {  	v59 =	vld [tilespmem:s13+$0x60];
	v5 =	vsub.f32 $0.0e+00, v5  }
0x5c8: {  	v60 =	vld [tilespmem:s17+$0x60];
	v4 =	vsub.f32 $0.0e+00, v4  }
0x5c9: {  	v61 =	vld [tilespmem:s12+$0x60];
	v5 =	vmul.f32 $1.442695020e+00, v5  }
0x5ca: {  	v10 =	vld [tilespmem:s1+$0x70];
	v4 =	vmul.f32 $1.442695020e+00, v4  }
0x5cb: {  	(erf) = vpow2.f32 v5;
	v5 =	vld [tilespmem:s13+$0x70]  }
0x5cc: {  	v11 =	vld [tilespmem:s17+$0x70];
	(erf) = vpow2.f32 v4  }
0x5cd: {  	v4 =	vld [tilespmem:s12+$0x70];
	_ =	sdelay $0x2  }
0x5ce: {  	v5 =	vmul.f32 v5, v10  }
0x5cf: {  	v62 =	vmul.f32 v61, v60;
	v6 =	vmul.f32 v59, v58  }
0x5d0: {  	v4 =	vmul.f32 v4, v11  }
0x5d1: {  	v6 =	vsub.f32 v6, v62  }
0x5d2: {  	v4 =	vsub.f32 v5, v4;
	v5 =	vpop (erf)  }
0x5d3: {  	v5 =	vmul.f32 v6, v5;
	v63 =	vpop (erf)  }
0x5d4: {  	v4 =	vmul.f32 v4, v63  }
0x5d5: {  	[tilespmem:s18+$0x60] =	vst v5  }
0x5d6: {  	s24 =	simm.s32 $0x140;
	s5 =	simm.s32 $0x65E0;
	[tilespmem:s18+$0x70] =	vst v4  }
0x5d7: {  	[spmem:s28] =	stream.indirect.scatter.add.f32 [tilespmem:s5], [sflag:$0x5], $0x20, s24, s11, $0xb8;
	[tilespmem:$0x1F920] =	vst v63  }
0x5d8: {  	_ =	swait.ge [sflag:s31], $0xA00  }
0x5d9: {  	[sflag:s31] =	ssyncset.done $0x0  }
0x5da: {  	[sflag:s31] =	ssyncadd.s32 $0xFFFFF600  }
0x5db: {  	[bflag:$0x0] =	sbarrier.arrive $0xFFFF  }
0x5dc: {  	[tilespmem:s0], [sflag:$0x5] =	stream.linear.gather [spmem:s25], $0x280, $0x38;
	[tilespmem:$0x1F920] =	vst v63  }
0x5dd: {  	_ =	swait.ge [sflag:s31], $0x280  }
0x5de: {  	[sflag:s31] =	ssyncset.done $0x0  }
0x5df: {  	s26 =	sadd.s32 $0x0, s22;
	[sflag:s31] =	ssyncadd.s32 $0xFFFFFD80  }
0x5e0: {  	[hbm4b:s26+s3] =	stream.linear.scatter [tilespmem:s0], [sflag:$0x5], $0x280, $0x38;
	[tilespmem:$0x1F920] =	vst v63  }
0x5e1: {  	_ =	swait.ge [sflag:s31], $0x280  }
0x5e2: {  	s1 =	simm.s32 $0x50;
	s5 =	smov.u32 s25;
	[sflag:s31] =	ssyncset.done $0x0  }
.LBB2_12:
0x5e3: {  	p1 =	sne.s32 s1, $0x3070;
	[sflag:s31] =	ssyncadd.s32 $0xFFFFFD80;
	s5 =	sadd.s32 $0x280, s5  }
0x5e4: {  	[tilespmem:s0], [sflag:$0x5] =	stream.linear.gather [spmem:s5], $0x280, $0x38;
	[tilespmem:$0x1F920] =	vst v63  }
0x5e5: {  	s6 =	smov.u32 s1;
	s1 =	sadd.s32 $0x50, s1;
	_ =	swait.ge [sflag:s31], $0x280  }
.Ltmp5:
0x5e6: {  	[sflag:s31] =	ssyncset.done $0x0;
	(pc) =	sbr.rel @p1 .LBB2_12-.Ltmp5, $4  }
0x5e7: {  	s6 =	sadd.s32 s6, s22;
	[sflag:s31] =	ssyncadd.s32 $0xFFFFFD80  }
0x5e8: {  	[hbm4b:s6+s3] =	stream.linear.scatter [tilespmem:s0], [sflag:$0x5], $0x280, $0x38;
	[tilespmem:$0x1F920] =	vst v63  }
0x5e9: {  	_ =	swait.ge [sflag:s31], $0x280  }
0x5ea: {  	[sflag:s31] =	ssyncset.done $0x0  }
0x5eb: {  	[sflag:s31] =	ssyncadd.s32 $0xFFFFFD80  }
0x5ec: {  	s1 =	simm.s32 @!p0 $0x6FE0;
	s9 =	rddreg [dreg:$0x11];
	s5 =	simm.s32 @!p0 $0x5  }
0x5ed: {  	[tilespmem:s1], [sflag:$0x5] =	stream.linear.gather @!p0 [spmem:s9], $0x280, $0x38;
	[tilespmem:$0x1F920] =	vst v63  }
0x5ee: {  	_ =	swait.ge @!p0 [sflag:s5], $0x280  }
0x5ef: {  	[sflag:s5] =	ssyncset.done @!p0 $0x0  }
0x5f0: {  	s6 =	simm.s32 @!p0 $0x0;
	s7 =	rddreg [dreg:$0x12];
	[sflag:s5] =	ssyncadd.s32 @!p0 $0xFFFFFD80  }
0x5f1: {  	[hbm4b:s7+s6] =	stream.linear.scatter @!p0 [tilespmem:s1], [sflag:$0x5], $0x280, $0x38;
	[tilespmem:$0x1F920] =	vst v63  }
0x5f2: {  	_ =	swait.ge @!p0 [sflag:s5], $0x280  }
0x5f3: {  	[sflag:s5] =	ssyncset.done @!p0 $0x0  }
0x5f4: {  	s10 =	rddreg [dreg:$0x16];
	[sflag:s5] =	ssyncadd.s32 @!p0 $0xFFFFFD80  }
0x5f5: {  	[tilespmem:s1], [sflag:$0x5] =	stream.linear.gather @!p0 [spmem:s10], $0x280, $0x38;
	[tilespmem:$0x1F920] =	vst v63  }
0x5f6: {  	_ =	swait.ge @!p0 [sflag:s5], $0x280  }
0x5f7: {  	[sflag:s5] =	ssyncset.done @!p0 $0x0  }
0x5f8: {  	s7 =	rddreg [dreg:$0x13];
	[sflag:s5] =	ssyncadd.s32 @!p0 $0xFFFFFD80  }
0x5f9: {  	[hbm4b:s7+s6] =	stream.linear.scatter @!p0 [tilespmem:s1], [sflag:$0x5], $0x280, $0x38;
	[tilespmem:$0x1F920] =	vst v63  }
0x5fa: {  	_ =	swait.ge @!p0 [sflag:s5], $0x280  }
0x5fb: {  	[sflag:s5] =	ssyncset.done @!p0 $0x0  }
0x5fc: {  	s12 =	rddreg [dreg:$0x17];
	[sflag:s5] =	ssyncadd.s32 @!p0 $0xFFFFFD80  }
0x5fd: {  	[tilespmem:s1], [sflag:$0x5] =	stream.linear.gather @!p0 [spmem:s12], $0x280, $0x38;
	[tilespmem:$0x1F920] =	vst v63  }
0x5fe: {  	_ =	swait.ge @!p0 [sflag:s5], $0x280  }
0x5ff: {  	[sflag:s5] =	ssyncset.done @!p0 $0x0  }
0x600: {  	s7 =	rddreg [dreg:$0x14];
	[sflag:s5] =	ssyncadd.s32 @!p0 $0xFFFFFD80  }
0x601: {  	[hbm4b:s7+s6] =	stream.linear.scatter @!p0 [tilespmem:s1], [sflag:$0x5], $0x280, $0x38;
	[tilespmem:$0x1F920] =	vst v63  }
0x602: {  	_ =	swait.ge @!p0 [sflag:s5], $0x280  }
0x603: {  	[sflag:s5] =	ssyncset.done @!p0 $0x0  }
0x604: {  	s13 =	rddreg [dreg:$0x18];
	[sflag:s5] =	ssyncadd.s32 @!p0 $0xFFFFFD80  }
0x605: {  	[tilespmem:s1], [sflag:$0x5] =	stream.linear.gather @!p0 [spmem:s13], $0x280, $0x38;
	[tilespmem:$0x1F920] =	vst v63  }
0x606: {  	_ =	swait.ge @!p0 [sflag:s5], $0x280  }
0x607: {  	[sflag:s5] =	ssyncset.done @!p0 $0x0  }
0x608: {  	s7 =	rddreg [dreg:$0x15];
	[sflag:s5] =	ssyncadd.s32 @!p0 $0xFFFFFD80  }
0x609: {  	[hbm4b:s7+s6] =	stream.linear.scatter @!p0 [tilespmem:s1], [sflag:$0x5], $0x280, $0x38;
	[tilespmem:$0x1F920] =	vst v63  }
0x60a: {  	_ =	swait.ge @!p0 [sflag:s5], $0x280  }
0x60b: {  	s24 =	rddreg [dreg:$0x19]  }
0x60c: {  	s26 =	rddreg [dreg:$0x10];
	s6 =	sadd.s32 $0x1, s24  }
0x60d: {  	p1 =	sne.s32 s6, s26  }
.Ltmp6:
0x60e: {  	_ = 	snop;
	(pc) =	sbr.rel @p1 .LBB2_1-.Ltmp6, $3  }
0x60f: {  	_ =	sdelay $0x1  }
0x610: {  	[sflag:s5] =	ssyncset.done @!p0 $0x0  }
0x611: {  	[sflag:s5] =	ssyncadd.s32 @!p0 $0xFFFFFD80  }
0x612: {  	_ =	sfence.sel $0x180000  }
0x613: {  	[bflag:$0x0] =	sbarrier.arrive $0xFFFF  }
0x614: {  	_ =	strace $0x90000047  }
0x615: {  	s0 =	stileid.u32;
	[bflag:$0x2] =	sbarrier.arrive $0xFFFF  }
0x616: {  	p0 =	sne.s32 s0, $0x0;
	s0 =	rddreg [dreg:$0x3]  }
0x617: {  	s0 =	sadd.s32 @!p0 $0x100000, s0  }
0x618: {  	[sflag:s0] =	ssyncadd.tile.s32 @!p0 $0x1;
	_ =	shalt  }
.Lfunc_end2:
_tile_overlayer_lowered:
.L_overlay_start_2:
0x619: {  	(tag) =	ssettag $0x2  }
0x61a: {  	s0 =	rddreg [dreg:$0x0];
	s2 =	stileid.u32  }
0x61b: {  	s1 =	rddreg [dreg:$0x1];
	p0 =	sne.s32 s2, $0x0  }
0x61c: {  	s3 =	rddreg [dreg:$0x2];
	[bflag:$0x3] =	sbarrier.arrive $0xFFFF;
	s2 =	simm.s32 @!p0 $0x1C05  }
0x61d: {  	[timem:s3], [sflag:s2] =	dma.local @!p0 [hbm:s0], s1  }
0x61e: {  	s0 =	simm.s32 @!p0 $0x5  }
0x61f: {  	_ =	swait.ge @!p0 [sflag:s0], s1  }
0x620: {  	s1 =	ssub.s32 @!p0 $0x0, s1;
	[sflag:s0] =	ssyncset.done @!p0 $0x0  }
0x621: {  	[sflag:s0] =	ssyncadd.s32 @!p0 s1  }
0x622: {  	[bflag:$0x3] =	sbarrier.arrive $0xFFFF  }
0x623: {  	_ =	shalt  }

</sc_bundles>
